<compile_context>
chip_gen: v7x
topology: tpu7x:2x2x1
jax: 0.10.2.dev20260603
libtpu: 0.0.44.dev20260713+nightly
codegen_flags: <defaults>
</compile_context>

<pallas_src>
import functools

import jax
import jax.numpy as jnp
from jax import lax
from jax.experimental import pallas as pl
from jax.experimental.pallas import tpu as pltpu
from jax.experimental.pallas import tpu_sc as plsc

IN_DIM = 32768
OUT_DIM = 10
K = 1024
BATCH = 128
BLK = 8192
N_BLK = IN_DIM // BLK
INT_MIN = -2147483648

NT = 16
CHUNK = IN_DIM // NT
NV = CHUNK // 16
UNROLL = 8



def _unrolled(n, body, init):
    def outer(i, carry):
        for u in range(UNROLL):
            carry = body(i * UNROLL + u, carry)
        return carry

    return lax.fori_loop(0, n // UNROLL, outer, init)


def _splat(v, lane, l):
    return jnp.broadcast_to(jnp.sum(jnp.where(lane == l, v, 0)), (16,))


def _sc_mask_body(logits_hbm, mask_hbm,
                  lv, keys, hist, hred, g16, teq, mk, sp_hist, sp_g, sem):
    t = lax.axis_index("s")
    base = t * CHUNK
    lane = lax.iota(jnp.int32, 16)
    ones16 = jnp.ones((16,), jnp.int32)
    zeros16 = jnp.zeros((16,), jnp.int32)

    pltpu.sync_copy(logits_hbm.at[pl.ds(base, CHUNK)], lv)

    pref = zeros16
    rem = jnp.full((16,), K, jnp.int32)
    for p in range(4):
        sh = 24 - 8 * p

        def zero(i, carry):
            hist[pl.ds(i * 16, 16)] = zeros16
            return carry

        _unrolled(256, zero, 0)

        pref_u = pref.astype(jnp.uint32)

        def scan(v, carry):
            if p == 0:
                x16 = lv[pl.ds(v * 16, 16)]
                b = lax.bitcast_convert_type(x16, jnp.int32)
                k = b ^ (lax.shift_right_arithmetic(
                    b, jnp.full((16,), 31, jnp.int32))
                    & jnp.int32(0x7FFFFFFF))
                k = jnp.where(b == jnp.int32(INT_MIN), jnp.int32(0), k)
                keys[pl.ds(v * 16, 16)] = k
            else:
                k = keys[pl.ds(v * 16, 16)]
            uk = lax.bitcast_convert_type(k, jnp.uint32) ^ jnp.uint32(0x80000000)
            bucket = ((uk >> jnp.uint32(sh)) & jnp.uint32(0xFF)).astype(jnp.int32)
            idx = lane * 256 + bucket
            if p == 0:
                plsc.addupdate_scatter(hist, [idx], ones16)
            else:
                act = (uk >> jnp.uint32(32 - 8 * p)) == pref_u.astype(jnp.uint32)
                plsc.addupdate_scatter(hist, [idx], ones16, mask=act)
            return carry

        _unrolled(NV, scan, 0)

        def red_c(cc, carry):
            acc = zeros16
            for l in range(16):
                acc = acc + hist[pl.ds(l * 256 + cc * 16, 16)]
            hred[pl.ds(cc * 16, 16)] = acc
            return carry

        lax.fori_loop(0, 16, red_c, 0)

        copies = []
        for g in range(16):
            copies.append(pltpu.make_async_copy(
                hred.at[pl.ds(g * 16, 16)],
                sp_hist.at[pl.ds(((p * 16 + g) * 16 + t) * 16, 16)],
                sem))
        for cp in copies:
            cp.start()
        for cp in copies:
            cp.wait()
        plsc.subcore_barrier()

        pltpu.sync_copy(sp_hist.at[pl.ds((p * 16 + t) * 256, 256)], teq)
        acc = zeros16
        for l in range(16):
            acc = acc + teq[pl.ds(l * 16, 16)]
        g16[...] = acc
        pltpu.sync_copy(g16, sp_g.at[pl.ds(p * 256 + t * 16, 16)])
        plsc.subcore_barrier()

        pltpu.sync_copy(sp_g.at[pl.ds(p * 256, 256)], hred)

        def select(j, carry):
            found, bsel, rem2, cum = carry
            jd = 15 - j
            acc16 = hred[pl.ds(jd * 16, 16)]
            F = jnp.flip(plsc.cumsum(jnp.flip(acc16, 0)), 0) + cum
            m = F >= rem
            pop = plsc.all_reduce_population_count(m)
            l = pop - 1
            fsel = _splat(F, lane, l)
            asel = _splat(acc16, lane, l)
            qual = jnp.logical_and(found == 0, pop > 0)
            found = jnp.where(qual, 1, found)
            bsel = jnp.where(qual, jd * 16 + l, bsel)
            rem2 = jnp.where(qual, rem - (fsel - asel), rem2)
            cum = _splat(F, lane, zeros16)
            return found, bsel, rem2, cum

        _, bsel, rem, _ = lax.fori_loop(
            0, 16, select, (zeros16, zeros16, rem, zeros16))
        pref = (pref << 8) | bsel

    thr = pref ^ jnp.int32(INT_MIN)

    bg = jnp.sum(jnp.where(lane == 0, bsel >> 4, 0))
    pltpu.sync_copy(sp_hist.at[pl.ds((3 * 16 + bg) * 256, 256)], teq)
    w = plsc.load_gather(teq, [lane * 16 + (bsel & 15)])
    excl = plsc.cumsum(w) - w
    mybase = jnp.sum(jnp.where(lane == t, excl, 0))
    myeq = jnp.sum(jnp.where(lane == t, w, 0))
    take = jnp.clip(rem - mybase, 0, myeq)

    def write_fast(_):
        def go(v, carry):
            k = keys[pl.ds(v * 16, 16)]
            mk[pl.ds(v * 16, 16)] = jnp.where(k > thr, 1.0, 0.0)
            return carry

        return _unrolled(NV, go, jnp.int32(0))

    def write_ties(_):
        def go(v, cnt):
            k = keys[pl.ds(v * 16, 16)]
            gt = k > thr
            eq = k == thr
            r16 = plsc.cumsum(eq.astype(jnp.int32)) + cnt
            sel = gt | (eq & (r16 <= take))
            mk[pl.ds(v * 16, 16)] = jnp.where(sel, 1.0, 0.0)
            return cnt + jnp.sum(eq.astype(jnp.int32))

        return lax.fori_loop(0, NV, go, jnp.int32(0))

    lax.cond(jnp.any(take > 0), write_ties, write_fast, 0)

    pltpu.sync_copy(mk, mask_hbm.at[pl.ds(base, CHUNK)])


@functools.lru_cache(maxsize=1)
def _sc_mask_kernel():
    mesh = plsc.VectorSubcoreMesh(
        core_axis_name="c", subcore_axis_name="s", num_cores=1)
    return pl.kernel(
        _sc_mask_body,
        out_type=jax.ShapeDtypeStruct((IN_DIM,), jnp.float32),
        mesh=mesh,
        compiler_params=pltpu.CompilerParams(needs_layout_passes=False),
        scratch_types=[
            pltpu.VMEM((CHUNK,), jnp.float32),
            pltpu.VMEM((CHUNK,), jnp.int32),
            pltpu.VMEM((4096,), jnp.int32),
            pltpu.VMEM((256,), jnp.int32),
            pltpu.VMEM((16,), jnp.int32),
            pltpu.VMEM((256,), jnp.int32),
            pltpu.VMEM((CHUNK,), jnp.float32),
            pltpu.VMEM_SHARED((16384,), jnp.int32),
            pltpu.VMEM_SHARED((1024,), jnp.int32),
            pltpu.SemaphoreType.DMA,
        ],
    )


def _mlp_body(x_ref, m_ref, w1_ref, b1_ref, w2_ref, b2_ref, w3_ref, b3_ref,
              out_ref, acc_ref):
    i = pl.program_id(0)

    @pl.when(i == 0)
    def _():
        acc_ref[...] = jnp.zeros_like(acc_ref)

    xm = x_ref[...] * m_ref[...]
    acc_ref[...] += jnp.dot(xm, w1_ref[...], preferred_element_type=jnp.float32)

    @pl.when(i == N_BLK - 1)
    def _():
        h = jnp.maximum(acc_ref[...] + b1_ref[...], 0.0)
        h = jnp.maximum(
            jnp.dot(h, w2_ref[...], preferred_element_type=jnp.float32)
            + b2_ref[...], 0.0)
        out_ref[...] = (
            jnp.dot(h, w3_ref[...], preferred_element_type=jnp.float32)
            + b3_ref[...])


@jax.jit
def kernel(x, logits, W1, b1, W2, b2, W3, b3, epoch, total_epochs, training):
    del epoch, total_epochs, training
    mask = _sc_mask_kernel()(logits)
    mask2 = mask.reshape(1, IN_DIM)

    out = pl.pallas_call(
        _mlp_body,
        grid=(N_BLK,),
        in_specs=[
            pl.BlockSpec((BATCH, BLK), lambda i: (0, i)),
            pl.BlockSpec((1, BLK), lambda i: (0, i)),
            pl.BlockSpec((BLK, 32), lambda i: (i, 0)),
            pl.BlockSpec((1, 32), lambda i: (0, 0)),
            pl.BlockSpec((32, 16), lambda i: (0, 0)),
            pl.BlockSpec((1, 16), lambda i: (0, 0)),
            pl.BlockSpec((16, OUT_DIM), lambda i: (0, 0)),
            pl.BlockSpec((1, OUT_DIM), lambda i: (0, 0)),
        ],
        out_specs=pl.BlockSpec((BATCH, OUT_DIM), lambda i: (0, 0)),
        out_shape=jax.ShapeDtypeStruct((BATCH, OUT_DIM), jnp.float32),
        scratch_shapes=[pltpu.VMEM((BATCH, 32), jnp.float32)],
    )(x, mask2, W1, b1.reshape(1, 32), W2, b2.reshape(1, 16), W3,
      b3.reshape(1, OUT_DIM))

    return out, mask

# --- scband reference (transcript-rebuilt; emitter-appended) ---
"""Pipeline reference for scband-gated-mlp-69870527971644 (READ-ONLY COPY).

The authoritative reference and input builder live on the scoring server;
editing this copy changes nothing except your own understanding.
"""

import jax, jax.numpy as jnp
import numpy as np

IN_DIM = 32768
OUT_DIM = 10
K = 1024
BATCH = 128


def setup_inputs(seed: int = 0) -> dict:
    key = jax.random.key(seed)
    ks = jax.random.split(key, 8)
    x = jax.random.normal(ks[0], (BATCH, IN_DIM), dtype=jnp.float32)
    # learned gating logits parameter (nn.Parameter(torch.randn(in_dim)))
    logits = jax.random.normal(ks[1], (IN_DIM,), dtype=jnp.float32)
    # MLP params: Linear(in_dim,32) -> ReLU -> Linear(32,16) -> ReLU -> Linear(16,out_dim)
    W1 = jax.random.normal(ks[2], (IN_DIM, 32), dtype=jnp.float32) * (1.0 / np.sqrt(IN_DIM))
    b1 = jnp.zeros((32,), dtype=jnp.float32)
    W2 = jax.random.normal(ks[3], (32, 16), dtype=jnp.float32) * (1.0 / np.sqrt(32.0))
    b2 = jnp.zeros((16,), dtype=jnp.float32)
    W3 = jax.random.normal(ks[4], (16, OUT_DIM), dtype=jnp.float32) * (1.0 / np.sqrt(16.0))
    b3 = jnp.zeros((OUT_DIM,), dtype=jnp.float32)
    return {
        "x": x,
        "logits": logits,
        "W1": W1, "b1": b1,
        "W2": W2, "b2": b2,
        "W3": W3, "b3": b3,
        "epoch": 5,
        "total_epochs": 100,
        "training": 0,
    }


def reference(x, logits, W1, b1, W2, b2, W3, b3, epoch, total_epochs, training):
    # training is falsy -> eval path of GatedMLP.sample_mask:
    #   indices = topk(logits, k); mask = one_hot(indices).sum(); mask float; squeeze -> [in_dim]
    _, idx = jax.lax.top_k(logits, K)
    mask = jnp.zeros((IN_DIM,), dtype=jnp.float32).at[idx].add(1.0)
    # x = mask * x  (broadcast over batch)
    xm = mask[None, :] * x
    # mlp
    h = jax.nn.relu(xm @ W1 + b1)
    h = jax.nn.relu(h @ W2 + b2)
    out = h @ W3 + b3
    # .squeeze(-1) is a no-op since out_dim=10 > 1
    return out, mask

if __name__ == "__main__":
    import jax
    _d = setup_inputs()
    print(jax.jit(kernel)(*tuple(_d.values())))

</pallas_src>

<mosaic_0001>
#map = affine_map<(d0, d1) -> (0)>
module attributes {stable_mosaic.version = 14 : i64} {
  func.func @_sc_mask_body(%arg0: i32, %arg1: i32, %arg2: memref<32768xf32, #tpu.memory_space<hbm>>, %arg3: memref<32768xf32, #tpu.memory_space<hbm>>, %arg4: memref<2048xf32, #tpu.memory_space<vmem>>, %arg5: memref<2048xi32, #tpu.memory_space<vmem>>, %arg6: memref<4096xi32, #tpu.memory_space<vmem>>, %arg7: memref<256xi32, #tpu.memory_space<vmem>>, %arg8: memref<16xi32, #tpu.memory_space<vmem>>, %arg9: memref<256xi32, #tpu.memory_space<vmem>>, %arg10: memref<2048xf32, #tpu.memory_space<vmem>>, %arg11: memref<16384xi32, #tpu.memory_space<vmem_shared>>, %arg12: memref<1024xi32, #tpu.memory_space<vmem_shared>>, %arg13: memref<!tpu.dma_semaphore, #tpu.memory_space<semaphore_mem>>) attributes {dimension_semantics = [#tpu.dimension_semantics<core_parallel>, #tpu.dimension_semantics<subcore_parallel>], iteration_bounds = array<i64: 1, 16>, scalar_prefetch = 0 : i64, scratch_operands = 10 : i64, tpu.core_type = #tpu.core_type<sc_vector_subcore>, window_params = [{transform_indices = #map}, {transform_indices = #map}]} {
    %mul3A = arith.constant 2048 : i32
    %mul3A_0 = arith.muli %arg1, %mul3A : i32
    %iota3A = tpu.iota {dimensions = array<i32: 0>} : vector<16xi32>
    %broadcast_in_dim3A = arith.constant 1 : i32
    %broadcast_in_dim3A_1 = vector.broadcast %broadcast_in_dim3A : i32 to vector<16xi32>
    %broadcast_in_dim3A_2 = arith.constant 0 : i32
    %broadcast_in_dim3A_3 = vector.broadcast %broadcast_in_dim3A_2 : i32 to vector<16xi32>
    "tpu.region"() ({
      %run_scoped3A = tpu.sem_alloc : memref<!tpu.dma_semaphore, #tpu.memory_space<semaphore_mem>>
      %dma_start3A_1433 = tpu.memref_slice %arg2[%mul3A_0] : memref<32768xf32, #tpu.memory_space<hbm>> -> memref<2048xf32, #tpu.memory_space<hbm>>
      %dma_start3A_1434 = tpu.memref_slice %arg2[%mul3A_0] : memref<32768xf32, #tpu.memory_space<hbm>> -> memref<2048xf32, #tpu.memory_space<hbm>>
      tpu.enqueue_dma source(%dma_start3A_1434 : memref<2048xf32, #tpu.memory_space<hbm>>) target(%arg4 : memref<2048xf32, #tpu.memory_space<vmem>>) target_semaphore(%run_scoped3A : memref<!tpu.dma_semaphore, #tpu.memory_space<semaphore_mem>>)
      %dma_wait3A_1435 = tpu.memref_slice %arg2[%mul3A_0] : memref<32768xf32, #tpu.memory_space<hbm>> -> memref<2048xf32, #tpu.memory_space<hbm>>
      %dma_wait3A_1436 = tpu.memref_slice %arg2[%mul3A_0] : memref<32768xf32, #tpu.memory_space<hbm>> -> memref<2048xf32, #tpu.memory_space<hbm>>
      tpu.wait_dma2 semaphore(%run_scoped3A : memref<!tpu.dma_semaphore, #tpu.memory_space<semaphore_mem>>) src(%dma_wait3A_1436 : memref<2048xf32, #tpu.memory_space<hbm>>) dst(%arg4 : memref<2048xf32, #tpu.memory_space<vmem>>)
      tpu.yield
    }) : () -> ()
    %broadcast_in_dim3A_4 = arith.constant 1024 : i32
    %broadcast_in_dim3A_5 = vector.broadcast %broadcast_in_dim3A_4 : i32 to vector<16xi32>
    %scan3A = arith.constant 0 : i32
    %scan3A_6 = arith.constant 0 : i32
    %scan3A_7 = arith.constant 32 : i32
    %scan3A_8 = arith.addi %scan3A_6, %scan3A_7 : i32
    %scan3A_9 = arith.constant 1 : i32
    scf.for %scan3A_1433 = %scan3A_6 to %scan3A_8 step %scan3A_9  : i32 {
      %mul3A_1434 = arith.constant 8 : i32
      %mul3A_1435 = arith.muli %scan3A_1433, %mul3A_1434 : i32
      %add3A_1436 = arith.constant 0 : i32
      %add3A_1437 = arith.addi %mul3A_1435, %add3A_1436 : i32
      %mul3A_1438 = arith.constant 16 : i32
      %mul3A_1439 = arith.muli %add3A_1437, %mul3A_1438 : i32
      %swap3A_1440 = arith.index_cast %mul3A_1439 : i32 to index
      %swap3A_1441 = tpu.vector_load %arg6[%swap3A_1440] {strides = array<i32>} : memref<4096xi32, #tpu.memory_space<vmem>>, vector<16xi32>,
      tpu.vector_store %arg6[%swap3A_1440], %broadcast_in_dim3A_3 {strides = array<i32>} : memref<4096xi32, #tpu.memory_space<vmem>>, vector<16xi32>,
      %mul3A_1442 = arith.constant 8 : i32
      %mul3A_1443 = arith.muli %scan3A_1433, %mul3A_1442 : i32
      %add3A_1444 = arith.constant 1 : i32
      %add3A_1445 = arith.addi %mul3A_1443, %add3A_1444 : i32
      %mul3A_1446 = arith.constant 16 : i32
      %mul3A_1447 = arith.muli %add3A_1445, %mul3A_1446 : i32
      %swap3A_1448 = arith.index_cast %mul3A_1447 : i32 to index
      %swap3A_1449 = tpu.vector_load %arg6[%swap3A_1448] {strides = array<i32>} : memref<4096xi32, #tpu.memory_space<vmem>>, vector<16xi32>,
      tpu.vector_store %arg6[%swap3A_1448], %broadcast_in_dim3A_3 {strides = array<i32>} : memref<4096xi32, #tpu.memory_space<vmem>>, vector<16xi32>,
      %mul3A_1450 = arith.constant 8 : i32
      %mul3A_1451 = arith.muli %scan3A_1433, %mul3A_1450 : i32
      %add3A_1452 = arith.constant 2 : i32
      %add3A_1453 = arith.addi %mul3A_1451, %add3A_1452 : i32
      %mul3A_1454 = arith.constant 16 : i32
      %mul3A_1455 = arith.muli %add3A_1453, %mul3A_1454 : i32
      %swap3A_1456 = arith.index_cast %mul3A_1455 : i32 to index
      %swap3A_1457 = tpu.vector_load %arg6[%swap3A_1456] {strides = array<i32>} : memref<4096xi32, #tpu.memory_space<vmem>>, vector<16xi32>,
      tpu.vector_store %arg6[%swap3A_1456], %broadcast_in_dim3A_3 {strides = array<i32>} : memref<4096xi32, #tpu.memory_space<vmem>>, vector<16xi32>,
      %mul3A_1458 = arith.constant 8 : i32
      %mul3A_1459 = arith.muli %scan3A_1433, %mul3A_1458 : i32
      %add3A_1460 = arith.constant 3 : i32
      %add3A_1461 = arith.addi %mul3A_1459, %add3A_1460 : i32
      %mul3A_1462 = arith.constant 16 : i32
      %mul3A_1463 = arith.muli %add3A_1461, %mul3A_1462 : i32
      %swap3A_1464 = arith.index_cast %mul3A_1463 : i32 to index
      %swap3A_1465 = tpu.vector_load %arg6[%swap3A_1464] {strides = array<i32>} : memref<4096xi32, #tpu.memory_space<vmem>>, vector<16xi32>,
      tpu.vector_store %arg6[%swap3A_1464], %broadcast_in_dim3A_3 {strides = array<i32>} : memref<4096xi32, #tpu.memory_space<vmem>>, vector<16xi32>,
      %mul3A_1466 = arith.constant 8 : i32
      %mul3A_1467 = arith.muli %scan3A_1433, %mul3A_1466 : i32
      %add3A_1468 = arith.constant 4 : i32
      %add3A_1469 = arith.addi %mul3A_1467, %add3A_1468 : i32
      %mul3A_1470 = arith.constant 16 : i32
      %mul3A_1471 = arith.muli %add3A_1469, %mul3A_1470 : i32
      %swap3A_1472 = arith.index_cast %mul3A_1471 : i32 to index
      %swap3A_1473 = tpu.vector_load %arg6[%swap3A_1472] {strides = array<i32>} : memref<4096xi32, #tpu.memory_space<vmem>>, vector<16xi32>,
      tpu.vector_store %arg6[%swap3A_1472], %broadcast_in_dim3A_3 {strides = array<i32>} : memref<4096xi32, #tpu.memory_space<vmem>>, vector<16xi32>,
      %mul3A_1474 = arith.constant 8 : i32
      %mul3A_1475 = arith.muli %scan3A_1433, %mul3A_1474 : i32
      %add3A_1476 = arith.constant 5 : i32
      %add3A_1477 = arith.addi %mul3A_1475, %add3A_1476 : i32
      %mul3A_1478 = arith.constant 16 : i32
      %mul3A_1479 = arith.muli %add3A_1477, %mul3A_1478 : i32
      %swap3A_1480 = arith.index_cast %mul3A_1479 : i32 to index
      %swap3A_1481 = tpu.vector_load %arg6[%swap3A_1480] {strides = array<i32>} : memref<4096xi32, #tpu.memory_space<vmem>>, vector<16xi32>,
      tpu.vector_store %arg6[%swap3A_1480], %broadcast_in_dim3A_3 {strides = array<i32>} : memref<4096xi32, #tpu.memory_space<vmem>>, vector<16xi32>,
      %mul3A_1482 = arith.constant 8 : i32
      %mul3A_1483 = arith.muli %scan3A_1433, %mul3A_1482 : i32
      %add3A_1484 = arith.constant 6 : i32
      %add3A_1485 = arith.addi %mul3A_1483, %add3A_1484 : i32
      %mul3A_1486 = arith.constant 16 : i32
      %mul3A_1487 = arith.muli %add3A_1485, %mul3A_1486 : i32
      %swap3A_1488 = arith.index_cast %mul3A_1487 : i32 to index
      %swap3A_1489 = tpu.vector_load %arg6[%swap3A_1488] {strides = array<i32>} : memref<4096xi32, #tpu.memory_space<vmem>>, vector<16xi32>,
      tpu.vector_store %arg6[%swap3A_1488], %broadcast_in_dim3A_3 {strides = array<i32>} : memref<4096xi32, #tpu.memory_space<vmem>>, vector<16xi32>,
      %mul3A_1490 = arith.constant 8 : i32
      %mul3A_1491 = arith.muli %scan3A_1433, %mul3A_1490 : i32
      %add3A_1492 = arith.constant 7 : i32
      %add3A_1493 = arith.addi %mul3A_1491, %add3A_1492 : i32
      %mul3A_1494 = arith.constant 16 : i32
      %mul3A_1495 = arith.muli %add3A_1493, %mul3A_1494 : i32
      %swap3A_1496 = arith.index_cast %mul3A_1495 : i32 to index
      %swap3A_1497 = tpu.vector_load %arg6[%swap3A_1496] {strides = array<i32>} : memref<4096xi32, #tpu.memory_space<vmem>>, vector<16xi32>,
      tpu.vector_store %arg6[%swap3A_1496], %broadcast_in_dim3A_3 {strides = array<i32>} : memref<4096xi32, #tpu.memory_space<vmem>>, vector<16xi32>,
    }
    %scan3A_10 = arith.constant 32 : i32
    %scan3A_11 = arith.constant 0 : i32
    %scan3A_12 = arith.constant 0 : i32
    %scan3A_13 = arith.constant 16 : i32
    %scan3A_14 = arith.addi %scan3A_12, %scan3A_13 : i32
    %scan3A_15 = arith.constant 1 : i32
    scf.for %scan3A_1433 = %scan3A_12 to %scan3A_14 step %scan3A_15  : i32 {
      %mul3A_1434 = arith.constant 8 : i32
      %mul3A_1435 = arith.muli %scan3A_1433, %mul3A_1434 : i32
      %add3A_1436 = arith.constant 0 : i32
      %add3A_1437 = arith.addi %mul3A_1435, %add3A_1436 : i32
      %mul3A_1438 = arith.constant 16 : i32
      %mul3A_1439 = arith.muli %add3A_1437, %mul3A_1438 : i32
      %get3A_1440 = arith.index_cast %mul3A_1439 : i32 to index
      %get3A_1441 = tpu.vector_load %arg4[%get3A_1440] {strides = array<i32>} : memref<2048xf32, #tpu.memory_space<vmem>>, vector<16xf32>,
      %bitcast_convert_type3A = tpu.bitcast %get3A_1441 : vector<16xf32> -> vector<16xi32>
      %broadcast_in_dim3A_1442 = arith.constant 31 : i32
      %broadcast_in_dim3A_1443 = vector.broadcast %broadcast_in_dim3A_1442 : i32 to vector<16xi32>
      %shift_right_arithmetic3A_1444 = arith.shrsi %bitcast_convert_type3A, %broadcast_in_dim3A_1443 : vector<16xi32>
      %and3A_1445 = arith.constant 2147483647 : i32
      %and3A_1446 = vector.broadcast %and3A_1445 : i32 to vector<16xi32>
      %and3A_1447 = arith.andi %shift_right_arithmetic3A_1444, %and3A_1446 : vector<16xi32>
      %xor3A_1448 = arith.xori %bitcast_convert_type3A, %and3A_1447 : vector<16xi32>
      %eq3A_1449 = arith.constant -2147483648 : i32
      %eq3A_1450 = vector.broadcast %eq3A_1449 : i32 to vector<16xi32>
      %eq3A_1451 = arith.cmpi eq, %bitcast_convert_type3A, %eq3A_1450 : vector<16xi32>
      %jit3A_1452 = arith.constant 0 : i32
      %broadcast_in_dim3A_1453 = vector.broadcast %jit3A_1452 : i32 to vector<16xi32>
      %select_n3A_1454 = arith.select %eq3A_1451, %broadcast_in_dim3A_1453, %xor3A_1448 : vector<16xi1>, vector<16xi32>
      %mul3A_1455 = arith.constant 16 : i32
      %mul3A_1456 = arith.muli %add3A_1437, %mul3A_1455 : i32
      %swap3A_1457 = arith.index_cast %mul3A_1456 : i32 to index
      %swap3A_1458 = tpu.vector_load %arg5[%swap3A_1457] {strides = array<i32>} : memref<2048xi32, #tpu.memory_space<vmem>>, vector<16xi32>,
      tpu.vector_store %arg5[%swap3A_1457], %select_n3A_1454 {strides = array<i32>} : memref<2048xi32, #tpu.memory_space<vmem>>, vector<16xi32>,
      %bitcast_convert_type3A_1459 = tpu.bitcast %select_n3A_1454 : vector<16xi32> -> vector<16xi32>
      %xor3A_1460 = arith.constant -2147483648 : i32
      %xor3A_1461 = vector.broadcast %xor3A_1460 : i32 to vector<16xi32>
      %xor3A_1462 = arith.xori %bitcast_convert_type3A_1459, %xor3A_1461 : vector<16xi32>
      %shift_right_logical3A = arith.constant 24 : i32
      %shift_right_logical3A_1463 = vector.broadcast %shift_right_logical3A : i32 to vector<16xi32>
      %shift_right_logical3A_1464 = arith.shrui %xor3A_1462, %shift_right_logical3A_1463 : vector<16xi32>
      %and3A_1465 = arith.constant 255 : i32
      %and3A_1466 = vector.broadcast %and3A_1465 : i32 to vector<16xi32>
      %and3A_1467 = arith.andi %shift_right_logical3A_1464, %and3A_1466 : vector<16xi32>
      %mul3A_1468 = arith.constant 256 : i32
      %mul3A_1469 = vector.broadcast %mul3A_1468 : i32 to vector<16xi32>
      %mul3A_1470 = arith.muli %iota3A, %mul3A_1469 : vector<16xi32>
      %add3A_1471 = arith.addi %mul3A_1470, %and3A_1467 : vector<16xi32>
      tpu.vector_store_idx %arg6[%add3A_1471], %broadcast_in_dim3A_1 {add = true} : memref<4096xi32, #tpu.memory_space<vmem>>[vector<16xi32>], vector<16xi32>,
      %mul3A_1472 = arith.constant 8 : i32
      %mul3A_1473 = arith.muli %scan3A_1433, %mul3A_1472 : i32
      %add3A_1474 = arith.constant 1 : i32
      %add3A_1475 = arith.addi %mul3A_1473, %add3A_1474 : i32
      %mul3A_1476 = arith.constant 16 : i32
      %mul3A_1477 = arith.muli %add3A_1475, %mul3A_1476 : i32
      %get3A_1478 = arith.index_cast %mul3A_1477 : i32 to index
      %get3A_1479 = tpu.vector_load %arg4[%get3A_1478] {strides = array<i32>} : memref<2048xf32, #tpu.memory_space<vmem>>, vector<16xf32>,
      %bitcast_convert_type3A_1480 = tpu.bitcast %get3A_1479 : vector<16xf32> -> vector<16xi32>
      %broadcast_in_dim3A_1481 = arith.constant 31 : i32
      %broadcast_in_dim3A_1482 = vector.broadcast %broadcast_in_dim3A_1481 : i32 to vector<16xi32>
      %shift_right_arithmetic3A_1483 = arith.shrsi %bitcast_convert_type3A_1480, %broadcast_in_dim3A_1482 : vector<16xi32>
      %and3A_1484 = arith.constant 2147483647 : i32
      %and3A_1485 = vector.broadcast %and3A_1484 : i32 to vector<16xi32>
      %and3A_1486 = arith.andi %shift_right_arithmetic3A_1483, %and3A_1485 : vector<16xi32>
      %xor3A_1487 = arith.xori %bitcast_convert_type3A_1480, %and3A_1486 : vector<16xi32>
      %eq3A_1488 = arith.constant -2147483648 : i32
      %eq3A_1489 = vector.broadcast %eq3A_1488 : i32 to vector<16xi32>
      %eq3A_1490 = arith.cmpi eq, %bitcast_convert_type3A_1480, %eq3A_1489 : vector<16xi32>
      %jit3A_1491 = arith.constant 0 : i32
      %broadcast_in_dim3A_1492 = vector.broadcast %jit3A_1491 : i32 to vector<16xi32>
      %select_n3A_1493 = arith.select %eq3A_1490, %broadcast_in_dim3A_1492, %xor3A_1487 : vector<16xi1>, vector<16xi32>
      %mul3A_1494 = arith.constant 16 : i32
      %mul3A_1495 = arith.muli %add3A_1475, %mul3A_1494 : i32
      %swap3A_1496 = arith.index_cast %mul3A_1495 : i32 to index
      %swap3A_1497 = tpu.vector_load %arg5[%swap3A_1496] {strides = array<i32>} : memref<2048xi32, #tpu.memory_space<vmem>>, vector<16xi32>,
      tpu.vector_store %arg5[%swap3A_1496], %select_n3A_1493 {strides = array<i32>} : memref<2048xi32, #tpu.memory_space<vmem>>, vector<16xi32>,
      %bitcast_convert_type3A_1498 = tpu.bitcast %select_n3A_1493 : vector<16xi32> -> vector<16xi32>
      %xor3A_1499 = arith.constant -2147483648 : i32
      %xor3A_1500 = vector.broadcast %xor3A_1499 : i32 to vector<16xi32>
      %xor3A_1501 = arith.xori %bitcast_convert_type3A_1498, %xor3A_1500 : vector<16xi32>
      %shift_right_logical3A_1502 = arith.constant 24 : i32
      %shift_right_logical3A_1503 = vector.broadcast %shift_right_logical3A_1502 : i32 to vector<16xi32>
      %shift_right_logical3A_1504 = arith.shrui %xor3A_1501, %shift_right_logical3A_1503 : vector<16xi32>
      %and3A_1505 = arith.constant 255 : i32
      %and3A_1506 = vector.broadcast %and3A_1505 : i32 to vector<16xi32>
      %and3A_1507 = arith.andi %shift_right_logical3A_1504, %and3A_1506 : vector<16xi32>
      %mul3A_1508 = arith.constant 256 : i32
      %mul3A_1509 = vector.broadcast %mul3A_1508 : i32 to vector<16xi32>
      %mul3A_1510 = arith.muli %iota3A, %mul3A_1509 : vector<16xi32>
      %add3A_1511 = arith.addi %mul3A_1510, %and3A_1507 : vector<16xi32>
      tpu.vector_store_idx %arg6[%add3A_1511], %broadcast_in_dim3A_1 {add = true} : memref<4096xi32, #tpu.memory_space<vmem>>[vector<16xi32>], vector<16xi32>,
      %mul3A_1512 = arith.constant 8 : i32
      %mul3A_1513 = arith.muli %scan3A_1433, %mul3A_1512 : i32
      %add3A_1514 = arith.constant 2 : i32
      %add3A_1515 = arith.addi %mul3A_1513, %add3A_1514 : i32
      %mul3A_1516 = arith.constant 16 : i32
      %mul3A_1517 = arith.muli %add3A_1515, %mul3A_1516 : i32
      %get3A_1518 = arith.index_cast %mul3A_1517 : i32 to index
      %get3A_1519 = tpu.vector_load %arg4[%get3A_1518] {strides = array<i32>} : memref<2048xf32, #tpu.memory_space<vmem>>, vector<16xf32>,
      %bitcast_convert_type3A_1520 = tpu.bitcast %get3A_1519 : vector<16xf32> -> vector<16xi32>
      %broadcast_in_dim3A_1521 = arith.constant 31 : i32
      %broadcast_in_dim3A_1522 = vector.broadcast %broadcast_in_dim3A_1521 : i32 to vector<16xi32>
      %shift_right_arithmetic3A_1523 = arith.shrsi %bitcast_convert_type3A_1520, %broadcast_in_dim3A_1522 : vector<16xi32>
      %and3A_1524 = arith.constant 2147483647 : i32
      %and3A_1525 = vector.broadcast %and3A_1524 : i32 to vector<16xi32>
      %and3A_1526 = arith.andi %shift_right_arithmetic3A_1523, %and3A_1525 : vector<16xi32>
      %xor3A_1527 = arith.xori %bitcast_convert_type3A_1520, %and3A_1526 : vector<16xi32>
      %eq3A_1528 = arith.constant -2147483648 : i32
      %eq3A_1529 = vector.broadcast %eq3A_1528 : i32 to vector<16xi32>
      %eq3A_1530 = arith.cmpi eq, %bitcast_convert_type3A_1520, %eq3A_1529 : vector<16xi32>
      %jit3A_1531 = arith.constant 0 : i32
      %broadcast_in_dim3A_1532 = vector.broadcast %jit3A_1531 : i32 to vector<16xi32>
      %select_n3A_1533 = arith.select %eq3A_1530, %broadcast_in_dim3A_1532, %xor3A_1527 : vector<16xi1>, vector<16xi32>
      %mul3A_1534 = arith.constant 16 : i32
      %mul3A_1535 = arith.muli %add3A_1515, %mul3A_1534 : i32
      %swap3A_1536 = arith.index_cast %mul3A_1535 : i32 to index
      %swap3A_1537 = tpu.vector_load %arg5[%swap3A_1536] {strides = array<i32>} : memref<2048xi32, #tpu.memory_space<vmem>>, vector<16xi32>,
      tpu.vector_store %arg5[%swap3A_1536], %select_n3A_1533 {strides = array<i32>} : memref<2048xi32, #tpu.memory_space<vmem>>, vector<16xi32>,
      %bitcast_convert_type3A_1538 = tpu.bitcast %select_n3A_1533 : vector<16xi32> -> vector<16xi32>
      %xor3A_1539 = arith.constant -2147483648 : i32
      %xor3A_1540 = vector.broadcast %xor3A_1539 : i32 to vector<16xi32>
      %xor3A_1541 = arith.xori %bitcast_convert_type3A_1538, %xor3A_1540 : vector<16xi32>
      %shift_right_logical3A_1542 = arith.constant 24 : i32
      %shift_right_logical3A_1543 = vector.broadcast %shift_right_logical3A_1542 : i32 to vector<16xi32>
      %shift_right_logical3A_1544 = arith.shrui %xor3A_1541, %shift_right_logical3A_1543 : vector<16xi32>
      %and3A_1545 = arith.constant 255 : i32
      %and3A_1546 = vector.broadcast %and3A_1545 : i32 to vector<16xi32>
      %and3A_1547 = arith.andi %shift_right_logical3A_1544, %and3A_1546 : vector<16xi32>
      %mul3A_1548 = arith.constant 256 : i32
      %mul3A_1549 = vector.broadcast %mul3A_1548 : i32 to vector<16xi32>
      %mul3A_1550 = arith.muli %iota3A, %mul3A_1549 : vector<16xi32>
      %add3A_1551 = arith.addi %mul3A_1550, %and3A_1547 : vector<16xi32>
      tpu.vector_store_idx %arg6[%add3A_1551], %broadcast_in_dim3A_1 {add = true} : memref<4096xi32, #tpu.memory_space<vmem>>[vector<16xi32>], vector<16xi32>,
      %mul3A_1552 = arith.constant 8 : i32
      %mul3A_1553 = arith.muli %scan3A_1433, %mul3A_1552 : i32
      %add3A_1554 = arith.constant 3 : i32
      %add3A_1555 = arith.addi %mul3A_1553, %add3A_1554 : i32
      %mul3A_1556 = arith.constant 16 : i32
      %mul3A_1557 = arith.muli %add3A_1555, %mul3A_1556 : i32
      %get3A_1558 = arith.index_cast %mul3A_1557 : i32 to index
      %get3A_1559 = tpu.vector_load %arg4[%get3A_1558] {strides = array<i32>} : memref<2048xf32, #tpu.memory_space<vmem>>, vector<16xf32>,
      %bitcast_convert_type3A_1560 = tpu.bitcast %get3A_1559 : vector<16xf32> -> vector<16xi32>
      %broadcast_in_dim3A_1561 = arith.constant 31 : i32
      %broadcast_in_dim3A_1562 = vector.broadcast %broadcast_in_dim3A_1561 : i32 to vector<16xi32>
      %shift_right_arithmetic3A_1563 = arith.shrsi %bitcast_convert_type3A_1560, %broadcast_in_dim3A_1562 : vector<16xi32>
      %and3A_1564 = arith.constant 2147483647 : i32
      %and3A_1565 = vector.broadcast %and3A_1564 : i32 to vector<16xi32>
      %and3A_1566 = arith.andi %shift_right_arithmetic3A_1563, %and3A_1565 : vector<16xi32>
      %xor3A_1567 = arith.xori %bitcast_convert_type3A_1560, %and3A_1566 : vector<16xi32>
      %eq3A_1568 = arith.constant -2147483648 : i32
      %eq3A_1569 = vector.broadcast %eq3A_1568 : i32 to vector<16xi32>
      %eq3A_1570 = arith.cmpi eq, %bitcast_convert_type3A_1560, %eq3A_1569 : vector<16xi32>
      %jit3A_1571 = arith.constant 0 : i32
      %broadcast_in_dim3A_1572 = vector.broadcast %jit3A_1571 : i32 to vector<16xi32>
      %select_n3A_1573 = arith.select %eq3A_1570, %broadcast_in_dim3A_1572, %xor3A_1567 : vector<16xi1>, vector<16xi32>
      %mul3A_1574 = arith.constant 16 : i32
      %mul3A_1575 = arith.muli %add3A_1555, %mul3A_1574 : i32
      %swap3A_1576 = arith.index_cast %mul3A_1575 : i32 to index
      %swap3A_1577 = tpu.vector_load %arg5[%swap3A_1576] {strides = array<i32>} : memref<2048xi32, #tpu.memory_space<vmem>>, vector<16xi32>,
      tpu.vector_store %arg5[%swap3A_1576], %select_n3A_1573 {strides = array<i32>} : memref<2048xi32, #tpu.memory_space<vmem>>, vector<16xi32>,
      %bitcast_convert_type3A_1578 = tpu.bitcast %select_n3A_1573 : vector<16xi32> -> vector<16xi32>
      %xor3A_1579 = arith.constant -2147483648 : i32
      %xor3A_1580 = vector.broadcast %xor3A_1579 : i32 to vector<16xi32>
      %xor3A_1581 = arith.xori %bitcast_convert_type3A_1578, %xor3A_1580 : vector<16xi32>
      %shift_right_logical3A_1582 = arith.constant 24 : i32
      %shift_right_logical3A_1583 = vector.broadcast %shift_right_logical3A_1582 : i32 to vector<16xi32>
      %shift_right_logical3A_1584 = arith.shrui %xor3A_1581, %shift_right_logical3A_1583 : vector<16xi32>
      %and3A_1585 = arith.constant 255 : i32
      %and3A_1586 = vector.broadcast %and3A_1585 : i32 to vector<16xi32>
      %and3A_1587 = arith.andi %shift_right_logical3A_1584, %and3A_1586 : vector<16xi32>
      %mul3A_1588 = arith.constant 256 : i32
      %mul3A_1589 = vector.broadcast %mul3A_1588 : i32 to vector<16xi32>
      %mul3A_1590 = arith.muli %iota3A, %mul3A_1589 : vector<16xi32>
      %add3A_1591 = arith.addi %mul3A_1590, %and3A_1587 : vector<16xi32>
      tpu.vector_store_idx %arg6[%add3A_1591], %broadcast_in_dim3A_1 {add = true} : memref<4096xi32, #tpu.memory_space<vmem>>[vector<16xi32>], vector<16xi32>,
      %mul3A_1592 = arith.constant 8 : i32
      %mul3A_1593 = arith.muli %scan3A_1433, %mul3A_1592 : i32
      %add3A_1594 = arith.constant 4 : i32
      %add3A_1595 = arith.addi %mul3A_1593, %add3A_1594 : i32
      %mul3A_1596 = arith.constant 16 : i32
      %mul3A_1597 = arith.muli %add3A_1595, %mul3A_1596 : i32
      %get3A_1598 = arith.index_cast %mul3A_1597 : i32 to index
      %get3A_1599 = tpu.vector_load %arg4[%get3A_1598] {strides = array<i32>} : memref<2048xf32, #tpu.memory_space<vmem>>, vector<16xf32>,
      %bitcast_convert_type3A_1600 = tpu.bitcast %get3A_1599 : vector<16xf32> -> vector<16xi32>
      %broadcast_in_dim3A_1601 = arith.constant 31 : i32
      %broadcast_in_dim3A_1602 = vector.broadcast %broadcast_in_dim3A_1601 : i32 to vector<16xi32>
      %shift_right_arithmetic3A_1603 = arith.shrsi %bitcast_convert_type3A_1600, %broadcast_in_dim3A_1602 : vector<16xi32>
      %and3A_1604 = arith.constant 2147483647 : i32
      %and3A_1605 = vector.broadcast %and3A_1604 : i32 to vector<16xi32>
      %and3A_1606 = arith.andi %shift_right_arithmetic3A_1603, %and3A_1605 : vector<16xi32>
      %xor3A_1607 = arith.xori %bitcast_convert_type3A_1600, %and3A_1606 : vector<16xi32>
      %eq3A_1608 = arith.constant -2147483648 : i32
      %eq3A_1609 = vector.broadcast %eq3A_1608 : i32 to vector<16xi32>
      %eq3A_1610 = arith.cmpi eq, %bitcast_convert_type3A_1600, %eq3A_1609 : vector<16xi32>
      %jit3A_1611 = arith.constant 0 : i32
      %broadcast_in_dim3A_1612 = vector.broadcast %jit3A_1611 : i32 to vector<16xi32>
      %select_n3A_1613 = arith.select %eq3A_1610, %broadcast_in_dim3A_1612, %xor3A_1607 : vector<16xi1>, vector<16xi32>
      %mul3A_1614 = arith.constant 16 : i32
      %mul3A_1615 = arith.muli %add3A_1595, %mul3A_1614 : i32
      %swap3A_1616 = arith.index_cast %mul3A_1615 : i32 to index
      %swap3A_1617 = tpu.vector_load %arg5[%swap3A_1616] {strides = array<i32>} : memref<2048xi32, #tpu.memory_space<vmem>>, vector<16xi32>,
      tpu.vector_store %arg5[%swap3A_1616], %select_n3A_1613 {strides = array<i32>} : memref<2048xi32, #tpu.memory_space<vmem>>, vector<16xi32>,
      %bitcast_convert_type3A_1618 = tpu.bitcast %select_n3A_1613 : vector<16xi32> -> vector<16xi32>
      %xor3A_1619 = arith.constant -2147483648 : i32
      %xor3A_1620 = vector.broadcast %xor3A_1619 : i32 to vector<16xi32>
      %xor3A_1621 = arith.xori %bitcast_convert_type3A_1618, %xor3A_1620 : vector<16xi32>
      %shift_right_logical3A_1622 = arith.constant 24 : i32
      %shift_right_logical3A_1623 = vector.broadcast %shift_right_logical3A_1622 : i32 to vector<16xi32>
      %shift_right_logical3A_1624 = arith.shrui %xor3A_1621, %shift_right_logical3A_1623 : vector<16xi32>
      %and3A_1625 = arith.constant 255 : i32
      %and3A_1626 = vector.broadcast %and3A_1625 : i32 to vector<16xi32>
      %and3A_1627 = arith.andi %shift_right_logical3A_1624, %and3A_1626 : vector<16xi32>
      %mul3A_1628 = arith.constant 256 : i32
      %mul3A_1629 = vector.broadcast %mul3A_1628 : i32 to vector<16xi32>
      %mul3A_1630 = arith.muli %iota3A, %mul3A_1629 : vector<16xi32>
      %add3A_1631 = arith.addi %mul3A_1630, %and3A_1627 : vector<16xi32>
      tpu.vector_store_idx %arg6[%add3A_1631], %broadcast_in_dim3A_1 {add = true} : memref<4096xi32, #tpu.memory_space<vmem>>[vector<16xi32>], vector<16xi32>,
      %mul3A_1632 = arith.constant 8 : i32
      %mul3A_1633 = arith.muli %scan3A_1433, %mul3A_1632 : i32
      %add3A_1634 = arith.constant 5 : i32
      %add3A_1635 = arith.addi %mul3A_1633, %add3A_1634 : i32
      %mul3A_1636 = arith.constant 16 : i32
      %mul3A_1637 = arith.muli %add3A_1635, %mul3A_1636 : i32
      %get3A_1638 = arith.index_cast %mul3A_1637 : i32 to index
      %get3A_1639 = tpu.vector_load %arg4[%get3A_1638] {strides = array<i32>} : memref<2048xf32, #tpu.memory_space<vmem>>, vector<16xf32>,
      %bitcast_convert_type3A_1640 = tpu.bitcast %get3A_1639 : vector<16xf32> -> vector<16xi32>
      %broadcast_in_dim3A_1641 = arith.constant 31 : i32
      %broadcast_in_dim3A_1642 = vector.broadcast %broadcast_in_dim3A_1641 : i32 to vector<16xi32>
      %shift_right_arithmetic3A_1643 = arith.shrsi %bitcast_convert_type3A_1640, %broadcast_in_dim3A_1642 : vector<16xi32>
      %and3A_1644 = arith.constant 2147483647 : i32
      %and3A_1645 = vector.broadcast %and3A_1644 : i32 to vector<16xi32>
      %and3A_1646 = arith.andi %shift_right_arithmetic3A_1643, %and3A_1645 : vector<16xi32>
      %xor3A_1647 = arith.xori %bitcast_convert_type3A_1640, %and3A_1646 : vector<16xi32>
      %eq3A_1648 = arith.constant -2147483648 : i32
      %eq3A_1649 = vector.broadcast %eq3A_1648 : i32 to vector<16xi32>
      %eq3A_1650 = arith.cmpi eq, %bitcast_convert_type3A_1640, %eq3A_1649 : vector<16xi32>
      %jit3A_1651 = arith.constant 0 : i32
      %broadcast_in_dim3A_1652 = vector.broadcast %jit3A_1651 : i32 to vector<16xi32>
      %select_n3A_1653 = arith.select %eq3A_1650, %broadcast_in_dim3A_1652, %xor3A_1647 : vector<16xi1>, vector<16xi32>
      %mul3A_1654 = arith.constant 16 : i32
      %mul3A_1655 = arith.muli %add3A_1635, %mul3A_1654 : i32
      %swap3A_1656 = arith.index_cast %mul3A_1655 : i32 to index
      %swap3A_1657 = tpu.vector_load %arg5[%swap3A_1656] {strides = array<i32>} : memref<2048xi32, #tpu.memory_space<vmem>>, vector<16xi32>,
      tpu.vector_store %arg5[%swap3A_1656], %select_n3A_1653 {strides = array<i32>} : memref<2048xi32, #tpu.memory_space<vmem>>, vector<16xi32>,
      %bitcast_convert_type3A_1658 = tpu.bitcast %select_n3A_1653 : vector<16xi32> -> vector<16xi32>
      %xor3A_1659 = arith.constant -2147483648 : i32
      %xor3A_1660 = vector.broadcast %xor3A_1659 : i32 to vector<16xi32>
      %xor3A_1661 = arith.xori %bitcast_convert_type3A_1658, %xor3A_1660 : vector<16xi32>
      %shift_right_logical3A_1662 = arith.constant 24 : i32
      %shift_right_logical3A_1663 = vector.broadcast %shift_right_logical3A_1662 : i32 to vector<16xi32>
      %shift_right_logical3A_1664 = arith.shrui %xor3A_1661, %shift_right_logical3A_1663 : vector<16xi32>
      %and3A_1665 = arith.constant 255 : i32
      %and3A_1666 = vector.broadcast %and3A_1665 : i32 to vector<16xi32>
      %and3A_1667 = arith.andi %shift_right_logical3A_1664, %and3A_1666 : vector<16xi32>
      %mul3A_1668 = arith.constant 256 : i32
      %mul3A_1669 = vector.broadcast %mul3A_1668 : i32 to vector<16xi32>
      %mul3A_1670 = arith.muli %iota3A, %mul3A_1669 : vector<16xi32>
      %add3A_1671 = arith.addi %mul3A_1670, %and3A_1667 : vector<16xi32>
      tpu.vector_store_idx %arg6[%add3A_1671], %broadcast_in_dim3A_1 {add = true} : memref<4096xi32, #tpu.memory_space<vmem>>[vector<16xi32>], vector<16xi32>,
      %mul3A_1672 = arith.constant 8 : i32
      %mul3A_1673 = arith.muli %scan3A_1433, %mul3A_1672 : i32
      %add3A_1674 = arith.constant 6 : i32
      %add3A_1675 = arith.addi %mul3A_1673, %add3A_1674 : i32
      %mul3A_1676 = arith.constant 16 : i32
      %mul3A_1677 = arith.muli %add3A_1675, %mul3A_1676 : i32
      %get3A_1678 = arith.index_cast %mul3A_1677 : i32 to index
      %get3A_1679 = tpu.vector_load %arg4[%get3A_1678] {strides = array<i32>} : memref<2048xf32, #tpu.memory_space<vmem>>, vector<16xf32>,
      %bitcast_convert_type3A_1680 = tpu.bitcast %get3A_1679 : vector<16xf32> -> vector<16xi32>
      %broadcast_in_dim3A_1681 = arith.constant 31 : i32
      %broadcast_in_dim3A_1682 = vector.broadcast %broadcast_in_dim3A_1681 : i32 to vector<16xi32>
      %shift_right_arithmetic3A_1683 = arith.shrsi %bitcast_convert_type3A_1680, %broadcast_in_dim3A_1682 : vector<16xi32>
      %and3A_1684 = arith.constant 2147483647 : i32
      %and3A_1685 = vector.broadcast %and3A_1684 : i32 to vector<16xi32>
      %and3A_1686 = arith.andi %shift_right_arithmetic3A_1683, %and3A_1685 : vector<16xi32>
      %xor3A_1687 = arith.xori %bitcast_convert_type3A_1680, %and3A_1686 : vector<16xi32>
      %eq3A_1688 = arith.constant -2147483648 : i32
      %eq3A_1689 = vector.broadcast %eq3A_1688 : i32 to vector<16xi32>
      %eq3A_1690 = arith.cmpi eq, %bitcast_convert_type3A_1680, %eq3A_1689 : vector<16xi32>
      %jit3A_1691 = arith.constant 0 : i32
      %broadcast_in_dim3A_1692 = vector.broadcast %jit3A_1691 : i32 to vector<16xi32>
      %select_n3A_1693 = arith.select %eq3A_1690, %broadcast_in_dim3A_1692, %xor3A_1687 : vector<16xi1>, vector<16xi32>
      %mul3A_1694 = arith.constant 16 : i32
      %mul3A_1695 = arith.muli %add3A_1675, %mul3A_1694 : i32
      %swap3A_1696 = arith.index_cast %mul3A_1695 : i32 to index
      %swap3A_1697 = tpu.vector_load %arg5[%swap3A_1696] {strides = array<i32>} : memref<2048xi32, #tpu.memory_space<vmem>>, vector<16xi32>,
      tpu.vector_store %arg5[%swap3A_1696], %select_n3A_1693 {strides = array<i32>} : memref<2048xi32, #tpu.memory_space<vmem>>, vector<16xi32>,
      %bitcast_convert_type3A_1698 = tpu.bitcast %select_n3A_1693 : vector<16xi32> -> vector<16xi32>
      %xor3A_1699 = arith.constant -2147483648 : i32
      %xor3A_1700 = vector.broadcast %xor3A_1699 : i32 to vector<16xi32>
      %xor3A_1701 = arith.xori %bitcast_convert_type3A_1698, %xor3A_1700 : vector<16xi32>
      %shift_right_logical3A_1702 = arith.constant 24 : i32
      %shift_right_logical3A_1703 = vector.broadcast %shift_right_logical3A_1702 : i32 to vector<16xi32>
      %shift_right_logical3A_1704 = arith.shrui %xor3A_1701, %shift_right_logical3A_1703 : vector<16xi32>
      %and3A_1705 = arith.constant 255 : i32
      %and3A_1706 = vector.broadcast %and3A_1705 : i32 to vector<16xi32>
      %and3A_1707 = arith.andi %shift_right_logical3A_1704, %and3A_1706 : vector<16xi32>
      %mul3A_1708 = arith.constant 256 : i32
      %mul3A_1709 = vector.broadcast %mul3A_1708 : i32 to vector<16xi32>
      %mul3A_1710 = arith.muli %iota3A, %mul3A_1709 : vector<16xi32>
      %add3A_1711 = arith.addi %mul3A_1710, %and3A_1707 : vector<16xi32>
      tpu.vector_store_idx %arg6[%add3A_1711], %broadcast_in_dim3A_1 {add = true} : memref<4096xi32, #tpu.memory_space<vmem>>[vector<16xi32>], vector<16xi32>,
      %mul3A_1712 = arith.constant 8 : i32
      %mul3A_1713 = arith.muli %scan3A_1433, %mul3A_1712 : i32
      %add3A_1714 = arith.constant 7 : i32
      %add3A_1715 = arith.addi %mul3A_1713, %add3A_1714 : i32
      %mul3A_1716 = arith.constant 16 : i32
      %mul3A_1717 = arith.muli %add3A_1715, %mul3A_1716 : i32
      %get3A_1718 = arith.index_cast %mul3A_1717 : i32 to index
      %get3A_1719 = tpu.vector_load %arg4[%get3A_1718] {strides = array<i32>} : memref<2048xf32, #tpu.memory_space<vmem>>, vector<16xf32>,
      %bitcast_convert_type3A_1720 = tpu.bitcast %get3A_1719 : vector<16xf32> -> vector<16xi32>
      %broadcast_in_dim3A_1721 = arith.constant 31 : i32
      %broadcast_in_dim3A_1722 = vector.broadcast %broadcast_in_dim3A_1721 : i32 to vector<16xi32>
      %shift_right_arithmetic3A_1723 = arith.shrsi %bitcast_convert_type3A_1720, %broadcast_in_dim3A_1722 : vector<16xi32>
      %and3A_1724 = arith.constant 2147483647 : i32
      %and3A_1725 = vector.broadcast %and3A_1724 : i32 to vector<16xi32>
      %and3A_1726 = arith.andi %shift_right_arithmetic3A_1723, %and3A_1725 : vector<16xi32>
      %xor3A_1727 = arith.xori %bitcast_convert_type3A_1720, %and3A_1726 : vector<16xi32>
      %eq3A_1728 = arith.constant -2147483648 : i32
      %eq3A_1729 = vector.broadcast %eq3A_1728 : i32 to vector<16xi32>
      %eq3A_1730 = arith.cmpi eq, %bitcast_convert_type3A_1720, %eq3A_1729 : vector<16xi32>
      %jit3A_1731 = arith.constant 0 : i32
      %broadcast_in_dim3A_1732 = vector.broadcast %jit3A_1731 : i32 to vector<16xi32>
      %select_n3A_1733 = arith.select %eq3A_1730, %broadcast_in_dim3A_1732, %xor3A_1727 : vector<16xi1>, vector<16xi32>
      %mul3A_1734 = arith.constant 16 : i32
      %mul3A_1735 = arith.muli %add3A_1715, %mul3A_1734 : i32
      %swap3A_1736 = arith.index_cast %mul3A_1735 : i32 to index
      %swap3A_1737 = tpu.vector_load %arg5[%swap3A_1736] {strides = array<i32>} : memref<2048xi32, #tpu.memory_space<vmem>>, vector<16xi32>,
      tpu.vector_store %arg5[%swap3A_1736], %select_n3A_1733 {strides = array<i32>} : memref<2048xi32, #tpu.memory_space<vmem>>, vector<16xi32>,
      %bitcast_convert_type3A_1738 = tpu.bitcast %select_n3A_1733 : vector<16xi32> -> vector<16xi32>
      %xor3A_1739 = arith.constant -2147483648 : i32
      %xor3A_1740 = vector.broadcast %xor3A_1739 : i32 to vector<16xi32>
      %xor3A_1741 = arith.xori %bitcast_convert_type3A_1738, %xor3A_1740 : vector<16xi32>
      %shift_right_logical3A_1742 = arith.constant 24 : i32
      %shift_right_logical3A_1743 = vector.broadcast %shift_right_logical3A_1742 : i32 to vector<16xi32>
      %shift_right_logical3A_1744 = arith.shrui %xor3A_1741, %shift_right_logical3A_1743 : vector<16xi32>
      %and3A_1745 = arith.constant 255 : i32
      %and3A_1746 = vector.broadcast %and3A_1745 : i32 to vector<16xi32>
      %and3A_1747 = arith.andi %shift_right_logical3A_1744, %and3A_1746 : vector<16xi32>
      %mul3A_1748 = arith.constant 256 : i32
      %mul3A_1749 = vector.broadcast %mul3A_1748 : i32 to vector<16xi32>
      %mul3A_1750 = arith.muli %iota3A, %mul3A_1749 : vector<16xi32>
      %add3A_1751 = arith.addi %mul3A_1750, %and3A_1747 : vector<16xi32>
      tpu.vector_store_idx %arg6[%add3A_1751], %broadcast_in_dim3A_1 {add = true} : memref<4096xi32, #tpu.memory_space<vmem>>[vector<16xi32>], vector<16xi32>,
    }
    %scan3A_16 = arith.constant 16 : i32
    %scan3A_17 = arith.constant 0 : i32
    %scan3A_18 = arith.constant 0 : i32
    %scan3A_19 = arith.constant 16 : i32
    %scan3A_20 = arith.addi %scan3A_18, %scan3A_19 : i32
    %scan3A_21 = arith.constant 1 : i32
    scf.for %scan3A_1433 = %scan3A_18 to %scan3A_20 step %scan3A_21  : i32 {
      %mul3A_1434 = arith.constant 16 : i32
      %mul3A_1435 = arith.muli %scan3A_1433, %mul3A_1434 : i32
      %add3A_1436 = arith.constant 0 : i32
      %add3A_1437 = arith.addi %add3A_1436, %mul3A_1435 : i32
      %get3A_1438 = arith.index_cast %add3A_1437 : i32 to index
      %get3A_1439 = tpu.vector_load %arg6[%get3A_1438] {strides = array<i32>} : memref<4096xi32, #tpu.memory_space<vmem>>, vector<16xi32>,
      %add3A_1440 = arith.addi %broadcast_in_dim3A_3, %get3A_1439 : vector<16xi32>
      %mul3A_1441 = arith.constant 16 : i32
      %mul3A_1442 = arith.muli %scan3A_1433, %mul3A_1441 : i32
      %add3A_1443 = arith.constant 256 : i32
      %add3A_1444 = arith.addi %add3A_1443, %mul3A_1442 : i32
      %get3A_1445 = arith.index_cast %add3A_1444 : i32 to index
      %get3A_1446 = tpu.vector_load %arg6[%get3A_1445] {strides = array<i32>} : memref<4096xi32, #tpu.memory_space<vmem>>, vector<16xi32>,
      %add3A_1447 = arith.addi %add3A_1440, %get3A_1446 : vector<16xi32>
      %mul3A_1448 = arith.constant 16 : i32
      %mul3A_1449 = arith.muli %scan3A_1433, %mul3A_1448 : i32
      %add3A_1450 = arith.constant 512 : i32
      %add3A_1451 = arith.addi %add3A_1450, %mul3A_1449 : i32
      %get3A_1452 = arith.index_cast %add3A_1451 : i32 to index
      %get3A_1453 = tpu.vector_load %arg6[%get3A_1452] {strides = array<i32>} : memref<4096xi32, #tpu.memory_space<vmem>>, vector<16xi32>,
      %add3A_1454 = arith.addi %add3A_1447, %get3A_1453 : vector<16xi32>
      %mul3A_1455 = arith.constant 16 : i32
      %mul3A_1456 = arith.muli %scan3A_1433, %mul3A_1455 : i32
      %add3A_1457 = arith.constant 768 : i32
      %add3A_1458 = arith.addi %add3A_1457, %mul3A_1456 : i32
      %get3A_1459 = arith.index_cast %add3A_1458 : i32 to index
      %get3A_1460 = tpu.vector_load %arg6[%get3A_1459] {strides = array<i32>} : memref<4096xi32, #tpu.memory_space<vmem>>, vector<16xi32>,
      %add3A_1461 = arith.addi %add3A_1454, %get3A_1460 : vector<16xi32>
      %mul3A_1462 = arith.constant 16 : i32
      %mul3A_1463 = arith.muli %scan3A_1433, %mul3A_1462 : i32
      %add3A_1464 = arith.constant 1024 : i32
      %add3A_1465 = arith.addi %add3A_1464, %mul3A_1463 : i32
      %get3A_1466 = arith.index_cast %add3A_1465 : i32 to index
      %get3A_1467 = tpu.vector_load %arg6[%get3A_1466] {strides = array<i32>} : memref<4096xi32, #tpu.memory_space<vmem>>, vector<16xi32>,
      %add3A_1468 = arith.addi %add3A_1461, %get3A_1467 : vector<16xi32>
      %mul3A_1469 = arith.constant 16 : i32
      %mul3A_1470 = arith.muli %scan3A_1433, %mul3A_1469 : i32
      %add3A_1471 = arith.constant 1280 : i32
      %add3A_1472 = arith.addi %add3A_1471, %mul3A_1470 : i32
      %get3A_1473 = arith.index_cast %add3A_1472 : i32 to index
      %get3A_1474 = tpu.vector_load %arg6[%get3A_1473] {strides = array<i32>} : memref<4096xi32, #tpu.memory_space<vmem>>, vector<16xi32>,
      %add3A_1475 = arith.addi %add3A_1468, %get3A_1474 : vector<16xi32>
      %mul3A_1476 = arith.constant 16 : i32
      %mul3A_1477 = arith.muli %scan3A_1433, %mul3A_1476 : i32
      %add3A_1478 = arith.constant 1536 : i32
      %add3A_1479 = arith.addi %add3A_1478, %mul3A_1477 : i32
      %get3A_1480 = arith.index_cast %add3A_1479 : i32 to index
      %get3A_1481 = tpu.vector_load %arg6[%get3A_1480] {strides = array<i32>} : memref<4096xi32, #tpu.memory_space<vmem>>, vector<16xi32>,
      %add3A_1482 = arith.addi %add3A_1475, %get3A_1481 : vector<16xi32>
      %mul3A_1483 = arith.constant 16 : i32
      %mul3A_1484 = arith.muli %scan3A_1433, %mul3A_1483 : i32
      %add3A_1485 = arith.constant 1792 : i32
      %add3A_1486 = arith.addi %add3A_1485, %mul3A_1484 : i32
      %get3A_1487 = arith.index_cast %add3A_1486 : i32 to index
      %get3A_1488 = tpu.vector_load %arg6[%get3A_1487] {strides = array<i32>} : memref<4096xi32, #tpu.memory_space<vmem>>, vector<16xi32>,
      %add3A_1489 = arith.addi %add3A_1482, %get3A_1488 : vector<16xi32>
      %mul3A_1490 = arith.constant 16 : i32
      %mul3A_1491 = arith.muli %scan3A_1433, %mul3A_1490 : i32
      %add3A_1492 = arith.constant 2048 : i32
      %add3A_1493 = arith.addi %add3A_1492, %mul3A_1491 : i32
      %get3A_1494 = arith.index_cast %add3A_1493 : i32 to index
      %get3A_1495 = tpu.vector_load %arg6[%get3A_1494] {strides = array<i32>} : memref<4096xi32, #tpu.memory_space<vmem>>, vector<16xi32>,
      %add3A_1496 = arith.addi %add3A_1489, %get3A_1495 : vector<16xi32>
      %mul3A_1497 = arith.constant 16 : i32
      %mul3A_1498 = arith.muli %scan3A_1433, %mul3A_1497 : i32
      %add3A_1499 = arith.constant 2304 : i32
      %add3A_1500 = arith.addi %add3A_1499, %mul3A_1498 : i32
      %get3A_1501 = arith.index_cast %add3A_1500 : i32 to index
      %get3A_1502 = tpu.vector_load %arg6[%get3A_1501] {strides = array<i32>} : memref<4096xi32, #tpu.memory_space<vmem>>, vector<16xi32>,
      %add3A_1503 = arith.addi %add3A_1496, %get3A_1502 : vector<16xi32>
      %mul3A_1504 = arith.constant 16 : i32
      %mul3A_1505 = arith.muli %scan3A_1433, %mul3A_1504 : i32
      %add3A_1506 = arith.constant 2560 : i32
      %add3A_1507 = arith.addi %add3A_1506, %mul3A_1505 : i32
      %get3A_1508 = arith.index_cast %add3A_1507 : i32 to index
      %get3A_1509 = tpu.vector_load %arg6[%get3A_1508] {strides = array<i32>} : memref<4096xi32, #tpu.memory_space<vmem>>, vector<16xi32>,
      %add3A_1510 = arith.addi %add3A_1503, %get3A_1509 : vector<16xi32>
      %mul3A_1511 = arith.constant 16 : i32
      %mul3A_1512 = arith.muli %scan3A_1433, %mul3A_1511 : i32
      %add3A_1513 = arith.constant 2816 : i32
      %add3A_1514 = arith.addi %add3A_1513, %mul3A_1512 : i32
      %get3A_1515 = arith.index_cast %add3A_1514 : i32 to index
      %get3A_1516 = tpu.vector_load %arg6[%get3A_1515] {strides = array<i32>} : memref<4096xi32, #tpu.memory_space<vmem>>, vector<16xi32>,
      %add3A_1517 = arith.addi %add3A_1510, %get3A_1516 : vector<16xi32>
      %mul3A_1518 = arith.constant 16 : i32
      %mul3A_1519 = arith.muli %scan3A_1433, %mul3A_1518 : i32
      %add3A_1520 = arith.constant 3072 : i32
      %add3A_1521 = arith.addi %add3A_1520, %mul3A_1519 : i32
      %get3A_1522 = arith.index_cast %add3A_1521 : i32 to index
      %get3A_1523 = tpu.vector_load %arg6[%get3A_1522] {strides = array<i32>} : memref<4096xi32, #tpu.memory_space<vmem>>, vector<16xi32>,
      %add3A_1524 = arith.addi %add3A_1517, %get3A_1523 : vector<16xi32>
      %mul3A_1525 = arith.constant 16 : i32
      %mul3A_1526 = arith.muli %scan3A_1433, %mul3A_1525 : i32
      %add3A_1527 = arith.constant 3328 : i32
      %add3A_1528 = arith.addi %add3A_1527, %mul3A_1526 : i32
      %get3A_1529 = arith.index_cast %add3A_1528 : i32 to index
      %get3A_1530 = tpu.vector_load %arg6[%get3A_1529] {strides = array<i32>} : memref<4096xi32, #tpu.memory_space<vmem>>, vector<16xi32>,
      %add3A_1531 = arith.addi %add3A_1524, %get3A_1530 : vector<16xi32>
      %mul3A_1532 = arith.constant 16 : i32
      %mul3A_1533 = arith.muli %scan3A_1433, %mul3A_1532 : i32
      %add3A_1534 = arith.constant 3584 : i32
      %add3A_1535 = arith.addi %add3A_1534, %mul3A_1533 : i32
      %get3A_1536 = arith.index_cast %add3A_1535 : i32 to index
      %get3A_1537 = tpu.vector_load %arg6[%get3A_1536] {strides = array<i32>} : memref<4096xi32, #tpu.memory_space<vmem>>, vector<16xi32>,
      %add3A_1538 = arith.addi %add3A_1531, %get3A_1537 : vector<16xi32>
      %mul3A_1539 = arith.constant 16 : i32
      %mul3A_1540 = arith.muli %scan3A_1433, %mul3A_1539 : i32
      %add3A_1541 = arith.constant 3840 : i32
      %add3A_1542 = arith.addi %add3A_1541, %mul3A_1540 : i32
      %get3A_1543 = arith.index_cast %add3A_1542 : i32 to index
      %get3A_1544 = tpu.vector_load %arg6[%get3A_1543] {strides = array<i32>} : memref<4096xi32, #tpu.memory_space<vmem>>, vector<16xi32>,
      %add3A_1545 = arith.addi %add3A_1538, %get3A_1544 : vector<16xi32>
      %mul3A_1546 = arith.constant 16 : i32
      %mul3A_1547 = arith.muli %scan3A_1433, %mul3A_1546 : i32
      %swap3A_1548 = arith.index_cast %mul3A_1547 : i32 to index
      %swap3A_1549 = tpu.vector_load %arg7[%swap3A_1548] {strides = array<i32>} : memref<256xi32, #tpu.memory_space<vmem>>, vector<16xi32>,
      tpu.vector_store %arg7[%swap3A_1548], %add3A_1545 {strides = array<i32>} : memref<256xi32, #tpu.memory_space<vmem>>, vector<16xi32>,
    }
    %scan3A_22 = arith.constant 16 : i32
    %add3A = arith.constant 0 : i32
    %add3A_23 = arith.addi %add3A, %arg1 : i32
    %mul3A_24 = arith.constant 16 : i32
    %mul3A_25 = arith.muli %add3A_23, %mul3A_24 : i32
    %add3A_26 = arith.constant 16 : i32
    %add3A_27 = arith.addi %add3A_26, %arg1 : i32
    %mul3A_28 = arith.constant 16 : i32
    %mul3A_29 = arith.muli %add3A_27, %mul3A_28 : i32
    %add3A_30 = arith.constant 32 : i32
    %add3A_31 = arith.addi %add3A_30, %arg1 : i32
    %mul3A_32 = arith.constant 16 : i32
    %mul3A_33 = arith.muli %add3A_31, %mul3A_32 : i32
    %add3A_34 = arith.constant 48 : i32
    %add3A_35 = arith.addi %add3A_34, %arg1 : i32
    %mul3A_36 = arith.constant 16 : i32
    %mul3A_37 = arith.muli %add3A_35, %mul3A_36 : i32
    %add3A_38 = arith.constant 64 : i32
    %add3A_39 = arith.addi %add3A_38, %arg1 : i32
    %mul3A_40 = arith.constant 16 : i32
    %mul3A_41 = arith.muli %add3A_39, %mul3A_40 : i32
    %add3A_42 = arith.constant 80 : i32
    %add3A_43 = arith.addi %add3A_42, %arg1 : i32
    %mul3A_44 = arith.constant 16 : i32
    %mul3A_45 = arith.muli %add3A_43, %mul3A_44 : i32
    %add3A_46 = arith.constant 96 : i32
    %add3A_47 = arith.addi %add3A_46, %arg1 : i32
    %mul3A_48 = arith.constant 16 : i32
    %mul3A_49 = arith.muli %add3A_47, %mul3A_48 : i32
    %add3A_50 = arith.constant 112 : i32
    %add3A_51 = arith.addi %add3A_50, %arg1 : i32
    %mul3A_52 = arith.constant 16 : i32
    %mul3A_53 = arith.muli %add3A_51, %mul3A_52 : i32
    %add3A_54 = arith.constant 128 : i32
    %add3A_55 = arith.addi %add3A_54, %arg1 : i32
    %mul3A_56 = arith.constant 16 : i32
    %mul3A_57 = arith.muli %add3A_55, %mul3A_56 : i32
    %add3A_58 = arith.constant 144 : i32
    %add3A_59 = arith.addi %add3A_58, %arg1 : i32
    %mul3A_60 = arith.constant 16 : i32
    %mul3A_61 = arith.muli %add3A_59, %mul3A_60 : i32
    %add3A_62 = arith.constant 160 : i32
    %add3A_63 = arith.addi %add3A_62, %arg1 : i32
    %mul3A_64 = arith.constant 16 : i32
    %mul3A_65 = arith.muli %add3A_63, %mul3A_64 : i32
    %add3A_66 = arith.constant 176 : i32
    %add3A_67 = arith.addi %add3A_66, %arg1 : i32
    %mul3A_68 = arith.constant 16 : i32
    %mul3A_69 = arith.muli %add3A_67, %mul3A_68 : i32
    %add3A_70 = arith.constant 192 : i32
    %add3A_71 = arith.addi %add3A_70, %arg1 : i32
    %mul3A_72 = arith.constant 16 : i32
    %mul3A_73 = arith.muli %add3A_71, %mul3A_72 : i32
    %add3A_74 = arith.constant 208 : i32
    %add3A_75 = arith.addi %add3A_74, %arg1 : i32
    %mul3A_76 = arith.constant 16 : i32
    %mul3A_77 = arith.muli %add3A_75, %mul3A_76 : i32
    %add3A_78 = arith.constant 224 : i32
    %add3A_79 = arith.addi %add3A_78, %arg1 : i32
    %mul3A_80 = arith.constant 16 : i32
    %mul3A_81 = arith.muli %add3A_79, %mul3A_80 : i32
    %add3A_82 = arith.constant 240 : i32
    %add3A_83 = arith.addi %add3A_82, %arg1 : i32
    %mul3A_84 = arith.constant 16 : i32
    %mul3A_85 = arith.muli %add3A_83, %mul3A_84 : i32
    %dma_start3A = arith.constant 0 : i32
    %dma_start3A_86 = tpu.memref_slice %arg7[%dma_start3A] : memref<256xi32, #tpu.memory_space<vmem>> -> memref<16xi32, #tpu.memory_space<vmem>>
    %dma_start3A_87 = tpu.memref_slice %arg11[%mul3A_25] : memref<16384xi32, #tpu.memory_space<vmem_shared>> -> memref<16xi32, #tpu.memory_space<vmem_shared>>
    %dma_start3A_88 = tpu.memref_slice %arg11[%mul3A_25] : memref<16384xi32, #tpu.memory_space<vmem_shared>> -> memref<16xi32, #tpu.memory_space<vmem_shared>>
    %dma_start3A_89 = arith.constant 0 : i32
    %dma_start3A_90 = tpu.memref_slice %arg7[%dma_start3A_89] : memref<256xi32, #tpu.memory_space<vmem>> -> memref<16xi32, #tpu.memory_space<vmem>>
    tpu.enqueue_dma source(%dma_start3A_90 : memref<16xi32, #tpu.memory_space<vmem>>) target(%dma_start3A_88 : memref<16xi32, #tpu.memory_space<vmem_shared>>) target_semaphore(%arg13 : memref<!tpu.dma_semaphore, #tpu.memory_space<semaphore_mem>>)
    %dma_start3A_91 = arith.constant 16 : i32
    %dma_start3A_92 = tpu.memref_slice %arg7[%dma_start3A_91] : memref<256xi32, #tpu.memory_space<vmem>> -> memref<16xi32, #tpu.memory_space<vmem>>
    %dma_start3A_93 = tpu.memref_slice %arg11[%mul3A_29] : memref<16384xi32, #tpu.memory_space<vmem_shared>> -> memref<16xi32, #tpu.memory_space<vmem_shared>>
    %dma_start3A_94 = tpu.memref_slice %arg11[%mul3A_29] : memref<16384xi32, #tpu.memory_space<vmem_shared>> -> memref<16xi32, #tpu.memory_space<vmem_shared>>
    %dma_start3A_95 = arith.constant 16 : i32
    %dma_start3A_96 = tpu.memref_slice %arg7[%dma_start3A_95] : memref<256xi32, #tpu.memory_space<vmem>> -> memref<16xi32, #tpu.memory_space<vmem>>
    tpu.enqueue_dma source(%dma_start3A_96 : memref<16xi32, #tpu.memory_space<vmem>>) target(%dma_start3A_94 : memref<16xi32, #tpu.memory_space<vmem_shared>>) target_semaphore(%arg13 : memref<!tpu.dma_semaphore, #tpu.memory_space<semaphore_mem>>)
    %dma_start3A_97 = arith.constant 32 : i32
    %dma_start3A_98 = tpu.memref_slice %arg7[%dma_start3A_97] : memref<256xi32, #tpu.memory_space<vmem>> -> memref<16xi32, #tpu.memory_space<vmem>>
    %dma_start3A_99 = tpu.memref_slice %arg11[%mul3A_33] : memref<16384xi32, #tpu.memory_space<vmem_shared>> -> memref<16xi32, #tpu.memory_space<vmem_shared>>
    %dma_start3A_100 = tpu.memref_slice %arg11[%mul3A_33] : memref<16384xi32, #tpu.memory_space<vmem_shared>> -> memref<16xi32, #tpu.memory_space<vmem_shared>>
    %dma_start3A_101 = arith.constant 32 : i32
    %dma_start3A_102 = tpu.memref_slice %arg7[%dma_start3A_101] : memref<256xi32, #tpu.memory_space<vmem>> -> memref<16xi32, #tpu.memory_space<vmem>>
    tpu.enqueue_dma source(%dma_start3A_102 : memref<16xi32, #tpu.memory_space<vmem>>) target(%dma_start3A_100 : memref<16xi32, #tpu.memory_space<vmem_shared>>) target_semaphore(%arg13 : memref<!tpu.dma_semaphore, #tpu.memory_space<semaphore_mem>>)
    %dma_start3A_103 = arith.constant 48 : i32
    %dma_start3A_104 = tpu.memref_slice %arg7[%dma_start3A_103] : memref<256xi32, #tpu.memory_space<vmem>> -> memref<16xi32, #tpu.memory_space<vmem>>
    %dma_start3A_105 = tpu.memref_slice %arg11[%mul3A_37] : memref<16384xi32, #tpu.memory_space<vmem_shared>> -> memref<16xi32, #tpu.memory_space<vmem_shared>>
    %dma_start3A_106 = tpu.memref_slice %arg11[%mul3A_37] : memref<16384xi32, #tpu.memory_space<vmem_shared>> -> memref<16xi32, #tpu.memory_space<vmem_shared>>
    %dma_start3A_107 = arith.constant 48 : i32
    %dma_start3A_108 = tpu.memref_slice %arg7[%dma_start3A_107] : memref<256xi32, #tpu.memory_space<vmem>> -> memref<16xi32, #tpu.memory_space<vmem>>
    tpu.enqueue_dma source(%dma_start3A_108 : memref<16xi32, #tpu.memory_space<vmem>>) target(%dma_start3A_106 : memref<16xi32, #tpu.memory_space<vmem_shared>>) target_semaphore(%arg13 : memref<!tpu.dma_semaphore, #tpu.memory_space<semaphore_mem>>)
    %dma_start3A_109 = arith.constant 64 : i32
    %dma_start3A_110 = tpu.memref_slice %arg7[%dma_start3A_109] : memref<256xi32, #tpu.memory_space<vmem>> -> memref<16xi32, #tpu.memory_space<vmem>>
    %dma_start3A_111 = tpu.memref_slice %arg11[%mul3A_41] : memref<16384xi32, #tpu.memory_space<vmem_shared>> -> memref<16xi32, #tpu.memory_space<vmem_shared>>
    %dma_start3A_112 = tpu.memref_slice %arg11[%mul3A_41] : memref<16384xi32, #tpu.memory_space<vmem_shared>> -> memref<16xi32, #tpu.memory_space<vmem_shared>>
    %dma_start3A_113 = arith.constant 64 : i32
    %dma_start3A_114 = tpu.memref_slice %arg7[%dma_start3A_113] : memref<256xi32, #tpu.memory_space<vmem>> -> memref<16xi32, #tpu.memory_space<vmem>>
    tpu.enqueue_dma source(%dma_start3A_114 : memref<16xi32, #tpu.memory_space<vmem>>) target(%dma_start3A_112 : memref<16xi32, #tpu.memory_space<vmem_shared>>) target_semaphore(%arg13 : memref<!tpu.dma_semaphore, #tpu.memory_space<semaphore_mem>>)
    %dma_start3A_115 = arith.constant 80 : i32
    %dma_start3A_116 = tpu.memref_slice %arg7[%dma_start3A_115] : memref<256xi32, #tpu.memory_space<vmem>> -> memref<16xi32, #tpu.memory_space<vmem>>
    %dma_start3A_117 = tpu.memref_slice %arg11[%mul3A_45] : memref<16384xi32, #tpu.memory_space<vmem_shared>> -> memref<16xi32, #tpu.memory_space<vmem_shared>>
    %dma_start3A_118 = tpu.memref_slice %arg11[%mul3A_45] : memref<16384xi32, #tpu.memory_space<vmem_shared>> -> memref<16xi32, #tpu.memory_space<vmem_shared>>
    %dma_start3A_119 = arith.constant 80 : i32
    %dma_start3A_120 = tpu.memref_slice %arg7[%dma_start3A_119] : memref<256xi32, #tpu.memory_space<vmem>> -> memref<16xi32, #tpu.memory_space<vmem>>
    tpu.enqueue_dma source(%dma_start3A_120 : memref<16xi32, #tpu.memory_space<vmem>>) target(%dma_start3A_118 : memref<16xi32, #tpu.memory_space<vmem_shared>>) target_semaphore(%arg13 : memref<!tpu.dma_semaphore, #tpu.memory_space<semaphore_mem>>)
    %dma_start3A_121 = arith.constant 96 : i32
    %dma_start3A_122 = tpu.memref_slice %arg7[%dma_start3A_121] : memref<256xi32, #tpu.memory_space<vmem>> -> memref<16xi32, #tpu.memory_space<vmem>>
    %dma_start3A_123 = tpu.memref_slice %arg11[%mul3A_49] : memref<16384xi32, #tpu.memory_space<vmem_shared>> -> memref<16xi32, #tpu.memory_space<vmem_shared>>
    %dma_start3A_124 = tpu.memref_slice %arg11[%mul3A_49] : memref<16384xi32, #tpu.memory_space<vmem_shared>> -> memref<16xi32, #tpu.memory_space<vmem_shared>>
    %dma_start3A_125 = arith.constant 96 : i32
    %dma_start3A_126 = tpu.memref_slice %arg7[%dma_start3A_125] : memref<256xi32, #tpu.memory_space<vmem>> -> memref<16xi32, #tpu.memory_space<vmem>>
    tpu.enqueue_dma source(%dma_start3A_126 : memref<16xi32, #tpu.memory_space<vmem>>) target(%dma_start3A_124 : memref<16xi32, #tpu.memory_space<vmem_shared>>) target_semaphore(%arg13 : memref<!tpu.dma_semaphore, #tpu.memory_space<semaphore_mem>>)
    %dma_start3A_127 = arith.constant 112 : i32
    %dma_start3A_128 = tpu.memref_slice %arg7[%dma_start3A_127] : memref<256xi32, #tpu.memory_space<vmem>> -> memref<16xi32, #tpu.memory_space<vmem>>
    %dma_start3A_129 = tpu.memref_slice %arg11[%mul3A_53] : memref<16384xi32, #tpu.memory_space<vmem_shared>> -> memref<16xi32, #tpu.memory_space<vmem_shared>>
    %dma_start3A_130 = tpu.memref_slice %arg11[%mul3A_53] : memref<16384xi32, #tpu.memory_space<vmem_shared>> -> memref<16xi32, #tpu.memory_space<vmem_shared>>
    %dma_start3A_131 = arith.constant 112 : i32
    %dma_start3A_132 = tpu.memref_slice %arg7[%dma_start3A_131] : memref<256xi32, #tpu.memory_space<vmem>> -> memref<16xi32, #tpu.memory_space<vmem>>
    tpu.enqueue_dma source(%dma_start3A_132 : memref<16xi32, #tpu.memory_space<vmem>>) target(%dma_start3A_130 : memref<16xi32, #tpu.memory_space<vmem_shared>>) target_semaphore(%arg13 : memref<!tpu.dma_semaphore, #tpu.memory_space<semaphore_mem>>)
    %dma_start3A_133 = arith.constant 128 : i32
    %dma_start3A_134 = tpu.memref_slice %arg7[%dma_start3A_133] : memref<256xi32, #tpu.memory_space<vmem>> -> memref<16xi32, #tpu.memory_space<vmem>>
    %dma_start3A_135 = tpu.memref_slice %arg11[%mul3A_57] : memref<16384xi32, #tpu.memory_space<vmem_shared>> -> memref<16xi32, #tpu.memory_space<vmem_shared>>
    %dma_start3A_136 = tpu.memref_slice %arg11[%mul3A_57] : memref<16384xi32, #tpu.memory_space<vmem_shared>> -> memref<16xi32, #tpu.memory_space<vmem_shared>>
    %dma_start3A_137 = arith.constant 128 : i32
    %dma_start3A_138 = tpu.memref_slice %arg7[%dma_start3A_137] : memref<256xi32, #tpu.memory_space<vmem>> -> memref<16xi32, #tpu.memory_space<vmem>>
    tpu.enqueue_dma source(%dma_start3A_138 : memref<16xi32, #tpu.memory_space<vmem>>) target(%dma_start3A_136 : memref<16xi32, #tpu.memory_space<vmem_shared>>) target_semaphore(%arg13 : memref<!tpu.dma_semaphore, #tpu.memory_space<semaphore_mem>>)
    %dma_start3A_139 = arith.constant 144 : i32
    %dma_start3A_140 = tpu.memref_slice %arg7[%dma_start3A_139] : memref<256xi32, #tpu.memory_space<vmem>> -> memref<16xi32, #tpu.memory_space<vmem>>
    %dma_start3A_141 = tpu.memref_slice %arg11[%mul3A_61] : memref<16384xi32, #tpu.memory_space<vmem_shared>> -> memref<16xi32, #tpu.memory_space<vmem_shared>>
    %dma_start3A_142 = tpu.memref_slice %arg11[%mul3A_61] : memref<16384xi32, #tpu.memory_space<vmem_shared>> -> memref<16xi32, #tpu.memory_space<vmem_shared>>
    %dma_start3A_143 = arith.constant 144 : i32
    %dma_start3A_144 = tpu.memref_slice %arg7[%dma_start3A_143] : memref<256xi32, #tpu.memory_space<vmem>> -> memref<16xi32, #tpu.memory_space<vmem>>
    tpu.enqueue_dma source(%dma_start3A_144 : memref<16xi32, #tpu.memory_space<vmem>>) target(%dma_start3A_142 : memref<16xi32, #tpu.memory_space<vmem_shared>>) target_semaphore(%arg13 : memref<!tpu.dma_semaphore, #tpu.memory_space<semaphore_mem>>)
    %dma_start3A_145 = arith.constant 160 : i32
    %dma_start3A_146 = tpu.memref_slice %arg7[%dma_start3A_145] : memref<256xi32, #tpu.memory_space<vmem>> -> memref<16xi32, #tpu.memory_space<vmem>>
    %dma_start3A_147 = tpu.memref_slice %arg11[%mul3A_65] : memref<16384xi32, #tpu.memory_space<vmem_shared>> -> memref<16xi32, #tpu.memory_space<vmem_shared>>
    %dma_start3A_148 = tpu.memref_slice %arg11[%mul3A_65] : memref<16384xi32, #tpu.memory_space<vmem_shared>> -> memref<16xi32, #tpu.memory_space<vmem_shared>>
    %dma_start3A_149 = arith.constant 160 : i32
    %dma_start3A_150 = tpu.memref_slice %arg7[%dma_start3A_149] : memref<256xi32, #tpu.memory_space<vmem>> -> memref<16xi32, #tpu.memory_space<vmem>>
    tpu.enqueue_dma source(%dma_start3A_150 : memref<16xi32, #tpu.memory_space<vmem>>) target(%dma_start3A_148 : memref<16xi32, #tpu.memory_space<vmem_shared>>) target_semaphore(%arg13 : memref<!tpu.dma_semaphore, #tpu.memory_space<semaphore_mem>>)
    %dma_start3A_151 = arith.constant 176 : i32
    %dma_start3A_152 = tpu.memref_slice %arg7[%dma_start3A_151] : memref<256xi32, #tpu.memory_space<vmem>> -> memref<16xi32, #tpu.memory_space<vmem>>
    %dma_start3A_153 = tpu.memref_slice %arg11[%mul3A_69] : memref<16384xi32, #tpu.memory_space<vmem_shared>> -> memref<16xi32, #tpu.memory_space<vmem_shared>>
    %dma_start3A_154 = tpu.memref_slice %arg11[%mul3A_69] : memref<16384xi32, #tpu.memory_space<vmem_shared>> -> memref<16xi32, #tpu.memory_space<vmem_shared>>
    %dma_start3A_155 = arith.constant 176 : i32
    %dma_start3A_156 = tpu.memref_slice %arg7[%dma_start3A_155] : memref<256xi32, #tpu.memory_space<vmem>> -> memref<16xi32, #tpu.memory_space<vmem>>
    tpu.enqueue_dma source(%dma_start3A_156 : memref<16xi32, #tpu.memory_space<vmem>>) target(%dma_start3A_154 : memref<16xi32, #tpu.memory_space<vmem_shared>>) target_semaphore(%arg13 : memref<!tpu.dma_semaphore, #tpu.memory_space<semaphore_mem>>)
    %dma_start3A_157 = arith.constant 192 : i32
    %dma_start3A_158 = tpu.memref_slice %arg7[%dma_start3A_157] : memref<256xi32, #tpu.memory_space<vmem>> -> memref<16xi32, #tpu.memory_space<vmem>>
    %dma_start3A_159 = tpu.memref_slice %arg11[%mul3A_73] : memref<16384xi32, #tpu.memory_space<vmem_shared>> -> memref<16xi32, #tpu.memory_space<vmem_shared>>
    %dma_start3A_160 = tpu.memref_slice %arg11[%mul3A_73] : memref<16384xi32, #tpu.memory_space<vmem_shared>> -> memref<16xi32, #tpu.memory_space<vmem_shared>>
    %dma_start3A_161 = arith.constant 192 : i32
    %dma_start3A_162 = tpu.memref_slice %arg7[%dma_start3A_161] : memref<256xi32, #tpu.memory_space<vmem>> -> memref<16xi32, #tpu.memory_space<vmem>>
    tpu.enqueue_dma source(%dma_start3A_162 : memref<16xi32, #tpu.memory_space<vmem>>) target(%dma_start3A_160 : memref<16xi32, #tpu.memory_space<vmem_shared>>) target_semaphore(%arg13 : memref<!tpu.dma_semaphore, #tpu.memory_space<semaphore_mem>>)
    %dma_start3A_163 = arith.constant 208 : i32
    %dma_start3A_164 = tpu.memref_slice %arg7[%dma_start3A_163] : memref<256xi32, #tpu.memory_space<vmem>> -> memref<16xi32, #tpu.memory_space<vmem>>
    %dma_start3A_165 = tpu.memref_slice %arg11[%mul3A_77] : memref<16384xi32, #tpu.memory_space<vmem_shared>> -> memref<16xi32, #tpu.memory_space<vmem_shared>>
    %dma_start3A_166 = tpu.memref_slice %arg11[%mul3A_77] : memref<16384xi32, #tpu.memory_space<vmem_shared>> -> memref<16xi32, #tpu.memory_space<vmem_shared>>
    %dma_start3A_167 = arith.constant 208 : i32
    %dma_start3A_168 = tpu.memref_slice %arg7[%dma_start3A_167] : memref<256xi32, #tpu.memory_space<vmem>> -> memref<16xi32, #tpu.memory_space<vmem>>
    tpu.enqueue_dma source(%dma_start3A_168 : memref<16xi32, #tpu.memory_space<vmem>>) target(%dma_start3A_166 : memref<16xi32, #tpu.memory_space<vmem_shared>>) target_semaphore(%arg13 : memref<!tpu.dma_semaphore, #tpu.memory_space<semaphore_mem>>)
    %dma_start3A_169 = arith.constant 224 : i32
    %dma_start3A_170 = tpu.memref_slice %arg7[%dma_start3A_169] : memref<256xi32, #tpu.memory_space<vmem>> -> memref<16xi32, #tpu.memory_space<vmem>>
    %dma_start3A_171 = tpu.memref_slice %arg11[%mul3A_81] : memref<16384xi32, #tpu.memory_space<vmem_shared>> -> memref<16xi32, #tpu.memory_space<vmem_shared>>
    %dma_start3A_172 = tpu.memref_slice %arg11[%mul3A_81] : memref<16384xi32, #tpu.memory_space<vmem_shared>> -> memref<16xi32, #tpu.memory_space<vmem_shared>>
    %dma_start3A_173 = arith.constant 224 : i32
    %dma_start3A_174 = tpu.memref_slice %arg7[%dma_start3A_173] : memref<256xi32, #tpu.memory_space<vmem>> -> memref<16xi32, #tpu.memory_space<vmem>>
    tpu.enqueue_dma source(%dma_start3A_174 : memref<16xi32, #tpu.memory_space<vmem>>) target(%dma_start3A_172 : memref<16xi32, #tpu.memory_space<vmem_shared>>) target_semaphore(%arg13 : memref<!tpu.dma_semaphore, #tpu.memory_space<semaphore_mem>>)
    %dma_start3A_175 = arith.constant 240 : i32
    %dma_start3A_176 = tpu.memref_slice %arg7[%dma_start3A_175] : memref<256xi32, #tpu.memory_space<vmem>> -> memref<16xi32, #tpu.memory_space<vmem>>
    %dma_start3A_177 = tpu.memref_slice %arg11[%mul3A_85] : memref<16384xi32, #tpu.memory_space<vmem_shared>> -> memref<16xi32, #tpu.memory_space<vmem_shared>>
    %dma_start3A_178 = tpu.memref_slice %arg11[%mul3A_85] : memref<16384xi32, #tpu.memory_space<vmem_shared>> -> memref<16xi32, #tpu.memory_space<vmem_shared>>
    %dma_start3A_179 = arith.constant 240 : i32
    %dma_start3A_180 = tpu.memref_slice %arg7[%dma_start3A_179] : memref<256xi32, #tpu.memory_space<vmem>> -> memref<16xi32, #tpu.memory_space<vmem>>
    tpu.enqueue_dma source(%dma_start3A_180 : memref<16xi32, #tpu.memory_space<vmem>>) target(%dma_start3A_178 : memref<16xi32, #tpu.memory_space<vmem_shared>>) target_semaphore(%arg13 : memref<!tpu.dma_semaphore, #tpu.memory_space<semaphore_mem>>)
    %dma_wait3A = arith.constant 0 : i32
    %dma_wait3A_181 = tpu.memref_slice %arg7[%dma_wait3A] : memref<256xi32, #tpu.memory_space<vmem>> -> memref<16xi32, #tpu.memory_space<vmem>>
    %dma_wait3A_182 = tpu.memref_slice %arg11[%mul3A_25] : memref<16384xi32, #tpu.memory_space<vmem_shared>> -> memref<16xi32, #tpu.memory_space<vmem_shared>>
    %dma_wait3A_183 = tpu.memref_slice %arg11[%mul3A_25] : memref<16384xi32, #tpu.memory_space<vmem_shared>> -> memref<16xi32, #tpu.memory_space<vmem_shared>>
    %dma_wait3A_184 = arith.constant 0 : i32
    %dma_wait3A_185 = tpu.memref_slice %arg7[%dma_wait3A_184] : memref<256xi32, #tpu.memory_space<vmem>> -> memref<16xi32, #tpu.memory_space<vmem>>
    tpu.wait_dma2 semaphore(%arg13 : memref<!tpu.dma_semaphore, #tpu.memory_space<semaphore_mem>>) src(%dma_wait3A_185 : memref<16xi32, #tpu.memory_space<vmem>>) dst(%dma_wait3A_183 : memref<16xi32, #tpu.memory_space<vmem_shared>>)
    %dma_wait3A_186 = arith.constant 16 : i32
    %dma_wait3A_187 = tpu.memref_slice %arg7[%dma_wait3A_186] : memref<256xi32, #tpu.memory_space<vmem>> -> memref<16xi32, #tpu.memory_space<vmem>>
    %dma_wait3A_188 = tpu.memref_slice %arg11[%mul3A_29] : memref<16384xi32, #tpu.memory_space<vmem_shared>> -> memref<16xi32, #tpu.memory_space<vmem_shared>>
    %dma_wait3A_189 = tpu.memref_slice %arg11[%mul3A_29] : memref<16384xi32, #tpu.memory_space<vmem_shared>> -> memref<16xi32, #tpu.memory_space<vmem_shared>>
    %dma_wait3A_190 = arith.constant 16 : i32
    %dma_wait3A_191 = tpu.memref_slice %arg7[%dma_wait3A_190] : memref<256xi32, #tpu.memory_space<vmem>> -> memref<16xi32, #tpu.memory_space<vmem>>
    tpu.wait_dma2 semaphore(%arg13 : memref<!tpu.dma_semaphore, #tpu.memory_space<semaphore_mem>>) src(%dma_wait3A_191 : memref<16xi32, #tpu.memory_space<vmem>>) dst(%dma_wait3A_189 : memref<16xi32, #tpu.memory_space<vmem_shared>>)
    %dma_wait3A_192 = arith.constant 32 : i32
    %dma_wait3A_193 = tpu.memref_slice %arg7[%dma_wait3A_192] : memref<256xi32, #tpu.memory_space<vmem>> -> memref<16xi32, #tpu.memory_space<vmem>>
    %dma_wait3A_194 = tpu.memref_slice %arg11[%mul3A_33] : memref<16384xi32, #tpu.memory_space<vmem_shared>> -> memref<16xi32, #tpu.memory_space<vmem_shared>>
    %dma_wait3A_195 = tpu.memref_slice %arg11[%mul3A_33] : memref<16384xi32, #tpu.memory_space<vmem_shared>> -> memref<16xi32, #tpu.memory_space<vmem_shared>>
    %dma_wait3A_196 = arith.constant 32 : i32
    %dma_wait3A_197 = tpu.memref_slice %arg7[%dma_wait3A_196] : memref<256xi32, #tpu.memory_space<vmem>> -> memref<16xi32, #tpu.memory_space<vmem>>
    tpu.wait_dma2 semaphore(%arg13 : memref<!tpu.dma_semaphore, #tpu.memory_space<semaphore_mem>>) src(%dma_wait3A_197 : memref<16xi32, #tpu.memory_space<vmem>>) dst(%dma_wait3A_195 : memref<16xi32, #tpu.memory_space<vmem_shared>>)
    %dma_wait3A_198 = arith.constant 48 : i32
    %dma_wait3A_199 = tpu.memref_slice %arg7[%dma_wait3A_198] : memref<256xi32, #tpu.memory_space<vmem>> -> memref<16xi32, #tpu.memory_space<vmem>>
    %dma_wait3A_200 = tpu.memref_slice %arg11[%mul3A_37] : memref<16384xi32, #tpu.memory_space<vmem_shared>> -> memref<16xi32, #tpu.memory_space<vmem_shared>>
    %dma_wait3A_201 = tpu.memref_slice %arg11[%mul3A_37] : memref<16384xi32, #tpu.memory_space<vmem_shared>> -> memref<16xi32, #tpu.memory_space<vmem_shared>>
    %dma_wait3A_202 = arith.constant 48 : i32
    %dma_wait3A_203 = tpu.memref_slice %arg7[%dma_wait3A_202] : memref<256xi32, #tpu.memory_space<vmem>> -> memref<16xi32, #tpu.memory_space<vmem>>
    tpu.wait_dma2 semaphore(%arg13 : memref<!tpu.dma_semaphore, #tpu.memory_space<semaphore_mem>>) src(%dma_wait3A_203 : memref<16xi32, #tpu.memory_space<vmem>>) dst(%dma_wait3A_201 : memref<16xi32, #tpu.memory_space<vmem_shared>>)
    %dma_wait3A_204 = arith.constant 64 : i32
    %dma_wait3A_205 = tpu.memref_slice %arg7[%dma_wait3A_204] : memref<256xi32, #tpu.memory_space<vmem>> -> memref<16xi32, #tpu.memory_space<vmem>>
    %dma_wait3A_206 = tpu.memref_slice %arg11[%mul3A_41] : memref<16384xi32, #tpu.memory_space<vmem_shared>> -> memref<16xi32, #tpu.memory_space<vmem_shared>>
    %dma_wait3A_207 = tpu.memref_slice %arg11[%mul3A_41] : memref<16384xi32, #tpu.memory_space<vmem_shared>> -> memref<16xi32, #tpu.memory_space<vmem_shared>>
    %dma_wait3A_208 = arith.constant 64 : i32
    %dma_wait3A_209 = tpu.memref_slice %arg7[%dma_wait3A_208] : memref<256xi32, #tpu.memory_space<vmem>> -> memref<16xi32, #tpu.memory_space<vmem>>
    tpu.wait_dma2 semaphore(%arg13 : memref<!tpu.dma_semaphore, #tpu.memory_space<semaphore_mem>>) src(%dma_wait3A_209 : memref<16xi32, #tpu.memory_space<vmem>>) dst(%dma_wait3A_207 : memref<16xi32, #tpu.memory_space<vmem_shared>>)
    %dma_wait3A_210 = arith.constant 80 : i32
    %dma_wait3A_211 = tpu.memref_slice %arg7[%dma_wait3A_210] : memref<256xi32, #tpu.memory_space<vmem>> -> memref<16xi32, #tpu.memory_space<vmem>>
    %dma_wait3A_212 = tpu.memref_slice %arg11[%mul3A_45] : memref<16384xi32, #tpu.memory_space<vmem_shared>> -> memref<16xi32, #tpu.memory_space<vmem_shared>>
    %dma_wait3A_213 = tpu.memref_slice %arg11[%mul3A_45] : memref<16384xi32, #tpu.memory_space<vmem_shared>> -> memref<16xi32, #tpu.memory_space<vmem_shared>>
    %dma_wait3A_214 = arith.constant 80 : i32
    %dma_wait3A_215 = tpu.memref_slice %arg7[%dma_wait3A_214] : memref<256xi32, #tpu.memory_space<vmem>> -> memref<16xi32, #tpu.memory_space<vmem>>
    tpu.wait_dma2 semaphore(%arg13 : memref<!tpu.dma_semaphore, #tpu.memory_space<semaphore_mem>>) src(%dma_wait3A_215 : memref<16xi32, #tpu.memory_space<vmem>>) dst(%dma_wait3A_213 : memref<16xi32, #tpu.memory_space<vmem_shared>>)
    %dma_wait3A_216 = arith.constant 96 : i32
    %dma_wait3A_217 = tpu.memref_slice %arg7[%dma_wait3A_216] : memref<256xi32, #tpu.memory_space<vmem>> -> memref<16xi32, #tpu.memory_space<vmem>>
    %dma_wait3A_218 = tpu.memref_slice %arg11[%mul3A_49] : memref<16384xi32, #tpu.memory_space<vmem_shared>> -> memref<16xi32, #tpu.memory_space<vmem_shared>>
    %dma_wait3A_219 = tpu.memref_slice %arg11[%mul3A_49] : memref<16384xi32, #tpu.memory_space<vmem_shared>> -> memref<16xi32, #tpu.memory_space<vmem_shared>>
    %dma_wait3A_220 = arith.constant 96 : i32
    %dma_wait3A_221 = tpu.memref_slice %arg7[%dma_wait3A_220] : memref<256xi32, #tpu.memory_space<vmem>> -> memref<16xi32, #tpu.memory_space<vmem>>
    tpu.wait_dma2 semaphore(%arg13 : memref<!tpu.dma_semaphore, #tpu.memory_space<semaphore_mem>>) src(%dma_wait3A_221 : memref<16xi32, #tpu.memory_space<vmem>>) dst(%dma_wait3A_219 : memref<16xi32, #tpu.memory_space<vmem_shared>>)
    %dma_wait3A_222 = arith.constant 112 : i32
    %dma_wait3A_223 = tpu.memref_slice %arg7[%dma_wait3A_222] : memref<256xi32, #tpu.memory_space<vmem>> -> memref<16xi32, #tpu.memory_space<vmem>>
    %dma_wait3A_224 = tpu.memref_slice %arg11[%mul3A_53] : memref<16384xi32, #tpu.memory_space<vmem_shared>> -> memref<16xi32, #tpu.memory_space<vmem_shared>>
    %dma_wait3A_225 = tpu.memref_slice %arg11[%mul3A_53] : memref<16384xi32, #tpu.memory_space<vmem_shared>> -> memref<16xi32, #tpu.memory_space<vmem_shared>>
    %dma_wait3A_226 = arith.constant 112 : i32
    %dma_wait3A_227 = tpu.memref_slice %arg7[%dma_wait3A_226] : memref<256xi32, #tpu.memory_space<vmem>> -> memref<16xi32, #tpu.memory_space<vmem>>
    tpu.wait_dma2 semaphore(%arg13 : memref<!tpu.dma_semaphore, #tpu.memory_space<semaphore_mem>>) src(%dma_wait3A_227 : memref<16xi32, #tpu.memory_space<vmem>>) dst(%dma_wait3A_225 : memref<16xi32, #tpu.memory_space<vmem_shared>>)
    %dma_wait3A_228 = arith.constant 128 : i32
    %dma_wait3A_229 = tpu.memref_slice %arg7[%dma_wait3A_228] : memref<256xi32, #tpu.memory_space<vmem>> -> memref<16xi32, #tpu.memory_space<vmem>>
    %dma_wait3A_230 = tpu.memref_slice %arg11[%mul3A_57] : memref<16384xi32, #tpu.memory_space<vmem_shared>> -> memref<16xi32, #tpu.memory_space<vmem_shared>>
    %dma_wait3A_231 = tpu.memref_slice %arg11[%mul3A_57] : memref<16384xi32, #tpu.memory_space<vmem_shared>> -> memref<16xi32, #tpu.memory_space<vmem_shared>>
    %dma_wait3A_232 = arith.constant 128 : i32
    %dma_wait3A_233 = tpu.memref_slice %arg7[%dma_wait3A_232] : memref<256xi32, #tpu.memory_space<vmem>> -> memref<16xi32, #tpu.memory_space<vmem>>
    tpu.wait_dma2 semaphore(%arg13 : memref<!tpu.dma_semaphore, #tpu.memory_space<semaphore_mem>>) src(%dma_wait3A_233 : memref<16xi32, #tpu.memory_space<vmem>>) dst(%dma_wait3A_231 : memref<16xi32, #tpu.memory_space<vmem_shared>>)
    %dma_wait3A_234 = arith.constant 144 : i32
    %dma_wait3A_235 = tpu.memref_slice %arg7[%dma_wait3A_234] : memref<256xi32, #tpu.memory_space<vmem>> -> memref<16xi32, #tpu.memory_space<vmem>>
    %dma_wait3A_236 = tpu.memref_slice %arg11[%mul3A_61] : memref<16384xi32, #tpu.memory_space<vmem_shared>> -> memref<16xi32, #tpu.memory_space<vmem_shared>>
    %dma_wait3A_237 = tpu.memref_slice %arg11[%mul3A_61] : memref<16384xi32, #tpu.memory_space<vmem_shared>> -> memref<16xi32, #tpu.memory_space<vmem_shared>>
    %dma_wait3A_238 = arith.constant 144 : i32
    %dma_wait3A_239 = tpu.memref_slice %arg7[%dma_wait3A_238] : memref<256xi32, #tpu.memory_space<vmem>> -> memref<16xi32, #tpu.memory_space<vmem>>
    tpu.wait_dma2 semaphore(%arg13 : memref<!tpu.dma_semaphore, #tpu.memory_space<semaphore_mem>>) src(%dma_wait3A_239 : memref<16xi32, #tpu.memory_space<vmem>>) dst(%dma_wait3A_237 : memref<16xi32, #tpu.memory_space<vmem_shared>>)
    %dma_wait3A_240 = arith.constant 160 : i32
    %dma_wait3A_241 = tpu.memref_slice %arg7[%dma_wait3A_240] : memref<256xi32, #tpu.memory_space<vmem>> -> memref<16xi32, #tpu.memory_space<vmem>>
    %dma_wait3A_242 = tpu.memref_slice %arg11[%mul3A_65] : memref<16384xi32, #tpu.memory_space<vmem_shared>> -> memref<16xi32, #tpu.memory_space<vmem_shared>>
    %dma_wait3A_243 = tpu.memref_slice %arg11[%mul3A_65] : memref<16384xi32, #tpu.memory_space<vmem_shared>> -> memref<16xi32, #tpu.memory_space<vmem_shared>>
    %dma_wait3A_244 = arith.constant 160 : i32
    %dma_wait3A_245 = tpu.memref_slice %arg7[%dma_wait3A_244] : memref<256xi32, #tpu.memory_space<vmem>> -> memref<16xi32, #tpu.memory_space<vmem>>
    tpu.wait_dma2 semaphore(%arg13 : memref<!tpu.dma_semaphore, #tpu.memory_space<semaphore_mem>>) src(%dma_wait3A_245 : memref<16xi32, #tpu.memory_space<vmem>>) dst(%dma_wait3A_243 : memref<16xi32, #tpu.memory_space<vmem_shared>>)
    %dma_wait3A_246 = arith.constant 176 : i32
    %dma_wait3A_247 = tpu.memref_slice %arg7[%dma_wait3A_246] : memref<256xi32, #tpu.memory_space<vmem>> -> memref<16xi32, #tpu.memory_space<vmem>>
    %dma_wait3A_248 = tpu.memref_slice %arg11[%mul3A_69] : memref<16384xi32, #tpu.memory_space<vmem_shared>> -> memref<16xi32, #tpu.memory_space<vmem_shared>>
    %dma_wait3A_249 = tpu.memref_slice %arg11[%mul3A_69] : memref<16384xi32, #tpu.memory_space<vmem_shared>> -> memref<16xi32, #tpu.memory_space<vmem_shared>>
    %dma_wait3A_250 = arith.constant 176 : i32
    %dma_wait3A_251 = tpu.memref_slice %arg7[%dma_wait3A_250] : memref<256xi32, #tpu.memory_space<vmem>> -> memref<16xi32, #tpu.memory_space<vmem>>
    tpu.wait_dma2 semaphore(%arg13 : memref<!tpu.dma_semaphore, #tpu.memory_space<semaphore_mem>>) src(%dma_wait3A_251 : memref<16xi32, #tpu.memory_space<vmem>>) dst(%dma_wait3A_249 : memref<16xi32, #tpu.memory_space<vmem_shared>>)
    %dma_wait3A_252 = arith.constant 192 : i32
    %dma_wait3A_253 = tpu.memref_slice %arg7[%dma_wait3A_252] : memref<256xi32, #tpu.memory_space<vmem>> -> memref<16xi32, #tpu.memory_space<vmem>>
    %dma_wait3A_254 = tpu.memref_slice %arg11[%mul3A_73] : memref<16384xi32, #tpu.memory_space<vmem_shared>> -> memref<16xi32, #tpu.memory_space<vmem_shared>>
    %dma_wait3A_255 = tpu.memref_slice %arg11[%mul3A_73] : memref<16384xi32, #tpu.memory_space<vmem_shared>> -> memref<16xi32, #tpu.memory_space<vmem_shared>>
    %dma_wait3A_256 = arith.constant 192 : i32
    %dma_wait3A_257 = tpu.memref_slice %arg7[%dma_wait3A_256] : memref<256xi32, #tpu.memory_space<vmem>> -> memref<16xi32, #tpu.memory_space<vmem>>
    tpu.wait_dma2 semaphore(%arg13 : memref<!tpu.dma_semaphore, #tpu.memory_space<semaphore_mem>>) src(%dma_wait3A_257 : memref<16xi32, #tpu.memory_space<vmem>>) dst(%dma_wait3A_255 : memref<16xi32, #tpu.memory_space<vmem_shared>>)
    %dma_wait3A_258 = arith.constant 208 : i32
    %dma_wait3A_259 = tpu.memref_slice %arg7[%dma_wait3A_258] : memref<256xi32, #tpu.memory_space<vmem>> -> memref<16xi32, #tpu.memory_space<vmem>>
    %dma_wait3A_260 = tpu.memref_slice %arg11[%mul3A_77] : memref<16384xi32, #tpu.memory_space<vmem_shared>> -> memref<16xi32, #tpu.memory_space<vmem_shared>>
    %dma_wait3A_261 = tpu.memref_slice %arg11[%mul3A_77] : memref<16384xi32, #tpu.memory_space<vmem_shared>> -> memref<16xi32, #tpu.memory_space<vmem_shared>>
    %dma_wait3A_262 = arith.constant 208 : i32
    %dma_wait3A_263 = tpu.memref_slice %arg7[%dma_wait3A_262] : memref<256xi32, #tpu.memory_space<vmem>> -> memref<16xi32, #tpu.memory_space<vmem>>
    tpu.wait_dma2 semaphore(%arg13 : memref<!tpu.dma_semaphore, #tpu.memory_space<semaphore_mem>>) src(%dma_wait3A_263 : memref<16xi32, #tpu.memory_space<vmem>>) dst(%dma_wait3A_261 : memref<16xi32, #tpu.memory_space<vmem_shared>>)
    %dma_wait3A_264 = arith.constant 224 : i32
    %dma_wait3A_265 = tpu.memref_slice %arg7[%dma_wait3A_264] : memref<256xi32, #tpu.memory_space<vmem>> -> memref<16xi32, #tpu.memory_space<vmem>>
    %dma_wait3A_266 = tpu.memref_slice %arg11[%mul3A_81] : memref<16384xi32, #tpu.memory_space<vmem_shared>> -> memref<16xi32, #tpu.memory_space<vmem_shared>>
    %dma_wait3A_267 = tpu.memref_slice %arg11[%mul3A_81] : memref<16384xi32, #tpu.memory_space<vmem_shared>> -> memref<16xi32, #tpu.memory_space<vmem_shared>>
    %dma_wait3A_268 = arith.constant 224 : i32
    %dma_wait3A_269 = tpu.memref_slice %arg7[%dma_wait3A_268] : memref<256xi32, #tpu.memory_space<vmem>> -> memref<16xi32, #tpu.memory_space<vmem>>
    tpu.wait_dma2 semaphore(%arg13 : memref<!tpu.dma_semaphore, #tpu.memory_space<semaphore_mem>>) src(%dma_wait3A_269 : memref<16xi32, #tpu.memory_space<vmem>>) dst(%dma_wait3A_267 : memref<16xi32, #tpu.memory_space<vmem_shared>>)
    %dma_wait3A_270 = arith.constant 240 : i32
    %dma_wait3A_271 = tpu.memref_slice %arg7[%dma_wait3A_270] : memref<256xi32, #tpu.memory_space<vmem>> -> memref<16xi32, #tpu.memory_space<vmem>>
    %dma_wait3A_272 = tpu.memref_slice %arg11[%mul3A_85] : memref<16384xi32, #tpu.memory_space<vmem_shared>> -> memref<16xi32, #tpu.memory_space<vmem_shared>>
    %dma_wait3A_273 = tpu.memref_slice %arg11[%mul3A_85] : memref<16384xi32, #tpu.memory_space<vmem_shared>> -> memref<16xi32, #tpu.memory_space<vmem_shared>>
    %dma_wait3A_274 = arith.constant 240 : i32
    %dma_wait3A_275 = tpu.memref_slice %arg7[%dma_wait3A_274] : memref<256xi32, #tpu.memory_space<vmem>> -> memref<16xi32, #tpu.memory_space<vmem>>
    tpu.wait_dma2 semaphore(%arg13 : memref<!tpu.dma_semaphore, #tpu.memory_space<semaphore_mem>>) src(%dma_wait3A_275 : memref<16xi32, #tpu.memory_space<vmem>>) dst(%dma_wait3A_273 : memref<16xi32, #tpu.memory_space<vmem_shared>>)
    %barrier3A = arith.constant 0 : index
    tpu.barrier barrier_id(%barrier3A)
    %add3A_276 = arith.constant 0 : i32
    %add3A_277 = arith.addi %add3A_276, %arg1 : i32
    %mul3A_278 = arith.constant 256 : i32
    %mul3A_279 = arith.muli %add3A_277, %mul3A_278 : i32
    "tpu.region"() ({
      %run_scoped3A = tpu.sem_alloc : memref<!tpu.dma_semaphore, #tpu.memory_space<semaphore_mem>>
      %dma_start3A_1433 = tpu.memref_slice %arg11[%mul3A_279] : memref<16384xi32, #tpu.memory_space<vmem_shared>> -> memref<256xi32, #tpu.memory_space<vmem_shared>>
      %dma_start3A_1434 = tpu.memref_slice %arg11[%mul3A_279] : memref<16384xi32, #tpu.memory_space<vmem_shared>> -> memref<256xi32, #tpu.memory_space<vmem_shared>>
      tpu.enqueue_dma source(%dma_start3A_1434 : memref<256xi32, #tpu.memory_space<vmem_shared>>) target(%arg9 : memref<256xi32, #tpu.memory_space<vmem>>) target_semaphore(%run_scoped3A : memref<!tpu.dma_semaphore, #tpu.memory_space<semaphore_mem>>)
      %dma_wait3A_1435 = tpu.memref_slice %arg11[%mul3A_279] : memref<16384xi32, #tpu.memory_space<vmem_shared>> -> memref<256xi32, #tpu.memory_space<vmem_shared>>
      %dma_wait3A_1436 = tpu.memref_slice %arg11[%mul3A_279] : memref<16384xi32, #tpu.memory_space<vmem_shared>> -> memref<256xi32, #tpu.memory_space<vmem_shared>>
      tpu.wait_dma2 semaphore(%run_scoped3A : memref<!tpu.dma_semaphore, #tpu.memory_space<semaphore_mem>>) src(%dma_wait3A_1436 : memref<256xi32, #tpu.memory_space<vmem_shared>>) dst(%arg9 : memref<256xi32, #tpu.memory_space<vmem>>)
      tpu.yield
    }) : () -> ()
    %get3A = arith.constant 0 : index
    %get3A_280 = tpu.vector_load %arg9[%get3A] {strides = array<i32>} : memref<256xi32, #tpu.memory_space<vmem>>, vector<16xi32>,
    %add3A_281 = arith.addi %broadcast_in_dim3A_3, %get3A_280 : vector<16xi32>
    %get3A_282 = arith.constant 16 : index
    %get3A_283 = tpu.vector_load %arg9[%get3A_282] {strides = array<i32>} : memref<256xi32, #tpu.memory_space<vmem>>, vector<16xi32>,
    %add3A_284 = arith.addi %add3A_281, %get3A_283 : vector<16xi32>
    %get3A_285 = arith.constant 32 : index
    %get3A_286 = tpu.vector_load %arg9[%get3A_285] {strides = array<i32>} : memref<256xi32, #tpu.memory_space<vmem>>, vector<16xi32>,
    %add3A_287 = arith.addi %add3A_284, %get3A_286 : vector<16xi32>
    %get3A_288 = arith.constant 48 : index
    %get3A_289 = tpu.vector_load %arg9[%get3A_288] {strides = array<i32>} : memref<256xi32, #tpu.memory_space<vmem>>, vector<16xi32>,
    %add3A_290 = arith.addi %add3A_287, %get3A_289 : vector<16xi32>
    %get3A_291 = arith.constant 64 : index
    %get3A_292 = tpu.vector_load %arg9[%get3A_291] {strides = array<i32>} : memref<256xi32, #tpu.memory_space<vmem>>, vector<16xi32>,
    %add3A_293 = arith.addi %add3A_290, %get3A_292 : vector<16xi32>
    %get3A_294 = arith.constant 80 : index
    %get3A_295 = tpu.vector_load %arg9[%get3A_294] {strides = array<i32>} : memref<256xi32, #tpu.memory_space<vmem>>, vector<16xi32>,
    %add3A_296 = arith.addi %add3A_293, %get3A_295 : vector<16xi32>
    %get3A_297 = arith.constant 96 : index
    %get3A_298 = tpu.vector_load %arg9[%get3A_297] {strides = array<i32>} : memref<256xi32, #tpu.memory_space<vmem>>, vector<16xi32>,
    %add3A_299 = arith.addi %add3A_296, %get3A_298 : vector<16xi32>
    %get3A_300 = arith.constant 112 : index
    %get3A_301 = tpu.vector_load %arg9[%get3A_300] {strides = array<i32>} : memref<256xi32, #tpu.memory_space<vmem>>, vector<16xi32>,
    %add3A_302 = arith.addi %add3A_299, %get3A_301 : vector<16xi32>
    %get3A_303 = arith.constant 128 : index
    %get3A_304 = tpu.vector_load %arg9[%get3A_303] {strides = array<i32>} : memref<256xi32, #tpu.memory_space<vmem>>, vector<16xi32>,
    %add3A_305 = arith.addi %add3A_302, %get3A_304 : vector<16xi32>
    %get3A_306 = arith.constant 144 : index
    %get3A_307 = tpu.vector_load %arg9[%get3A_306] {strides = array<i32>} : memref<256xi32, #tpu.memory_space<vmem>>, vector<16xi32>,
    %add3A_308 = arith.addi %add3A_305, %get3A_307 : vector<16xi32>
    %get3A_309 = arith.constant 160 : index
    %get3A_310 = tpu.vector_load %arg9[%get3A_309] {strides = array<i32>} : memref<256xi32, #tpu.memory_space<vmem>>, vector<16xi32>,
    %add3A_311 = arith.addi %add3A_308, %get3A_310 : vector<16xi32>
    %get3A_312 = arith.constant 176 : index
    %get3A_313 = tpu.vector_load %arg9[%get3A_312] {strides = array<i32>} : memref<256xi32, #tpu.memory_space<vmem>>, vector<16xi32>,
    %add3A_314 = arith.addi %add3A_311, %get3A_313 : vector<16xi32>
    %get3A_315 = arith.constant 192 : index
    %get3A_316 = tpu.vector_load %arg9[%get3A_315] {strides = array<i32>} : memref<256xi32, #tpu.memory_space<vmem>>, vector<16xi32>,
    %add3A_317 = arith.addi %add3A_314, %get3A_316 : vector<16xi32>
    %get3A_318 = arith.constant 208 : index
    %get3A_319 = tpu.vector_load %arg9[%get3A_318] {strides = array<i32>} : memref<256xi32, #tpu.memory_space<vmem>>, vector<16xi32>,
    %add3A_320 = arith.addi %add3A_317, %get3A_319 : vector<16xi32>
    %get3A_321 = arith.constant 224 : index
    %get3A_322 = tpu.vector_load %arg9[%get3A_321] {strides = array<i32>} : memref<256xi32, #tpu.memory_space<vmem>>, vector<16xi32>,
    %add3A_323 = arith.addi %add3A_320, %get3A_322 : vector<16xi32>
    %get3A_324 = arith.constant 240 : index
    %get3A_325 = tpu.vector_load %arg9[%get3A_324] {strides = array<i32>} : memref<256xi32, #tpu.memory_space<vmem>>, vector<16xi32>,
    %add3A_326 = arith.addi %add3A_323, %get3A_325 : vector<16xi32>
    %swap3A = arith.constant 0 : index
    %swap3A_327 = tpu.vector_load %arg8[%swap3A] {strides = array<i32>} : memref<16xi32, #tpu.memory_space<vmem>>, vector<16xi32>,
    tpu.vector_store %arg8[%swap3A], %add3A_326 {strides = array<i32>} : memref<16xi32, #tpu.memory_space<vmem>>, vector<16xi32>,
    %mul3A_328 = arith.constant 16 : i32
    %mul3A_329 = arith.muli %arg1, %mul3A_328 : i32
    %add3A_330 = arith.constant 0 : i32
    %add3A_331 = arith.addi %add3A_330, %mul3A_329 : i32
    "tpu.region"() ({
      %run_scoped3A = tpu.sem_alloc : memref<!tpu.dma_semaphore, #tpu.memory_space<semaphore_mem>>
      %dma_start3A_1433 = tpu.memref_slice %arg12[%add3A_331] : memref<1024xi32, #tpu.memory_space<vmem_shared>> -> memref<16xi32, #tpu.memory_space<vmem_shared>>
      %dma_start3A_1434 = tpu.memref_slice %arg12[%add3A_331] : memref<1024xi32, #tpu.memory_space<vmem_shared>> -> memref<16xi32, #tpu.memory_space<vmem_shared>>
      tpu.enqueue_dma source(%arg8 : memref<16xi32, #tpu.memory_space<vmem>>) target(%dma_start3A_1434 : memref<16xi32, #tpu.memory_space<vmem_shared>>) target_semaphore(%run_scoped3A : memref<!tpu.dma_semaphore, #tpu.memory_space<semaphore_mem>>)
      %dma_wait3A_1435 = tpu.memref_slice %arg12[%add3A_331] : memref<1024xi32, #tpu.memory_space<vmem_shared>> -> memref<16xi32, #tpu.memory_space<vmem_shared>>
      %dma_wait3A_1436 = tpu.memref_slice %arg12[%add3A_331] : memref<1024xi32, #tpu.memory_space<vmem_shared>> -> memref<16xi32, #tpu.memory_space<vmem_shared>>
      tpu.wait_dma2 semaphore(%run_scoped3A : memref<!tpu.dma_semaphore, #tpu.memory_space<semaphore_mem>>) src(%arg8 : memref<16xi32, #tpu.memory_space<vmem>>) dst(%dma_wait3A_1436 : memref<16xi32, #tpu.memory_space<vmem_shared>>)
      tpu.yield
    }) : () -> ()
    %barrier3A_332 = arith.constant 0 : index
    tpu.barrier barrier_id(%barrier3A_332)
    "tpu.region"() ({
      %run_scoped3A = tpu.sem_alloc : memref<!tpu.dma_semaphore, #tpu.memory_space<semaphore_mem>>
      %dma_start3A_1433 = arith.constant 0 : i32
      %dma_start3A_1434 = tpu.memref_slice %arg12[%dma_start3A_1433] : memref<1024xi32, #tpu.memory_space<vmem_shared>> -> memref<256xi32, #tpu.memory_space<vmem_shared>>
      %dma_start3A_1435 = arith.constant 0 : i32
      %dma_start3A_1436 = tpu.memref_slice %arg12[%dma_start3A_1435] : memref<1024xi32, #tpu.memory_space<vmem_shared>> -> memref<256xi32, #tpu.memory_space<vmem_shared>>
      tpu.enqueue_dma source(%dma_start3A_1436 : memref<256xi32, #tpu.memory_space<vmem_shared>>) target(%arg7 : memref<256xi32, #tpu.memory_space<vmem>>) target_semaphore(%run_scoped3A : memref<!tpu.dma_semaphore, #tpu.memory_space<semaphore_mem>>)
      %dma_wait3A_1437 = arith.constant 0 : i32
      %dma_wait3A_1438 = tpu.memref_slice %arg12[%dma_wait3A_1437] : memref<1024xi32, #tpu.memory_space<vmem_shared>> -> memref<256xi32, #tpu.memory_space<vmem_shared>>
      %dma_wait3A_1439 = arith.constant 0 : i32
      %dma_wait3A_1440 = tpu.memref_slice %arg12[%dma_wait3A_1439] : memref<1024xi32, #tpu.memory_space<vmem_shared>> -> memref<256xi32, #tpu.memory_space<vmem_shared>>
      tpu.wait_dma2 semaphore(%run_scoped3A : memref<!tpu.dma_semaphore, #tpu.memory_space<semaphore_mem>>) src(%dma_wait3A_1440 : memref<256xi32, #tpu.memory_space<vmem_shared>>) dst(%arg7 : memref<256xi32, #tpu.memory_space<vmem>>)
      tpu.yield
    }) : () -> ()
    %scan3A_333 = arith.constant 0 : i32
    %scan3A_334 = arith.constant 16 : i32
    %scan3A_335 = arith.addi %scan3A_333, %scan3A_334 : i32
    %scan3A_336 = arith.constant 1 : i32
    %scan3A_337:4 = scf.for %scan3A_1433 = %scan3A_333 to %scan3A_335 step %scan3A_336 iter_args(%scan3A_1434 = %broadcast_in_dim3A_3, %scan3A_1435 = %broadcast_in_dim3A_3, %scan3A_1436 = %broadcast_in_dim3A_5, %scan3A_1437 = %broadcast_in_dim3A_3) -> (vector<16xi32>, vector<16xi32>, vector<16xi32>, vector<16xi32>)  : i32 {
      %sub3A_1438 = arith.constant 15 : i32
      %sub3A_1439 = arith.subi %sub3A_1438, %scan3A_1433 : i32
      %mul3A_1440 = arith.constant 16 : i32
      %mul3A_1441 = arith.muli %sub3A_1439, %mul3A_1440 : i32
      %get3A_1442 = arith.index_cast %mul3A_1441 : i32 to index
      %get3A_1443 = tpu.vector_load %arg7[%get3A_1442] {strides = array<i32>} : memref<256xi32, #tpu.memory_space<vmem>>, vector<16xi32>,
      %rev3A = arith.constant 15 : i32
      %rev3A_1444 = vector.broadcast %rev3A : i32 to vector<16xi32>
      %rev3A_1445 = tpu.iota {dimensions = array<i32: 0>} : vector<16xi32>
      %rev3A_1446 = arith.subi %rev3A_1444, %rev3A_1445 : vector<16xi32>
      %rev3A_1447 = tpu.dynamic_gather %get3A_1443[%rev3A_1446] in [0] : vector<16xi32>, vector<16xi32> -> vector<16xi32>
      %broadcast_in_dim3A_1448 = arith.constant true
      %broadcast_in_dim3A_1449 = vector.broadcast %broadcast_in_dim3A_1448 : i1 to vector<16xi1>
      %masked_cumsum3A_1450 = tpu.scan <sum>, %rev3A_1447 masked %broadcast_in_dim3A_1449 : vector<16xi32>, vector<16xi1> -> vector<16xi32>
      %rev3A_1451 = arith.constant 15 : i32
      %rev3A_1452 = vector.broadcast %rev3A_1451 : i32 to vector<16xi32>
      %rev3A_1453 = tpu.iota {dimensions = array<i32: 0>} : vector<16xi32>
      %rev3A_1454 = arith.subi %rev3A_1452, %rev3A_1453 : vector<16xi32>
      %rev3A_1455 = tpu.dynamic_gather %masked_cumsum3A_1450[%rev3A_1454] in [0] : vector<16xi32>, vector<16xi32> -> vector<16xi32>
      %add3A_1456 = arith.addi %rev3A_1455, %scan3A_1437 : vector<16xi32>
      %ge3A = arith.cmpi sge, %add3A_1456, %broadcast_in_dim3A_5 : vector<16xi32>
      %all_reduce_population_count3A = tpu.all_reduce %ge3A {dim = 0 : i64, kind = #tpu.reduction_kind<sum>} : vector<16xi1> -> vector<16xi32>
      %sub3A_1457 = arith.constant 1 : i32
      %sub3A_1458 = vector.broadcast %sub3A_1457 : i32 to vector<16xi32>
      %sub3A_1459 = arith.subi %all_reduce_population_count3A, %sub3A_1458 : vector<16xi32>
      %eq3A_1460 = arith.cmpi eq, %iota3A, %sub3A_1459 : vector<16xi32>
      %jit3A_1461 = arith.constant 0 : i32
      %broadcast_in_dim3A_1462 = vector.broadcast %jit3A_1461 : i32 to vector<16xi32>
      %select_n3A_1463 = arith.select %eq3A_1460, %add3A_1456, %broadcast_in_dim3A_1462 : vector<16xi1>, vector<16xi32>
      %reduce_sum3A_1464 = arith.constant true
      %reduce_sum3A_1465 = vector.broadcast %reduce_sum3A_1464 : i1 to vector<16xi1>
      %reduce_sum3A_1466 = tpu.scan <sum>, %select_n3A_1463 masked %reduce_sum3A_1465 : vector<16xi32>, vector<16xi1> -> vector<16xi32>
      %reduce_sum3A_1467 = vector.extract %reduce_sum3A_1466[15] : i32 from vector<16xi32>
      %broadcast_in_dim3A_1468 = vector.broadcast %reduce_sum3A_1467 : i32 to vector<16xi32>
      %eq3A_1469 = arith.cmpi eq, %iota3A, %sub3A_1459 : vector<16xi32>
      %jit3A_1470 = arith.constant 0 : i32
      %broadcast_in_dim3A_1471 = vector.broadcast %jit3A_1470 : i32 to vector<16xi32>
      %select_n3A_1472 = arith.select %eq3A_1469, %get3A_1443, %broadcast_in_dim3A_1471 : vector<16xi1>, vector<16xi32>
      %reduce_sum3A_1473 = arith.constant true
      %reduce_sum3A_1474 = vector.broadcast %reduce_sum3A_1473 : i1 to vector<16xi1>
      %reduce_sum3A_1475 = tpu.scan <sum>, %select_n3A_1472 masked %reduce_sum3A_1474 : vector<16xi32>, vector<16xi1> -> vector<16xi32>
      %reduce_sum3A_1476 = vector.extract %reduce_sum3A_1475[15] : i32 from vector<16xi32>
      %broadcast_in_dim3A_1477 = vector.broadcast %reduce_sum3A_1476 : i32 to vector<16xi32>
      %eq3A_1478 = arith.constant 0 : i32
      %eq3A_1479 = vector.broadcast %eq3A_1478 : i32 to vector<16xi32>
      %eq3A_1480 = arith.cmpi eq, %scan3A_1434, %eq3A_1479 : vector<16xi32>
      %gt3A_1481 = arith.constant 0 : i32
      %gt3A_1482 = vector.broadcast %gt3A_1481 : i32 to vector<16xi32>
      %gt3A_1483 = arith.cmpi sgt, %all_reduce_population_count3A, %gt3A_1482 : vector<16xi32>
      %and3A_1484 = arith.andi %eq3A_1480, %gt3A_1483 : vector<16xi1>
      %jit3A_1485 = arith.constant 1 : i32
      %broadcast_in_dim3A_1486 = vector.broadcast %jit3A_1485 : i32 to vector<16xi32>
      %select_n3A_1487 = arith.select %and3A_1484, %broadcast_in_dim3A_1486, %scan3A_1434 : vector<16xi1>, vector<16xi32>
      %mul3A_1488 = arith.constant 16 : i32
      %mul3A_1489 = arith.muli %sub3A_1439, %mul3A_1488 : i32
      %add3A_1490 = vector.broadcast %mul3A_1489 : i32 to vector<16xi32>
      %add3A_1491 = arith.addi %add3A_1490, %sub3A_1459 : vector<16xi32>
      %select_n3A_1492 = arith.select %and3A_1484, %add3A_1491, %scan3A_1435 : vector<16xi1>, vector<16xi32>
      %sub3A_1493 = arith.subi %broadcast_in_dim3A_1468, %broadcast_in_dim3A_1477 : vector<16xi32>
      %sub3A_1494 = arith.subi %broadcast_in_dim3A_5, %sub3A_1493 : vector<16xi32>
      %select_n3A_1495 = arith.select %and3A_1484, %sub3A_1494, %scan3A_1436 : vector<16xi1>, vector<16xi32>
      %eq3A_1496 = arith.cmpi eq, %iota3A, %broadcast_in_dim3A_3 : vector<16xi32>
      %jit3A_1497 = arith.constant 0 : i32
      %broadcast_in_dim3A_1498 = vector.broadcast %jit3A_1497 : i32 to vector<16xi32>
      %select_n3A_1499 = arith.select %eq3A_1496, %add3A_1456, %broadcast_in_dim3A_1498 : vector<16xi1>, vector<16xi32>
      %reduce_sum3A_1500 = arith.constant true
      %reduce_sum3A_1501 = vector.broadcast %reduce_sum3A_1500 : i1 to vector<16xi1>
      %reduce_sum3A_1502 = tpu.scan <sum>, %select_n3A_1499 masked %reduce_sum3A_1501 : vector<16xi32>, vector<16xi1> -> vector<16xi32>
      %reduce_sum3A_1503 = vector.extract %reduce_sum3A_1502[15] : i32 from vector<16xi32>
      %broadcast_in_dim3A_1504 = vector.broadcast %reduce_sum3A_1503 : i32 to vector<16xi32>
      scf.yield %select_n3A_1487, %select_n3A_1492, %select_n3A_1495, %broadcast_in_dim3A_1504 : vector<16xi32>, vector<16xi32>, vector<16xi32>, vector<16xi32>
    }
    %scan3A_338 = arith.constant 16 : i32
    %shift_left3A = arith.constant 8 : i32
    %shift_left3A_339 = vector.broadcast %shift_left3A : i32 to vector<16xi32>
    %shift_left3A_340 = arith.shli %broadcast_in_dim3A_3, %shift_left3A_339 : vector<16xi32>
    %or3A = arith.ori %shift_left3A_340, %scan3A_337#1 : vector<16xi32>
    %scan3A_341 = arith.constant 0 : i32
    %scan3A_342 = arith.constant 0 : i32
    %scan3A_343 = arith.constant 32 : i32
    %scan3A_344 = arith.addi %scan3A_342, %scan3A_343 : i32
    %scan3A_345 = arith.constant 1 : i32
    scf.for %scan3A_1433 = %scan3A_342 to %scan3A_344 step %scan3A_345  : i32 {
      %mul3A_1434 = arith.constant 8 : i32
      %mul3A_1435 = arith.muli %scan3A_1433, %mul3A_1434 : i32
      %add3A_1436 = arith.constant 0 : i32
      %add3A_1437 = arith.addi %mul3A_1435, %add3A_1436 : i32
      %mul3A_1438 = arith.constant 16 : i32
      %mul3A_1439 = arith.muli %add3A_1437, %mul3A_1438 : i32
      %swap3A_1440 = arith.index_cast %mul3A_1439 : i32 to index
      %swap3A_1441 = tpu.vector_load %arg6[%swap3A_1440] {strides = array<i32>} : memref<4096xi32, #tpu.memory_space<vmem>>, vector<16xi32>,
      tpu.vector_store %arg6[%swap3A_1440], %broadcast_in_dim3A_3 {strides = array<i32>} : memref<4096xi32, #tpu.memory_space<vmem>>, vector<16xi32>,
      %mul3A_1442 = arith.constant 8 : i32
      %mul3A_1443 = arith.muli %scan3A_1433, %mul3A_1442 : i32
      %add3A_1444 = arith.constant 1 : i32
      %add3A_1445 = arith.addi %mul3A_1443, %add3A_1444 : i32
      %mul3A_1446 = arith.constant 16 : i32
      %mul3A_1447 = arith.muli %add3A_1445, %mul3A_1446 : i32
      %swap3A_1448 = arith.index_cast %mul3A_1447 : i32 to index
      %swap3A_1449 = tpu.vector_load %arg6[%swap3A_1448] {strides = array<i32>} : memref<4096xi32, #tpu.memory_space<vmem>>, vector<16xi32>,
      tpu.vector_store %arg6[%swap3A_1448], %broadcast_in_dim3A_3 {strides = array<i32>} : memref<4096xi32, #tpu.memory_space<vmem>>, vector<16xi32>,
      %mul3A_1450 = arith.constant 8 : i32
      %mul3A_1451 = arith.muli %scan3A_1433, %mul3A_1450 : i32
      %add3A_1452 = arith.constant 2 : i32
      %add3A_1453 = arith.addi %mul3A_1451, %add3A_1452 : i32
      %mul3A_1454 = arith.constant 16 : i32
      %mul3A_1455 = arith.muli %add3A_1453, %mul3A_1454 : i32
      %swap3A_1456 = arith.index_cast %mul3A_1455 : i32 to index
      %swap3A_1457 = tpu.vector_load %arg6[%swap3A_1456] {strides = array<i32>} : memref<4096xi32, #tpu.memory_space<vmem>>, vector<16xi32>,
      tpu.vector_store %arg6[%swap3A_1456], %broadcast_in_dim3A_3 {strides = array<i32>} : memref<4096xi32, #tpu.memory_space<vmem>>, vector<16xi32>,
      %mul3A_1458 = arith.constant 8 : i32
      %mul3A_1459 = arith.muli %scan3A_1433, %mul3A_1458 : i32
      %add3A_1460 = arith.constant 3 : i32
      %add3A_1461 = arith.addi %mul3A_1459, %add3A_1460 : i32
      %mul3A_1462 = arith.constant 16 : i32
      %mul3A_1463 = arith.muli %add3A_1461, %mul3A_1462 : i32
      %swap3A_1464 = arith.index_cast %mul3A_1463 : i32 to index
      %swap3A_1465 = tpu.vector_load %arg6[%swap3A_1464] {strides = array<i32>} : memref<4096xi32, #tpu.memory_space<vmem>>, vector<16xi32>,
      tpu.vector_store %arg6[%swap3A_1464], %broadcast_in_dim3A_3 {strides = array<i32>} : memref<4096xi32, #tpu.memory_space<vmem>>, vector<16xi32>,
      %mul3A_1466 = arith.constant 8 : i32
      %mul3A_1467 = arith.muli %scan3A_1433, %mul3A_1466 : i32
      %add3A_1468 = arith.constant 4 : i32
      %add3A_1469 = arith.addi %mul3A_1467, %add3A_1468 : i32
      %mul3A_1470 = arith.constant 16 : i32
      %mul3A_1471 = arith.muli %add3A_1469, %mul3A_1470 : i32
      %swap3A_1472 = arith.index_cast %mul3A_1471 : i32 to index
      %swap3A_1473 = tpu.vector_load %arg6[%swap3A_1472] {strides = array<i32>} : memref<4096xi32, #tpu.memory_space<vmem>>, vector<16xi32>,
      tpu.vector_store %arg6[%swap3A_1472], %broadcast_in_dim3A_3 {strides = array<i32>} : memref<4096xi32, #tpu.memory_space<vmem>>, vector<16xi32>,
      %mul3A_1474 = arith.constant 8 : i32
      %mul3A_1475 = arith.muli %scan3A_1433, %mul3A_1474 : i32
      %add3A_1476 = arith.constant 5 : i32
      %add3A_1477 = arith.addi %mul3A_1475, %add3A_1476 : i32
      %mul3A_1478 = arith.constant 16 : i32
      %mul3A_1479 = arith.muli %add3A_1477, %mul3A_1478 : i32
      %swap3A_1480 = arith.index_cast %mul3A_1479 : i32 to index
      %swap3A_1481 = tpu.vector_load %arg6[%swap3A_1480] {strides = array<i32>} : memref<4096xi32, #tpu.memory_space<vmem>>, vector<16xi32>,
      tpu.vector_store %arg6[%swap3A_1480], %broadcast_in_dim3A_3 {strides = array<i32>} : memref<4096xi32, #tpu.memory_space<vmem>>, vector<16xi32>,
      %mul3A_1482 = arith.constant 8 : i32
      %mul3A_1483 = arith.muli %scan3A_1433, %mul3A_1482 : i32
      %add3A_1484 = arith.constant 6 : i32
      %add3A_1485 = arith.addi %mul3A_1483, %add3A_1484 : i32
      %mul3A_1486 = arith.constant 16 : i32
      %mul3A_1487 = arith.muli %add3A_1485, %mul3A_1486 : i32
      %swap3A_1488 = arith.index_cast %mul3A_1487 : i32 to index
      %swap3A_1489 = tpu.vector_load %arg6[%swap3A_1488] {strides = array<i32>} : memref<4096xi32, #tpu.memory_space<vmem>>, vector<16xi32>,
      tpu.vector_store %arg6[%swap3A_1488], %broadcast_in_dim3A_3 {strides = array<i32>} : memref<4096xi32, #tpu.memory_space<vmem>>, vector<16xi32>,
      %mul3A_1490 = arith.constant 8 : i32
      %mul3A_1491 = arith.muli %scan3A_1433, %mul3A_1490 : i32
      %add3A_1492 = arith.constant 7 : i32
      %add3A_1493 = arith.addi %mul3A_1491, %add3A_1492 : i32
      %mul3A_1494 = arith.constant 16 : i32
      %mul3A_1495 = arith.muli %add3A_1493, %mul3A_1494 : i32
      %swap3A_1496 = arith.index_cast %mul3A_1495 : i32 to index
      %swap3A_1497 = tpu.vector_load %arg6[%swap3A_1496] {strides = array<i32>} : memref<4096xi32, #tpu.memory_space<vmem>>, vector<16xi32>,
      tpu.vector_store %arg6[%swap3A_1496], %broadcast_in_dim3A_3 {strides = array<i32>} : memref<4096xi32, #tpu.memory_space<vmem>>, vector<16xi32>,
    }
    %scan3A_346 = arith.constant 32 : i32
    %scan3A_347 = arith.constant 0 : i32
    %scan3A_348 = arith.constant 0 : i32
    %scan3A_349 = arith.constant 16 : i32
    %scan3A_350 = arith.addi %scan3A_348, %scan3A_349 : i32
    %scan3A_351 = arith.constant 1 : i32
    scf.for %scan3A_1433 = %scan3A_348 to %scan3A_350 step %scan3A_351  : i32 {
      %mul3A_1434 = arith.constant 8 : i32
      %mul3A_1435 = arith.muli %scan3A_1433, %mul3A_1434 : i32
      %add3A_1436 = arith.constant 0 : i32
      %add3A_1437 = arith.addi %mul3A_1435, %add3A_1436 : i32
      %mul3A_1438 = arith.constant 16 : i32
      %mul3A_1439 = arith.muli %add3A_1437, %mul3A_1438 : i32
      %get3A_1440 = arith.index_cast %mul3A_1439 : i32 to index
      %get3A_1441 = tpu.vector_load %arg5[%get3A_1440] {strides = array<i32>} : memref<2048xi32, #tpu.memory_space<vmem>>, vector<16xi32>,
      %bitcast_convert_type3A = tpu.bitcast %get3A_1441 : vector<16xi32> -> vector<16xi32>
      %xor3A_1442 = arith.constant -2147483648 : i32
      %xor3A_1443 = vector.broadcast %xor3A_1442 : i32 to vector<16xi32>
      %xor3A_1444 = arith.xori %bitcast_convert_type3A, %xor3A_1443 : vector<16xi32>
      %shift_right_logical3A = arith.constant 16 : i32
      %shift_right_logical3A_1445 = vector.broadcast %shift_right_logical3A : i32 to vector<16xi32>
      %shift_right_logical3A_1446 = arith.shrui %xor3A_1444, %shift_right_logical3A_1445 : vector<16xi32>
      %and3A_1447 = arith.constant 255 : i32
      %and3A_1448 = vector.broadcast %and3A_1447 : i32 to vector<16xi32>
      %and3A_1449 = arith.andi %shift_right_logical3A_1446, %and3A_1448 : vector<16xi32>
      %mul3A_1450 = arith.constant 256 : i32
      %mul3A_1451 = vector.broadcast %mul3A_1450 : i32 to vector<16xi32>
      %mul3A_1452 = arith.muli %iota3A, %mul3A_1451 : vector<16xi32>
      %add3A_1453 = arith.addi %mul3A_1452, %and3A_1449 : vector<16xi32>
      %shift_right_logical3A_1454 = arith.constant 24 : i32
      %shift_right_logical3A_1455 = vector.broadcast %shift_right_logical3A_1454 : i32 to vector<16xi32>
      %shift_right_logical3A_1456 = arith.shrui %xor3A_1444, %shift_right_logical3A_1455 : vector<16xi32>
      %eq3A_1457 = arith.cmpi eq, %shift_right_logical3A_1456, %or3A : vector<16xi32>
      tpu.vector_store_idx %arg6[%add3A_1453], %broadcast_in_dim3A_1 masked %eq3A_1457 {add = true} : memref<4096xi32, #tpu.memory_space<vmem>>[vector<16xi32>], vector<16xi32>, vector<16xi1>
      %mul3A_1458 = arith.constant 8 : i32
      %mul3A_1459 = arith.muli %scan3A_1433, %mul3A_1458 : i32
      %add3A_1460 = arith.constant 1 : i32
      %add3A_1461 = arith.addi %mul3A_1459, %add3A_1460 : i32
      %mul3A_1462 = arith.constant 16 : i32
      %mul3A_1463 = arith.muli %add3A_1461, %mul3A_1462 : i32
      %get3A_1464 = arith.index_cast %mul3A_1463 : i32 to index
      %get3A_1465 = tpu.vector_load %arg5[%get3A_1464] {strides = array<i32>} : memref<2048xi32, #tpu.memory_space<vmem>>, vector<16xi32>,
      %bitcast_convert_type3A_1466 = tpu.bitcast %get3A_1465 : vector<16xi32> -> vector<16xi32>
      %xor3A_1467 = arith.constant -2147483648 : i32
      %xor3A_1468 = vector.broadcast %xor3A_1467 : i32 to vector<16xi32>
      %xor3A_1469 = arith.xori %bitcast_convert_type3A_1466, %xor3A_1468 : vector<16xi32>
      %shift_right_logical3A_1470 = arith.constant 16 : i32
      %shift_right_logical3A_1471 = vector.broadcast %shift_right_logical3A_1470 : i32 to vector<16xi32>
      %shift_right_logical3A_1472 = arith.shrui %xor3A_1469, %shift_right_logical3A_1471 : vector<16xi32>
      %and3A_1473 = arith.constant 255 : i32
      %and3A_1474 = vector.broadcast %and3A_1473 : i32 to vector<16xi32>
      %and3A_1475 = arith.andi %shift_right_logical3A_1472, %and3A_1474 : vector<16xi32>
      %mul3A_1476 = arith.constant 256 : i32
      %mul3A_1477 = vector.broadcast %mul3A_1476 : i32 to vector<16xi32>
      %mul3A_1478 = arith.muli %iota3A, %mul3A_1477 : vector<16xi32>
      %add3A_1479 = arith.addi %mul3A_1478, %and3A_1475 : vector<16xi32>
      %shift_right_logical3A_1480 = arith.constant 24 : i32
      %shift_right_logical3A_1481 = vector.broadcast %shift_right_logical3A_1480 : i32 to vector<16xi32>
      %shift_right_logical3A_1482 = arith.shrui %xor3A_1469, %shift_right_logical3A_1481 : vector<16xi32>
      %eq3A_1483 = arith.cmpi eq, %shift_right_logical3A_1482, %or3A : vector<16xi32>
      tpu.vector_store_idx %arg6[%add3A_1479], %broadcast_in_dim3A_1 masked %eq3A_1483 {add = true} : memref<4096xi32, #tpu.memory_space<vmem>>[vector<16xi32>], vector<16xi32>, vector<16xi1>
      %mul3A_1484 = arith.constant 8 : i32
      %mul3A_1485 = arith.muli %scan3A_1433, %mul3A_1484 : i32
      %add3A_1486 = arith.constant 2 : i32
      %add3A_1487 = arith.addi %mul3A_1485, %add3A_1486 : i32
      %mul3A_1488 = arith.constant 16 : i32
      %mul3A_1489 = arith.muli %add3A_1487, %mul3A_1488 : i32
      %get3A_1490 = arith.index_cast %mul3A_1489 : i32 to index
      %get3A_1491 = tpu.vector_load %arg5[%get3A_1490] {strides = array<i32>} : memref<2048xi32, #tpu.memory_space<vmem>>, vector<16xi32>,
      %bitcast_convert_type3A_1492 = tpu.bitcast %get3A_1491 : vector<16xi32> -> vector<16xi32>
      %xor3A_1493 = arith.constant -2147483648 : i32
      %xor3A_1494 = vector.broadcast %xor3A_1493 : i32 to vector<16xi32>
      %xor3A_1495 = arith.xori %bitcast_convert_type3A_1492, %xor3A_1494 : vector<16xi32>
      %shift_right_logical3A_1496 = arith.constant 16 : i32
      %shift_right_logical3A_1497 = vector.broadcast %shift_right_logical3A_1496 : i32 to vector<16xi32>
      %shift_right_logical3A_1498 = arith.shrui %xor3A_1495, %shift_right_logical3A_1497 : vector<16xi32>
      %and3A_1499 = arith.constant 255 : i32
      %and3A_1500 = vector.broadcast %and3A_1499 : i32 to vector<16xi32>
      %and3A_1501 = arith.andi %shift_right_logical3A_1498, %and3A_1500 : vector<16xi32>
      %mul3A_1502 = arith.constant 256 : i32
      %mul3A_1503 = vector.broadcast %mul3A_1502 : i32 to vector<16xi32>
      %mul3A_1504 = arith.muli %iota3A, %mul3A_1503 : vector<16xi32>
      %add3A_1505 = arith.addi %mul3A_1504, %and3A_1501 : vector<16xi32>
      %shift_right_logical3A_1506 = arith.constant 24 : i32
      %shift_right_logical3A_1507 = vector.broadcast %shift_right_logical3A_1506 : i32 to vector<16xi32>
      %shift_right_logical3A_1508 = arith.shrui %xor3A_1495, %shift_right_logical3A_1507 : vector<16xi32>
      %eq3A_1509 = arith.cmpi eq, %shift_right_logical3A_1508, %or3A : vector<16xi32>
      tpu.vector_store_idx %arg6[%add3A_1505], %broadcast_in_dim3A_1 masked %eq3A_1509 {add = true} : memref<4096xi32, #tpu.memory_space<vmem>>[vector<16xi32>], vector<16xi32>, vector<16xi1>
      %mul3A_1510 = arith.constant 8 : i32
      %mul3A_1511 = arith.muli %scan3A_1433, %mul3A_1510 : i32
      %add3A_1512 = arith.constant 3 : i32
      %add3A_1513 = arith.addi %mul3A_1511, %add3A_1512 : i32
      %mul3A_1514 = arith.constant 16 : i32
      %mul3A_1515 = arith.muli %add3A_1513, %mul3A_1514 : i32
      %get3A_1516 = arith.index_cast %mul3A_1515 : i32 to index
      %get3A_1517 = tpu.vector_load %arg5[%get3A_1516] {strides = array<i32>} : memref<2048xi32, #tpu.memory_space<vmem>>, vector<16xi32>,
      %bitcast_convert_type3A_1518 = tpu.bitcast %get3A_1517 : vector<16xi32> -> vector<16xi32>
      %xor3A_1519 = arith.constant -2147483648 : i32
      %xor3A_1520 = vector.broadcast %xor3A_1519 : i32 to vector<16xi32>
      %xor3A_1521 = arith.xori %bitcast_convert_type3A_1518, %xor3A_1520 : vector<16xi32>
      %shift_right_logical3A_1522 = arith.constant 16 : i32
      %shift_right_logical3A_1523 = vector.broadcast %shift_right_logical3A_1522 : i32 to vector<16xi32>
      %shift_right_logical3A_1524 = arith.shrui %xor3A_1521, %shift_right_logical3A_1523 : vector<16xi32>
      %and3A_1525 = arith.constant 255 : i32
      %and3A_1526 = vector.broadcast %and3A_1525 : i32 to vector<16xi32>
      %and3A_1527 = arith.andi %shift_right_logical3A_1524, %and3A_1526 : vector<16xi32>
      %mul3A_1528 = arith.constant 256 : i32
      %mul3A_1529 = vector.broadcast %mul3A_1528 : i32 to vector<16xi32>
      %mul3A_1530 = arith.muli %iota3A, %mul3A_1529 : vector<16xi32>
      %add3A_1531 = arith.addi %mul3A_1530, %and3A_1527 : vector<16xi32>
      %shift_right_logical3A_1532 = arith.constant 24 : i32
      %shift_right_logical3A_1533 = vector.broadcast %shift_right_logical3A_1532 : i32 to vector<16xi32>
      %shift_right_logical3A_1534 = arith.shrui %xor3A_1521, %shift_right_logical3A_1533 : vector<16xi32>
      %eq3A_1535 = arith.cmpi eq, %shift_right_logical3A_1534, %or3A : vector<16xi32>
      tpu.vector_store_idx %arg6[%add3A_1531], %broadcast_in_dim3A_1 masked %eq3A_1535 {add = true} : memref<4096xi32, #tpu.memory_space<vmem>>[vector<16xi32>], vector<16xi32>, vector<16xi1>
      %mul3A_1536 = arith.constant 8 : i32
      %mul3A_1537 = arith.muli %scan3A_1433, %mul3A_1536 : i32
      %add3A_1538 = arith.constant 4 : i32
      %add3A_1539 = arith.addi %mul3A_1537, %add3A_1538 : i32
      %mul3A_1540 = arith.constant 16 : i32
      %mul3A_1541 = arith.muli %add3A_1539, %mul3A_1540 : i32
      %get3A_1542 = arith.index_cast %mul3A_1541 : i32 to index
      %get3A_1543 = tpu.vector_load %arg5[%get3A_1542] {strides = array<i32>} : memref<2048xi32, #tpu.memory_space<vmem>>, vector<16xi32>,
      %bitcast_convert_type3A_1544 = tpu.bitcast %get3A_1543 : vector<16xi32> -> vector<16xi32>
      %xor3A_1545 = arith.constant -2147483648 : i32
      %xor3A_1546 = vector.broadcast %xor3A_1545 : i32 to vector<16xi32>
      %xor3A_1547 = arith.xori %bitcast_convert_type3A_1544, %xor3A_1546 : vector<16xi32>
      %shift_right_logical3A_1548 = arith.constant 16 : i32
      %shift_right_logical3A_1549 = vector.broadcast %shift_right_logical3A_1548 : i32 to vector<16xi32>
      %shift_right_logical3A_1550 = arith.shrui %xor3A_1547, %shift_right_logical3A_1549 : vector<16xi32>
      %and3A_1551 = arith.constant 255 : i32
      %and3A_1552 = vector.broadcast %and3A_1551 : i32 to vector<16xi32>
      %and3A_1553 = arith.andi %shift_right_logical3A_1550, %and3A_1552 : vector<16xi32>
      %mul3A_1554 = arith.constant 256 : i32
      %mul3A_1555 = vector.broadcast %mul3A_1554 : i32 to vector<16xi32>
      %mul3A_1556 = arith.muli %iota3A, %mul3A_1555 : vector<16xi32>
      %add3A_1557 = arith.addi %mul3A_1556, %and3A_1553 : vector<16xi32>
      %shift_right_logical3A_1558 = arith.constant 24 : i32
      %shift_right_logical3A_1559 = vector.broadcast %shift_right_logical3A_1558 : i32 to vector<16xi32>
      %shift_right_logical3A_1560 = arith.shrui %xor3A_1547, %shift_right_logical3A_1559 : vector<16xi32>
      %eq3A_1561 = arith.cmpi eq, %shift_right_logical3A_1560, %or3A : vector<16xi32>
      tpu.vector_store_idx %arg6[%add3A_1557], %broadcast_in_dim3A_1 masked %eq3A_1561 {add = true} : memref<4096xi32, #tpu.memory_space<vmem>>[vector<16xi32>], vector<16xi32>, vector<16xi1>
      %mul3A_1562 = arith.constant 8 : i32
      %mul3A_1563 = arith.muli %scan3A_1433, %mul3A_1562 : i32
      %add3A_1564 = arith.constant 5 : i32
      %add3A_1565 = arith.addi %mul3A_1563, %add3A_1564 : i32
      %mul3A_1566 = arith.constant 16 : i32
      %mul3A_1567 = arith.muli %add3A_1565, %mul3A_1566 : i32
      %get3A_1568 = arith.index_cast %mul3A_1567 : i32 to index
      %get3A_1569 = tpu.vector_load %arg5[%get3A_1568] {strides = array<i32>} : memref<2048xi32, #tpu.memory_space<vmem>>, vector<16xi32>,
      %bitcast_convert_type3A_1570 = tpu.bitcast %get3A_1569 : vector<16xi32> -> vector<16xi32>
      %xor3A_1571 = arith.constant -2147483648 : i32
      %xor3A_1572 = vector.broadcast %xor3A_1571 : i32 to vector<16xi32>
      %xor3A_1573 = arith.xori %bitcast_convert_type3A_1570, %xor3A_1572 : vector<16xi32>
      %shift_right_logical3A_1574 = arith.constant 16 : i32
      %shift_right_logical3A_1575 = vector.broadcast %shift_right_logical3A_1574 : i32 to vector<16xi32>
      %shift_right_logical3A_1576 = arith.shrui %xor3A_1573, %shift_right_logical3A_1575 : vector<16xi32>
      %and3A_1577 = arith.constant 255 : i32
      %and3A_1578 = vector.broadcast %and3A_1577 : i32 to vector<16xi32>
      %and3A_1579 = arith.andi %shift_right_logical3A_1576, %and3A_1578 : vector<16xi32>
      %mul3A_1580 = arith.constant 256 : i32
      %mul3A_1581 = vector.broadcast %mul3A_1580 : i32 to vector<16xi32>
      %mul3A_1582 = arith.muli %iota3A, %mul3A_1581 : vector<16xi32>
      %add3A_1583 = arith.addi %mul3A_1582, %and3A_1579 : vector<16xi32>
      %shift_right_logical3A_1584 = arith.constant 24 : i32
      %shift_right_logical3A_1585 = vector.broadcast %shift_right_logical3A_1584 : i32 to vector<16xi32>
      %shift_right_logical3A_1586 = arith.shrui %xor3A_1573, %shift_right_logical3A_1585 : vector<16xi32>
      %eq3A_1587 = arith.cmpi eq, %shift_right_logical3A_1586, %or3A : vector<16xi32>
      tpu.vector_store_idx %arg6[%add3A_1583], %broadcast_in_dim3A_1 masked %eq3A_1587 {add = true} : memref<4096xi32, #tpu.memory_space<vmem>>[vector<16xi32>], vector<16xi32>, vector<16xi1>
      %mul3A_1588 = arith.constant 8 : i32
      %mul3A_1589 = arith.muli %scan3A_1433, %mul3A_1588 : i32
      %add3A_1590 = arith.constant 6 : i32
      %add3A_1591 = arith.addi %mul3A_1589, %add3A_1590 : i32
      %mul3A_1592 = arith.constant 16 : i32
      %mul3A_1593 = arith.muli %add3A_1591, %mul3A_1592 : i32
      %get3A_1594 = arith.index_cast %mul3A_1593 : i32 to index
      %get3A_1595 = tpu.vector_load %arg5[%get3A_1594] {strides = array<i32>} : memref<2048xi32, #tpu.memory_space<vmem>>, vector<16xi32>,
      %bitcast_convert_type3A_1596 = tpu.bitcast %get3A_1595 : vector<16xi32> -> vector<16xi32>
      %xor3A_1597 = arith.constant -2147483648 : i32
      %xor3A_1598 = vector.broadcast %xor3A_1597 : i32 to vector<16xi32>
      %xor3A_1599 = arith.xori %bitcast_convert_type3A_1596, %xor3A_1598 : vector<16xi32>
      %shift_right_logical3A_1600 = arith.constant 16 : i32
      %shift_right_logical3A_1601 = vector.broadcast %shift_right_logical3A_1600 : i32 to vector<16xi32>
      %shift_right_logical3A_1602 = arith.shrui %xor3A_1599, %shift_right_logical3A_1601 : vector<16xi32>
      %and3A_1603 = arith.constant 255 : i32
      %and3A_1604 = vector.broadcast %and3A_1603 : i32 to vector<16xi32>
      %and3A_1605 = arith.andi %shift_right_logical3A_1602, %and3A_1604 : vector<16xi32>
      %mul3A_1606 = arith.constant 256 : i32
      %mul3A_1607 = vector.broadcast %mul3A_1606 : i32 to vector<16xi32>
      %mul3A_1608 = arith.muli %iota3A, %mul3A_1607 : vector<16xi32>
      %add3A_1609 = arith.addi %mul3A_1608, %and3A_1605 : vector<16xi32>
      %shift_right_logical3A_1610 = arith.constant 24 : i32
      %shift_right_logical3A_1611 = vector.broadcast %shift_right_logical3A_1610 : i32 to vector<16xi32>
      %shift_right_logical3A_1612 = arith.shrui %xor3A_1599, %shift_right_logical3A_1611 : vector<16xi32>
      %eq3A_1613 = arith.cmpi eq, %shift_right_logical3A_1612, %or3A : vector<16xi32>
      tpu.vector_store_idx %arg6[%add3A_1609], %broadcast_in_dim3A_1 masked %eq3A_1613 {add = true} : memref<4096xi32, #tpu.memory_space<vmem>>[vector<16xi32>], vector<16xi32>, vector<16xi1>
      %mul3A_1614 = arith.constant 8 : i32
      %mul3A_1615 = arith.muli %scan3A_1433, %mul3A_1614 : i32
      %add3A_1616 = arith.constant 7 : i32
      %add3A_1617 = arith.addi %mul3A_1615, %add3A_1616 : i32
      %mul3A_1618 = arith.constant 16 : i32
      %mul3A_1619 = arith.muli %add3A_1617, %mul3A_1618 : i32
      %get3A_1620 = arith.index_cast %mul3A_1619 : i32 to index
      %get3A_1621 = tpu.vector_load %arg5[%get3A_1620] {strides = array<i32>} : memref<2048xi32, #tpu.memory_space<vmem>>, vector<16xi32>,
      %bitcast_convert_type3A_1622 = tpu.bitcast %get3A_1621 : vector<16xi32> -> vector<16xi32>
      %xor3A_1623 = arith.constant -2147483648 : i32
      %xor3A_1624 = vector.broadcast %xor3A_1623 : i32 to vector<16xi32>
      %xor3A_1625 = arith.xori %bitcast_convert_type3A_1622, %xor3A_1624 : vector<16xi32>
      %shift_right_logical3A_1626 = arith.constant 16 : i32
      %shift_right_logical3A_1627 = vector.broadcast %shift_right_logical3A_1626 : i32 to vector<16xi32>
      %shift_right_logical3A_1628 = arith.shrui %xor3A_1625, %shift_right_logical3A_1627 : vector<16xi32>
      %and3A_1629 = arith.constant 255 : i32
      %and3A_1630 = vector.broadcast %and3A_1629 : i32 to vector<16xi32>
      %and3A_1631 = arith.andi %shift_right_logical3A_1628, %and3A_1630 : vector<16xi32>
      %mul3A_1632 = arith.constant 256 : i32
      %mul3A_1633 = vector.broadcast %mul3A_1632 : i32 to vector<16xi32>
      %mul3A_1634 = arith.muli %iota3A, %mul3A_1633 : vector<16xi32>
      %add3A_1635 = arith.addi %mul3A_1634, %and3A_1631 : vector<16xi32>
      %shift_right_logical3A_1636 = arith.constant 24 : i32
      %shift_right_logical3A_1637 = vector.broadcast %shift_right_logical3A_1636 : i32 to vector<16xi32>
      %shift_right_logical3A_1638 = arith.shrui %xor3A_1625, %shift_right_logical3A_1637 : vector<16xi32>
      %eq3A_1639 = arith.cmpi eq, %shift_right_logical3A_1638, %or3A : vector<16xi32>
      tpu.vector_store_idx %arg6[%add3A_1635], %broadcast_in_dim3A_1 masked %eq3A_1639 {add = true} : memref<4096xi32, #tpu.memory_space<vmem>>[vector<16xi32>], vector<16xi32>, vector<16xi1>
    }
    %scan3A_352 = arith.constant 16 : i32
    %scan3A_353 = arith.constant 0 : i32
    %scan3A_354 = arith.constant 0 : i32
    %scan3A_355 = arith.constant 16 : i32
    %scan3A_356 = arith.addi %scan3A_354, %scan3A_355 : i32
    %scan3A_357 = arith.constant 1 : i32
    scf.for %scan3A_1433 = %scan3A_354 to %scan3A_356 step %scan3A_357  : i32 {
      %mul3A_1434 = arith.constant 16 : i32
      %mul3A_1435 = arith.muli %scan3A_1433, %mul3A_1434 : i32
      %add3A_1436 = arith.constant 0 : i32
      %add3A_1437 = arith.addi %add3A_1436, %mul3A_1435 : i32
      %get3A_1438 = arith.index_cast %add3A_1437 : i32 to index
      %get3A_1439 = tpu.vector_load %arg6[%get3A_1438] {strides = array<i32>} : memref<4096xi32, #tpu.memory_space<vmem>>, vector<16xi32>,
      %add3A_1440 = arith.addi %broadcast_in_dim3A_3, %get3A_1439 : vector<16xi32>
      %mul3A_1441 = arith.constant 16 : i32
      %mul3A_1442 = arith.muli %scan3A_1433, %mul3A_1441 : i32
      %add3A_1443 = arith.constant 256 : i32
      %add3A_1444 = arith.addi %add3A_1443, %mul3A_1442 : i32
      %get3A_1445 = arith.index_cast %add3A_1444 : i32 to index
      %get3A_1446 = tpu.vector_load %arg6[%get3A_1445] {strides = array<i32>} : memref<4096xi32, #tpu.memory_space<vmem>>, vector<16xi32>,
      %add3A_1447 = arith.addi %add3A_1440, %get3A_1446 : vector<16xi32>
      %mul3A_1448 = arith.constant 16 : i32
      %mul3A_1449 = arith.muli %scan3A_1433, %mul3A_1448 : i32
      %add3A_1450 = arith.constant 512 : i32
      %add3A_1451 = arith.addi %add3A_1450, %mul3A_1449 : i32
      %get3A_1452 = arith.index_cast %add3A_1451 : i32 to index
      %get3A_1453 = tpu.vector_load %arg6[%get3A_1452] {strides = array<i32>} : memref<4096xi32, #tpu.memory_space<vmem>>, vector<16xi32>,
      %add3A_1454 = arith.addi %add3A_1447, %get3A_1453 : vector<16xi32>
      %mul3A_1455 = arith.constant 16 : i32
      %mul3A_1456 = arith.muli %scan3A_1433, %mul3A_1455 : i32
      %add3A_1457 = arith.constant 768 : i32
      %add3A_1458 = arith.addi %add3A_1457, %mul3A_1456 : i32
      %get3A_1459 = arith.index_cast %add3A_1458 : i32 to index
      %get3A_1460 = tpu.vector_load %arg6[%get3A_1459] {strides = array<i32>} : memref<4096xi32, #tpu.memory_space<vmem>>, vector<16xi32>,
      %add3A_1461 = arith.addi %add3A_1454, %get3A_1460 : vector<16xi32>
      %mul3A_1462 = arith.constant 16 : i32
      %mul3A_1463 = arith.muli %scan3A_1433, %mul3A_1462 : i32
      %add3A_1464 = arith.constant 1024 : i32
      %add3A_1465 = arith.addi %add3A_1464, %mul3A_1463 : i32
      %get3A_1466 = arith.index_cast %add3A_1465 : i32 to index
      %get3A_1467 = tpu.vector_load %arg6[%get3A_1466] {strides = array<i32>} : memref<4096xi32, #tpu.memory_space<vmem>>, vector<16xi32>,
      %add3A_1468 = arith.addi %add3A_1461, %get3A_1467 : vector<16xi32>
      %mul3A_1469 = arith.constant 16 : i32
      %mul3A_1470 = arith.muli %scan3A_1433, %mul3A_1469 : i32
      %add3A_1471 = arith.constant 1280 : i32
      %add3A_1472 = arith.addi %add3A_1471, %mul3A_1470 : i32
      %get3A_1473 = arith.index_cast %add3A_1472 : i32 to index
      %get3A_1474 = tpu.vector_load %arg6[%get3A_1473] {strides = array<i32>} : memref<4096xi32, #tpu.memory_space<vmem>>, vector<16xi32>,
      %add3A_1475 = arith.addi %add3A_1468, %get3A_1474 : vector<16xi32>
      %mul3A_1476 = arith.constant 16 : i32
      %mul3A_1477 = arith.muli %scan3A_1433, %mul3A_1476 : i32
      %add3A_1478 = arith.constant 1536 : i32
      %add3A_1479 = arith.addi %add3A_1478, %mul3A_1477 : i32
      %get3A_1480 = arith.index_cast %add3A_1479 : i32 to index
      %get3A_1481 = tpu.vector_load %arg6[%get3A_1480] {strides = array<i32>} : memref<4096xi32, #tpu.memory_space<vmem>>, vector<16xi32>,
      %add3A_1482 = arith.addi %add3A_1475, %get3A_1481 : vector<16xi32>
      %mul3A_1483 = arith.constant 16 : i32
      %mul3A_1484 = arith.muli %scan3A_1433, %mul3A_1483 : i32
      %add3A_1485 = arith.constant 1792 : i32
      %add3A_1486 = arith.addi %add3A_1485, %mul3A_1484 : i32
      %get3A_1487 = arith.index_cast %add3A_1486 : i32 to index
      %get3A_1488 = tpu.vector_load %arg6[%get3A_1487] {strides = array<i32>} : memref<4096xi32, #tpu.memory_space<vmem>>, vector<16xi32>,
      %add3A_1489 = arith.addi %add3A_1482, %get3A_1488 : vector<16xi32>
      %mul3A_1490 = arith.constant 16 : i32
      %mul3A_1491 = arith.muli %scan3A_1433, %mul3A_1490 : i32
      %add3A_1492 = arith.constant 2048 : i32
      %add3A_1493 = arith.addi %add3A_1492, %mul3A_1491 : i32
      %get3A_1494 = arith.index_cast %add3A_1493 : i32 to index
      %get3A_1495 = tpu.vector_load %arg6[%get3A_1494] {strides = array<i32>} : memref<4096xi32, #tpu.memory_space<vmem>>, vector<16xi32>,
      %add3A_1496 = arith.addi %add3A_1489, %get3A_1495 : vector<16xi32>
      %mul3A_1497 = arith.constant 16 : i32
      %mul3A_1498 = arith.muli %scan3A_1433, %mul3A_1497 : i32
      %add3A_1499 = arith.constant 2304 : i32
      %add3A_1500 = arith.addi %add3A_1499, %mul3A_1498 : i32
      %get3A_1501 = arith.index_cast %add3A_1500 : i32 to index
      %get3A_1502 = tpu.vector_load %arg6[%get3A_1501] {strides = array<i32>} : memref<4096xi32, #tpu.memory_space<vmem>>, vector<16xi32>,
      %add3A_1503 = arith.addi %add3A_1496, %get3A_1502 : vector<16xi32>
      %mul3A_1504 = arith.constant 16 : i32
      %mul3A_1505 = arith.muli %scan3A_1433, %mul3A_1504 : i32
      %add3A_1506 = arith.constant 2560 : i32
      %add3A_1507 = arith.addi %add3A_1506, %mul3A_1505 : i32
      %get3A_1508 = arith.index_cast %add3A_1507 : i32 to index
      %get3A_1509 = tpu.vector_load %arg6[%get3A_1508] {strides = array<i32>} : memref<4096xi32, #tpu.memory_space<vmem>>, vector<16xi32>,
      %add3A_1510 = arith.addi %add3A_1503, %get3A_1509 : vector<16xi32>
      %mul3A_1511 = arith.constant 16 : i32
      %mul3A_1512 = arith.muli %scan3A_1433, %mul3A_1511 : i32
      %add3A_1513 = arith.constant 2816 : i32
      %add3A_1514 = arith.addi %add3A_1513, %mul3A_1512 : i32
      %get3A_1515 = arith.index_cast %add3A_1514 : i32 to index
      %get3A_1516 = tpu.vector_load %arg6[%get3A_1515] {strides = array<i32>} : memref<4096xi32, #tpu.memory_space<vmem>>, vector<16xi32>,
      %add3A_1517 = arith.addi %add3A_1510, %get3A_1516 : vector<16xi32>
      %mul3A_1518 = arith.constant 16 : i32
      %mul3A_1519 = arith.muli %scan3A_1433, %mul3A_1518 : i32
      %add3A_1520 = arith.constant 3072 : i32
      %add3A_1521 = arith.addi %add3A_1520, %mul3A_1519 : i32
      %get3A_1522 = arith.index_cast %add3A_1521 : i32 to index
      %get3A_1523 = tpu.vector_load %arg6[%get3A_1522] {strides = array<i32>} : memref<4096xi32, #tpu.memory_space<vmem>>, vector<16xi32>,
      %add3A_1524 = arith.addi %add3A_1517, %get3A_1523 : vector<16xi32>
      %mul3A_1525 = arith.constant 16 : i32
      %mul3A_1526 = arith.muli %scan3A_1433, %mul3A_1525 : i32
      %add3A_1527 = arith.constant 3328 : i32
      %add3A_1528 = arith.addi %add3A_1527, %mul3A_1526 : i32
      %get3A_1529 = arith.index_cast %add3A_1528 : i32 to index
      %get3A_1530 = tpu.vector_load %arg6[%get3A_1529] {strides = array<i32>} : memref<4096xi32, #tpu.memory_space<vmem>>, vector<16xi32>,
      %add3A_1531 = arith.addi %add3A_1524, %get3A_1530 : vector<16xi32>
      %mul3A_1532 = arith.constant 16 : i32
      %mul3A_1533 = arith.muli %scan3A_1433, %mul3A_1532 : i32
      %add3A_1534 = arith.constant 3584 : i32
      %add3A_1535 = arith.addi %add3A_1534, %mul3A_1533 : i32
      %get3A_1536 = arith.index_cast %add3A_1535 : i32 to index
      %get3A_1537 = tpu.vector_load %arg6[%get3A_1536] {strides = array<i32>} : memref<4096xi32, #tpu.memory_space<vmem>>, vector<16xi32>,
      %add3A_1538 = arith.addi %add3A_1531, %get3A_1537 : vector<16xi32>
      %mul3A_1539 = arith.constant 16 : i32
      %mul3A_1540 = arith.muli %scan3A_1433, %mul3A_1539 : i32
      %add3A_1541 = arith.constant 3840 : i32
      %add3A_1542 = arith.addi %add3A_1541, %mul3A_1540 : i32
      %get3A_1543 = arith.index_cast %add3A_1542 : i32 to index
      %get3A_1544 = tpu.vector_load %arg6[%get3A_1543] {strides = array<i32>} : memref<4096xi32, #tpu.memory_space<vmem>>, vector<16xi32>,
      %add3A_1545 = arith.addi %add3A_1538, %get3A_1544 : vector<16xi32>
      %mul3A_1546 = arith.constant 16 : i32
      %mul3A_1547 = arith.muli %scan3A_1433, %mul3A_1546 : i32
      %swap3A_1548 = arith.index_cast %mul3A_1547 : i32 to index
      %swap3A_1549 = tpu.vector_load %arg7[%swap3A_1548] {strides = array<i32>} : memref<256xi32, #tpu.memory_space<vmem>>, vector<16xi32>,
      tpu.vector_store %arg7[%swap3A_1548], %add3A_1545 {strides = array<i32>} : memref<256xi32, #tpu.memory_space<vmem>>, vector<16xi32>,
    }
    %scan3A_358 = arith.constant 16 : i32
    %add3A_359 = arith.constant 256 : i32
    %add3A_360 = arith.addi %add3A_359, %arg1 : i32
    %mul3A_361 = arith.constant 16 : i32
    %mul3A_362 = arith.muli %add3A_360, %mul3A_361 : i32
    %add3A_363 = arith.constant 272 : i32
    %add3A_364 = arith.addi %add3A_363, %arg1 : i32
    %mul3A_365 = arith.constant 16 : i32
    %mul3A_366 = arith.muli %add3A_364, %mul3A_365 : i32
    %add3A_367 = arith.constant 288 : i32
    %add3A_368 = arith.addi %add3A_367, %arg1 : i32
    %mul3A_369 = arith.constant 16 : i32
    %mul3A_370 = arith.muli %add3A_368, %mul3A_369 : i32
    %add3A_371 = arith.constant 304 : i32
    %add3A_372 = arith.addi %add3A_371, %arg1 : i32
    %mul3A_373 = arith.constant 16 : i32
    %mul3A_374 = arith.muli %add3A_372, %mul3A_373 : i32
    %add3A_375 = arith.constant 320 : i32
    %add3A_376 = arith.addi %add3A_375, %arg1 : i32
    %mul3A_377 = arith.constant 16 : i32
    %mul3A_378 = arith.muli %add3A_376, %mul3A_377 : i32
    %add3A_379 = arith.constant 336 : i32
    %add3A_380 = arith.addi %add3A_379, %arg1 : i32
    %mul3A_381 = arith.constant 16 : i32
    %mul3A_382 = arith.muli %add3A_380, %mul3A_381 : i32
    %add3A_383 = arith.constant 352 : i32
    %add3A_384 = arith.addi %add3A_383, %arg1 : i32
    %mul3A_385 = arith.constant 16 : i32
    %mul3A_386 = arith.muli %add3A_384, %mul3A_385 : i32
    %add3A_387 = arith.constant 368 : i32
    %add3A_388 = arith.addi %add3A_387, %arg1 : i32
    %mul3A_389 = arith.constant 16 : i32
    %mul3A_390 = arith.muli %add3A_388, %mul3A_389 : i32
    %add3A_391 = arith.constant 384 : i32
    %add3A_392 = arith.addi %add3A_391, %arg1 : i32
    %mul3A_393 = arith.constant 16 : i32
    %mul3A_394 = arith.muli %add3A_392, %mul3A_393 : i32
    %add3A_395 = arith.constant 400 : i32
    %add3A_396 = arith.addi %add3A_395, %arg1 : i32
    %mul3A_397 = arith.constant 16 : i32
    %mul3A_398 = arith.muli %add3A_396, %mul3A_397 : i32
    %add3A_399 = arith.constant 416 : i32
    %add3A_400 = arith.addi %add3A_399, %arg1 : i32
    %mul3A_401 = arith.constant 16 : i32
    %mul3A_402 = arith.muli %add3A_400, %mul3A_401 : i32
    %add3A_403 = arith.constant 432 : i32
    %add3A_404 = arith.addi %add3A_403, %arg1 : i32
    %mul3A_405 = arith.constant 16 : i32
    %mul3A_406 = arith.muli %add3A_404, %mul3A_405 : i32
    %add3A_407 = arith.constant 448 : i32
    %add3A_408 = arith.addi %add3A_407, %arg1 : i32
    %mul3A_409 = arith.constant 16 : i32
    %mul3A_410 = arith.muli %add3A_408, %mul3A_409 : i32
    %add3A_411 = arith.constant 464 : i32
    %add3A_412 = arith.addi %add3A_411, %arg1 : i32
    %mul3A_413 = arith.constant 16 : i32
    %mul3A_414 = arith.muli %add3A_412, %mul3A_413 : i32
    %add3A_415 = arith.constant 480 : i32
    %add3A_416 = arith.addi %add3A_415, %arg1 : i32
    %mul3A_417 = arith.constant 16 : i32
    %mul3A_418 = arith.muli %add3A_416, %mul3A_417 : i32
    %add3A_419 = arith.constant 496 : i32
    %add3A_420 = arith.addi %add3A_419, %arg1 : i32
    %mul3A_421 = arith.constant 16 : i32
    %mul3A_422 = arith.muli %add3A_420, %mul3A_421 : i32
    %dma_start3A_423 = arith.constant 0 : i32
    %dma_start3A_424 = tpu.memref_slice %arg7[%dma_start3A_423] : memref<256xi32, #tpu.memory_space<vmem>> -> memref<16xi32, #tpu.memory_space<vmem>>
    %dma_start3A_425 = tpu.memref_slice %arg11[%mul3A_362] : memref<16384xi32, #tpu.memory_space<vmem_shared>> -> memref<16xi32, #tpu.memory_space<vmem_shared>>
    %dma_start3A_426 = tpu.memref_slice %arg11[%mul3A_362] : memref<16384xi32, #tpu.memory_space<vmem_shared>> -> memref<16xi32, #tpu.memory_space<vmem_shared>>
    %dma_start3A_427 = arith.constant 0 : i32
    %dma_start3A_428 = tpu.memref_slice %arg7[%dma_start3A_427] : memref<256xi32, #tpu.memory_space<vmem>> -> memref<16xi32, #tpu.memory_space<vmem>>
    tpu.enqueue_dma source(%dma_start3A_428 : memref<16xi32, #tpu.memory_space<vmem>>) target(%dma_start3A_426 : memref<16xi32, #tpu.memory_space<vmem_shared>>) target_semaphore(%arg13 : memref<!tpu.dma_semaphore, #tpu.memory_space<semaphore_mem>>)
    %dma_start3A_429 = arith.constant 16 : i32
    %dma_start3A_430 = tpu.memref_slice %arg7[%dma_start3A_429] : memref<256xi32, #tpu.memory_space<vmem>> -> memref<16xi32, #tpu.memory_space<vmem>>
    %dma_start3A_431 = tpu.memref_slice %arg11[%mul3A_366] : memref<16384xi32, #tpu.memory_space<vmem_shared>> -> memref<16xi32, #tpu.memory_space<vmem_shared>>
    %dma_start3A_432 = tpu.memref_slice %arg11[%mul3A_366] : memref<16384xi32, #tpu.memory_space<vmem_shared>> -> memref<16xi32, #tpu.memory_space<vmem_shared>>
    %dma_start3A_433 = arith.constant 16 : i32
    %dma_start3A_434 = tpu.memref_slice %arg7[%dma_start3A_433] : memref<256xi32, #tpu.memory_space<vmem>> -> memref<16xi32, #tpu.memory_space<vmem>>
    tpu.enqueue_dma source(%dma_start3A_434 : memref<16xi32, #tpu.memory_space<vmem>>) target(%dma_start3A_432 : memref<16xi32, #tpu.memory_space<vmem_shared>>) target_semaphore(%arg13 : memref<!tpu.dma_semaphore, #tpu.memory_space<semaphore_mem>>)
    %dma_start3A_435 = arith.constant 32 : i32
    %dma_start3A_436 = tpu.memref_slice %arg7[%dma_start3A_435] : memref<256xi32, #tpu.memory_space<vmem>> -> memref<16xi32, #tpu.memory_space<vmem>>
    %dma_start3A_437 = tpu.memref_slice %arg11[%mul3A_370] : memref<16384xi32, #tpu.memory_space<vmem_shared>> -> memref<16xi32, #tpu.memory_space<vmem_shared>>
    %dma_start3A_438 = tpu.memref_slice %arg11[%mul3A_370] : memref<16384xi32, #tpu.memory_space<vmem_shared>> -> memref<16xi32, #tpu.memory_space<vmem_shared>>
    %dma_start3A_439 = arith.constant 32 : i32
    %dma_start3A_440 = tpu.memref_slice %arg7[%dma_start3A_439] : memref<256xi32, #tpu.memory_space<vmem>> -> memref<16xi32, #tpu.memory_space<vmem>>
    tpu.enqueue_dma source(%dma_start3A_440 : memref<16xi32, #tpu.memory_space<vmem>>) target(%dma_start3A_438 : memref<16xi32, #tpu.memory_space<vmem_shared>>) target_semaphore(%arg13 : memref<!tpu.dma_semaphore, #tpu.memory_space<semaphore_mem>>)
    %dma_start3A_441 = arith.constant 48 : i32
    %dma_start3A_442 = tpu.memref_slice %arg7[%dma_start3A_441] : memref<256xi32, #tpu.memory_space<vmem>> -> memref<16xi32, #tpu.memory_space<vmem>>
    %dma_start3A_443 = tpu.memref_slice %arg11[%mul3A_374] : memref<16384xi32, #tpu.memory_space<vmem_shared>> -> memref<16xi32, #tpu.memory_space<vmem_shared>>
    %dma_start3A_444 = tpu.memref_slice %arg11[%mul3A_374] : memref<16384xi32, #tpu.memory_space<vmem_shared>> -> memref<16xi32, #tpu.memory_space<vmem_shared>>
    %dma_start3A_445 = arith.constant 48 : i32
    %dma_start3A_446 = tpu.memref_slice %arg7[%dma_start3A_445] : memref<256xi32, #tpu.memory_space<vmem>> -> memref<16xi32, #tpu.memory_space<vmem>>
    tpu.enqueue_dma source(%dma_start3A_446 : memref<16xi32, #tpu.memory_space<vmem>>) target(%dma_start3A_444 : memref<16xi32, #tpu.memory_space<vmem_shared>>) target_semaphore(%arg13 : memref<!tpu.dma_semaphore, #tpu.memory_space<semaphore_mem>>)
    %dma_start3A_447 = arith.constant 64 : i32
    %dma_start3A_448 = tpu.memref_slice %arg7[%dma_start3A_447] : memref<256xi32, #tpu.memory_space<vmem>> -> memref<16xi32, #tpu.memory_space<vmem>>
    %dma_start3A_449 = tpu.memref_slice %arg11[%mul3A_378] : memref<16384xi32, #tpu.memory_space<vmem_shared>> -> memref<16xi32, #tpu.memory_space<vmem_shared>>
    %dma_start3A_450 = tpu.memref_slice %arg11[%mul3A_378] : memref<16384xi32, #tpu.memory_space<vmem_shared>> -> memref<16xi32, #tpu.memory_space<vmem_shared>>
    %dma_start3A_451 = arith.constant 64 : i32
    %dma_start3A_452 = tpu.memref_slice %arg7[%dma_start3A_451] : memref<256xi32, #tpu.memory_space<vmem>> -> memref<16xi32, #tpu.memory_space<vmem>>
    tpu.enqueue_dma source(%dma_start3A_452 : memref<16xi32, #tpu.memory_space<vmem>>) target(%dma_start3A_450 : memref<16xi32, #tpu.memory_space<vmem_shared>>) target_semaphore(%arg13 : memref<!tpu.dma_semaphore, #tpu.memory_space<semaphore_mem>>)
    %dma_start3A_453 = arith.constant 80 : i32
    %dma_start3A_454 = tpu.memref_slice %arg7[%dma_start3A_453] : memref<256xi32, #tpu.memory_space<vmem>> -> memref<16xi32, #tpu.memory_space<vmem>>
    %dma_start3A_455 = tpu.memref_slice %arg11[%mul3A_382] : memref<16384xi32, #tpu.memory_space<vmem_shared>> -> memref<16xi32, #tpu.memory_space<vmem_shared>>
    %dma_start3A_456 = tpu.memref_slice %arg11[%mul3A_382] : memref<16384xi32, #tpu.memory_space<vmem_shared>> -> memref<16xi32, #tpu.memory_space<vmem_shared>>
    %dma_start3A_457 = arith.constant 80 : i32
    %dma_start3A_458 = tpu.memref_slice %arg7[%dma_start3A_457] : memref<256xi32, #tpu.memory_space<vmem>> -> memref<16xi32, #tpu.memory_space<vmem>>
    tpu.enqueue_dma source(%dma_start3A_458 : memref<16xi32, #tpu.memory_space<vmem>>) target(%dma_start3A_456 : memref<16xi32, #tpu.memory_space<vmem_shared>>) target_semaphore(%arg13 : memref<!tpu.dma_semaphore, #tpu.memory_space<semaphore_mem>>)
    %dma_start3A_459 = arith.constant 96 : i32
    %dma_start3A_460 = tpu.memref_slice %arg7[%dma_start3A_459] : memref<256xi32, #tpu.memory_space<vmem>> -> memref<16xi32, #tpu.memory_space<vmem>>
    %dma_start3A_461 = tpu.memref_slice %arg11[%mul3A_386] : memref<16384xi32, #tpu.memory_space<vmem_shared>> -> memref<16xi32, #tpu.memory_space<vmem_shared>>
    %dma_start3A_462 = tpu.memref_slice %arg11[%mul3A_386] : memref<16384xi32, #tpu.memory_space<vmem_shared>> -> memref<16xi32, #tpu.memory_space<vmem_shared>>
    %dma_start3A_463 = arith.constant 96 : i32
    %dma_start3A_464 = tpu.memref_slice %arg7[%dma_start3A_463] : memref<256xi32, #tpu.memory_space<vmem>> -> memref<16xi32, #tpu.memory_space<vmem>>
    tpu.enqueue_dma source(%dma_start3A_464 : memref<16xi32, #tpu.memory_space<vmem>>) target(%dma_start3A_462 : memref<16xi32, #tpu.memory_space<vmem_shared>>) target_semaphore(%arg13 : memref<!tpu.dma_semaphore, #tpu.memory_space<semaphore_mem>>)
    %dma_start3A_465 = arith.constant 112 : i32
    %dma_start3A_466 = tpu.memref_slice %arg7[%dma_start3A_465] : memref<256xi32, #tpu.memory_space<vmem>> -> memref<16xi32, #tpu.memory_space<vmem>>
    %dma_start3A_467 = tpu.memref_slice %arg11[%mul3A_390] : memref<16384xi32, #tpu.memory_space<vmem_shared>> -> memref<16xi32, #tpu.memory_space<vmem_shared>>
    %dma_start3A_468 = tpu.memref_slice %arg11[%mul3A_390] : memref<16384xi32, #tpu.memory_space<vmem_shared>> -> memref<16xi32, #tpu.memory_space<vmem_shared>>
    %dma_start3A_469 = arith.constant 112 : i32
    %dma_start3A_470 = tpu.memref_slice %arg7[%dma_start3A_469] : memref<256xi32, #tpu.memory_space<vmem>> -> memref<16xi32, #tpu.memory_space<vmem>>
    tpu.enqueue_dma source(%dma_start3A_470 : memref<16xi32, #tpu.memory_space<vmem>>) target(%dma_start3A_468 : memref<16xi32, #tpu.memory_space<vmem_shared>>) target_semaphore(%arg13 : memref<!tpu.dma_semaphore, #tpu.memory_space<semaphore_mem>>)
    %dma_start3A_471 = arith.constant 128 : i32
    %dma_start3A_472 = tpu.memref_slice %arg7[%dma_start3A_471] : memref<256xi32, #tpu.memory_space<vmem>> -> memref<16xi32, #tpu.memory_space<vmem>>
    %dma_start3A_473 = tpu.memref_slice %arg11[%mul3A_394] : memref<16384xi32, #tpu.memory_space<vmem_shared>> -> memref<16xi32, #tpu.memory_space<vmem_shared>>
    %dma_start3A_474 = tpu.memref_slice %arg11[%mul3A_394] : memref<16384xi32, #tpu.memory_space<vmem_shared>> -> memref<16xi32, #tpu.memory_space<vmem_shared>>
    %dma_start3A_475 = arith.constant 128 : i32
    %dma_start3A_476 = tpu.memref_slice %arg7[%dma_start3A_475] : memref<256xi32, #tpu.memory_space<vmem>> -> memref<16xi32, #tpu.memory_space<vmem>>
    tpu.enqueue_dma source(%dma_start3A_476 : memref<16xi32, #tpu.memory_space<vmem>>) target(%dma_start3A_474 : memref<16xi32, #tpu.memory_space<vmem_shared>>) target_semaphore(%arg13 : memref<!tpu.dma_semaphore, #tpu.memory_space<semaphore_mem>>)
    %dma_start3A_477 = arith.constant 144 : i32
    %dma_start3A_478 = tpu.memref_slice %arg7[%dma_start3A_477] : memref<256xi32, #tpu.memory_space<vmem>> -> memref<16xi32, #tpu.memory_space<vmem>>
    %dma_start3A_479 = tpu.memref_slice %arg11[%mul3A_398] : memref<16384xi32, #tpu.memory_space<vmem_shared>> -> memref<16xi32, #tpu.memory_space<vmem_shared>>
    %dma_start3A_480 = tpu.memref_slice %arg11[%mul3A_398] : memref<16384xi32, #tpu.memory_space<vmem_shared>> -> memref<16xi32, #tpu.memory_space<vmem_shared>>
    %dma_start3A_481 = arith.constant 144 : i32
    %dma_start3A_482 = tpu.memref_slice %arg7[%dma_start3A_481] : memref<256xi32, #tpu.memory_space<vmem>> -> memref<16xi32, #tpu.memory_space<vmem>>
    tpu.enqueue_dma source(%dma_start3A_482 : memref<16xi32, #tpu.memory_space<vmem>>) target(%dma_start3A_480 : memref<16xi32, #tpu.memory_space<vmem_shared>>) target_semaphore(%arg13 : memref<!tpu.dma_semaphore, #tpu.memory_space<semaphore_mem>>)
    %dma_start3A_483 = arith.constant 160 : i32
    %dma_start3A_484 = tpu.memref_slice %arg7[%dma_start3A_483] : memref<256xi32, #tpu.memory_space<vmem>> -> memref<16xi32, #tpu.memory_space<vmem>>
    %dma_start3A_485 = tpu.memref_slice %arg11[%mul3A_402] : memref<16384xi32, #tpu.memory_space<vmem_shared>> -> memref<16xi32, #tpu.memory_space<vmem_shared>>
    %dma_start3A_486 = tpu.memref_slice %arg11[%mul3A_402] : memref<16384xi32, #tpu.memory_space<vmem_shared>> -> memref<16xi32, #tpu.memory_space<vmem_shared>>
    %dma_start3A_487 = arith.constant 160 : i32
    %dma_start3A_488 = tpu.memref_slice %arg7[%dma_start3A_487] : memref<256xi32, #tpu.memory_space<vmem>> -> memref<16xi32, #tpu.memory_space<vmem>>
    tpu.enqueue_dma source(%dma_start3A_488 : memref<16xi32, #tpu.memory_space<vmem>>) target(%dma_start3A_486 : memref<16xi32, #tpu.memory_space<vmem_shared>>) target_semaphore(%arg13 : memref<!tpu.dma_semaphore, #tpu.memory_space<semaphore_mem>>)
    %dma_start3A_489 = arith.constant 176 : i32
    %dma_start3A_490 = tpu.memref_slice %arg7[%dma_start3A_489] : memref<256xi32, #tpu.memory_space<vmem>> -> memref<16xi32, #tpu.memory_space<vmem>>
    %dma_start3A_491 = tpu.memref_slice %arg11[%mul3A_406] : memref<16384xi32, #tpu.memory_space<vmem_shared>> -> memref<16xi32, #tpu.memory_space<vmem_shared>>
    %dma_start3A_492 = tpu.memref_slice %arg11[%mul3A_406] : memref<16384xi32, #tpu.memory_space<vmem_shared>> -> memref<16xi32, #tpu.memory_space<vmem_shared>>
    %dma_start3A_493 = arith.constant 176 : i32
    %dma_start3A_494 = tpu.memref_slice %arg7[%dma_start3A_493] : memref<256xi32, #tpu.memory_space<vmem>> -> memref<16xi32, #tpu.memory_space<vmem>>
    tpu.enqueue_dma source(%dma_start3A_494 : memref<16xi32, #tpu.memory_space<vmem>>) target(%dma_start3A_492 : memref<16xi32, #tpu.memory_space<vmem_shared>>) target_semaphore(%arg13 : memref<!tpu.dma_semaphore, #tpu.memory_space<semaphore_mem>>)
    %dma_start3A_495 = arith.constant 192 : i32
    %dma_start3A_496 = tpu.memref_slice %arg7[%dma_start3A_495] : memref<256xi32, #tpu.memory_space<vmem>> -> memref<16xi32, #tpu.memory_space<vmem>>
    %dma_start3A_497 = tpu.memref_slice %arg11[%mul3A_410] : memref<16384xi32, #tpu.memory_space<vmem_shared>> -> memref<16xi32, #tpu.memory_space<vmem_shared>>
    %dma_start3A_498 = tpu.memref_slice %arg11[%mul3A_410] : memref<16384xi32, #tpu.memory_space<vmem_shared>> -> memref<16xi32, #tpu.memory_space<vmem_shared>>
    %dma_start3A_499 = arith.constant 192 : i32
    %dma_start3A_500 = tpu.memref_slice %arg7[%dma_start3A_499] : memref<256xi32, #tpu.memory_space<vmem>> -> memref<16xi32, #tpu.memory_space<vmem>>
    tpu.enqueue_dma source(%dma_start3A_500 : memref<16xi32, #tpu.memory_space<vmem>>) target(%dma_start3A_498 : memref<16xi32, #tpu.memory_space<vmem_shared>>) target_semaphore(%arg13 : memref<!tpu.dma_semaphore, #tpu.memory_space<semaphore_mem>>)
    %dma_start3A_501 = arith.constant 208 : i32
    %dma_start3A_502 = tpu.memref_slice %arg7[%dma_start3A_501] : memref<256xi32, #tpu.memory_space<vmem>> -> memref<16xi32, #tpu.memory_space<vmem>>
    %dma_start3A_503 = tpu.memref_slice %arg11[%mul3A_414] : memref<16384xi32, #tpu.memory_space<vmem_shared>> -> memref<16xi32, #tpu.memory_space<vmem_shared>>
    %dma_start3A_504 = tpu.memref_slice %arg11[%mul3A_414] : memref<16384xi32, #tpu.memory_space<vmem_shared>> -> memref<16xi32, #tpu.memory_space<vmem_shared>>
    %dma_start3A_505 = arith.constant 208 : i32
    %dma_start3A_506 = tpu.memref_slice %arg7[%dma_start3A_505] : memref<256xi32, #tpu.memory_space<vmem>> -> memref<16xi32, #tpu.memory_space<vmem>>
    tpu.enqueue_dma source(%dma_start3A_506 : memref<16xi32, #tpu.memory_space<vmem>>) target(%dma_start3A_504 : memref<16xi32, #tpu.memory_space<vmem_shared>>) target_semaphore(%arg13 : memref<!tpu.dma_semaphore, #tpu.memory_space<semaphore_mem>>)
    %dma_start3A_507 = arith.constant 224 : i32
    %dma_start3A_508 = tpu.memref_slice %arg7[%dma_start3A_507] : memref<256xi32, #tpu.memory_space<vmem>> -> memref<16xi32, #tpu.memory_space<vmem>>
    %dma_start3A_509 = tpu.memref_slice %arg11[%mul3A_418] : memref<16384xi32, #tpu.memory_space<vmem_shared>> -> memref<16xi32, #tpu.memory_space<vmem_shared>>
    %dma_start3A_510 = tpu.memref_slice %arg11[%mul3A_418] : memref<16384xi32, #tpu.memory_space<vmem_shared>> -> memref<16xi32, #tpu.memory_space<vmem_shared>>
    %dma_start3A_511 = arith.constant 224 : i32
    %dma_start3A_512 = tpu.memref_slice %arg7[%dma_start3A_511] : memref<256xi32, #tpu.memory_space<vmem>> -> memref<16xi32, #tpu.memory_space<vmem>>
    tpu.enqueue_dma source(%dma_start3A_512 : memref<16xi32, #tpu.memory_space<vmem>>) target(%dma_start3A_510 : memref<16xi32, #tpu.memory_space<vmem_shared>>) target_semaphore(%arg13 : memref<!tpu.dma_semaphore, #tpu.memory_space<semaphore_mem>>)
    %dma_start3A_513 = arith.constant 240 : i32
    %dma_start3A_514 = tpu.memref_slice %arg7[%dma_start3A_513] : memref<256xi32, #tpu.memory_space<vmem>> -> memref<16xi32, #tpu.memory_space<vmem>>
    %dma_start3A_515 = tpu.memref_slice %arg11[%mul3A_422] : memref<16384xi32, #tpu.memory_space<vmem_shared>> -> memref<16xi32, #tpu.memory_space<vmem_shared>>
    %dma_start3A_516 = tpu.memref_slice %arg11[%mul3A_422] : memref<16384xi32, #tpu.memory_space<vmem_shared>> -> memref<16xi32, #tpu.memory_space<vmem_shared>>
    %dma_start3A_517 = arith.constant 240 : i32
    %dma_start3A_518 = tpu.memref_slice %arg7[%dma_start3A_517] : memref<256xi32, #tpu.memory_space<vmem>> -> memref<16xi32, #tpu.memory_space<vmem>>
    tpu.enqueue_dma source(%dma_start3A_518 : memref<16xi32, #tpu.memory_space<vmem>>) target(%dma_start3A_516 : memref<16xi32, #tpu.memory_space<vmem_shared>>) target_semaphore(%arg13 : memref<!tpu.dma_semaphore, #tpu.memory_space<semaphore_mem>>)
    %dma_wait3A_519 = arith.constant 0 : i32
    %dma_wait3A_520 = tpu.memref_slice %arg7[%dma_wait3A_519] : memref<256xi32, #tpu.memory_space<vmem>> -> memref<16xi32, #tpu.memory_space<vmem>>
    %dma_wait3A_521 = tpu.memref_slice %arg11[%mul3A_362] : memref<16384xi32, #tpu.memory_space<vmem_shared>> -> memref<16xi32, #tpu.memory_space<vmem_shared>>
    %dma_wait3A_522 = tpu.memref_slice %arg11[%mul3A_362] : memref<16384xi32, #tpu.memory_space<vmem_shared>> -> memref<16xi32, #tpu.memory_space<vmem_shared>>
    %dma_wait3A_523 = arith.constant 0 : i32
    %dma_wait3A_524 = tpu.memref_slice %arg7[%dma_wait3A_523] : memref<256xi32, #tpu.memory_space<vmem>> -> memref<16xi32, #tpu.memory_space<vmem>>
    tpu.wait_dma2 semaphore(%arg13 : memref<!tpu.dma_semaphore, #tpu.memory_space<semaphore_mem>>) src(%dma_wait3A_524 : memref<16xi32, #tpu.memory_space<vmem>>) dst(%dma_wait3A_522 : memref<16xi32, #tpu.memory_space<vmem_shared>>)
    %dma_wait3A_525 = arith.constant 16 : i32
    %dma_wait3A_526 = tpu.memref_slice %arg7[%dma_wait3A_525] : memref<256xi32, #tpu.memory_space<vmem>> -> memref<16xi32, #tpu.memory_space<vmem>>
    %dma_wait3A_527 = tpu.memref_slice %arg11[%mul3A_366] : memref<16384xi32, #tpu.memory_space<vmem_shared>> -> memref<16xi32, #tpu.memory_space<vmem_shared>>
    %dma_wait3A_528 = tpu.memref_slice %arg11[%mul3A_366] : memref<16384xi32, #tpu.memory_space<vmem_shared>> -> memref<16xi32, #tpu.memory_space<vmem_shared>>
    %dma_wait3A_529 = arith.constant 16 : i32
    %dma_wait3A_530 = tpu.memref_slice %arg7[%dma_wait3A_529] : memref<256xi32, #tpu.memory_space<vmem>> -> memref<16xi32, #tpu.memory_space<vmem>>
    tpu.wait_dma2 semaphore(%arg13 : memref<!tpu.dma_semaphore, #tpu.memory_space<semaphore_mem>>) src(%dma_wait3A_530 : memref<16xi32, #tpu.memory_space<vmem>>) dst(%dma_wait3A_528 : memref<16xi32, #tpu.memory_space<vmem_shared>>)
    %dma_wait3A_531 = arith.constant 32 : i32
    %dma_wait3A_532 = tpu.memref_slice %arg7[%dma_wait3A_531] : memref<256xi32, #tpu.memory_space<vmem>> -> memref<16xi32, #tpu.memory_space<vmem>>
    %dma_wait3A_533 = tpu.memref_slice %arg11[%mul3A_370] : memref<16384xi32, #tpu.memory_space<vmem_shared>> -> memref<16xi32, #tpu.memory_space<vmem_shared>>
    %dma_wait3A_534 = tpu.memref_slice %arg11[%mul3A_370] : memref<16384xi32, #tpu.memory_space<vmem_shared>> -> memref<16xi32, #tpu.memory_space<vmem_shared>>
    %dma_wait3A_535 = arith.constant 32 : i32
    %dma_wait3A_536 = tpu.memref_slice %arg7[%dma_wait3A_535] : memref<256xi32, #tpu.memory_space<vmem>> -> memref<16xi32, #tpu.memory_space<vmem>>
    tpu.wait_dma2 semaphore(%arg13 : memref<!tpu.dma_semaphore, #tpu.memory_space<semaphore_mem>>) src(%dma_wait3A_536 : memref<16xi32, #tpu.memory_space<vmem>>) dst(%dma_wait3A_534 : memref<16xi32, #tpu.memory_space<vmem_shared>>)
    %dma_wait3A_537 = arith.constant 48 : i32
    %dma_wait3A_538 = tpu.memref_slice %arg7[%dma_wait3A_537] : memref<256xi32, #tpu.memory_space<vmem>> -> memref<16xi32, #tpu.memory_space<vmem>>
    %dma_wait3A_539 = tpu.memref_slice %arg11[%mul3A_374] : memref<16384xi32, #tpu.memory_space<vmem_shared>> -> memref<16xi32, #tpu.memory_space<vmem_shared>>
    %dma_wait3A_540 = tpu.memref_slice %arg11[%mul3A_374] : memref<16384xi32, #tpu.memory_space<vmem_shared>> -> memref<16xi32, #tpu.memory_space<vmem_shared>>
    %dma_wait3A_541 = arith.constant 48 : i32
    %dma_wait3A_542 = tpu.memref_slice %arg7[%dma_wait3A_541] : memref<256xi32, #tpu.memory_space<vmem>> -> memref<16xi32, #tpu.memory_space<vmem>>
    tpu.wait_dma2 semaphore(%arg13 : memref<!tpu.dma_semaphore, #tpu.memory_space<semaphore_mem>>) src(%dma_wait3A_542 : memref<16xi32, #tpu.memory_space<vmem>>) dst(%dma_wait3A_540 : memref<16xi32, #tpu.memory_space<vmem_shared>>)
    %dma_wait3A_543 = arith.constant 64 : i32
    %dma_wait3A_544 = tpu.memref_slice %arg7[%dma_wait3A_543] : memref<256xi32, #tpu.memory_space<vmem>> -> memref<16xi32, #tpu.memory_space<vmem>>
    %dma_wait3A_545 = tpu.memref_slice %arg11[%mul3A_378] : memref<16384xi32, #tpu.memory_space<vmem_shared>> -> memref<16xi32, #tpu.memory_space<vmem_shared>>
    %dma_wait3A_546 = tpu.memref_slice %arg11[%mul3A_378] : memref<16384xi32, #tpu.memory_space<vmem_shared>> -> memref<16xi32, #tpu.memory_space<vmem_shared>>
    %dma_wait3A_547 = arith.constant 64 : i32
    %dma_wait3A_548 = tpu.memref_slice %arg7[%dma_wait3A_547] : memref<256xi32, #tpu.memory_space<vmem>> -> memref<16xi32, #tpu.memory_space<vmem>>
    tpu.wait_dma2 semaphore(%arg13 : memref<!tpu.dma_semaphore, #tpu.memory_space<semaphore_mem>>) src(%dma_wait3A_548 : memref<16xi32, #tpu.memory_space<vmem>>) dst(%dma_wait3A_546 : memref<16xi32, #tpu.memory_space<vmem_shared>>)
    %dma_wait3A_549 = arith.constant 80 : i32
    %dma_wait3A_550 = tpu.memref_slice %arg7[%dma_wait3A_549] : memref<256xi32, #tpu.memory_space<vmem>> -> memref<16xi32, #tpu.memory_space<vmem>>
    %dma_wait3A_551 = tpu.memref_slice %arg11[%mul3A_382] : memref<16384xi32, #tpu.memory_space<vmem_shared>> -> memref<16xi32, #tpu.memory_space<vmem_shared>>
    %dma_wait3A_552 = tpu.memref_slice %arg11[%mul3A_382] : memref<16384xi32, #tpu.memory_space<vmem_shared>> -> memref<16xi32, #tpu.memory_space<vmem_shared>>
    %dma_wait3A_553 = arith.constant 80 : i32
    %dma_wait3A_554 = tpu.memref_slice %arg7[%dma_wait3A_553] : memref<256xi32, #tpu.memory_space<vmem>> -> memref<16xi32, #tpu.memory_space<vmem>>
    tpu.wait_dma2 semaphore(%arg13 : memref<!tpu.dma_semaphore, #tpu.memory_space<semaphore_mem>>) src(%dma_wait3A_554 : memref<16xi32, #tpu.memory_space<vmem>>) dst(%dma_wait3A_552 : memref<16xi32, #tpu.memory_space<vmem_shared>>)
    %dma_wait3A_555 = arith.constant 96 : i32
    %dma_wait3A_556 = tpu.memref_slice %arg7[%dma_wait3A_555] : memref<256xi32, #tpu.memory_space<vmem>> -> memref<16xi32, #tpu.memory_space<vmem>>
    %dma_wait3A_557 = tpu.memref_slice %arg11[%mul3A_386] : memref<16384xi32, #tpu.memory_space<vmem_shared>> -> memref<16xi32, #tpu.memory_space<vmem_shared>>
    %dma_wait3A_558 = tpu.memref_slice %arg11[%mul3A_386] : memref<16384xi32, #tpu.memory_space<vmem_shared>> -> memref<16xi32, #tpu.memory_space<vmem_shared>>
    %dma_wait3A_559 = arith.constant 96 : i32
    %dma_wait3A_560 = tpu.memref_slice %arg7[%dma_wait3A_559] : memref<256xi32, #tpu.memory_space<vmem>> -> memref<16xi32, #tpu.memory_space<vmem>>
    tpu.wait_dma2 semaphore(%arg13 : memref<!tpu.dma_semaphore, #tpu.memory_space<semaphore_mem>>) src(%dma_wait3A_560 : memref<16xi32, #tpu.memory_space<vmem>>) dst(%dma_wait3A_558 : memref<16xi32, #tpu.memory_space<vmem_shared>>)
    %dma_wait3A_561 = arith.constant 112 : i32
    %dma_wait3A_562 = tpu.memref_slice %arg7[%dma_wait3A_561] : memref<256xi32, #tpu.memory_space<vmem>> -> memref<16xi32, #tpu.memory_space<vmem>>
    %dma_wait3A_563 = tpu.memref_slice %arg11[%mul3A_390] : memref<16384xi32, #tpu.memory_space<vmem_shared>> -> memref<16xi32, #tpu.memory_space<vmem_shared>>
    %dma_wait3A_564 = tpu.memref_slice %arg11[%mul3A_390] : memref<16384xi32, #tpu.memory_space<vmem_shared>> -> memref<16xi32, #tpu.memory_space<vmem_shared>>
    %dma_wait3A_565 = arith.constant 112 : i32
    %dma_wait3A_566 = tpu.memref_slice %arg7[%dma_wait3A_565] : memref<256xi32, #tpu.memory_space<vmem>> -> memref<16xi32, #tpu.memory_space<vmem>>
    tpu.wait_dma2 semaphore(%arg13 : memref<!tpu.dma_semaphore, #tpu.memory_space<semaphore_mem>>) src(%dma_wait3A_566 : memref<16xi32, #tpu.memory_space<vmem>>) dst(%dma_wait3A_564 : memref<16xi32, #tpu.memory_space<vmem_shared>>)
    %dma_wait3A_567 = arith.constant 128 : i32
    %dma_wait3A_568 = tpu.memref_slice %arg7[%dma_wait3A_567] : memref<256xi32, #tpu.memory_space<vmem>> -> memref<16xi32, #tpu.memory_space<vmem>>
    %dma_wait3A_569 = tpu.memref_slice %arg11[%mul3A_394] : memref<16384xi32, #tpu.memory_space<vmem_shared>> -> memref<16xi32, #tpu.memory_space<vmem_shared>>
    %dma_wait3A_570 = tpu.memref_slice %arg11[%mul3A_394] : memref<16384xi32, #tpu.memory_space<vmem_shared>> -> memref<16xi32, #tpu.memory_space<vmem_shared>>
    %dma_wait3A_571 = arith.constant 128 : i32
    %dma_wait3A_572 = tpu.memref_slice %arg7[%dma_wait3A_571] : memref<256xi32, #tpu.memory_space<vmem>> -> memref<16xi32, #tpu.memory_space<vmem>>
    tpu.wait_dma2 semaphore(%arg13 : memref<!tpu.dma_semaphore, #tpu.memory_space<semaphore_mem>>) src(%dma_wait3A_572 : memref<16xi32, #tpu.memory_space<vmem>>) dst(%dma_wait3A_570 : memref<16xi32, #tpu.memory_space<vmem_shared>>)
    %dma_wait3A_573 = arith.constant 144 : i32
    %dma_wait3A_574 = tpu.memref_slice %arg7[%dma_wait3A_573] : memref<256xi32, #tpu.memory_space<vmem>> -> memref<16xi32, #tpu.memory_space<vmem>>
    %dma_wait3A_575 = tpu.memref_slice %arg11[%mul3A_398] : memref<16384xi32, #tpu.memory_space<vmem_shared>> -> memref<16xi32, #tpu.memory_space<vmem_shared>>
    %dma_wait3A_576 = tpu.memref_slice %arg11[%mul3A_398] : memref<16384xi32, #tpu.memory_space<vmem_shared>> -> memref<16xi32, #tpu.memory_space<vmem_shared>>
    %dma_wait3A_577 = arith.constant 144 : i32
    %dma_wait3A_578 = tpu.memref_slice %arg7[%dma_wait3A_577] : memref<256xi32, #tpu.memory_space<vmem>> -> memref<16xi32, #tpu.memory_space<vmem>>
    tpu.wait_dma2 semaphore(%arg13 : memref<!tpu.dma_semaphore, #tpu.memory_space<semaphore_mem>>) src(%dma_wait3A_578 : memref<16xi32, #tpu.memory_space<vmem>>) dst(%dma_wait3A_576 : memref<16xi32, #tpu.memory_space<vmem_shared>>)
    %dma_wait3A_579 = arith.constant 160 : i32
    %dma_wait3A_580 = tpu.memref_slice %arg7[%dma_wait3A_579] : memref<256xi32, #tpu.memory_space<vmem>> -> memref<16xi32, #tpu.memory_space<vmem>>
    %dma_wait3A_581 = tpu.memref_slice %arg11[%mul3A_402] : memref<16384xi32, #tpu.memory_space<vmem_shared>> -> memref<16xi32, #tpu.memory_space<vmem_shared>>
    %dma_wait3A_582 = tpu.memref_slice %arg11[%mul3A_402] : memref<16384xi32, #tpu.memory_space<vmem_shared>> -> memref<16xi32, #tpu.memory_space<vmem_shared>>
    %dma_wait3A_583 = arith.constant 160 : i32
    %dma_wait3A_584 = tpu.memref_slice %arg7[%dma_wait3A_583] : memref<256xi32, #tpu.memory_space<vmem>> -> memref<16xi32, #tpu.memory_space<vmem>>
    tpu.wait_dma2 semaphore(%arg13 : memref<!tpu.dma_semaphore, #tpu.memory_space<semaphore_mem>>) src(%dma_wait3A_584 : memref<16xi32, #tpu.memory_space<vmem>>) dst(%dma_wait3A_582 : memref<16xi32, #tpu.memory_space<vmem_shared>>)
    %dma_wait3A_585 = arith.constant 176 : i32
    %dma_wait3A_586 = tpu.memref_slice %arg7[%dma_wait3A_585] : memref<256xi32, #tpu.memory_space<vmem>> -> memref<16xi32, #tpu.memory_space<vmem>>
    %dma_wait3A_587 = tpu.memref_slice %arg11[%mul3A_406] : memref<16384xi32, #tpu.memory_space<vmem_shared>> -> memref<16xi32, #tpu.memory_space<vmem_shared>>
    %dma_wait3A_588 = tpu.memref_slice %arg11[%mul3A_406] : memref<16384xi32, #tpu.memory_space<vmem_shared>> -> memref<16xi32, #tpu.memory_space<vmem_shared>>
    %dma_wait3A_589 = arith.constant 176 : i32
    %dma_wait3A_590 = tpu.memref_slice %arg7[%dma_wait3A_589] : memref<256xi32, #tpu.memory_space<vmem>> -> memref<16xi32, #tpu.memory_space<vmem>>
    tpu.wait_dma2 semaphore(%arg13 : memref<!tpu.dma_semaphore, #tpu.memory_space<semaphore_mem>>) src(%dma_wait3A_590 : memref<16xi32, #tpu.memory_space<vmem>>) dst(%dma_wait3A_588 : memref<16xi32, #tpu.memory_space<vmem_shared>>)
    %dma_wait3A_591 = arith.constant 192 : i32
    %dma_wait3A_592 = tpu.memref_slice %arg7[%dma_wait3A_591] : memref<256xi32, #tpu.memory_space<vmem>> -> memref<16xi32, #tpu.memory_space<vmem>>
    %dma_wait3A_593 = tpu.memref_slice %arg11[%mul3A_410] : memref<16384xi32, #tpu.memory_space<vmem_shared>> -> memref<16xi32, #tpu.memory_space<vmem_shared>>
    %dma_wait3A_594 = tpu.memref_slice %arg11[%mul3A_410] : memref<16384xi32, #tpu.memory_space<vmem_shared>> -> memref<16xi32, #tpu.memory_space<vmem_shared>>
    %dma_wait3A_595 = arith.constant 192 : i32
    %dma_wait3A_596 = tpu.memref_slice %arg7[%dma_wait3A_595] : memref<256xi32, #tpu.memory_space<vmem>> -> memref<16xi32, #tpu.memory_space<vmem>>
    tpu.wait_dma2 semaphore(%arg13 : memref<!tpu.dma_semaphore, #tpu.memory_space<semaphore_mem>>) src(%dma_wait3A_596 : memref<16xi32, #tpu.memory_space<vmem>>) dst(%dma_wait3A_594 : memref<16xi32, #tpu.memory_space<vmem_shared>>)
    %dma_wait3A_597 = arith.constant 208 : i32
    %dma_wait3A_598 = tpu.memref_slice %arg7[%dma_wait3A_597] : memref<256xi32, #tpu.memory_space<vmem>> -> memref<16xi32, #tpu.memory_space<vmem>>
    %dma_wait3A_599 = tpu.memref_slice %arg11[%mul3A_414] : memref<16384xi32, #tpu.memory_space<vmem_shared>> -> memref<16xi32, #tpu.memory_space<vmem_shared>>
    %dma_wait3A_600 = tpu.memref_slice %arg11[%mul3A_414] : memref<16384xi32, #tpu.memory_space<vmem_shared>> -> memref<16xi32, #tpu.memory_space<vmem_shared>>
    %dma_wait3A_601 = arith.constant 208 : i32
    %dma_wait3A_602 = tpu.memref_slice %arg7[%dma_wait3A_601] : memref<256xi32, #tpu.memory_space<vmem>> -> memref<16xi32, #tpu.memory_space<vmem>>
    tpu.wait_dma2 semaphore(%arg13 : memref<!tpu.dma_semaphore, #tpu.memory_space<semaphore_mem>>) src(%dma_wait3A_602 : memref<16xi32, #tpu.memory_space<vmem>>) dst(%dma_wait3A_600 : memref<16xi32, #tpu.memory_space<vmem_shared>>)
    %dma_wait3A_603 = arith.constant 224 : i32
    %dma_wait3A_604 = tpu.memref_slice %arg7[%dma_wait3A_603] : memref<256xi32, #tpu.memory_space<vmem>> -> memref<16xi32, #tpu.memory_space<vmem>>
    %dma_wait3A_605 = tpu.memref_slice %arg11[%mul3A_418] : memref<16384xi32, #tpu.memory_space<vmem_shared>> -> memref<16xi32, #tpu.memory_space<vmem_shared>>
    %dma_wait3A_606 = tpu.memref_slice %arg11[%mul3A_418] : memref<16384xi32, #tpu.memory_space<vmem_shared>> -> memref<16xi32, #tpu.memory_space<vmem_shared>>
    %dma_wait3A_607 = arith.constant 224 : i32
    %dma_wait3A_608 = tpu.memref_slice %arg7[%dma_wait3A_607] : memref<256xi32, #tpu.memory_space<vmem>> -> memref<16xi32, #tpu.memory_space<vmem>>
    tpu.wait_dma2 semaphore(%arg13 : memref<!tpu.dma_semaphore, #tpu.memory_space<semaphore_mem>>) src(%dma_wait3A_608 : memref<16xi32, #tpu.memory_space<vmem>>) dst(%dma_wait3A_606 : memref<16xi32, #tpu.memory_space<vmem_shared>>)
    %dma_wait3A_609 = arith.constant 240 : i32
    %dma_wait3A_610 = tpu.memref_slice %arg7[%dma_wait3A_609] : memref<256xi32, #tpu.memory_space<vmem>> -> memref<16xi32, #tpu.memory_space<vmem>>
    %dma_wait3A_611 = tpu.memref_slice %arg11[%mul3A_422] : memref<16384xi32, #tpu.memory_space<vmem_shared>> -> memref<16xi32, #tpu.memory_space<vmem_shared>>
    %dma_wait3A_612 = tpu.memref_slice %arg11[%mul3A_422] : memref<16384xi32, #tpu.memory_space<vmem_shared>> -> memref<16xi32, #tpu.memory_space<vmem_shared>>
    %dma_wait3A_613 = arith.constant 240 : i32
    %dma_wait3A_614 = tpu.memref_slice %arg7[%dma_wait3A_613] : memref<256xi32, #tpu.memory_space<vmem>> -> memref<16xi32, #tpu.memory_space<vmem>>
    tpu.wait_dma2 semaphore(%arg13 : memref<!tpu.dma_semaphore, #tpu.memory_space<semaphore_mem>>) src(%dma_wait3A_614 : memref<16xi32, #tpu.memory_space<vmem>>) dst(%dma_wait3A_612 : memref<16xi32, #tpu.memory_space<vmem_shared>>)
    %barrier3A_615 = arith.constant 0 : index
    tpu.barrier barrier_id(%barrier3A_615)
    %add3A_616 = arith.constant 16 : i32
    %add3A_617 = arith.addi %add3A_616, %arg1 : i32
    %mul3A_618 = arith.constant 256 : i32
    %mul3A_619 = arith.muli %add3A_617, %mul3A_618 : i32
    "tpu.region"() ({
      %run_scoped3A = tpu.sem_alloc : memref<!tpu.dma_semaphore, #tpu.memory_space<semaphore_mem>>
      %dma_start3A_1433 = tpu.memref_slice %arg11[%mul3A_619] : memref<16384xi32, #tpu.memory_space<vmem_shared>> -> memref<256xi32, #tpu.memory_space<vmem_shared>>
      %dma_start3A_1434 = tpu.memref_slice %arg11[%mul3A_619] : memref<16384xi32, #tpu.memory_space<vmem_shared>> -> memref<256xi32, #tpu.memory_space<vmem_shared>>
      tpu.enqueue_dma source(%dma_start3A_1434 : memref<256xi32, #tpu.memory_space<vmem_shared>>) target(%arg9 : memref<256xi32, #tpu.memory_space<vmem>>) target_semaphore(%run_scoped3A : memref<!tpu.dma_semaphore, #tpu.memory_space<semaphore_mem>>)
      %dma_wait3A_1435 = tpu.memref_slice %arg11[%mul3A_619] : memref<16384xi32, #tpu.memory_space<vmem_shared>> -> memref<256xi32, #tpu.memory_space<vmem_shared>>
      %dma_wait3A_1436 = tpu.memref_slice %arg11[%mul3A_619] : memref<16384xi32, #tpu.memory_space<vmem_shared>> -> memref<256xi32, #tpu.memory_space<vmem_shared>>
      tpu.wait_dma2 semaphore(%run_scoped3A : memref<!tpu.dma_semaphore, #tpu.memory_space<semaphore_mem>>) src(%dma_wait3A_1436 : memref<256xi32, #tpu.memory_space<vmem_shared>>) dst(%arg9 : memref<256xi32, #tpu.memory_space<vmem>>)
      tpu.yield
    }) : () -> ()
    %get3A_620 = arith.constant 0 : index
    %get3A_621 = tpu.vector_load %arg9[%get3A_620] {strides = array<i32>} : memref<256xi32, #tpu.memory_space<vmem>>, vector<16xi32>,
    %add3A_622 = arith.addi %broadcast_in_dim3A_3, %get3A_621 : vector<16xi32>
    %get3A_623 = arith.constant 16 : index
    %get3A_624 = tpu.vector_load %arg9[%get3A_623] {strides = array<i32>} : memref<256xi32, #tpu.memory_space<vmem>>, vector<16xi32>,
    %add3A_625 = arith.addi %add3A_622, %get3A_624 : vector<16xi32>
    %get3A_626 = arith.constant 32 : index
    %get3A_627 = tpu.vector_load %arg9[%get3A_626] {strides = array<i32>} : memref<256xi32, #tpu.memory_space<vmem>>, vector<16xi32>,
    %add3A_628 = arith.addi %add3A_625, %get3A_627 : vector<16xi32>
    %get3A_629 = arith.constant 48 : index
    %get3A_630 = tpu.vector_load %arg9[%get3A_629] {strides = array<i32>} : memref<256xi32, #tpu.memory_space<vmem>>, vector<16xi32>,
    %add3A_631 = arith.addi %add3A_628, %get3A_630 : vector<16xi32>
    %get3A_632 = arith.constant 64 : index
    %get3A_633 = tpu.vector_load %arg9[%get3A_632] {strides = array<i32>} : memref<256xi32, #tpu.memory_space<vmem>>, vector<16xi32>,
    %add3A_634 = arith.addi %add3A_631, %get3A_633 : vector<16xi32>
    %get3A_635 = arith.constant 80 : index
    %get3A_636 = tpu.vector_load %arg9[%get3A_635] {strides = array<i32>} : memref<256xi32, #tpu.memory_space<vmem>>, vector<16xi32>,
    %add3A_637 = arith.addi %add3A_634, %get3A_636 : vector<16xi32>
    %get3A_638 = arith.constant 96 : index
    %get3A_639 = tpu.vector_load %arg9[%get3A_638] {strides = array<i32>} : memref<256xi32, #tpu.memory_space<vmem>>, vector<16xi32>,
    %add3A_640 = arith.addi %add3A_637, %get3A_639 : vector<16xi32>
    %get3A_641 = arith.constant 112 : index
    %get3A_642 = tpu.vector_load %arg9[%get3A_641] {strides = array<i32>} : memref<256xi32, #tpu.memory_space<vmem>>, vector<16xi32>,
    %add3A_643 = arith.addi %add3A_640, %get3A_642 : vector<16xi32>
    %get3A_644 = arith.constant 128 : index
    %get3A_645 = tpu.vector_load %arg9[%get3A_644] {strides = array<i32>} : memref<256xi32, #tpu.memory_space<vmem>>, vector<16xi32>,
    %add3A_646 = arith.addi %add3A_643, %get3A_645 : vector<16xi32>
    %get3A_647 = arith.constant 144 : index
    %get3A_648 = tpu.vector_load %arg9[%get3A_647] {strides = array<i32>} : memref<256xi32, #tpu.memory_space<vmem>>, vector<16xi32>,
    %add3A_649 = arith.addi %add3A_646, %get3A_648 : vector<16xi32>
    %get3A_650 = arith.constant 160 : index
    %get3A_651 = tpu.vector_load %arg9[%get3A_650] {strides = array<i32>} : memref<256xi32, #tpu.memory_space<vmem>>, vector<16xi32>,
    %add3A_652 = arith.addi %add3A_649, %get3A_651 : vector<16xi32>
    %get3A_653 = arith.constant 176 : index
    %get3A_654 = tpu.vector_load %arg9[%get3A_653] {strides = array<i32>} : memref<256xi32, #tpu.memory_space<vmem>>, vector<16xi32>,
    %add3A_655 = arith.addi %add3A_652, %get3A_654 : vector<16xi32>
    %get3A_656 = arith.constant 192 : index
    %get3A_657 = tpu.vector_load %arg9[%get3A_656] {strides = array<i32>} : memref<256xi32, #tpu.memory_space<vmem>>, vector<16xi32>,
    %add3A_658 = arith.addi %add3A_655, %get3A_657 : vector<16xi32>
    %get3A_659 = arith.constant 208 : index
    %get3A_660 = tpu.vector_load %arg9[%get3A_659] {strides = array<i32>} : memref<256xi32, #tpu.memory_space<vmem>>, vector<16xi32>,
    %add3A_661 = arith.addi %add3A_658, %get3A_660 : vector<16xi32>
    %get3A_662 = arith.constant 224 : index
    %get3A_663 = tpu.vector_load %arg9[%get3A_662] {strides = array<i32>} : memref<256xi32, #tpu.memory_space<vmem>>, vector<16xi32>,
    %add3A_664 = arith.addi %add3A_661, %get3A_663 : vector<16xi32>
    %get3A_665 = arith.constant 240 : index
    %get3A_666 = tpu.vector_load %arg9[%get3A_665] {strides = array<i32>} : memref<256xi32, #tpu.memory_space<vmem>>, vector<16xi32>,
    %add3A_667 = arith.addi %add3A_664, %get3A_666 : vector<16xi32>
    %swap3A_668 = arith.constant 0 : index
    %swap3A_669 = tpu.vector_load %arg8[%swap3A_668] {strides = array<i32>} : memref<16xi32, #tpu.memory_space<vmem>>, vector<16xi32>,
    tpu.vector_store %arg8[%swap3A_668], %add3A_667 {strides = array<i32>} : memref<16xi32, #tpu.memory_space<vmem>>, vector<16xi32>,
    %mul3A_670 = arith.constant 16 : i32
    %mul3A_671 = arith.muli %arg1, %mul3A_670 : i32
    %add3A_672 = arith.constant 256 : i32
    %add3A_673 = arith.addi %add3A_672, %mul3A_671 : i32
    "tpu.region"() ({
      %run_scoped3A = tpu.sem_alloc : memref<!tpu.dma_semaphore, #tpu.memory_space<semaphore_mem>>
      %dma_start3A_1433 = tpu.memref_slice %arg12[%add3A_673] : memref<1024xi32, #tpu.memory_space<vmem_shared>> -> memref<16xi32, #tpu.memory_space<vmem_shared>>
      %dma_start3A_1434 = tpu.memref_slice %arg12[%add3A_673] : memref<1024xi32, #tpu.memory_space<vmem_shared>> -> memref<16xi32, #tpu.memory_space<vmem_shared>>
      tpu.enqueue_dma source(%arg8 : memref<16xi32, #tpu.memory_space<vmem>>) target(%dma_start3A_1434 : memref<16xi32, #tpu.memory_space<vmem_shared>>) target_semaphore(%run_scoped3A : memref<!tpu.dma_semaphore, #tpu.memory_space<semaphore_mem>>)
      %dma_wait3A_1435 = tpu.memref_slice %arg12[%add3A_673] : memref<1024xi32, #tpu.memory_space<vmem_shared>> -> memref<16xi32, #tpu.memory_space<vmem_shared>>
      %dma_wait3A_1436 = tpu.memref_slice %arg12[%add3A_673] : memref<1024xi32, #tpu.memory_space<vmem_shared>> -> memref<16xi32, #tpu.memory_space<vmem_shared>>
      tpu.wait_dma2 semaphore(%run_scoped3A : memref<!tpu.dma_semaphore, #tpu.memory_space<semaphore_mem>>) src(%arg8 : memref<16xi32, #tpu.memory_space<vmem>>) dst(%dma_wait3A_1436 : memref<16xi32, #tpu.memory_space<vmem_shared>>)
      tpu.yield
    }) : () -> ()
    %barrier3A_674 = arith.constant 0 : index
    tpu.barrier barrier_id(%barrier3A_674)
    "tpu.region"() ({
      %run_scoped3A = tpu.sem_alloc : memref<!tpu.dma_semaphore, #tpu.memory_space<semaphore_mem>>
      %dma_start3A_1433 = arith.constant 256 : i32
      %dma_start3A_1434 = tpu.memref_slice %arg12[%dma_start3A_1433] : memref<1024xi32, #tpu.memory_space<vmem_shared>> -> memref<256xi32, #tpu.memory_space<vmem_shared>>
      %dma_start3A_1435 = arith.constant 256 : i32
      %dma_start3A_1436 = tpu.memref_slice %arg12[%dma_start3A_1435] : memref<1024xi32, #tpu.memory_space<vmem_shared>> -> memref<256xi32, #tpu.memory_space<vmem_shared>>
      tpu.enqueue_dma source(%dma_start3A_1436 : memref<256xi32, #tpu.memory_space<vmem_shared>>) target(%arg7 : memref<256xi32, #tpu.memory_space<vmem>>) target_semaphore(%run_scoped3A : memref<!tpu.dma_semaphore, #tpu.memory_space<semaphore_mem>>)
      %dma_wait3A_1437 = arith.constant 256 : i32
      %dma_wait3A_1438 = tpu.memref_slice %arg12[%dma_wait3A_1437] : memref<1024xi32, #tpu.memory_space<vmem_shared>> -> memref<256xi32, #tpu.memory_space<vmem_shared>>
      %dma_wait3A_1439 = arith.constant 256 : i32
      %dma_wait3A_1440 = tpu.memref_slice %arg12[%dma_wait3A_1439] : memref<1024xi32, #tpu.memory_space<vmem_shared>> -> memref<256xi32, #tpu.memory_space<vmem_shared>>
      tpu.wait_dma2 semaphore(%run_scoped3A : memref<!tpu.dma_semaphore, #tpu.memory_space<semaphore_mem>>) src(%dma_wait3A_1440 : memref<256xi32, #tpu.memory_space<vmem_shared>>) dst(%arg7 : memref<256xi32, #tpu.memory_space<vmem>>)
      tpu.yield
    }) : () -> ()
    %scan3A_675 = arith.constant 0 : i32
    %scan3A_676 = arith.constant 16 : i32
    %scan3A_677 = arith.addi %scan3A_675, %scan3A_676 : i32
    %scan3A_678 = arith.constant 1 : i32
    %scan3A_679:4 = scf.for %scan3A_1433 = %scan3A_675 to %scan3A_677 step %scan3A_678 iter_args(%scan3A_1434 = %broadcast_in_dim3A_3, %scan3A_1435 = %broadcast_in_dim3A_3, %scan3A_1436 = %scan3A_337#2, %scan3A_1437 = %broadcast_in_dim3A_3) -> (vector<16xi32>, vector<16xi32>, vector<16xi32>, vector<16xi32>)  : i32 {
      %sub3A_1438 = arith.constant 15 : i32
      %sub3A_1439 = arith.subi %sub3A_1438, %scan3A_1433 : i32
      %mul3A_1440 = arith.constant 16 : i32
      %mul3A_1441 = arith.muli %sub3A_1439, %mul3A_1440 : i32
      %get3A_1442 = arith.index_cast %mul3A_1441 : i32 to index
      %get3A_1443 = tpu.vector_load %arg7[%get3A_1442] {strides = array<i32>} : memref<256xi32, #tpu.memory_space<vmem>>, vector<16xi32>,
      %rev3A = arith.constant 15 : i32
      %rev3A_1444 = vector.broadcast %rev3A : i32 to vector<16xi32>
      %rev3A_1445 = tpu.iota {dimensions = array<i32: 0>} : vector<16xi32>
      %rev3A_1446 = arith.subi %rev3A_1444, %rev3A_1445 : vector<16xi32>
      %rev3A_1447 = tpu.dynamic_gather %get3A_1443[%rev3A_1446] in [0] : vector<16xi32>, vector<16xi32> -> vector<16xi32>
      %broadcast_in_dim3A_1448 = arith.constant true
      %broadcast_in_dim3A_1449 = vector.broadcast %broadcast_in_dim3A_1448 : i1 to vector<16xi1>
      %masked_cumsum3A_1450 = tpu.scan <sum>, %rev3A_1447 masked %broadcast_in_dim3A_1449 : vector<16xi32>, vector<16xi1> -> vector<16xi32>
      %rev3A_1451 = arith.constant 15 : i32
      %rev3A_1452 = vector.broadcast %rev3A_1451 : i32 to vector<16xi32>
      %rev3A_1453 = tpu.iota {dimensions = array<i32: 0>} : vector<16xi32>
      %rev3A_1454 = arith.subi %rev3A_1452, %rev3A_1453 : vector<16xi32>
      %rev3A_1455 = tpu.dynamic_gather %masked_cumsum3A_1450[%rev3A_1454] in [0] : vector<16xi32>, vector<16xi32> -> vector<16xi32>
      %add3A_1456 = arith.addi %rev3A_1455, %scan3A_1437 : vector<16xi32>
      %ge3A = arith.cmpi sge, %add3A_1456, %scan3A_337#2 : vector<16xi32>
      %all_reduce_population_count3A = tpu.all_reduce %ge3A {dim = 0 : i64, kind = #tpu.reduction_kind<sum>} : vector<16xi1> -> vector<16xi32>
      %sub3A_1457 = arith.constant 1 : i32
      %sub3A_1458 = vector.broadcast %sub3A_1457 : i32 to vector<16xi32>
      %sub3A_1459 = arith.subi %all_reduce_population_count3A, %sub3A_1458 : vector<16xi32>
      %eq3A_1460 = arith.cmpi eq, %iota3A, %sub3A_1459 : vector<16xi32>
      %jit3A_1461 = arith.constant 0 : i32
      %broadcast_in_dim3A_1462 = vector.broadcast %jit3A_1461 : i32 to vector<16xi32>
      %select_n3A_1463 = arith.select %eq3A_1460, %add3A_1456, %broadcast_in_dim3A_1462 : vector<16xi1>, vector<16xi32>
      %reduce_sum3A_1464 = arith.constant true
      %reduce_sum3A_1465 = vector.broadcast %reduce_sum3A_1464 : i1 to vector<16xi1>
      %reduce_sum3A_1466 = tpu.scan <sum>, %select_n3A_1463 masked %reduce_sum3A_1465 : vector<16xi32>, vector<16xi1> -> vector<16xi32>
      %reduce_sum3A_1467 = vector.extract %reduce_sum3A_1466[15] : i32 from vector<16xi32>
      %broadcast_in_dim3A_1468 = vector.broadcast %reduce_sum3A_1467 : i32 to vector<16xi32>
      %eq3A_1469 = arith.cmpi eq, %iota3A, %sub3A_1459 : vector<16xi32>
      %jit3A_1470 = arith.constant 0 : i32
      %broadcast_in_dim3A_1471 = vector.broadcast %jit3A_1470 : i32 to vector<16xi32>
      %select_n3A_1472 = arith.select %eq3A_1469, %get3A_1443, %broadcast_in_dim3A_1471 : vector<16xi1>, vector<16xi32>
      %reduce_sum3A_1473 = arith.constant true
      %reduce_sum3A_1474 = vector.broadcast %reduce_sum3A_1473 : i1 to vector<16xi1>
      %reduce_sum3A_1475 = tpu.scan <sum>, %select_n3A_1472 masked %reduce_sum3A_1474 : vector<16xi32>, vector<16xi1> -> vector<16xi32>
      %reduce_sum3A_1476 = vector.extract %reduce_sum3A_1475[15] : i32 from vector<16xi32>
      %broadcast_in_dim3A_1477 = vector.broadcast %reduce_sum3A_1476 : i32 to vector<16xi32>
      %eq3A_1478 = arith.constant 0 : i32
      %eq3A_1479 = vector.broadcast %eq3A_1478 : i32 to vector<16xi32>
      %eq3A_1480 = arith.cmpi eq, %scan3A_1434, %eq3A_1479 : vector<16xi32>
      %gt3A_1481 = arith.constant 0 : i32
      %gt3A_1482 = vector.broadcast %gt3A_1481 : i32 to vector<16xi32>
      %gt3A_1483 = arith.cmpi sgt, %all_reduce_population_count3A, %gt3A_1482 : vector<16xi32>
      %and3A_1484 = arith.andi %eq3A_1480, %gt3A_1483 : vector<16xi1>
      %jit3A_1485 = arith.constant 1 : i32
      %broadcast_in_dim3A_1486 = vector.broadcast %jit3A_1485 : i32 to vector<16xi32>
      %select_n3A_1487 = arith.select %and3A_1484, %broadcast_in_dim3A_1486, %scan3A_1434 : vector<16xi1>, vector<16xi32>
      %mul3A_1488 = arith.constant 16 : i32
      %mul3A_1489 = arith.muli %sub3A_1439, %mul3A_1488 : i32
      %add3A_1490 = vector.broadcast %mul3A_1489 : i32 to vector<16xi32>
      %add3A_1491 = arith.addi %add3A_1490, %sub3A_1459 : vector<16xi32>
      %select_n3A_1492 = arith.select %and3A_1484, %add3A_1491, %scan3A_1435 : vector<16xi1>, vector<16xi32>
      %sub3A_1493 = arith.subi %broadcast_in_dim3A_1468, %broadcast_in_dim3A_1477 : vector<16xi32>
      %sub3A_1494 = arith.subi %scan3A_337#2, %sub3A_1493 : vector<16xi32>
      %select_n3A_1495 = arith.select %and3A_1484, %sub3A_1494, %scan3A_1436 : vector<16xi1>, vector<16xi32>
      %eq3A_1496 = arith.cmpi eq, %iota3A, %broadcast_in_dim3A_3 : vector<16xi32>
      %jit3A_1497 = arith.constant 0 : i32
      %broadcast_in_dim3A_1498 = vector.broadcast %jit3A_1497 : i32 to vector<16xi32>
      %select_n3A_1499 = arith.select %eq3A_1496, %add3A_1456, %broadcast_in_dim3A_1498 : vector<16xi1>, vector<16xi32>
      %reduce_sum3A_1500 = arith.constant true
      %reduce_sum3A_1501 = vector.broadcast %reduce_sum3A_1500 : i1 to vector<16xi1>
      %reduce_sum3A_1502 = tpu.scan <sum>, %select_n3A_1499 masked %reduce_sum3A_1501 : vector<16xi32>, vector<16xi1> -> vector<16xi32>
      %reduce_sum3A_1503 = vector.extract %reduce_sum3A_1502[15] : i32 from vector<16xi32>
      %broadcast_in_dim3A_1504 = vector.broadcast %reduce_sum3A_1503 : i32 to vector<16xi32>
      scf.yield %select_n3A_1487, %select_n3A_1492, %select_n3A_1495, %broadcast_in_dim3A_1504 : vector<16xi32>, vector<16xi32>, vector<16xi32>, vector<16xi32>
    }
    %scan3A_680 = arith.constant 16 : i32
    %shift_left3A_681 = arith.constant 8 : i32
    %shift_left3A_682 = vector.broadcast %shift_left3A_681 : i32 to vector<16xi32>
    %shift_left3A_683 = arith.shli %or3A, %shift_left3A_682 : vector<16xi32>
    %or3A_684 = arith.ori %shift_left3A_683, %scan3A_679#1 : vector<16xi32>
    %scan3A_685 = arith.constant 0 : i32
    %scan3A_686 = arith.constant 0 : i32
    %scan3A_687 = arith.constant 32 : i32
    %scan3A_688 = arith.addi %scan3A_686, %scan3A_687 : i32
    %scan3A_689 = arith.constant 1 : i32
    scf.for %scan3A_1433 = %scan3A_686 to %scan3A_688 step %scan3A_689  : i32 {
      %mul3A_1434 = arith.constant 8 : i32
      %mul3A_1435 = arith.muli %scan3A_1433, %mul3A_1434 : i32
      %add3A_1436 = arith.constant 0 : i32
      %add3A_1437 = arith.addi %mul3A_1435, %add3A_1436 : i32
      %mul3A_1438 = arith.constant 16 : i32
      %mul3A_1439 = arith.muli %add3A_1437, %mul3A_1438 : i32
      %swap3A_1440 = arith.index_cast %mul3A_1439 : i32 to index
      %swap3A_1441 = tpu.vector_load %arg6[%swap3A_1440] {strides = array<i32>} : memref<4096xi32, #tpu.memory_space<vmem>>, vector<16xi32>,
      tpu.vector_store %arg6[%swap3A_1440], %broadcast_in_dim3A_3 {strides = array<i32>} : memref<4096xi32, #tpu.memory_space<vmem>>, vector<16xi32>,
      %mul3A_1442 = arith.constant 8 : i32
      %mul3A_1443 = arith.muli %scan3A_1433, %mul3A_1442 : i32
      %add3A_1444 = arith.constant 1 : i32
      %add3A_1445 = arith.addi %mul3A_1443, %add3A_1444 : i32
      %mul3A_1446 = arith.constant 16 : i32
      %mul3A_1447 = arith.muli %add3A_1445, %mul3A_1446 : i32
      %swap3A_1448 = arith.index_cast %mul3A_1447 : i32 to index
      %swap3A_1449 = tpu.vector_load %arg6[%swap3A_1448] {strides = array<i32>} : memref<4096xi32, #tpu.memory_space<vmem>>, vector<16xi32>,
      tpu.vector_store %arg6[%swap3A_1448], %broadcast_in_dim3A_3 {strides = array<i32>} : memref<4096xi32, #tpu.memory_space<vmem>>, vector<16xi32>,
      %mul3A_1450 = arith.constant 8 : i32
      %mul3A_1451 = arith.muli %scan3A_1433, %mul3A_1450 : i32
      %add3A_1452 = arith.constant 2 : i32
      %add3A_1453 = arith.addi %mul3A_1451, %add3A_1452 : i32
      %mul3A_1454 = arith.constant 16 : i32
      %mul3A_1455 = arith.muli %add3A_1453, %mul3A_1454 : i32
      %swap3A_1456 = arith.index_cast %mul3A_1455 : i32 to index
      %swap3A_1457 = tpu.vector_load %arg6[%swap3A_1456] {strides = array<i32>} : memref<4096xi32, #tpu.memory_space<vmem>>, vector<16xi32>,
      tpu.vector_store %arg6[%swap3A_1456], %broadcast_in_dim3A_3 {strides = array<i32>} : memref<4096xi32, #tpu.memory_space<vmem>>, vector<16xi32>,
      %mul3A_1458 = arith.constant 8 : i32
      %mul3A_1459 = arith.muli %scan3A_1433, %mul3A_1458 : i32
      %add3A_1460 = arith.constant 3 : i32
      %add3A_1461 = arith.addi %mul3A_1459, %add3A_1460 : i32
      %mul3A_1462 = arith.constant 16 : i32
      %mul3A_1463 = arith.muli %add3A_1461, %mul3A_1462 : i32
      %swap3A_1464 = arith.index_cast %mul3A_1463 : i32 to index
      %swap3A_1465 = tpu.vector_load %arg6[%swap3A_1464] {strides = array<i32>} : memref<4096xi32, #tpu.memory_space<vmem>>, vector<16xi32>,
      tpu.vector_store %arg6[%swap3A_1464], %broadcast_in_dim3A_3 {strides = array<i32>} : memref<4096xi32, #tpu.memory_space<vmem>>, vector<16xi32>,
      %mul3A_1466 = arith.constant 8 : i32
      %mul3A_1467 = arith.muli %scan3A_1433, %mul3A_1466 : i32
      %add3A_1468 = arith.constant 4 : i32
      %add3A_1469 = arith.addi %mul3A_1467, %add3A_1468 : i32
      %mul3A_1470 = arith.constant 16 : i32
      %mul3A_1471 = arith.muli %add3A_1469, %mul3A_1470 : i32
      %swap3A_1472 = arith.index_cast %mul3A_1471 : i32 to index
      %swap3A_1473 = tpu.vector_load %arg6[%swap3A_1472] {strides = array<i32>} : memref<4096xi32, #tpu.memory_space<vmem>>, vector<16xi32>,
      tpu.vector_store %arg6[%swap3A_1472], %broadcast_in_dim3A_3 {strides = array<i32>} : memref<4096xi32, #tpu.memory_space<vmem>>, vector<16xi32>,
      %mul3A_1474 = arith.constant 8 : i32
      %mul3A_1475 = arith.muli %scan3A_1433, %mul3A_1474 : i32
      %add3A_1476 = arith.constant 5 : i32
      %add3A_1477 = arith.addi %mul3A_1475, %add3A_1476 : i32
      %mul3A_1478 = arith.constant 16 : i32
      %mul3A_1479 = arith.muli %add3A_1477, %mul3A_1478 : i32
      %swap3A_1480 = arith.index_cast %mul3A_1479 : i32 to index
      %swap3A_1481 = tpu.vector_load %arg6[%swap3A_1480] {strides = array<i32>} : memref<4096xi32, #tpu.memory_space<vmem>>, vector<16xi32>,
      tpu.vector_store %arg6[%swap3A_1480], %broadcast_in_dim3A_3 {strides = array<i32>} : memref<4096xi32, #tpu.memory_space<vmem>>, vector<16xi32>,
      %mul3A_1482 = arith.constant 8 : i32
      %mul3A_1483 = arith.muli %scan3A_1433, %mul3A_1482 : i32
      %add3A_1484 = arith.constant 6 : i32
      %add3A_1485 = arith.addi %mul3A_1483, %add3A_1484 : i32
      %mul3A_1486 = arith.constant 16 : i32
      %mul3A_1487 = arith.muli %add3A_1485, %mul3A_1486 : i32
      %swap3A_1488 = arith.index_cast %mul3A_1487 : i32 to index
      %swap3A_1489 = tpu.vector_load %arg6[%swap3A_1488] {strides = array<i32>} : memref<4096xi32, #tpu.memory_space<vmem>>, vector<16xi32>,
      tpu.vector_store %arg6[%swap3A_1488], %broadcast_in_dim3A_3 {strides = array<i32>} : memref<4096xi32, #tpu.memory_space<vmem>>, vector<16xi32>,
      %mul3A_1490 = arith.constant 8 : i32
      %mul3A_1491 = arith.muli %scan3A_1433, %mul3A_1490 : i32
      %add3A_1492 = arith.constant 7 : i32
      %add3A_1493 = arith.addi %mul3A_1491, %add3A_1492 : i32
      %mul3A_1494 = arith.constant 16 : i32
      %mul3A_1495 = arith.muli %add3A_1493, %mul3A_1494 : i32
      %swap3A_1496 = arith.index_cast %mul3A_1495 : i32 to index
      %swap3A_1497 = tpu.vector_load %arg6[%swap3A_1496] {strides = array<i32>} : memref<4096xi32, #tpu.memory_space<vmem>>, vector<16xi32>,
      tpu.vector_store %arg6[%swap3A_1496], %broadcast_in_dim3A_3 {strides = array<i32>} : memref<4096xi32, #tpu.memory_space<vmem>>, vector<16xi32>,
    }
    %scan3A_690 = arith.constant 32 : i32
    %scan3A_691 = arith.constant 0 : i32
    %scan3A_692 = arith.constant 0 : i32
    %scan3A_693 = arith.constant 16 : i32
    %scan3A_694 = arith.addi %scan3A_692, %scan3A_693 : i32
    %scan3A_695 = arith.constant 1 : i32
    scf.for %scan3A_1433 = %scan3A_692 to %scan3A_694 step %scan3A_695  : i32 {
      %mul3A_1434 = arith.constant 8 : i32
      %mul3A_1435 = arith.muli %scan3A_1433, %mul3A_1434 : i32
      %add3A_1436 = arith.constant 0 : i32
      %add3A_1437 = arith.addi %mul3A_1435, %add3A_1436 : i32
      %mul3A_1438 = arith.constant 16 : i32
      %mul3A_1439 = arith.muli %add3A_1437, %mul3A_1438 : i32
      %get3A_1440 = arith.index_cast %mul3A_1439 : i32 to index
      %get3A_1441 = tpu.vector_load %arg5[%get3A_1440] {strides = array<i32>} : memref<2048xi32, #tpu.memory_space<vmem>>, vector<16xi32>,
      %bitcast_convert_type3A = tpu.bitcast %get3A_1441 : vector<16xi32> -> vector<16xi32>
      %xor3A_1442 = arith.constant -2147483648 : i32
      %xor3A_1443 = vector.broadcast %xor3A_1442 : i32 to vector<16xi32>
      %xor3A_1444 = arith.xori %bitcast_convert_type3A, %xor3A_1443 : vector<16xi32>
      %shift_right_logical3A = arith.constant 8 : i32
      %shift_right_logical3A_1445 = vector.broadcast %shift_right_logical3A : i32 to vector<16xi32>
      %shift_right_logical3A_1446 = arith.shrui %xor3A_1444, %shift_right_logical3A_1445 : vector<16xi32>
      %and3A_1447 = arith.constant 255 : i32
      %and3A_1448 = vector.broadcast %and3A_1447 : i32 to vector<16xi32>
      %and3A_1449 = arith.andi %shift_right_logical3A_1446, %and3A_1448 : vector<16xi32>
      %mul3A_1450 = arith.constant 256 : i32
      %mul3A_1451 = vector.broadcast %mul3A_1450 : i32 to vector<16xi32>
      %mul3A_1452 = arith.muli %iota3A, %mul3A_1451 : vector<16xi32>
      %add3A_1453 = arith.addi %mul3A_1452, %and3A_1449 : vector<16xi32>
      %shift_right_logical3A_1454 = arith.constant 16 : i32
      %shift_right_logical3A_1455 = vector.broadcast %shift_right_logical3A_1454 : i32 to vector<16xi32>
      %shift_right_logical3A_1456 = arith.shrui %xor3A_1444, %shift_right_logical3A_1455 : vector<16xi32>
      %eq3A_1457 = arith.cmpi eq, %shift_right_logical3A_1456, %or3A_684 : vector<16xi32>
      tpu.vector_store_idx %arg6[%add3A_1453], %broadcast_in_dim3A_1 masked %eq3A_1457 {add = true} : memref<4096xi32, #tpu.memory_space<vmem>>[vector<16xi32>], vector<16xi32>, vector<16xi1>
      %mul3A_1458 = arith.constant 8 : i32
      %mul3A_1459 = arith.muli %scan3A_1433, %mul3A_1458 : i32
      %add3A_1460 = arith.constant 1 : i32
      %add3A_1461 = arith.addi %mul3A_1459, %add3A_1460 : i32
      %mul3A_1462 = arith.constant 16 : i32
      %mul3A_1463 = arith.muli %add3A_1461, %mul3A_1462 : i32
      %get3A_1464 = arith.index_cast %mul3A_1463 : i32 to index
      %get3A_1465 = tpu.vector_load %arg5[%get3A_1464] {strides = array<i32>} : memref<2048xi32, #tpu.memory_space<vmem>>, vector<16xi32>,
      %bitcast_convert_type3A_1466 = tpu.bitcast %get3A_1465 : vector<16xi32> -> vector<16xi32>
      %xor3A_1467 = arith.constant -2147483648 : i32
      %xor3A_1468 = vector.broadcast %xor3A_1467 : i32 to vector<16xi32>
      %xor3A_1469 = arith.xori %bitcast_convert_type3A_1466, %xor3A_1468 : vector<16xi32>
      %shift_right_logical3A_1470 = arith.constant 8 : i32
      %shift_right_logical3A_1471 = vector.broadcast %shift_right_logical3A_1470 : i32 to vector<16xi32>
      %shift_right_logical3A_1472 = arith.shrui %xor3A_1469, %shift_right_logical3A_1471 : vector<16xi32>
      %and3A_1473 = arith.constant 255 : i32
      %and3A_1474 = vector.broadcast %and3A_1473 : i32 to vector<16xi32>
      %and3A_1475 = arith.andi %shift_right_logical3A_1472, %and3A_1474 : vector<16xi32>
      %mul3A_1476 = arith.constant 256 : i32
      %mul3A_1477 = vector.broadcast %mul3A_1476 : i32 to vector<16xi32>
      %mul3A_1478 = arith.muli %iota3A, %mul3A_1477 : vector<16xi32>
      %add3A_1479 = arith.addi %mul3A_1478, %and3A_1475 : vector<16xi32>
      %shift_right_logical3A_1480 = arith.constant 16 : i32
      %shift_right_logical3A_1481 = vector.broadcast %shift_right_logical3A_1480 : i32 to vector<16xi32>
      %shift_right_logical3A_1482 = arith.shrui %xor3A_1469, %shift_right_logical3A_1481 : vector<16xi32>
      %eq3A_1483 = arith.cmpi eq, %shift_right_logical3A_1482, %or3A_684 : vector<16xi32>
      tpu.vector_store_idx %arg6[%add3A_1479], %broadcast_in_dim3A_1 masked %eq3A_1483 {add = true} : memref<4096xi32, #tpu.memory_space<vmem>>[vector<16xi32>], vector<16xi32>, vector<16xi1>
      %mul3A_1484 = arith.constant 8 : i32
      %mul3A_1485 = arith.muli %scan3A_1433, %mul3A_1484 : i32
      %add3A_1486 = arith.constant 2 : i32
      %add3A_1487 = arith.addi %mul3A_1485, %add3A_1486 : i32
      %mul3A_1488 = arith.constant 16 : i32
      %mul3A_1489 = arith.muli %add3A_1487, %mul3A_1488 : i32
      %get3A_1490 = arith.index_cast %mul3A_1489 : i32 to index
      %get3A_1491 = tpu.vector_load %arg5[%get3A_1490] {strides = array<i32>} : memref<2048xi32, #tpu.memory_space<vmem>>, vector<16xi32>,
      %bitcast_convert_type3A_1492 = tpu.bitcast %get3A_1491 : vector<16xi32> -> vector<16xi32>
      %xor3A_1493 = arith.constant -2147483648 : i32
      %xor3A_1494 = vector.broadcast %xor3A_1493 : i32 to vector<16xi32>
      %xor3A_1495 = arith.xori %bitcast_convert_type3A_1492, %xor3A_1494 : vector<16xi32>
      %shift_right_logical3A_1496 = arith.constant 8 : i32
      %shift_right_logical3A_1497 = vector.broadcast %shift_right_logical3A_1496 : i32 to vector<16xi32>
      %shift_right_logical3A_1498 = arith.shrui %xor3A_1495, %shift_right_logical3A_1497 : vector<16xi32>
      %and3A_1499 = arith.constant 255 : i32
      %and3A_1500 = vector.broadcast %and3A_1499 : i32 to vector<16xi32>
      %and3A_1501 = arith.andi %shift_right_logical3A_1498, %and3A_1500 : vector<16xi32>
      %mul3A_1502 = arith.constant 256 : i32
      %mul3A_1503 = vector.broadcast %mul3A_1502 : i32 to vector<16xi32>
      %mul3A_1504 = arith.muli %iota3A, %mul3A_1503 : vector<16xi32>
      %add3A_1505 = arith.addi %mul3A_1504, %and3A_1501 : vector<16xi32>
      %shift_right_logical3A_1506 = arith.constant 16 : i32
      %shift_right_logical3A_1507 = vector.broadcast %shift_right_logical3A_1506 : i32 to vector<16xi32>
      %shift_right_logical3A_1508 = arith.shrui %xor3A_1495, %shift_right_logical3A_1507 : vector<16xi32>
      %eq3A_1509 = arith.cmpi eq, %shift_right_logical3A_1508, %or3A_684 : vector<16xi32>
      tpu.vector_store_idx %arg6[%add3A_1505], %broadcast_in_dim3A_1 masked %eq3A_1509 {add = true} : memref<4096xi32, #tpu.memory_space<vmem>>[vector<16xi32>], vector<16xi32>, vector<16xi1>
      %mul3A_1510 = arith.constant 8 : i32
      %mul3A_1511 = arith.muli %scan3A_1433, %mul3A_1510 : i32
      %add3A_1512 = arith.constant 3 : i32
      %add3A_1513 = arith.addi %mul3A_1511, %add3A_1512 : i32
      %mul3A_1514 = arith.constant 16 : i32
      %mul3A_1515 = arith.muli %add3A_1513, %mul3A_1514 : i32
      %get3A_1516 = arith.index_cast %mul3A_1515 : i32 to index
      %get3A_1517 = tpu.vector_load %arg5[%get3A_1516] {strides = array<i32>} : memref<2048xi32, #tpu.memory_space<vmem>>, vector<16xi32>,
      %bitcast_convert_type3A_1518 = tpu.bitcast %get3A_1517 : vector<16xi32> -> vector<16xi32>
      %xor3A_1519 = arith.constant -2147483648 : i32
      %xor3A_1520 = vector.broadcast %xor3A_1519 : i32 to vector<16xi32>
      %xor3A_1521 = arith.xori %bitcast_convert_type3A_1518, %xor3A_1520 : vector<16xi32>
      %shift_right_logical3A_1522 = arith.constant 8 : i32
      %shift_right_logical3A_1523 = vector.broadcast %shift_right_logical3A_1522 : i32 to vector<16xi32>
      %shift_right_logical3A_1524 = arith.shrui %xor3A_1521, %shift_right_logical3A_1523 : vector<16xi32>
      %and3A_1525 = arith.constant 255 : i32
      %and3A_1526 = vector.broadcast %and3A_1525 : i32 to vector<16xi32>
      %and3A_1527 = arith.andi %shift_right_logical3A_1524, %and3A_1526 : vector<16xi32>
      %mul3A_1528 = arith.constant 256 : i32
      %mul3A_1529 = vector.broadcast %mul3A_1528 : i32 to vector<16xi32>
      %mul3A_1530 = arith.muli %iota3A, %mul3A_1529 : vector<16xi32>
      %add3A_1531 = arith.addi %mul3A_1530, %and3A_1527 : vector<16xi32>
      %shift_right_logical3A_1532 = arith.constant 16 : i32
      %shift_right_logical3A_1533 = vector.broadcast %shift_right_logical3A_1532 : i32 to vector<16xi32>
      %shift_right_logical3A_1534 = arith.shrui %xor3A_1521, %shift_right_logical3A_1533 : vector<16xi32>
      %eq3A_1535 = arith.cmpi eq, %shift_right_logical3A_1534, %or3A_684 : vector<16xi32>
      tpu.vector_store_idx %arg6[%add3A_1531], %broadcast_in_dim3A_1 masked %eq3A_1535 {add = true} : memref<4096xi32, #tpu.memory_space<vmem>>[vector<16xi32>], vector<16xi32>, vector<16xi1>
      %mul3A_1536 = arith.constant 8 : i32
      %mul3A_1537 = arith.muli %scan3A_1433, %mul3A_1536 : i32
      %add3A_1538 = arith.constant 4 : i32
      %add3A_1539 = arith.addi %mul3A_1537, %add3A_1538 : i32
      %mul3A_1540 = arith.constant 16 : i32
      %mul3A_1541 = arith.muli %add3A_1539, %mul3A_1540 : i32
      %get3A_1542 = arith.index_cast %mul3A_1541 : i32 to index
      %get3A_1543 = tpu.vector_load %arg5[%get3A_1542] {strides = array<i32>} : memref<2048xi32, #tpu.memory_space<vmem>>, vector<16xi32>,
      %bitcast_convert_type3A_1544 = tpu.bitcast %get3A_1543 : vector<16xi32> -> vector<16xi32>
      %xor3A_1545 = arith.constant -2147483648 : i32
      %xor3A_1546 = vector.broadcast %xor3A_1545 : i32 to vector<16xi32>
      %xor3A_1547 = arith.xori %bitcast_convert_type3A_1544, %xor3A_1546 : vector<16xi32>
      %shift_right_logical3A_1548 = arith.constant 8 : i32
      %shift_right_logical3A_1549 = vector.broadcast %shift_right_logical3A_1548 : i32 to vector<16xi32>
      %shift_right_logical3A_1550 = arith.shrui %xor3A_1547, %shift_right_logical3A_1549 : vector<16xi32>
      %and3A_1551 = arith.constant 255 : i32
      %and3A_1552 = vector.broadcast %and3A_1551 : i32 to vector<16xi32>
      %and3A_1553 = arith.andi %shift_right_logical3A_1550, %and3A_1552 : vector<16xi32>
      %mul3A_1554 = arith.constant 256 : i32
      %mul3A_1555 = vector.broadcast %mul3A_1554 : i32 to vector<16xi32>
      %mul3A_1556 = arith.muli %iota3A, %mul3A_1555 : vector<16xi32>
      %add3A_1557 = arith.addi %mul3A_1556, %and3A_1553 : vector<16xi32>
      %shift_right_logical3A_1558 = arith.constant 16 : i32
      %shift_right_logical3A_1559 = vector.broadcast %shift_right_logical3A_1558 : i32 to vector<16xi32>
      %shift_right_logical3A_1560 = arith.shrui %xor3A_1547, %shift_right_logical3A_1559 : vector<16xi32>
      %eq3A_1561 = arith.cmpi eq, %shift_right_logical3A_1560, %or3A_684 : vector<16xi32>
      tpu.vector_store_idx %arg6[%add3A_1557], %broadcast_in_dim3A_1 masked %eq3A_1561 {add = true} : memref<4096xi32, #tpu.memory_space<vmem>>[vector<16xi32>], vector<16xi32>, vector<16xi1>
      %mul3A_1562 = arith.constant 8 : i32
      %mul3A_1563 = arith.muli %scan3A_1433, %mul3A_1562 : i32
      %add3A_1564 = arith.constant 5 : i32
      %add3A_1565 = arith.addi %mul3A_1563, %add3A_1564 : i32
      %mul3A_1566 = arith.constant 16 : i32
      %mul3A_1567 = arith.muli %add3A_1565, %mul3A_1566 : i32
      %get3A_1568 = arith.index_cast %mul3A_1567 : i32 to index
      %get3A_1569 = tpu.vector_load %arg5[%get3A_1568] {strides = array<i32>} : memref<2048xi32, #tpu.memory_space<vmem>>, vector<16xi32>,
      %bitcast_convert_type3A_1570 = tpu.bitcast %get3A_1569 : vector<16xi32> -> vector<16xi32>
      %xor3A_1571 = arith.constant -2147483648 : i32
      %xor3A_1572 = vector.broadcast %xor3A_1571 : i32 to vector<16xi32>
      %xor3A_1573 = arith.xori %bitcast_convert_type3A_1570, %xor3A_1572 : vector<16xi32>
      %shift_right_logical3A_1574 = arith.constant 8 : i32
      %shift_right_logical3A_1575 = vector.broadcast %shift_right_logical3A_1574 : i32 to vector<16xi32>
      %shift_right_logical3A_1576 = arith.shrui %xor3A_1573, %shift_right_logical3A_1575 : vector<16xi32>
      %and3A_1577 = arith.constant 255 : i32
      %and3A_1578 = vector.broadcast %and3A_1577 : i32 to vector<16xi32>
      %and3A_1579 = arith.andi %shift_right_logical3A_1576, %and3A_1578 : vector<16xi32>
      %mul3A_1580 = arith.constant 256 : i32
      %mul3A_1581 = vector.broadcast %mul3A_1580 : i32 to vector<16xi32>
      %mul3A_1582 = arith.muli %iota3A, %mul3A_1581 : vector<16xi32>
      %add3A_1583 = arith.addi %mul3A_1582, %and3A_1579 : vector<16xi32>
      %shift_right_logical3A_1584 = arith.constant 16 : i32
      %shift_right_logical3A_1585 = vector.broadcast %shift_right_logical3A_1584 : i32 to vector<16xi32>
      %shift_right_logical3A_1586 = arith.shrui %xor3A_1573, %shift_right_logical3A_1585 : vector<16xi32>
      %eq3A_1587 = arith.cmpi eq, %shift_right_logical3A_1586, %or3A_684 : vector<16xi32>
      tpu.vector_store_idx %arg6[%add3A_1583], %broadcast_in_dim3A_1 masked %eq3A_1587 {add = true} : memref<4096xi32, #tpu.memory_space<vmem>>[vector<16xi32>], vector<16xi32>, vector<16xi1>
      %mul3A_1588 = arith.constant 8 : i32
      %mul3A_1589 = arith.muli %scan3A_1433, %mul3A_1588 : i32
      %add3A_1590 = arith.constant 6 : i32
      %add3A_1591 = arith.addi %mul3A_1589, %add3A_1590 : i32
      %mul3A_1592 = arith.constant 16 : i32
      %mul3A_1593 = arith.muli %add3A_1591, %mul3A_1592 : i32
      %get3A_1594 = arith.index_cast %mul3A_1593 : i32 to index
      %get3A_1595 = tpu.vector_load %arg5[%get3A_1594] {strides = array<i32>} : memref<2048xi32, #tpu.memory_space<vmem>>, vector<16xi32>,
      %bitcast_convert_type3A_1596 = tpu.bitcast %get3A_1595 : vector<16xi32> -> vector<16xi32>
      %xor3A_1597 = arith.constant -2147483648 : i32
      %xor3A_1598 = vector.broadcast %xor3A_1597 : i32 to vector<16xi32>
      %xor3A_1599 = arith.xori %bitcast_convert_type3A_1596, %xor3A_1598 : vector<16xi32>
      %shift_right_logical3A_1600 = arith.constant 8 : i32
      %shift_right_logical3A_1601 = vector.broadcast %shift_right_logical3A_1600 : i32 to vector<16xi32>
      %shift_right_logical3A_1602 = arith.shrui %xor3A_1599, %shift_right_logical3A_1601 : vector<16xi32>
      %and3A_1603 = arith.constant 255 : i32
      %and3A_1604 = vector.broadcast %and3A_1603 : i32 to vector<16xi32>
      %and3A_1605 = arith.andi %shift_right_logical3A_1602, %and3A_1604 : vector<16xi32>
      %mul3A_1606 = arith.constant 256 : i32
      %mul3A_1607 = vector.broadcast %mul3A_1606 : i32 to vector<16xi32>
      %mul3A_1608 = arith.muli %iota3A, %mul3A_1607 : vector<16xi32>
      %add3A_1609 = arith.addi %mul3A_1608, %and3A_1605 : vector<16xi32>
      %shift_right_logical3A_1610 = arith.constant 16 : i32
      %shift_right_logical3A_1611 = vector.broadcast %shift_right_logical3A_1610 : i32 to vector<16xi32>
      %shift_right_logical3A_1612 = arith.shrui %xor3A_1599, %shift_right_logical3A_1611 : vector<16xi32>
      %eq3A_1613 = arith.cmpi eq, %shift_right_logical3A_1612, %or3A_684 : vector<16xi32>
      tpu.vector_store_idx %arg6[%add3A_1609], %broadcast_in_dim3A_1 masked %eq3A_1613 {add = true} : memref<4096xi32, #tpu.memory_space<vmem>>[vector<16xi32>], vector<16xi32>, vector<16xi1>
      %mul3A_1614 = arith.constant 8 : i32
      %mul3A_1615 = arith.muli %scan3A_1433, %mul3A_1614 : i32
      %add3A_1616 = arith.constant 7 : i32
      %add3A_1617 = arith.addi %mul3A_1615, %add3A_1616 : i32
      %mul3A_1618 = arith.constant 16 : i32
      %mul3A_1619 = arith.muli %add3A_1617, %mul3A_1618 : i32
      %get3A_1620 = arith.index_cast %mul3A_1619 : i32 to index
      %get3A_1621 = tpu.vector_load %arg5[%get3A_1620] {strides = array<i32>} : memref<2048xi32, #tpu.memory_space<vmem>>, vector<16xi32>,
      %bitcast_convert_type3A_1622 = tpu.bitcast %get3A_1621 : vector<16xi32> -> vector<16xi32>
      %xor3A_1623 = arith.constant -2147483648 : i32
      %xor3A_1624 = vector.broadcast %xor3A_1623 : i32 to vector<16xi32>
      %xor3A_1625 = arith.xori %bitcast_convert_type3A_1622, %xor3A_1624 : vector<16xi32>
      %shift_right_logical3A_1626 = arith.constant 8 : i32
      %shift_right_logical3A_1627 = vector.broadcast %shift_right_logical3A_1626 : i32 to vector<16xi32>
      %shift_right_logical3A_1628 = arith.shrui %xor3A_1625, %shift_right_logical3A_1627 : vector<16xi32>
      %and3A_1629 = arith.constant 255 : i32
      %and3A_1630 = vector.broadcast %and3A_1629 : i32 to vector<16xi32>
      %and3A_1631 = arith.andi %shift_right_logical3A_1628, %and3A_1630 : vector<16xi32>
      %mul3A_1632 = arith.constant 256 : i32
      %mul3A_1633 = vector.broadcast %mul3A_1632 : i32 to vector<16xi32>
      %mul3A_1634 = arith.muli %iota3A, %mul3A_1633 : vector<16xi32>
      %add3A_1635 = arith.addi %mul3A_1634, %and3A_1631 : vector<16xi32>
      %shift_right_logical3A_1636 = arith.constant 16 : i32
      %shift_right_logical3A_1637 = vector.broadcast %shift_right_logical3A_1636 : i32 to vector<16xi32>
      %shift_right_logical3A_1638 = arith.shrui %xor3A_1625, %shift_right_logical3A_1637 : vector<16xi32>
      %eq3A_1639 = arith.cmpi eq, %shift_right_logical3A_1638, %or3A_684 : vector<16xi32>
      tpu.vector_store_idx %arg6[%add3A_1635], %broadcast_in_dim3A_1 masked %eq3A_1639 {add = true} : memref<4096xi32, #tpu.memory_space<vmem>>[vector<16xi32>], vector<16xi32>, vector<16xi1>
    }
    %scan3A_696 = arith.constant 16 : i32
    %scan3A_697 = arith.constant 0 : i32
    %scan3A_698 = arith.constant 0 : i32
    %scan3A_699 = arith.constant 16 : i32
    %scan3A_700 = arith.addi %scan3A_698, %scan3A_699 : i32
    %scan3A_701 = arith.constant 1 : i32
    scf.for %scan3A_1433 = %scan3A_698 to %scan3A_700 step %scan3A_701  : i32 {
      %mul3A_1434 = arith.constant 16 : i32
      %mul3A_1435 = arith.muli %scan3A_1433, %mul3A_1434 : i32
      %add3A_1436 = arith.constant 0 : i32
      %add3A_1437 = arith.addi %add3A_1436, %mul3A_1435 : i32
      %get3A_1438 = arith.index_cast %add3A_1437 : i32 to index
      %get3A_1439 = tpu.vector_load %arg6[%get3A_1438] {strides = array<i32>} : memref<4096xi32, #tpu.memory_space<vmem>>, vector<16xi32>,
      %add3A_1440 = arith.addi %broadcast_in_dim3A_3, %get3A_1439 : vector<16xi32>
      %mul3A_1441 = arith.constant 16 : i32
      %mul3A_1442 = arith.muli %scan3A_1433, %mul3A_1441 : i32
      %add3A_1443 = arith.constant 256 : i32
      %add3A_1444 = arith.addi %add3A_1443, %mul3A_1442 : i32
      %get3A_1445 = arith.index_cast %add3A_1444 : i32 to index
      %get3A_1446 = tpu.vector_load %arg6[%get3A_1445] {strides = array<i32>} : memref<4096xi32, #tpu.memory_space<vmem>>, vector<16xi32>,
      %add3A_1447 = arith.addi %add3A_1440, %get3A_1446 : vector<16xi32>
      %mul3A_1448 = arith.constant 16 : i32
      %mul3A_1449 = arith.muli %scan3A_1433, %mul3A_1448 : i32
      %add3A_1450 = arith.constant 512 : i32
      %add3A_1451 = arith.addi %add3A_1450, %mul3A_1449 : i32
      %get3A_1452 = arith.index_cast %add3A_1451 : i32 to index
      %get3A_1453 = tpu.vector_load %arg6[%get3A_1452] {strides = array<i32>} : memref<4096xi32, #tpu.memory_space<vmem>>, vector<16xi32>,
      %add3A_1454 = arith.addi %add3A_1447, %get3A_1453 : vector<16xi32>
      %mul3A_1455 = arith.constant 16 : i32
      %mul3A_1456 = arith.muli %scan3A_1433, %mul3A_1455 : i32
      %add3A_1457 = arith.constant 768 : i32
      %add3A_1458 = arith.addi %add3A_1457, %mul3A_1456 : i32
      %get3A_1459 = arith.index_cast %add3A_1458 : i32 to index
      %get3A_1460 = tpu.vector_load %arg6[%get3A_1459] {strides = array<i32>} : memref<4096xi32, #tpu.memory_space<vmem>>, vector<16xi32>,
      %add3A_1461 = arith.addi %add3A_1454, %get3A_1460 : vector<16xi32>
      %mul3A_1462 = arith.constant 16 : i32
      %mul3A_1463 = arith.muli %scan3A_1433, %mul3A_1462 : i32
      %add3A_1464 = arith.constant 1024 : i32
      %add3A_1465 = arith.addi %add3A_1464, %mul3A_1463 : i32
      %get3A_1466 = arith.index_cast %add3A_1465 : i32 to index
      %get3A_1467 = tpu.vector_load %arg6[%get3A_1466] {strides = array<i32>} : memref<4096xi32, #tpu.memory_space<vmem>>, vector<16xi32>,
      %add3A_1468 = arith.addi %add3A_1461, %get3A_1467 : vector<16xi32>
      %mul3A_1469 = arith.constant 16 : i32
      %mul3A_1470 = arith.muli %scan3A_1433, %mul3A_1469 : i32
      %add3A_1471 = arith.constant 1280 : i32
      %add3A_1472 = arith.addi %add3A_1471, %mul3A_1470 : i32
      %get3A_1473 = arith.index_cast %add3A_1472 : i32 to index
      %get3A_1474 = tpu.vector_load %arg6[%get3A_1473] {strides = array<i32>} : memref<4096xi32, #tpu.memory_space<vmem>>, vector<16xi32>,
      %add3A_1475 = arith.addi %add3A_1468, %get3A_1474 : vector<16xi32>
      %mul3A_1476 = arith.constant 16 : i32
      %mul3A_1477 = arith.muli %scan3A_1433, %mul3A_1476 : i32
      %add3A_1478 = arith.constant 1536 : i32
      %add3A_1479 = arith.addi %add3A_1478, %mul3A_1477 : i32
      %get3A_1480 = arith.index_cast %add3A_1479 : i32 to index
      %get3A_1481 = tpu.vector_load %arg6[%get3A_1480] {strides = array<i32>} : memref<4096xi32, #tpu.memory_space<vmem>>, vector<16xi32>,
      %add3A_1482 = arith.addi %add3A_1475, %get3A_1481 : vector<16xi32>
      %mul3A_1483 = arith.constant 16 : i32
      %mul3A_1484 = arith.muli %scan3A_1433, %mul3A_1483 : i32
      %add3A_1485 = arith.constant 1792 : i32
      %add3A_1486 = arith.addi %add3A_1485, %mul3A_1484 : i32
      %get3A_1487 = arith.index_cast %add3A_1486 : i32 to index
      %get3A_1488 = tpu.vector_load %arg6[%get3A_1487] {strides = array<i32>} : memref<4096xi32, #tpu.memory_space<vmem>>, vector<16xi32>,
      %add3A_1489 = arith.addi %add3A_1482, %get3A_1488 : vector<16xi32>
      %mul3A_1490 = arith.constant 16 : i32
      %mul3A_1491 = arith.muli %scan3A_1433, %mul3A_1490 : i32
      %add3A_1492 = arith.constant 2048 : i32
      %add3A_1493 = arith.addi %add3A_1492, %mul3A_1491 : i32
      %get3A_1494 = arith.index_cast %add3A_1493 : i32 to index
      %get3A_1495 = tpu.vector_load %arg6[%get3A_1494] {strides = array<i32>} : memref<4096xi32, #tpu.memory_space<vmem>>, vector<16xi32>,
      %add3A_1496 = arith.addi %add3A_1489, %get3A_1495 : vector<16xi32>
      %mul3A_1497 = arith.constant 16 : i32
      %mul3A_1498 = arith.muli %scan3A_1433, %mul3A_1497 : i32
      %add3A_1499 = arith.constant 2304 : i32
      %add3A_1500 = arith.addi %add3A_1499, %mul3A_1498 : i32
      %get3A_1501 = arith.index_cast %add3A_1500 : i32 to index
      %get3A_1502 = tpu.vector_load %arg6[%get3A_1501] {strides = array<i32>} : memref<4096xi32, #tpu.memory_space<vmem>>, vector<16xi32>,
      %add3A_1503 = arith.addi %add3A_1496, %get3A_1502 : vector<16xi32>
      %mul3A_1504 = arith.constant 16 : i32
      %mul3A_1505 = arith.muli %scan3A_1433, %mul3A_1504 : i32
      %add3A_1506 = arith.constant 2560 : i32
      %add3A_1507 = arith.addi %add3A_1506, %mul3A_1505 : i32
      %get3A_1508 = arith.index_cast %add3A_1507 : i32 to index
      %get3A_1509 = tpu.vector_load %arg6[%get3A_1508] {strides = array<i32>} : memref<4096xi32, #tpu.memory_space<vmem>>, vector<16xi32>,
      %add3A_1510 = arith.addi %add3A_1503, %get3A_1509 : vector<16xi32>
      %mul3A_1511 = arith.constant 16 : i32
      %mul3A_1512 = arith.muli %scan3A_1433, %mul3A_1511 : i32
      %add3A_1513 = arith.constant 2816 : i32
      %add3A_1514 = arith.addi %add3A_1513, %mul3A_1512 : i32
      %get3A_1515 = arith.index_cast %add3A_1514 : i32 to index
      %get3A_1516 = tpu.vector_load %arg6[%get3A_1515] {strides = array<i32>} : memref<4096xi32, #tpu.memory_space<vmem>>, vector<16xi32>,
      %add3A_1517 = arith.addi %add3A_1510, %get3A_1516 : vector<16xi32>
      %mul3A_1518 = arith.constant 16 : i32
      %mul3A_1519 = arith.muli %scan3A_1433, %mul3A_1518 : i32
      %add3A_1520 = arith.constant 3072 : i32
      %add3A_1521 = arith.addi %add3A_1520, %mul3A_1519 : i32
      %get3A_1522 = arith.index_cast %add3A_1521 : i32 to index
      %get3A_1523 = tpu.vector_load %arg6[%get3A_1522] {strides = array<i32>} : memref<4096xi32, #tpu.memory_space<vmem>>, vector<16xi32>,
      %add3A_1524 = arith.addi %add3A_1517, %get3A_1523 : vector<16xi32>
      %mul3A_1525 = arith.constant 16 : i32
      %mul3A_1526 = arith.muli %scan3A_1433, %mul3A_1525 : i32
      %add3A_1527 = arith.constant 3328 : i32
      %add3A_1528 = arith.addi %add3A_1527, %mul3A_1526 : i32
      %get3A_1529 = arith.index_cast %add3A_1528 : i32 to index
      %get3A_1530 = tpu.vector_load %arg6[%get3A_1529] {strides = array<i32>} : memref<4096xi32, #tpu.memory_space<vmem>>, vector<16xi32>,
      %add3A_1531 = arith.addi %add3A_1524, %get3A_1530 : vector<16xi32>
      %mul3A_1532 = arith.constant 16 : i32
      %mul3A_1533 = arith.muli %scan3A_1433, %mul3A_1532 : i32
      %add3A_1534 = arith.constant 3584 : i32
      %add3A_1535 = arith.addi %add3A_1534, %mul3A_1533 : i32
      %get3A_1536 = arith.index_cast %add3A_1535 : i32 to index
      %get3A_1537 = tpu.vector_load %arg6[%get3A_1536] {strides = array<i32>} : memref<4096xi32, #tpu.memory_space<vmem>>, vector<16xi32>,
      %add3A_1538 = arith.addi %add3A_1531, %get3A_1537 : vector<16xi32>
      %mul3A_1539 = arith.constant 16 : i32
      %mul3A_1540 = arith.muli %scan3A_1433, %mul3A_1539 : i32
      %add3A_1541 = arith.constant 3840 : i32
      %add3A_1542 = arith.addi %add3A_1541, %mul3A_1540 : i32
      %get3A_1543 = arith.index_cast %add3A_1542 : i32 to index
      %get3A_1544 = tpu.vector_load %arg6[%get3A_1543] {strides = array<i32>} : memref<4096xi32, #tpu.memory_space<vmem>>, vector<16xi32>,
      %add3A_1545 = arith.addi %add3A_1538, %get3A_1544 : vector<16xi32>
      %mul3A_1546 = arith.constant 16 : i32
      %mul3A_1547 = arith.muli %scan3A_1433, %mul3A_1546 : i32
      %swap3A_1548 = arith.index_cast %mul3A_1547 : i32 to index
      %swap3A_1549 = tpu.vector_load %arg7[%swap3A_1548] {strides = array<i32>} : memref<256xi32, #tpu.memory_space<vmem>>, vector<16xi32>,
      tpu.vector_store %arg7[%swap3A_1548], %add3A_1545 {strides = array<i32>} : memref<256xi32, #tpu.memory_space<vmem>>, vector<16xi32>,
    }
    %scan3A_702 = arith.constant 16 : i32
    %add3A_703 = arith.constant 512 : i32
    %add3A_704 = arith.addi %add3A_703, %arg1 : i32
    %mul3A_705 = arith.constant 16 : i32
    %mul3A_706 = arith.muli %add3A_704, %mul3A_705 : i32
    %add3A_707 = arith.constant 528 : i32
    %add3A_708 = arith.addi %add3A_707, %arg1 : i32
    %mul3A_709 = arith.constant 16 : i32
    %mul3A_710 = arith.muli %add3A_708, %mul3A_709 : i32
    %add3A_711 = arith.constant 544 : i32
    %add3A_712 = arith.addi %add3A_711, %arg1 : i32
    %mul3A_713 = arith.constant 16 : i32
    %mul3A_714 = arith.muli %add3A_712, %mul3A_713 : i32
    %add3A_715 = arith.constant 560 : i32
    %add3A_716 = arith.addi %add3A_715, %arg1 : i32
    %mul3A_717 = arith.constant 16 : i32
    %mul3A_718 = arith.muli %add3A_716, %mul3A_717 : i32
    %add3A_719 = arith.constant 576 : i32
    %add3A_720 = arith.addi %add3A_719, %arg1 : i32
    %mul3A_721 = arith.constant 16 : i32
    %mul3A_722 = arith.muli %add3A_720, %mul3A_721 : i32
    %add3A_723 = arith.constant 592 : i32
    %add3A_724 = arith.addi %add3A_723, %arg1 : i32
    %mul3A_725 = arith.constant 16 : i32
    %mul3A_726 = arith.muli %add3A_724, %mul3A_725 : i32
    %add3A_727 = arith.constant 608 : i32
    %add3A_728 = arith.addi %add3A_727, %arg1 : i32
    %mul3A_729 = arith.constant 16 : i32
    %mul3A_730 = arith.muli %add3A_728, %mul3A_729 : i32
    %add3A_731 = arith.constant 624 : i32
    %add3A_732 = arith.addi %add3A_731, %arg1 : i32
    %mul3A_733 = arith.constant 16 : i32
    %mul3A_734 = arith.muli %add3A_732, %mul3A_733 : i32
    %add3A_735 = arith.constant 640 : i32
    %add3A_736 = arith.addi %add3A_735, %arg1 : i32
    %mul3A_737 = arith.constant 16 : i32
    %mul3A_738 = arith.muli %add3A_736, %mul3A_737 : i32
    %add3A_739 = arith.constant 656 : i32
    %add3A_740 = arith.addi %add3A_739, %arg1 : i32
    %mul3A_741 = arith.constant 16 : i32
    %mul3A_742 = arith.muli %add3A_740, %mul3A_741 : i32
    %add3A_743 = arith.constant 672 : i32
    %add3A_744 = arith.addi %add3A_743, %arg1 : i32
    %mul3A_745 = arith.constant 16 : i32
    %mul3A_746 = arith.muli %add3A_744, %mul3A_745 : i32
    %add3A_747 = arith.constant 688 : i32
    %add3A_748 = arith.addi %add3A_747, %arg1 : i32
    %mul3A_749 = arith.constant 16 : i32
    %mul3A_750 = arith.muli %add3A_748, %mul3A_749 : i32
    %add3A_751 = arith.constant 704 : i32
    %add3A_752 = arith.addi %add3A_751, %arg1 : i32
    %mul3A_753 = arith.constant 16 : i32
    %mul3A_754 = arith.muli %add3A_752, %mul3A_753 : i32
    %add3A_755 = arith.constant 720 : i32
    %add3A_756 = arith.addi %add3A_755, %arg1 : i32
    %mul3A_757 = arith.constant 16 : i32
    %mul3A_758 = arith.muli %add3A_756, %mul3A_757 : i32
    %add3A_759 = arith.constant 736 : i32
    %add3A_760 = arith.addi %add3A_759, %arg1 : i32
    %mul3A_761 = arith.constant 16 : i32
    %mul3A_762 = arith.muli %add3A_760, %mul3A_761 : i32
    %add3A_763 = arith.constant 752 : i32
    %add3A_764 = arith.addi %add3A_763, %arg1 : i32
    %mul3A_765 = arith.constant 16 : i32
    %mul3A_766 = arith.muli %add3A_764, %mul3A_765 : i32
    %dma_start3A_767 = arith.constant 0 : i32
    %dma_start3A_768 = tpu.memref_slice %arg7[%dma_start3A_767] : memref<256xi32, #tpu.memory_space<vmem>> -> memref<16xi32, #tpu.memory_space<vmem>>
    %dma_start3A_769 = tpu.memref_slice %arg11[%mul3A_706] : memref<16384xi32, #tpu.memory_space<vmem_shared>> -> memref<16xi32, #tpu.memory_space<vmem_shared>>
    %dma_start3A_770 = tpu.memref_slice %arg11[%mul3A_706] : memref<16384xi32, #tpu.memory_space<vmem_shared>> -> memref<16xi32, #tpu.memory_space<vmem_shared>>
    %dma_start3A_771 = arith.constant 0 : i32
    %dma_start3A_772 = tpu.memref_slice %arg7[%dma_start3A_771] : memref<256xi32, #tpu.memory_space<vmem>> -> memref<16xi32, #tpu.memory_space<vmem>>
    tpu.enqueue_dma source(%dma_start3A_772 : memref<16xi32, #tpu.memory_space<vmem>>) target(%dma_start3A_770 : memref<16xi32, #tpu.memory_space<vmem_shared>>) target_semaphore(%arg13 : memref<!tpu.dma_semaphore, #tpu.memory_space<semaphore_mem>>)
    %dma_start3A_773 = arith.constant 16 : i32
    %dma_start3A_774 = tpu.memref_slice %arg7[%dma_start3A_773] : memref<256xi32, #tpu.memory_space<vmem>> -> memref<16xi32, #tpu.memory_space<vmem>>
    %dma_start3A_775 = tpu.memref_slice %arg11[%mul3A_710] : memref<16384xi32, #tpu.memory_space<vmem_shared>> -> memref<16xi32, #tpu.memory_space<vmem_shared>>
    %dma_start3A_776 = tpu.memref_slice %arg11[%mul3A_710] : memref<16384xi32, #tpu.memory_space<vmem_shared>> -> memref<16xi32, #tpu.memory_space<vmem_shared>>
    %dma_start3A_777 = arith.constant 16 : i32
    %dma_start3A_778 = tpu.memref_slice %arg7[%dma_start3A_777] : memref<256xi32, #tpu.memory_space<vmem>> -> memref<16xi32, #tpu.memory_space<vmem>>
    tpu.enqueue_dma source(%dma_start3A_778 : memref<16xi32, #tpu.memory_space<vmem>>) target(%dma_start3A_776 : memref<16xi32, #tpu.memory_space<vmem_shared>>) target_semaphore(%arg13 : memref<!tpu.dma_semaphore, #tpu.memory_space<semaphore_mem>>)
    %dma_start3A_779 = arith.constant 32 : i32
    %dma_start3A_780 = tpu.memref_slice %arg7[%dma_start3A_779] : memref<256xi32, #tpu.memory_space<vmem>> -> memref<16xi32, #tpu.memory_space<vmem>>
    %dma_start3A_781 = tpu.memref_slice %arg11[%mul3A_714] : memref<16384xi32, #tpu.memory_space<vmem_shared>> -> memref<16xi32, #tpu.memory_space<vmem_shared>>
    %dma_start3A_782 = tpu.memref_slice %arg11[%mul3A_714] : memref<16384xi32, #tpu.memory_space<vmem_shared>> -> memref<16xi32, #tpu.memory_space<vmem_shared>>
    %dma_start3A_783 = arith.constant 32 : i32
    %dma_start3A_784 = tpu.memref_slice %arg7[%dma_start3A_783] : memref<256xi32, #tpu.memory_space<vmem>> -> memref<16xi32, #tpu.memory_space<vmem>>
    tpu.enqueue_dma source(%dma_start3A_784 : memref<16xi32, #tpu.memory_space<vmem>>) target(%dma_start3A_782 : memref<16xi32, #tpu.memory_space<vmem_shared>>) target_semaphore(%arg13 : memref<!tpu.dma_semaphore, #tpu.memory_space<semaphore_mem>>)
    %dma_start3A_785 = arith.constant 48 : i32
    %dma_start3A_786 = tpu.memref_slice %arg7[%dma_start3A_785] : memref<256xi32, #tpu.memory_space<vmem>> -> memref<16xi32, #tpu.memory_space<vmem>>
    %dma_start3A_787 = tpu.memref_slice %arg11[%mul3A_718] : memref<16384xi32, #tpu.memory_space<vmem_shared>> -> memref<16xi32, #tpu.memory_space<vmem_shared>>
    %dma_start3A_788 = tpu.memref_slice %arg11[%mul3A_718] : memref<16384xi32, #tpu.memory_space<vmem_shared>> -> memref<16xi32, #tpu.memory_space<vmem_shared>>
    %dma_start3A_789 = arith.constant 48 : i32
    %dma_start3A_790 = tpu.memref_slice %arg7[%dma_start3A_789] : memref<256xi32, #tpu.memory_space<vmem>> -> memref<16xi32, #tpu.memory_space<vmem>>
    tpu.enqueue_dma source(%dma_start3A_790 : memref<16xi32, #tpu.memory_space<vmem>>) target(%dma_start3A_788 : memref<16xi32, #tpu.memory_space<vmem_shared>>) target_semaphore(%arg13 : memref<!tpu.dma_semaphore, #tpu.memory_space<semaphore_mem>>)
    %dma_start3A_791 = arith.constant 64 : i32
    %dma_start3A_792 = tpu.memref_slice %arg7[%dma_start3A_791] : memref<256xi32, #tpu.memory_space<vmem>> -> memref<16xi32, #tpu.memory_space<vmem>>
    %dma_start3A_793 = tpu.memref_slice %arg11[%mul3A_722] : memref<16384xi32, #tpu.memory_space<vmem_shared>> -> memref<16xi32, #tpu.memory_space<vmem_shared>>
    %dma_start3A_794 = tpu.memref_slice %arg11[%mul3A_722] : memref<16384xi32, #tpu.memory_space<vmem_shared>> -> memref<16xi32, #tpu.memory_space<vmem_shared>>
    %dma_start3A_795 = arith.constant 64 : i32
    %dma_start3A_796 = tpu.memref_slice %arg7[%dma_start3A_795] : memref<256xi32, #tpu.memory_space<vmem>> -> memref<16xi32, #tpu.memory_space<vmem>>
    tpu.enqueue_dma source(%dma_start3A_796 : memref<16xi32, #tpu.memory_space<vmem>>) target(%dma_start3A_794 : memref<16xi32, #tpu.memory_space<vmem_shared>>) target_semaphore(%arg13 : memref<!tpu.dma_semaphore, #tpu.memory_space<semaphore_mem>>)
    %dma_start3A_797 = arith.constant 80 : i32
    %dma_start3A_798 = tpu.memref_slice %arg7[%dma_start3A_797] : memref<256xi32, #tpu.memory_space<vmem>> -> memref<16xi32, #tpu.memory_space<vmem>>
    %dma_start3A_799 = tpu.memref_slice %arg11[%mul3A_726] : memref<16384xi32, #tpu.memory_space<vmem_shared>> -> memref<16xi32, #tpu.memory_space<vmem_shared>>
    %dma_start3A_800 = tpu.memref_slice %arg11[%mul3A_726] : memref<16384xi32, #tpu.memory_space<vmem_shared>> -> memref<16xi32, #tpu.memory_space<vmem_shared>>
    %dma_start3A_801 = arith.constant 80 : i32
    %dma_start3A_802 = tpu.memref_slice %arg7[%dma_start3A_801] : memref<256xi32, #tpu.memory_space<vmem>> -> memref<16xi32, #tpu.memory_space<vmem>>
    tpu.enqueue_dma source(%dma_start3A_802 : memref<16xi32, #tpu.memory_space<vmem>>) target(%dma_start3A_800 : memref<16xi32, #tpu.memory_space<vmem_shared>>) target_semaphore(%arg13 : memref<!tpu.dma_semaphore, #tpu.memory_space<semaphore_mem>>)
    %dma_start3A_803 = arith.constant 96 : i32
    %dma_start3A_804 = tpu.memref_slice %arg7[%dma_start3A_803] : memref<256xi32, #tpu.memory_space<vmem>> -> memref<16xi32, #tpu.memory_space<vmem>>
    %dma_start3A_805 = tpu.memref_slice %arg11[%mul3A_730] : memref<16384xi32, #tpu.memory_space<vmem_shared>> -> memref<16xi32, #tpu.memory_space<vmem_shared>>
    %dma_start3A_806 = tpu.memref_slice %arg11[%mul3A_730] : memref<16384xi32, #tpu.memory_space<vmem_shared>> -> memref<16xi32, #tpu.memory_space<vmem_shared>>
    %dma_start3A_807 = arith.constant 96 : i32
    %dma_start3A_808 = tpu.memref_slice %arg7[%dma_start3A_807] : memref<256xi32, #tpu.memory_space<vmem>> -> memref<16xi32, #tpu.memory_space<vmem>>
    tpu.enqueue_dma source(%dma_start3A_808 : memref<16xi32, #tpu.memory_space<vmem>>) target(%dma_start3A_806 : memref<16xi32, #tpu.memory_space<vmem_shared>>) target_semaphore(%arg13 : memref<!tpu.dma_semaphore, #tpu.memory_space<semaphore_mem>>)
    %dma_start3A_809 = arith.constant 112 : i32
    %dma_start3A_810 = tpu.memref_slice %arg7[%dma_start3A_809] : memref<256xi32, #tpu.memory_space<vmem>> -> memref<16xi32, #tpu.memory_space<vmem>>
    %dma_start3A_811 = tpu.memref_slice %arg11[%mul3A_734] : memref<16384xi32, #tpu.memory_space<vmem_shared>> -> memref<16xi32, #tpu.memory_space<vmem_shared>>
    %dma_start3A_812 = tpu.memref_slice %arg11[%mul3A_734] : memref<16384xi32, #tpu.memory_space<vmem_shared>> -> memref<16xi32, #tpu.memory_space<vmem_shared>>
    %dma_start3A_813 = arith.constant 112 : i32
    %dma_start3A_814 = tpu.memref_slice %arg7[%dma_start3A_813] : memref<256xi32, #tpu.memory_space<vmem>> -> memref<16xi32, #tpu.memory_space<vmem>>
    tpu.enqueue_dma source(%dma_start3A_814 : memref<16xi32, #tpu.memory_space<vmem>>) target(%dma_start3A_812 : memref<16xi32, #tpu.memory_space<vmem_shared>>) target_semaphore(%arg13 : memref<!tpu.dma_semaphore, #tpu.memory_space<semaphore_mem>>)
    %dma_start3A_815 = arith.constant 128 : i32
    %dma_start3A_816 = tpu.memref_slice %arg7[%dma_start3A_815] : memref<256xi32, #tpu.memory_space<vmem>> -> memref<16xi32, #tpu.memory_space<vmem>>
    %dma_start3A_817 = tpu.memref_slice %arg11[%mul3A_738] : memref<16384xi32, #tpu.memory_space<vmem_shared>> -> memref<16xi32, #tpu.memory_space<vmem_shared>>
    %dma_start3A_818 = tpu.memref_slice %arg11[%mul3A_738] : memref<16384xi32, #tpu.memory_space<vmem_shared>> -> memref<16xi32, #tpu.memory_space<vmem_shared>>
    %dma_start3A_819 = arith.constant 128 : i32
    %dma_start3A_820 = tpu.memref_slice %arg7[%dma_start3A_819] : memref<256xi32, #tpu.memory_space<vmem>> -> memref<16xi32, #tpu.memory_space<vmem>>
    tpu.enqueue_dma source(%dma_start3A_820 : memref<16xi32, #tpu.memory_space<vmem>>) target(%dma_start3A_818 : memref<16xi32, #tpu.memory_space<vmem_shared>>) target_semaphore(%arg13 : memref<!tpu.dma_semaphore, #tpu.memory_space<semaphore_mem>>)
    %dma_start3A_821 = arith.constant 144 : i32
    %dma_start3A_822 = tpu.memref_slice %arg7[%dma_start3A_821] : memref<256xi32, #tpu.memory_space<vmem>> -> memref<16xi32, #tpu.memory_space<vmem>>
    %dma_start3A_823 = tpu.memref_slice %arg11[%mul3A_742] : memref<16384xi32, #tpu.memory_space<vmem_shared>> -> memref<16xi32, #tpu.memory_space<vmem_shared>>
    %dma_start3A_824 = tpu.memref_slice %arg11[%mul3A_742] : memref<16384xi32, #tpu.memory_space<vmem_shared>> -> memref<16xi32, #tpu.memory_space<vmem_shared>>
    %dma_start3A_825 = arith.constant 144 : i32
    %dma_start3A_826 = tpu.memref_slice %arg7[%dma_start3A_825] : memref<256xi32, #tpu.memory_space<vmem>> -> memref<16xi32, #tpu.memory_space<vmem>>
    tpu.enqueue_dma source(%dma_start3A_826 : memref<16xi32, #tpu.memory_space<vmem>>) target(%dma_start3A_824 : memref<16xi32, #tpu.memory_space<vmem_shared>>) target_semaphore(%arg13 : memref<!tpu.dma_semaphore, #tpu.memory_space<semaphore_mem>>)
    %dma_start3A_827 = arith.constant 160 : i32
    %dma_start3A_828 = tpu.memref_slice %arg7[%dma_start3A_827] : memref<256xi32, #tpu.memory_space<vmem>> -> memref<16xi32, #tpu.memory_space<vmem>>
    %dma_start3A_829 = tpu.memref_slice %arg11[%mul3A_746] : memref<16384xi32, #tpu.memory_space<vmem_shared>> -> memref<16xi32, #tpu.memory_space<vmem_shared>>
    %dma_start3A_830 = tpu.memref_slice %arg11[%mul3A_746] : memref<16384xi32, #tpu.memory_space<vmem_shared>> -> memref<16xi32, #tpu.memory_space<vmem_shared>>
    %dma_start3A_831 = arith.constant 160 : i32
    %dma_start3A_832 = tpu.memref_slice %arg7[%dma_start3A_831] : memref<256xi32, #tpu.memory_space<vmem>> -> memref<16xi32, #tpu.memory_space<vmem>>
    tpu.enqueue_dma source(%dma_start3A_832 : memref<16xi32, #tpu.memory_space<vmem>>) target(%dma_start3A_830 : memref<16xi32, #tpu.memory_space<vmem_shared>>) target_semaphore(%arg13 : memref<!tpu.dma_semaphore, #tpu.memory_space<semaphore_mem>>)
    %dma_start3A_833 = arith.constant 176 : i32
    %dma_start3A_834 = tpu.memref_slice %arg7[%dma_start3A_833] : memref<256xi32, #tpu.memory_space<vmem>> -> memref<16xi32, #tpu.memory_space<vmem>>
    %dma_start3A_835 = tpu.memref_slice %arg11[%mul3A_750] : memref<16384xi32, #tpu.memory_space<vmem_shared>> -> memref<16xi32, #tpu.memory_space<vmem_shared>>
    %dma_start3A_836 = tpu.memref_slice %arg11[%mul3A_750] : memref<16384xi32, #tpu.memory_space<vmem_shared>> -> memref<16xi32, #tpu.memory_space<vmem_shared>>
    %dma_start3A_837 = arith.constant 176 : i32
    %dma_start3A_838 = tpu.memref_slice %arg7[%dma_start3A_837] : memref<256xi32, #tpu.memory_space<vmem>> -> memref<16xi32, #tpu.memory_space<vmem>>
    tpu.enqueue_dma source(%dma_start3A_838 : memref<16xi32, #tpu.memory_space<vmem>>) target(%dma_start3A_836 : memref<16xi32, #tpu.memory_space<vmem_shared>>) target_semaphore(%arg13 : memref<!tpu.dma_semaphore, #tpu.memory_space<semaphore_mem>>)
    %dma_start3A_839 = arith.constant 192 : i32
    %dma_start3A_840 = tpu.memref_slice %arg7[%dma_start3A_839] : memref<256xi32, #tpu.memory_space<vmem>> -> memref<16xi32, #tpu.memory_space<vmem>>
    %dma_start3A_841 = tpu.memref_slice %arg11[%mul3A_754] : memref<16384xi32, #tpu.memory_space<vmem_shared>> -> memref<16xi32, #tpu.memory_space<vmem_shared>>
    %dma_start3A_842 = tpu.memref_slice %arg11[%mul3A_754] : memref<16384xi32, #tpu.memory_space<vmem_shared>> -> memref<16xi32, #tpu.memory_space<vmem_shared>>
    %dma_start3A_843 = arith.constant 192 : i32
    %dma_start3A_844 = tpu.memref_slice %arg7[%dma_start3A_843] : memref<256xi32, #tpu.memory_space<vmem>> -> memref<16xi32, #tpu.memory_space<vmem>>
    tpu.enqueue_dma source(%dma_start3A_844 : memref<16xi32, #tpu.memory_space<vmem>>) target(%dma_start3A_842 : memref<16xi32, #tpu.memory_space<vmem_shared>>) target_semaphore(%arg13 : memref<!tpu.dma_semaphore, #tpu.memory_space<semaphore_mem>>)
    %dma_start3A_845 = arith.constant 208 : i32
    %dma_start3A_846 = tpu.memref_slice %arg7[%dma_start3A_845] : memref<256xi32, #tpu.memory_space<vmem>> -> memref<16xi32, #tpu.memory_space<vmem>>
    %dma_start3A_847 = tpu.memref_slice %arg11[%mul3A_758] : memref<16384xi32, #tpu.memory_space<vmem_shared>> -> memref<16xi32, #tpu.memory_space<vmem_shared>>
    %dma_start3A_848 = tpu.memref_slice %arg11[%mul3A_758] : memref<16384xi32, #tpu.memory_space<vmem_shared>> -> memref<16xi32, #tpu.memory_space<vmem_shared>>
    %dma_start3A_849 = arith.constant 208 : i32
    %dma_start3A_850 = tpu.memref_slice %arg7[%dma_start3A_849] : memref<256xi32, #tpu.memory_space<vmem>> -> memref<16xi32, #tpu.memory_space<vmem>>
    tpu.enqueue_dma source(%dma_start3A_850 : memref<16xi32, #tpu.memory_space<vmem>>) target(%dma_start3A_848 : memref<16xi32, #tpu.memory_space<vmem_shared>>) target_semaphore(%arg13 : memref<!tpu.dma_semaphore, #tpu.memory_space<semaphore_mem>>)
    %dma_start3A_851 = arith.constant 224 : i32
    %dma_start3A_852 = tpu.memref_slice %arg7[%dma_start3A_851] : memref<256xi32, #tpu.memory_space<vmem>> -> memref<16xi32, #tpu.memory_space<vmem>>
    %dma_start3A_853 = tpu.memref_slice %arg11[%mul3A_762] : memref<16384xi32, #tpu.memory_space<vmem_shared>> -> memref<16xi32, #tpu.memory_space<vmem_shared>>
    %dma_start3A_854 = tpu.memref_slice %arg11[%mul3A_762] : memref<16384xi32, #tpu.memory_space<vmem_shared>> -> memref<16xi32, #tpu.memory_space<vmem_shared>>
    %dma_start3A_855 = arith.constant 224 : i32
    %dma_start3A_856 = tpu.memref_slice %arg7[%dma_start3A_855] : memref<256xi32, #tpu.memory_space<vmem>> -> memref<16xi32, #tpu.memory_space<vmem>>
    tpu.enqueue_dma source(%dma_start3A_856 : memref<16xi32, #tpu.memory_space<vmem>>) target(%dma_start3A_854 : memref<16xi32, #tpu.memory_space<vmem_shared>>) target_semaphore(%arg13 : memref<!tpu.dma_semaphore, #tpu.memory_space<semaphore_mem>>)
    %dma_start3A_857 = arith.constant 240 : i32
    %dma_start3A_858 = tpu.memref_slice %arg7[%dma_start3A_857] : memref<256xi32, #tpu.memory_space<vmem>> -> memref<16xi32, #tpu.memory_space<vmem>>
    %dma_start3A_859 = tpu.memref_slice %arg11[%mul3A_766] : memref<16384xi32, #tpu.memory_space<vmem_shared>> -> memref<16xi32, #tpu.memory_space<vmem_shared>>
    %dma_start3A_860 = tpu.memref_slice %arg11[%mul3A_766] : memref<16384xi32, #tpu.memory_space<vmem_shared>> -> memref<16xi32, #tpu.memory_space<vmem_shared>>
    %dma_start3A_861 = arith.constant 240 : i32
    %dma_start3A_862 = tpu.memref_slice %arg7[%dma_start3A_861] : memref<256xi32, #tpu.memory_space<vmem>> -> memref<16xi32, #tpu.memory_space<vmem>>
    tpu.enqueue_dma source(%dma_start3A_862 : memref<16xi32, #tpu.memory_space<vmem>>) target(%dma_start3A_860 : memref<16xi32, #tpu.memory_space<vmem_shared>>) target_semaphore(%arg13 : memref<!tpu.dma_semaphore, #tpu.memory_space<semaphore_mem>>)
    %dma_wait3A_863 = arith.constant 0 : i32
    %dma_wait3A_864 = tpu.memref_slice %arg7[%dma_wait3A_863] : memref<256xi32, #tpu.memory_space<vmem>> -> memref<16xi32, #tpu.memory_space<vmem>>
    %dma_wait3A_865 = tpu.memref_slice %arg11[%mul3A_706] : memref<16384xi32, #tpu.memory_space<vmem_shared>> -> memref<16xi32, #tpu.memory_space<vmem_shared>>
    %dma_wait3A_866 = tpu.memref_slice %arg11[%mul3A_706] : memref<16384xi32, #tpu.memory_space<vmem_shared>> -> memref<16xi32, #tpu.memory_space<vmem_shared>>
    %dma_wait3A_867 = arith.constant 0 : i32
    %dma_wait3A_868 = tpu.memref_slice %arg7[%dma_wait3A_867] : memref<256xi32, #tpu.memory_space<vmem>> -> memref<16xi32, #tpu.memory_space<vmem>>
    tpu.wait_dma2 semaphore(%arg13 : memref<!tpu.dma_semaphore, #tpu.memory_space<semaphore_mem>>) src(%dma_wait3A_868 : memref<16xi32, #tpu.memory_space<vmem>>) dst(%dma_wait3A_866 : memref<16xi32, #tpu.memory_space<vmem_shared>>)
    %dma_wait3A_869 = arith.constant 16 : i32
    %dma_wait3A_870 = tpu.memref_slice %arg7[%dma_wait3A_869] : memref<256xi32, #tpu.memory_space<vmem>> -> memref<16xi32, #tpu.memory_space<vmem>>
    %dma_wait3A_871 = tpu.memref_slice %arg11[%mul3A_710] : memref<16384xi32, #tpu.memory_space<vmem_shared>> -> memref<16xi32, #tpu.memory_space<vmem_shared>>
    %dma_wait3A_872 = tpu.memref_slice %arg11[%mul3A_710] : memref<16384xi32, #tpu.memory_space<vmem_shared>> -> memref<16xi32, #tpu.memory_space<vmem_shared>>
    %dma_wait3A_873 = arith.constant 16 : i32
    %dma_wait3A_874 = tpu.memref_slice %arg7[%dma_wait3A_873] : memref<256xi32, #tpu.memory_space<vmem>> -> memref<16xi32, #tpu.memory_space<vmem>>
    tpu.wait_dma2 semaphore(%arg13 : memref<!tpu.dma_semaphore, #tpu.memory_space<semaphore_mem>>) src(%dma_wait3A_874 : memref<16xi32, #tpu.memory_space<vmem>>) dst(%dma_wait3A_872 : memref<16xi32, #tpu.memory_space<vmem_shared>>)
    %dma_wait3A_875 = arith.constant 32 : i32
    %dma_wait3A_876 = tpu.memref_slice %arg7[%dma_wait3A_875] : memref<256xi32, #tpu.memory_space<vmem>> -> memref<16xi32, #tpu.memory_space<vmem>>
    %dma_wait3A_877 = tpu.memref_slice %arg11[%mul3A_714] : memref<16384xi32, #tpu.memory_space<vmem_shared>> -> memref<16xi32, #tpu.memory_space<vmem_shared>>
    %dma_wait3A_878 = tpu.memref_slice %arg11[%mul3A_714] : memref<16384xi32, #tpu.memory_space<vmem_shared>> -> memref<16xi32, #tpu.memory_space<vmem_shared>>
    %dma_wait3A_879 = arith.constant 32 : i32
    %dma_wait3A_880 = tpu.memref_slice %arg7[%dma_wait3A_879] : memref<256xi32, #tpu.memory_space<vmem>> -> memref<16xi32, #tpu.memory_space<vmem>>
    tpu.wait_dma2 semaphore(%arg13 : memref<!tpu.dma_semaphore, #tpu.memory_space<semaphore_mem>>) src(%dma_wait3A_880 : memref<16xi32, #tpu.memory_space<vmem>>) dst(%dma_wait3A_878 : memref<16xi32, #tpu.memory_space<vmem_shared>>)
    %dma_wait3A_881 = arith.constant 48 : i32
    %dma_wait3A_882 = tpu.memref_slice %arg7[%dma_wait3A_881] : memref<256xi32, #tpu.memory_space<vmem>> -> memref<16xi32, #tpu.memory_space<vmem>>
    %dma_wait3A_883 = tpu.memref_slice %arg11[%mul3A_718] : memref<16384xi32, #tpu.memory_space<vmem_shared>> -> memref<16xi32, #tpu.memory_space<vmem_shared>>
    %dma_wait3A_884 = tpu.memref_slice %arg11[%mul3A_718] : memref<16384xi32, #tpu.memory_space<vmem_shared>> -> memref<16xi32, #tpu.memory_space<vmem_shared>>
    %dma_wait3A_885 = arith.constant 48 : i32
    %dma_wait3A_886 = tpu.memref_slice %arg7[%dma_wait3A_885] : memref<256xi32, #tpu.memory_space<vmem>> -> memref<16xi32, #tpu.memory_space<vmem>>
    tpu.wait_dma2 semaphore(%arg13 : memref<!tpu.dma_semaphore, #tpu.memory_space<semaphore_mem>>) src(%dma_wait3A_886 : memref<16xi32, #tpu.memory_space<vmem>>) dst(%dma_wait3A_884 : memref<16xi32, #tpu.memory_space<vmem_shared>>)
    %dma_wait3A_887 = arith.constant 64 : i32
    %dma_wait3A_888 = tpu.memref_slice %arg7[%dma_wait3A_887] : memref<256xi32, #tpu.memory_space<vmem>> -> memref<16xi32, #tpu.memory_space<vmem>>
    %dma_wait3A_889 = tpu.memref_slice %arg11[%mul3A_722] : memref<16384xi32, #tpu.memory_space<vmem_shared>> -> memref<16xi32, #tpu.memory_space<vmem_shared>>
    %dma_wait3A_890 = tpu.memref_slice %arg11[%mul3A_722] : memref<16384xi32, #tpu.memory_space<vmem_shared>> -> memref<16xi32, #tpu.memory_space<vmem_shared>>
    %dma_wait3A_891 = arith.constant 64 : i32
    %dma_wait3A_892 = tpu.memref_slice %arg7[%dma_wait3A_891] : memref<256xi32, #tpu.memory_space<vmem>> -> memref<16xi32, #tpu.memory_space<vmem>>
    tpu.wait_dma2 semaphore(%arg13 : memref<!tpu.dma_semaphore, #tpu.memory_space<semaphore_mem>>) src(%dma_wait3A_892 : memref<16xi32, #tpu.memory_space<vmem>>) dst(%dma_wait3A_890 : memref<16xi32, #tpu.memory_space<vmem_shared>>)
    %dma_wait3A_893 = arith.constant 80 : i32
    %dma_wait3A_894 = tpu.memref_slice %arg7[%dma_wait3A_893] : memref<256xi32, #tpu.memory_space<vmem>> -> memref<16xi32, #tpu.memory_space<vmem>>
    %dma_wait3A_895 = tpu.memref_slice %arg11[%mul3A_726] : memref<16384xi32, #tpu.memory_space<vmem_shared>> -> memref<16xi32, #tpu.memory_space<vmem_shared>>
    %dma_wait3A_896 = tpu.memref_slice %arg11[%mul3A_726] : memref<16384xi32, #tpu.memory_space<vmem_shared>> -> memref<16xi32, #tpu.memory_space<vmem_shared>>
    %dma_wait3A_897 = arith.constant 80 : i32
    %dma_wait3A_898 = tpu.memref_slice %arg7[%dma_wait3A_897] : memref<256xi32, #tpu.memory_space<vmem>> -> memref<16xi32, #tpu.memory_space<vmem>>
    tpu.wait_dma2 semaphore(%arg13 : memref<!tpu.dma_semaphore, #tpu.memory_space<semaphore_mem>>) src(%dma_wait3A_898 : memref<16xi32, #tpu.memory_space<vmem>>) dst(%dma_wait3A_896 : memref<16xi32, #tpu.memory_space<vmem_shared>>)
    %dma_wait3A_899 = arith.constant 96 : i32
    %dma_wait3A_900 = tpu.memref_slice %arg7[%dma_wait3A_899] : memref<256xi32, #tpu.memory_space<vmem>> -> memref<16xi32, #tpu.memory_space<vmem>>
    %dma_wait3A_901 = tpu.memref_slice %arg11[%mul3A_730] : memref<16384xi32, #tpu.memory_space<vmem_shared>> -> memref<16xi32, #tpu.memory_space<vmem_shared>>
    %dma_wait3A_902 = tpu.memref_slice %arg11[%mul3A_730] : memref<16384xi32, #tpu.memory_space<vmem_shared>> -> memref<16xi32, #tpu.memory_space<vmem_shared>>
    %dma_wait3A_903 = arith.constant 96 : i32
    %dma_wait3A_904 = tpu.memref_slice %arg7[%dma_wait3A_903] : memref<256xi32, #tpu.memory_space<vmem>> -> memref<16xi32, #tpu.memory_space<vmem>>
    tpu.wait_dma2 semaphore(%arg13 : memref<!tpu.dma_semaphore, #tpu.memory_space<semaphore_mem>>) src(%dma_wait3A_904 : memref<16xi32, #tpu.memory_space<vmem>>) dst(%dma_wait3A_902 : memref<16xi32, #tpu.memory_space<vmem_shared>>)
    %dma_wait3A_905 = arith.constant 112 : i32
    %dma_wait3A_906 = tpu.memref_slice %arg7[%dma_wait3A_905] : memref<256xi32, #tpu.memory_space<vmem>> -> memref<16xi32, #tpu.memory_space<vmem>>
    %dma_wait3A_907 = tpu.memref_slice %arg11[%mul3A_734] : memref<16384xi32, #tpu.memory_space<vmem_shared>> -> memref<16xi32, #tpu.memory_space<vmem_shared>>
    %dma_wait3A_908 = tpu.memref_slice %arg11[%mul3A_734] : memref<16384xi32, #tpu.memory_space<vmem_shared>> -> memref<16xi32, #tpu.memory_space<vmem_shared>>
    %dma_wait3A_909 = arith.constant 112 : i32
    %dma_wait3A_910 = tpu.memref_slice %arg7[%dma_wait3A_909] : memref<256xi32, #tpu.memory_space<vmem>> -> memref<16xi32, #tpu.memory_space<vmem>>
    tpu.wait_dma2 semaphore(%arg13 : memref<!tpu.dma_semaphore, #tpu.memory_space<semaphore_mem>>) src(%dma_wait3A_910 : memref<16xi32, #tpu.memory_space<vmem>>) dst(%dma_wait3A_908 : memref<16xi32, #tpu.memory_space<vmem_shared>>)
    %dma_wait3A_911 = arith.constant 128 : i32
    %dma_wait3A_912 = tpu.memref_slice %arg7[%dma_wait3A_911] : memref<256xi32, #tpu.memory_space<vmem>> -> memref<16xi32, #tpu.memory_space<vmem>>
    %dma_wait3A_913 = tpu.memref_slice %arg11[%mul3A_738] : memref<16384xi32, #tpu.memory_space<vmem_shared>> -> memref<16xi32, #tpu.memory_space<vmem_shared>>
    %dma_wait3A_914 = tpu.memref_slice %arg11[%mul3A_738] : memref<16384xi32, #tpu.memory_space<vmem_shared>> -> memref<16xi32, #tpu.memory_space<vmem_shared>>
    %dma_wait3A_915 = arith.constant 128 : i32
    %dma_wait3A_916 = tpu.memref_slice %arg7[%dma_wait3A_915] : memref<256xi32, #tpu.memory_space<vmem>> -> memref<16xi32, #tpu.memory_space<vmem>>
    tpu.wait_dma2 semaphore(%arg13 : memref<!tpu.dma_semaphore, #tpu.memory_space<semaphore_mem>>) src(%dma_wait3A_916 : memref<16xi32, #tpu.memory_space<vmem>>) dst(%dma_wait3A_914 : memref<16xi32, #tpu.memory_space<vmem_shared>>)
    %dma_wait3A_917 = arith.constant 144 : i32
    %dma_wait3A_918 = tpu.memref_slice %arg7[%dma_wait3A_917] : memref<256xi32, #tpu.memory_space<vmem>> -> memref<16xi32, #tpu.memory_space<vmem>>
    %dma_wait3A_919 = tpu.memref_slice %arg11[%mul3A_742] : memref<16384xi32, #tpu.memory_space<vmem_shared>> -> memref<16xi32, #tpu.memory_space<vmem_shared>>
    %dma_wait3A_920 = tpu.memref_slice %arg11[%mul3A_742] : memref<16384xi32, #tpu.memory_space<vmem_shared>> -> memref<16xi32, #tpu.memory_space<vmem_shared>>
    %dma_wait3A_921 = arith.constant 144 : i32
    %dma_wait3A_922 = tpu.memref_slice %arg7[%dma_wait3A_921] : memref<256xi32, #tpu.memory_space<vmem>> -> memref<16xi32, #tpu.memory_space<vmem>>
    tpu.wait_dma2 semaphore(%arg13 : memref<!tpu.dma_semaphore, #tpu.memory_space<semaphore_mem>>) src(%dma_wait3A_922 : memref<16xi32, #tpu.memory_space<vmem>>) dst(%dma_wait3A_920 : memref<16xi32, #tpu.memory_space<vmem_shared>>)
    %dma_wait3A_923 = arith.constant 160 : i32
    %dma_wait3A_924 = tpu.memref_slice %arg7[%dma_wait3A_923] : memref<256xi32, #tpu.memory_space<vmem>> -> memref<16xi32, #tpu.memory_space<vmem>>
    %dma_wait3A_925 = tpu.memref_slice %arg11[%mul3A_746] : memref<16384xi32, #tpu.memory_space<vmem_shared>> -> memref<16xi32, #tpu.memory_space<vmem_shared>>
    %dma_wait3A_926 = tpu.memref_slice %arg11[%mul3A_746] : memref<16384xi32, #tpu.memory_space<vmem_shared>> -> memref<16xi32, #tpu.memory_space<vmem_shared>>
    %dma_wait3A_927 = arith.constant 160 : i32
    %dma_wait3A_928 = tpu.memref_slice %arg7[%dma_wait3A_927] : memref<256xi32, #tpu.memory_space<vmem>> -> memref<16xi32, #tpu.memory_space<vmem>>
    tpu.wait_dma2 semaphore(%arg13 : memref<!tpu.dma_semaphore, #tpu.memory_space<semaphore_mem>>) src(%dma_wait3A_928 : memref<16xi32, #tpu.memory_space<vmem>>) dst(%dma_wait3A_926 : memref<16xi32, #tpu.memory_space<vmem_shared>>)
    %dma_wait3A_929 = arith.constant 176 : i32
    %dma_wait3A_930 = tpu.memref_slice %arg7[%dma_wait3A_929] : memref<256xi32, #tpu.memory_space<vmem>> -> memref<16xi32, #tpu.memory_space<vmem>>
    %dma_wait3A_931 = tpu.memref_slice %arg11[%mul3A_750] : memref<16384xi32, #tpu.memory_space<vmem_shared>> -> memref<16xi32, #tpu.memory_space<vmem_shared>>
    %dma_wait3A_932 = tpu.memref_slice %arg11[%mul3A_750] : memref<16384xi32, #tpu.memory_space<vmem_shared>> -> memref<16xi32, #tpu.memory_space<vmem_shared>>
    %dma_wait3A_933 = arith.constant 176 : i32
    %dma_wait3A_934 = tpu.memref_slice %arg7[%dma_wait3A_933] : memref<256xi32, #tpu.memory_space<vmem>> -> memref<16xi32, #tpu.memory_space<vmem>>
    tpu.wait_dma2 semaphore(%arg13 : memref<!tpu.dma_semaphore, #tpu.memory_space<semaphore_mem>>) src(%dma_wait3A_934 : memref<16xi32, #tpu.memory_space<vmem>>) dst(%dma_wait3A_932 : memref<16xi32, #tpu.memory_space<vmem_shared>>)
    %dma_wait3A_935 = arith.constant 192 : i32
    %dma_wait3A_936 = tpu.memref_slice %arg7[%dma_wait3A_935] : memref<256xi32, #tpu.memory_space<vmem>> -> memref<16xi32, #tpu.memory_space<vmem>>
    %dma_wait3A_937 = tpu.memref_slice %arg11[%mul3A_754] : memref<16384xi32, #tpu.memory_space<vmem_shared>> -> memref<16xi32, #tpu.memory_space<vmem_shared>>
    %dma_wait3A_938 = tpu.memref_slice %arg11[%mul3A_754] : memref<16384xi32, #tpu.memory_space<vmem_shared>> -> memref<16xi32, #tpu.memory_space<vmem_shared>>
    %dma_wait3A_939 = arith.constant 192 : i32
    %dma_wait3A_940 = tpu.memref_slice %arg7[%dma_wait3A_939] : memref<256xi32, #tpu.memory_space<vmem>> -> memref<16xi32, #tpu.memory_space<vmem>>
    tpu.wait_dma2 semaphore(%arg13 : memref<!tpu.dma_semaphore, #tpu.memory_space<semaphore_mem>>) src(%dma_wait3A_940 : memref<16xi32, #tpu.memory_space<vmem>>) dst(%dma_wait3A_938 : memref<16xi32, #tpu.memory_space<vmem_shared>>)
    %dma_wait3A_941 = arith.constant 208 : i32
    %dma_wait3A_942 = tpu.memref_slice %arg7[%dma_wait3A_941] : memref<256xi32, #tpu.memory_space<vmem>> -> memref<16xi32, #tpu.memory_space<vmem>>
    %dma_wait3A_943 = tpu.memref_slice %arg11[%mul3A_758] : memref<16384xi32, #tpu.memory_space<vmem_shared>> -> memref<16xi32, #tpu.memory_space<vmem_shared>>
    %dma_wait3A_944 = tpu.memref_slice %arg11[%mul3A_758] : memref<16384xi32, #tpu.memory_space<vmem_shared>> -> memref<16xi32, #tpu.memory_space<vmem_shared>>
    %dma_wait3A_945 = arith.constant 208 : i32
    %dma_wait3A_946 = tpu.memref_slice %arg7[%dma_wait3A_945] : memref<256xi32, #tpu.memory_space<vmem>> -> memref<16xi32, #tpu.memory_space<vmem>>
    tpu.wait_dma2 semaphore(%arg13 : memref<!tpu.dma_semaphore, #tpu.memory_space<semaphore_mem>>) src(%dma_wait3A_946 : memref<16xi32, #tpu.memory_space<vmem>>) dst(%dma_wait3A_944 : memref<16xi32, #tpu.memory_space<vmem_shared>>)
    %dma_wait3A_947 = arith.constant 224 : i32
    %dma_wait3A_948 = tpu.memref_slice %arg7[%dma_wait3A_947] : memref<256xi32, #tpu.memory_space<vmem>> -> memref<16xi32, #tpu.memory_space<vmem>>
    %dma_wait3A_949 = tpu.memref_slice %arg11[%mul3A_762] : memref<16384xi32, #tpu.memory_space<vmem_shared>> -> memref<16xi32, #tpu.memory_space<vmem_shared>>
    %dma_wait3A_950 = tpu.memref_slice %arg11[%mul3A_762] : memref<16384xi32, #tpu.memory_space<vmem_shared>> -> memref<16xi32, #tpu.memory_space<vmem_shared>>
    %dma_wait3A_951 = arith.constant 224 : i32
    %dma_wait3A_952 = tpu.memref_slice %arg7[%dma_wait3A_951] : memref<256xi32, #tpu.memory_space<vmem>> -> memref<16xi32, #tpu.memory_space<vmem>>
    tpu.wait_dma2 semaphore(%arg13 : memref<!tpu.dma_semaphore, #tpu.memory_space<semaphore_mem>>) src(%dma_wait3A_952 : memref<16xi32, #tpu.memory_space<vmem>>) dst(%dma_wait3A_950 : memref<16xi32, #tpu.memory_space<vmem_shared>>)
    %dma_wait3A_953 = arith.constant 240 : i32
    %dma_wait3A_954 = tpu.memref_slice %arg7[%dma_wait3A_953] : memref<256xi32, #tpu.memory_space<vmem>> -> memref<16xi32, #tpu.memory_space<vmem>>
    %dma_wait3A_955 = tpu.memref_slice %arg11[%mul3A_766] : memref<16384xi32, #tpu.memory_space<vmem_shared>> -> memref<16xi32, #tpu.memory_space<vmem_shared>>
    %dma_wait3A_956 = tpu.memref_slice %arg11[%mul3A_766] : memref<16384xi32, #tpu.memory_space<vmem_shared>> -> memref<16xi32, #tpu.memory_space<vmem_shared>>
    %dma_wait3A_957 = arith.constant 240 : i32
    %dma_wait3A_958 = tpu.memref_slice %arg7[%dma_wait3A_957] : memref<256xi32, #tpu.memory_space<vmem>> -> memref<16xi32, #tpu.memory_space<vmem>>
    tpu.wait_dma2 semaphore(%arg13 : memref<!tpu.dma_semaphore, #tpu.memory_space<semaphore_mem>>) src(%dma_wait3A_958 : memref<16xi32, #tpu.memory_space<vmem>>) dst(%dma_wait3A_956 : memref<16xi32, #tpu.memory_space<vmem_shared>>)
    %barrier3A_959 = arith.constant 0 : index
    tpu.barrier barrier_id(%barrier3A_959)
    %add3A_960 = arith.constant 32 : i32
    %add3A_961 = arith.addi %add3A_960, %arg1 : i32
    %mul3A_962 = arith.constant 256 : i32
    %mul3A_963 = arith.muli %add3A_961, %mul3A_962 : i32
    "tpu.region"() ({
      %run_scoped3A = tpu.sem_alloc : memref<!tpu.dma_semaphore, #tpu.memory_space<semaphore_mem>>
      %dma_start3A_1433 = tpu.memref_slice %arg11[%mul3A_963] : memref<16384xi32, #tpu.memory_space<vmem_shared>> -> memref<256xi32, #tpu.memory_space<vmem_shared>>
      %dma_start3A_1434 = tpu.memref_slice %arg11[%mul3A_963] : memref<16384xi32, #tpu.memory_space<vmem_shared>> -> memref<256xi32, #tpu.memory_space<vmem_shared>>
      tpu.enqueue_dma source(%dma_start3A_1434 : memref<256xi32, #tpu.memory_space<vmem_shared>>) target(%arg9 : memref<256xi32, #tpu.memory_space<vmem>>) target_semaphore(%run_scoped3A : memref<!tpu.dma_semaphore, #tpu.memory_space<semaphore_mem>>)
      %dma_wait3A_1435 = tpu.memref_slice %arg11[%mul3A_963] : memref<16384xi32, #tpu.memory_space<vmem_shared>> -> memref<256xi32, #tpu.memory_space<vmem_shared>>
      %dma_wait3A_1436 = tpu.memref_slice %arg11[%mul3A_963] : memref<16384xi32, #tpu.memory_space<vmem_shared>> -> memref<256xi32, #tpu.memory_space<vmem_shared>>
      tpu.wait_dma2 semaphore(%run_scoped3A : memref<!tpu.dma_semaphore, #tpu.memory_space<semaphore_mem>>) src(%dma_wait3A_1436 : memref<256xi32, #tpu.memory_space<vmem_shared>>) dst(%arg9 : memref<256xi32, #tpu.memory_space<vmem>>)
      tpu.yield
    }) : () -> ()
    %get3A_964 = arith.constant 0 : index
    %get3A_965 = tpu.vector_load %arg9[%get3A_964] {strides = array<i32>} : memref<256xi32, #tpu.memory_space<vmem>>, vector<16xi32>,
    %add3A_966 = arith.addi %broadcast_in_dim3A_3, %get3A_965 : vector<16xi32>
    %get3A_967 = arith.constant 16 : index
    %get3A_968 = tpu.vector_load %arg9[%get3A_967] {strides = array<i32>} : memref<256xi32, #tpu.memory_space<vmem>>, vector<16xi32>,
    %add3A_969 = arith.addi %add3A_966, %get3A_968 : vector<16xi32>
    %get3A_970 = arith.constant 32 : index
    %get3A_971 = tpu.vector_load %arg9[%get3A_970] {strides = array<i32>} : memref<256xi32, #tpu.memory_space<vmem>>, vector<16xi32>,
    %add3A_972 = arith.addi %add3A_969, %get3A_971 : vector<16xi32>
    %get3A_973 = arith.constant 48 : index
    %get3A_974 = tpu.vector_load %arg9[%get3A_973] {strides = array<i32>} : memref<256xi32, #tpu.memory_space<vmem>>, vector<16xi32>,
    %add3A_975 = arith.addi %add3A_972, %get3A_974 : vector<16xi32>
    %get3A_976 = arith.constant 64 : index
    %get3A_977 = tpu.vector_load %arg9[%get3A_976] {strides = array<i32>} : memref<256xi32, #tpu.memory_space<vmem>>, vector<16xi32>,
    %add3A_978 = arith.addi %add3A_975, %get3A_977 : vector<16xi32>
    %get3A_979 = arith.constant 80 : index
    %get3A_980 = tpu.vector_load %arg9[%get3A_979] {strides = array<i32>} : memref<256xi32, #tpu.memory_space<vmem>>, vector<16xi32>,
    %add3A_981 = arith.addi %add3A_978, %get3A_980 : vector<16xi32>
    %get3A_982 = arith.constant 96 : index
    %get3A_983 = tpu.vector_load %arg9[%get3A_982] {strides = array<i32>} : memref<256xi32, #tpu.memory_space<vmem>>, vector<16xi32>,
    %add3A_984 = arith.addi %add3A_981, %get3A_983 : vector<16xi32>
    %get3A_985 = arith.constant 112 : index
    %get3A_986 = tpu.vector_load %arg9[%get3A_985] {strides = array<i32>} : memref<256xi32, #tpu.memory_space<vmem>>, vector<16xi32>,
    %add3A_987 = arith.addi %add3A_984, %get3A_986 : vector<16xi32>
    %get3A_988 = arith.constant 128 : index
    %get3A_989 = tpu.vector_load %arg9[%get3A_988] {strides = array<i32>} : memref<256xi32, #tpu.memory_space<vmem>>, vector<16xi32>,
    %add3A_990 = arith.addi %add3A_987, %get3A_989 : vector<16xi32>
    %get3A_991 = arith.constant 144 : index
    %get3A_992 = tpu.vector_load %arg9[%get3A_991] {strides = array<i32>} : memref<256xi32, #tpu.memory_space<vmem>>, vector<16xi32>,
    %add3A_993 = arith.addi %add3A_990, %get3A_992 : vector<16xi32>
    %get3A_994 = arith.constant 160 : index
    %get3A_995 = tpu.vector_load %arg9[%get3A_994] {strides = array<i32>} : memref<256xi32, #tpu.memory_space<vmem>>, vector<16xi32>,
    %add3A_996 = arith.addi %add3A_993, %get3A_995 : vector<16xi32>
    %get3A_997 = arith.constant 176 : index
    %get3A_998 = tpu.vector_load %arg9[%get3A_997] {strides = array<i32>} : memref<256xi32, #tpu.memory_space<vmem>>, vector<16xi32>,
    %add3A_999 = arith.addi %add3A_996, %get3A_998 : vector<16xi32>
    %get3A_1000 = arith.constant 192 : index
    %get3A_1001 = tpu.vector_load %arg9[%get3A_1000] {strides = array<i32>} : memref<256xi32, #tpu.memory_space<vmem>>, vector<16xi32>,
    %add3A_1002 = arith.addi %add3A_999, %get3A_1001 : vector<16xi32>
    %get3A_1003 = arith.constant 208 : index
    %get3A_1004 = tpu.vector_load %arg9[%get3A_1003] {strides = array<i32>} : memref<256xi32, #tpu.memory_space<vmem>>, vector<16xi32>,
    %add3A_1005 = arith.addi %add3A_1002, %get3A_1004 : vector<16xi32>
    %get3A_1006 = arith.constant 224 : index
    %get3A_1007 = tpu.vector_load %arg9[%get3A_1006] {strides = array<i32>} : memref<256xi32, #tpu.memory_space<vmem>>, vector<16xi32>,
    %add3A_1008 = arith.addi %add3A_1005, %get3A_1007 : vector<16xi32>
    %get3A_1009 = arith.constant 240 : index
    %get3A_1010 = tpu.vector_load %arg9[%get3A_1009] {strides = array<i32>} : memref<256xi32, #tpu.memory_space<vmem>>, vector<16xi32>,
    %add3A_1011 = arith.addi %add3A_1008, %get3A_1010 : vector<16xi32>
    %swap3A_1012 = arith.constant 0 : index
    %swap3A_1013 = tpu.vector_load %arg8[%swap3A_1012] {strides = array<i32>} : memref<16xi32, #tpu.memory_space<vmem>>, vector<16xi32>,
    tpu.vector_store %arg8[%swap3A_1012], %add3A_1011 {strides = array<i32>} : memref<16xi32, #tpu.memory_space<vmem>>, vector<16xi32>,
    %mul3A_1014 = arith.constant 16 : i32
    %mul3A_1015 = arith.muli %arg1, %mul3A_1014 : i32
    %add3A_1016 = arith.constant 512 : i32
    %add3A_1017 = arith.addi %add3A_1016, %mul3A_1015 : i32
    "tpu.region"() ({
      %run_scoped3A = tpu.sem_alloc : memref<!tpu.dma_semaphore, #tpu.memory_space<semaphore_mem>>
      %dma_start3A_1433 = tpu.memref_slice %arg12[%add3A_1017] : memref<1024xi32, #tpu.memory_space<vmem_shared>> -> memref<16xi32, #tpu.memory_space<vmem_shared>>
      %dma_start3A_1434 = tpu.memref_slice %arg12[%add3A_1017] : memref<1024xi32, #tpu.memory_space<vmem_shared>> -> memref<16xi32, #tpu.memory_space<vmem_shared>>
      tpu.enqueue_dma source(%arg8 : memref<16xi32, #tpu.memory_space<vmem>>) target(%dma_start3A_1434 : memref<16xi32, #tpu.memory_space<vmem_shared>>) target_semaphore(%run_scoped3A : memref<!tpu.dma_semaphore, #tpu.memory_space<semaphore_mem>>)
      %dma_wait3A_1435 = tpu.memref_slice %arg12[%add3A_1017] : memref<1024xi32, #tpu.memory_space<vmem_shared>> -> memref<16xi32, #tpu.memory_space<vmem_shared>>
      %dma_wait3A_1436 = tpu.memref_slice %arg12[%add3A_1017] : memref<1024xi32, #tpu.memory_space<vmem_shared>> -> memref<16xi32, #tpu.memory_space<vmem_shared>>
      tpu.wait_dma2 semaphore(%run_scoped3A : memref<!tpu.dma_semaphore, #tpu.memory_space<semaphore_mem>>) src(%arg8 : memref<16xi32, #tpu.memory_space<vmem>>) dst(%dma_wait3A_1436 : memref<16xi32, #tpu.memory_space<vmem_shared>>)
      tpu.yield
    }) : () -> ()
    %barrier3A_1018 = arith.constant 0 : index
    tpu.barrier barrier_id(%barrier3A_1018)
    "tpu.region"() ({
      %run_scoped3A = tpu.sem_alloc : memref<!tpu.dma_semaphore, #tpu.memory_space<semaphore_mem>>
      %dma_start3A_1433 = arith.constant 512 : i32
      %dma_start3A_1434 = tpu.memref_slice %arg12[%dma_start3A_1433] : memref<1024xi32, #tpu.memory_space<vmem_shared>> -> memref<256xi32, #tpu.memory_space<vmem_shared>>
      %dma_start3A_1435 = arith.constant 512 : i32
      %dma_start3A_1436 = tpu.memref_slice %arg12[%dma_start3A_1435] : memref<1024xi32, #tpu.memory_space<vmem_shared>> -> memref<256xi32, #tpu.memory_space<vmem_shared>>
      tpu.enqueue_dma source(%dma_start3A_1436 : memref<256xi32, #tpu.memory_space<vmem_shared>>) target(%arg7 : memref<256xi32, #tpu.memory_space<vmem>>) target_semaphore(%run_scoped3A : memref<!tpu.dma_semaphore, #tpu.memory_space<semaphore_mem>>)
      %dma_wait3A_1437 = arith.constant 512 : i32
      %dma_wait3A_1438 = tpu.memref_slice %arg12[%dma_wait3A_1437] : memref<1024xi32, #tpu.memory_space<vmem_shared>> -> memref<256xi32, #tpu.memory_space<vmem_shared>>
      %dma_wait3A_1439 = arith.constant 512 : i32
      %dma_wait3A_1440 = tpu.memref_slice %arg12[%dma_wait3A_1439] : memref<1024xi32, #tpu.memory_space<vmem_shared>> -> memref<256xi32, #tpu.memory_space<vmem_shared>>
      tpu.wait_dma2 semaphore(%run_scoped3A : memref<!tpu.dma_semaphore, #tpu.memory_space<semaphore_mem>>) src(%dma_wait3A_1440 : memref<256xi32, #tpu.memory_space<vmem_shared>>) dst(%arg7 : memref<256xi32, #tpu.memory_space<vmem>>)
      tpu.yield
    }) : () -> ()
    %scan3A_1019 = arith.constant 0 : i32
    %scan3A_1020 = arith.constant 16 : i32
    %scan3A_1021 = arith.addi %scan3A_1019, %scan3A_1020 : i32
    %scan3A_1022 = arith.constant 1 : i32
    %scan3A_1023:4 = scf.for %scan3A_1433 = %scan3A_1019 to %scan3A_1021 step %scan3A_1022 iter_args(%scan3A_1434 = %broadcast_in_dim3A_3, %scan3A_1435 = %broadcast_in_dim3A_3, %scan3A_1436 = %scan3A_679#2, %scan3A_1437 = %broadcast_in_dim3A_3) -> (vector<16xi32>, vector<16xi32>, vector<16xi32>, vector<16xi32>)  : i32 {
      %sub3A_1438 = arith.constant 15 : i32
      %sub3A_1439 = arith.subi %sub3A_1438, %scan3A_1433 : i32
      %mul3A_1440 = arith.constant 16 : i32
      %mul3A_1441 = arith.muli %sub3A_1439, %mul3A_1440 : i32
      %get3A_1442 = arith.index_cast %mul3A_1441 : i32 to index
      %get3A_1443 = tpu.vector_load %arg7[%get3A_1442] {strides = array<i32>} : memref<256xi32, #tpu.memory_space<vmem>>, vector<16xi32>,
      %rev3A = arith.constant 15 : i32
      %rev3A_1444 = vector.broadcast %rev3A : i32 to vector<16xi32>
      %rev3A_1445 = tpu.iota {dimensions = array<i32: 0>} : vector<16xi32>
      %rev3A_1446 = arith.subi %rev3A_1444, %rev3A_1445 : vector<16xi32>
      %rev3A_1447 = tpu.dynamic_gather %get3A_1443[%rev3A_1446] in [0] : vector<16xi32>, vector<16xi32> -> vector<16xi32>
      %broadcast_in_dim3A_1448 = arith.constant true
      %broadcast_in_dim3A_1449 = vector.broadcast %broadcast_in_dim3A_1448 : i1 to vector<16xi1>
      %masked_cumsum3A_1450 = tpu.scan <sum>, %rev3A_1447 masked %broadcast_in_dim3A_1449 : vector<16xi32>, vector<16xi1> -> vector<16xi32>
      %rev3A_1451 = arith.constant 15 : i32
      %rev3A_1452 = vector.broadcast %rev3A_1451 : i32 to vector<16xi32>
      %rev3A_1453 = tpu.iota {dimensions = array<i32: 0>} : vector<16xi32>
      %rev3A_1454 = arith.subi %rev3A_1452, %rev3A_1453 : vector<16xi32>
      %rev3A_1455 = tpu.dynamic_gather %masked_cumsum3A_1450[%rev3A_1454] in [0] : vector<16xi32>, vector<16xi32> -> vector<16xi32>
      %add3A_1456 = arith.addi %rev3A_1455, %scan3A_1437 : vector<16xi32>
      %ge3A = arith.cmpi sge, %add3A_1456, %scan3A_679#2 : vector<16xi32>
      %all_reduce_population_count3A = tpu.all_reduce %ge3A {dim = 0 : i64, kind = #tpu.reduction_kind<sum>} : vector<16xi1> -> vector<16xi32>
      %sub3A_1457 = arith.constant 1 : i32
      %sub3A_1458 = vector.broadcast %sub3A_1457 : i32 to vector<16xi32>
      %sub3A_1459 = arith.subi %all_reduce_population_count3A, %sub3A_1458 : vector<16xi32>
      %eq3A_1460 = arith.cmpi eq, %iota3A, %sub3A_1459 : vector<16xi32>
      %jit3A_1461 = arith.constant 0 : i32
      %broadcast_in_dim3A_1462 = vector.broadcast %jit3A_1461 : i32 to vector<16xi32>
      %select_n3A_1463 = arith.select %eq3A_1460, %add3A_1456, %broadcast_in_dim3A_1462 : vector<16xi1>, vector<16xi32>
      %reduce_sum3A_1464 = arith.constant true
      %reduce_sum3A_1465 = vector.broadcast %reduce_sum3A_1464 : i1 to vector<16xi1>
      %reduce_sum3A_1466 = tpu.scan <sum>, %select_n3A_1463 masked %reduce_sum3A_1465 : vector<16xi32>, vector<16xi1> -> vector<16xi32>
      %reduce_sum3A_1467 = vector.extract %reduce_sum3A_1466[15] : i32 from vector<16xi32>
      %broadcast_in_dim3A_1468 = vector.broadcast %reduce_sum3A_1467 : i32 to vector<16xi32>
      %eq3A_1469 = arith.cmpi eq, %iota3A, %sub3A_1459 : vector<16xi32>
      %jit3A_1470 = arith.constant 0 : i32
      %broadcast_in_dim3A_1471 = vector.broadcast %jit3A_1470 : i32 to vector<16xi32>
      %select_n3A_1472 = arith.select %eq3A_1469, %get3A_1443, %broadcast_in_dim3A_1471 : vector<16xi1>, vector<16xi32>
      %reduce_sum3A_1473 = arith.constant true
      %reduce_sum3A_1474 = vector.broadcast %reduce_sum3A_1473 : i1 to vector<16xi1>
      %reduce_sum3A_1475 = tpu.scan <sum>, %select_n3A_1472 masked %reduce_sum3A_1474 : vector<16xi32>, vector<16xi1> -> vector<16xi32>
      %reduce_sum3A_1476 = vector.extract %reduce_sum3A_1475[15] : i32 from vector<16xi32>
      %broadcast_in_dim3A_1477 = vector.broadcast %reduce_sum3A_1476 : i32 to vector<16xi32>
      %eq3A_1478 = arith.constant 0 : i32
      %eq3A_1479 = vector.broadcast %eq3A_1478 : i32 to vector<16xi32>
      %eq3A_1480 = arith.cmpi eq, %scan3A_1434, %eq3A_1479 : vector<16xi32>
      %gt3A_1481 = arith.constant 0 : i32
      %gt3A_1482 = vector.broadcast %gt3A_1481 : i32 to vector<16xi32>
      %gt3A_1483 = arith.cmpi sgt, %all_reduce_population_count3A, %gt3A_1482 : vector<16xi32>
      %and3A_1484 = arith.andi %eq3A_1480, %gt3A_1483 : vector<16xi1>
      %jit3A_1485 = arith.constant 1 : i32
      %broadcast_in_dim3A_1486 = vector.broadcast %jit3A_1485 : i32 to vector<16xi32>
      %select_n3A_1487 = arith.select %and3A_1484, %broadcast_in_dim3A_1486, %scan3A_1434 : vector<16xi1>, vector<16xi32>
      %mul3A_1488 = arith.constant 16 : i32
      %mul3A_1489 = arith.muli %sub3A_1439, %mul3A_1488 : i32
      %add3A_1490 = vector.broadcast %mul3A_1489 : i32 to vector<16xi32>
      %add3A_1491 = arith.addi %add3A_1490, %sub3A_1459 : vector<16xi32>
      %select_n3A_1492 = arith.select %and3A_1484, %add3A_1491, %scan3A_1435 : vector<16xi1>, vector<16xi32>
      %sub3A_1493 = arith.subi %broadcast_in_dim3A_1468, %broadcast_in_dim3A_1477 : vector<16xi32>
      %sub3A_1494 = arith.subi %scan3A_679#2, %sub3A_1493 : vector<16xi32>
      %select_n3A_1495 = arith.select %and3A_1484, %sub3A_1494, %scan3A_1436 : vector<16xi1>, vector<16xi32>
      %eq3A_1496 = arith.cmpi eq, %iota3A, %broadcast_in_dim3A_3 : vector<16xi32>
      %jit3A_1497 = arith.constant 0 : i32
      %broadcast_in_dim3A_1498 = vector.broadcast %jit3A_1497 : i32 to vector<16xi32>
      %select_n3A_1499 = arith.select %eq3A_1496, %add3A_1456, %broadcast_in_dim3A_1498 : vector<16xi1>, vector<16xi32>
      %reduce_sum3A_1500 = arith.constant true
      %reduce_sum3A_1501 = vector.broadcast %reduce_sum3A_1500 : i1 to vector<16xi1>
      %reduce_sum3A_1502 = tpu.scan <sum>, %select_n3A_1499 masked %reduce_sum3A_1501 : vector<16xi32>, vector<16xi1> -> vector<16xi32>
      %reduce_sum3A_1503 = vector.extract %reduce_sum3A_1502[15] : i32 from vector<16xi32>
      %broadcast_in_dim3A_1504 = vector.broadcast %reduce_sum3A_1503 : i32 to vector<16xi32>
      scf.yield %select_n3A_1487, %select_n3A_1492, %select_n3A_1495, %broadcast_in_dim3A_1504 : vector<16xi32>, vector<16xi32>, vector<16xi32>, vector<16xi32>
    }
    %scan3A_1024 = arith.constant 16 : i32
    %shift_left3A_1025 = arith.constant 8 : i32
    %shift_left3A_1026 = vector.broadcast %shift_left3A_1025 : i32 to vector<16xi32>
    %shift_left3A_1027 = arith.shli %or3A_684, %shift_left3A_1026 : vector<16xi32>
    %or3A_1028 = arith.ori %shift_left3A_1027, %scan3A_1023#1 : vector<16xi32>
    %scan3A_1029 = arith.constant 0 : i32
    %scan3A_1030 = arith.constant 0 : i32
    %scan3A_1031 = arith.constant 32 : i32
    %scan3A_1032 = arith.addi %scan3A_1030, %scan3A_1031 : i32
    %scan3A_1033 = arith.constant 1 : i32
    scf.for %scan3A_1433 = %scan3A_1030 to %scan3A_1032 step %scan3A_1033  : i32 {
      %mul3A_1434 = arith.constant 8 : i32
      %mul3A_1435 = arith.muli %scan3A_1433, %mul3A_1434 : i32
      %add3A_1436 = arith.constant 0 : i32
      %add3A_1437 = arith.addi %mul3A_1435, %add3A_1436 : i32
      %mul3A_1438 = arith.constant 16 : i32
      %mul3A_1439 = arith.muli %add3A_1437, %mul3A_1438 : i32
      %swap3A_1440 = arith.index_cast %mul3A_1439 : i32 to index
      %swap3A_1441 = tpu.vector_load %arg6[%swap3A_1440] {strides = array<i32>} : memref<4096xi32, #tpu.memory_space<vmem>>, vector<16xi32>,
      tpu.vector_store %arg6[%swap3A_1440], %broadcast_in_dim3A_3 {strides = array<i32>} : memref<4096xi32, #tpu.memory_space<vmem>>, vector<16xi32>,
      %mul3A_1442 = arith.constant 8 : i32
      %mul3A_1443 = arith.muli %scan3A_1433, %mul3A_1442 : i32
      %add3A_1444 = arith.constant 1 : i32
      %add3A_1445 = arith.addi %mul3A_1443, %add3A_1444 : i32
      %mul3A_1446 = arith.constant 16 : i32
      %mul3A_1447 = arith.muli %add3A_1445, %mul3A_1446 : i32
      %swap3A_1448 = arith.index_cast %mul3A_1447 : i32 to index
      %swap3A_1449 = tpu.vector_load %arg6[%swap3A_1448] {strides = array<i32>} : memref<4096xi32, #tpu.memory_space<vmem>>, vector<16xi32>,
      tpu.vector_store %arg6[%swap3A_1448], %broadcast_in_dim3A_3 {strides = array<i32>} : memref<4096xi32, #tpu.memory_space<vmem>>, vector<16xi32>,
      %mul3A_1450 = arith.constant 8 : i32
      %mul3A_1451 = arith.muli %scan3A_1433, %mul3A_1450 : i32
      %add3A_1452 = arith.constant 2 : i32
      %add3A_1453 = arith.addi %mul3A_1451, %add3A_1452 : i32
      %mul3A_1454 = arith.constant 16 : i32
      %mul3A_1455 = arith.muli %add3A_1453, %mul3A_1454 : i32
      %swap3A_1456 = arith.index_cast %mul3A_1455 : i32 to index
      %swap3A_1457 = tpu.vector_load %arg6[%swap3A_1456] {strides = array<i32>} : memref<4096xi32, #tpu.memory_space<vmem>>, vector<16xi32>,
      tpu.vector_store %arg6[%swap3A_1456], %broadcast_in_dim3A_3 {strides = array<i32>} : memref<4096xi32, #tpu.memory_space<vmem>>, vector<16xi32>,
      %mul3A_1458 = arith.constant 8 : i32
      %mul3A_1459 = arith.muli %scan3A_1433, %mul3A_1458 : i32
      %add3A_1460 = arith.constant 3 : i32
      %add3A_1461 = arith.addi %mul3A_1459, %add3A_1460 : i32
      %mul3A_1462 = arith.constant 16 : i32
      %mul3A_1463 = arith.muli %add3A_1461, %mul3A_1462 : i32
      %swap3A_1464 = arith.index_cast %mul3A_1463 : i32 to index
      %swap3A_1465 = tpu.vector_load %arg6[%swap3A_1464] {strides = array<i32>} : memref<4096xi32, #tpu.memory_space<vmem>>, vector<16xi32>,
      tpu.vector_store %arg6[%swap3A_1464], %broadcast_in_dim3A_3 {strides = array<i32>} : memref<4096xi32, #tpu.memory_space<vmem>>, vector<16xi32>,
      %mul3A_1466 = arith.constant 8 : i32
      %mul3A_1467 = arith.muli %scan3A_1433, %mul3A_1466 : i32
      %add3A_1468 = arith.constant 4 : i32
      %add3A_1469 = arith.addi %mul3A_1467, %add3A_1468 : i32
      %mul3A_1470 = arith.constant 16 : i32
      %mul3A_1471 = arith.muli %add3A_1469, %mul3A_1470 : i32
      %swap3A_1472 = arith.index_cast %mul3A_1471 : i32 to index
      %swap3A_1473 = tpu.vector_load %arg6[%swap3A_1472] {strides = array<i32>} : memref<4096xi32, #tpu.memory_space<vmem>>, vector<16xi32>,
      tpu.vector_store %arg6[%swap3A_1472], %broadcast_in_dim3A_3 {strides = array<i32>} : memref<4096xi32, #tpu.memory_space<vmem>>, vector<16xi32>,
      %mul3A_1474 = arith.constant 8 : i32
      %mul3A_1475 = arith.muli %scan3A_1433, %mul3A_1474 : i32
      %add3A_1476 = arith.constant 5 : i32
      %add3A_1477 = arith.addi %mul3A_1475, %add3A_1476 : i32
      %mul3A_1478 = arith.constant 16 : i32
      %mul3A_1479 = arith.muli %add3A_1477, %mul3A_1478 : i32
      %swap3A_1480 = arith.index_cast %mul3A_1479 : i32 to index
      %swap3A_1481 = tpu.vector_load %arg6[%swap3A_1480] {strides = array<i32>} : memref<4096xi32, #tpu.memory_space<vmem>>, vector<16xi32>,
      tpu.vector_store %arg6[%swap3A_1480], %broadcast_in_dim3A_3 {strides = array<i32>} : memref<4096xi32, #tpu.memory_space<vmem>>, vector<16xi32>,
      %mul3A_1482 = arith.constant 8 : i32
      %mul3A_1483 = arith.muli %scan3A_1433, %mul3A_1482 : i32
      %add3A_1484 = arith.constant 6 : i32
      %add3A_1485 = arith.addi %mul3A_1483, %add3A_1484 : i32
      %mul3A_1486 = arith.constant 16 : i32
      %mul3A_1487 = arith.muli %add3A_1485, %mul3A_1486 : i32
      %swap3A_1488 = arith.index_cast %mul3A_1487 : i32 to index
      %swap3A_1489 = tpu.vector_load %arg6[%swap3A_1488] {strides = array<i32>} : memref<4096xi32, #tpu.memory_space<vmem>>, vector<16xi32>,
      tpu.vector_store %arg6[%swap3A_1488], %broadcast_in_dim3A_3 {strides = array<i32>} : memref<4096xi32, #tpu.memory_space<vmem>>, vector<16xi32>,
      %mul3A_1490 = arith.constant 8 : i32
      %mul3A_1491 = arith.muli %scan3A_1433, %mul3A_1490 : i32
      %add3A_1492 = arith.constant 7 : i32
      %add3A_1493 = arith.addi %mul3A_1491, %add3A_1492 : i32
      %mul3A_1494 = arith.constant 16 : i32
      %mul3A_1495 = arith.muli %add3A_1493, %mul3A_1494 : i32
      %swap3A_1496 = arith.index_cast %mul3A_1495 : i32 to index
      %swap3A_1497 = tpu.vector_load %arg6[%swap3A_1496] {strides = array<i32>} : memref<4096xi32, #tpu.memory_space<vmem>>, vector<16xi32>,
      tpu.vector_store %arg6[%swap3A_1496], %broadcast_in_dim3A_3 {strides = array<i32>} : memref<4096xi32, #tpu.memory_space<vmem>>, vector<16xi32>,
    }
    %scan3A_1034 = arith.constant 32 : i32
    %scan3A_1035 = arith.constant 0 : i32
    %scan3A_1036 = arith.constant 0 : i32
    %scan3A_1037 = arith.constant 16 : i32
    %scan3A_1038 = arith.addi %scan3A_1036, %scan3A_1037 : i32
    %scan3A_1039 = arith.constant 1 : i32
    scf.for %scan3A_1433 = %scan3A_1036 to %scan3A_1038 step %scan3A_1039  : i32 {
      %mul3A_1434 = arith.constant 8 : i32
      %mul3A_1435 = arith.muli %scan3A_1433, %mul3A_1434 : i32
      %add3A_1436 = arith.constant 0 : i32
      %add3A_1437 = arith.addi %mul3A_1435, %add3A_1436 : i32
      %mul3A_1438 = arith.constant 16 : i32
      %mul3A_1439 = arith.muli %add3A_1437, %mul3A_1438 : i32
      %get3A_1440 = arith.index_cast %mul3A_1439 : i32 to index
      %get3A_1441 = tpu.vector_load %arg5[%get3A_1440] {strides = array<i32>} : memref<2048xi32, #tpu.memory_space<vmem>>, vector<16xi32>,
      %bitcast_convert_type3A = tpu.bitcast %get3A_1441 : vector<16xi32> -> vector<16xi32>
      %xor3A_1442 = arith.constant -2147483648 : i32
      %xor3A_1443 = vector.broadcast %xor3A_1442 : i32 to vector<16xi32>
      %xor3A_1444 = arith.xori %bitcast_convert_type3A, %xor3A_1443 : vector<16xi32>
      %shift_right_logical3A = arith.constant 0 : i32
      %shift_right_logical3A_1445 = vector.broadcast %shift_right_logical3A : i32 to vector<16xi32>
      %shift_right_logical3A_1446 = arith.shrui %xor3A_1444, %shift_right_logical3A_1445 : vector<16xi32>
      %and3A_1447 = arith.constant 255 : i32
      %and3A_1448 = vector.broadcast %and3A_1447 : i32 to vector<16xi32>
      %and3A_1449 = arith.andi %shift_right_logical3A_1446, %and3A_1448 : vector<16xi32>
      %mul3A_1450 = arith.constant 256 : i32
      %mul3A_1451 = vector.broadcast %mul3A_1450 : i32 to vector<16xi32>
      %mul3A_1452 = arith.muli %iota3A, %mul3A_1451 : vector<16xi32>
      %add3A_1453 = arith.addi %mul3A_1452, %and3A_1449 : vector<16xi32>
      %shift_right_logical3A_1454 = arith.constant 8 : i32
      %shift_right_logical3A_1455 = vector.broadcast %shift_right_logical3A_1454 : i32 to vector<16xi32>
      %shift_right_logical3A_1456 = arith.shrui %xor3A_1444, %shift_right_logical3A_1455 : vector<16xi32>
      %eq3A_1457 = arith.cmpi eq, %shift_right_logical3A_1456, %or3A_1028 : vector<16xi32>
      tpu.vector_store_idx %arg6[%add3A_1453], %broadcast_in_dim3A_1 masked %eq3A_1457 {add = true} : memref<4096xi32, #tpu.memory_space<vmem>>[vector<16xi32>], vector<16xi32>, vector<16xi1>
      %mul3A_1458 = arith.constant 8 : i32
      %mul3A_1459 = arith.muli %scan3A_1433, %mul3A_1458 : i32
      %add3A_1460 = arith.constant 1 : i32
      %add3A_1461 = arith.addi %mul3A_1459, %add3A_1460 : i32
      %mul3A_1462 = arith.constant 16 : i32
      %mul3A_1463 = arith.muli %add3A_1461, %mul3A_1462 : i32
      %get3A_1464 = arith.index_cast %mul3A_1463 : i32 to index
      %get3A_1465 = tpu.vector_load %arg5[%get3A_1464] {strides = array<i32>} : memref<2048xi32, #tpu.memory_space<vmem>>, vector<16xi32>,
      %bitcast_convert_type3A_1466 = tpu.bitcast %get3A_1465 : vector<16xi32> -> vector<16xi32>
      %xor3A_1467 = arith.constant -2147483648 : i32
      %xor3A_1468 = vector.broadcast %xor3A_1467 : i32 to vector<16xi32>
      %xor3A_1469 = arith.xori %bitcast_convert_type3A_1466, %xor3A_1468 : vector<16xi32>
      %shift_right_logical3A_1470 = arith.constant 0 : i32
      %shift_right_logical3A_1471 = vector.broadcast %shift_right_logical3A_1470 : i32 to vector<16xi32>
      %shift_right_logical3A_1472 = arith.shrui %xor3A_1469, %shift_right_logical3A_1471 : vector<16xi32>
      %and3A_1473 = arith.constant 255 : i32
      %and3A_1474 = vector.broadcast %and3A_1473 : i32 to vector<16xi32>
      %and3A_1475 = arith.andi %shift_right_logical3A_1472, %and3A_1474 : vector<16xi32>
      %mul3A_1476 = arith.constant 256 : i32
      %mul3A_1477 = vector.broadcast %mul3A_1476 : i32 to vector<16xi32>
      %mul3A_1478 = arith.muli %iota3A, %mul3A_1477 : vector<16xi32>
      %add3A_1479 = arith.addi %mul3A_1478, %and3A_1475 : vector<16xi32>
      %shift_right_logical3A_1480 = arith.constant 8 : i32
      %shift_right_logical3A_1481 = vector.broadcast %shift_right_logical3A_1480 : i32 to vector<16xi32>
      %shift_right_logical3A_1482 = arith.shrui %xor3A_1469, %shift_right_logical3A_1481 : vector<16xi32>
      %eq3A_1483 = arith.cmpi eq, %shift_right_logical3A_1482, %or3A_1028 : vector<16xi32>
      tpu.vector_store_idx %arg6[%add3A_1479], %broadcast_in_dim3A_1 masked %eq3A_1483 {add = true} : memref<4096xi32, #tpu.memory_space<vmem>>[vector<16xi32>], vector<16xi32>, vector<16xi1>
      %mul3A_1484 = arith.constant 8 : i32
      %mul3A_1485 = arith.muli %scan3A_1433, %mul3A_1484 : i32
      %add3A_1486 = arith.constant 2 : i32
      %add3A_1487 = arith.addi %mul3A_1485, %add3A_1486 : i32
      %mul3A_1488 = arith.constant 16 : i32
      %mul3A_1489 = arith.muli %add3A_1487, %mul3A_1488 : i32
      %get3A_1490 = arith.index_cast %mul3A_1489 : i32 to index
      %get3A_1491 = tpu.vector_load %arg5[%get3A_1490] {strides = array<i32>} : memref<2048xi32, #tpu.memory_space<vmem>>, vector<16xi32>,
      %bitcast_convert_type3A_1492 = tpu.bitcast %get3A_1491 : vector<16xi32> -> vector<16xi32>
      %xor3A_1493 = arith.constant -2147483648 : i32
      %xor3A_1494 = vector.broadcast %xor3A_1493 : i32 to vector<16xi32>
      %xor3A_1495 = arith.xori %bitcast_convert_type3A_1492, %xor3A_1494 : vector<16xi32>
      %shift_right_logical3A_1496 = arith.constant 0 : i32
      %shift_right_logical3A_1497 = vector.broadcast %shift_right_logical3A_1496 : i32 to vector<16xi32>
      %shift_right_logical3A_1498 = arith.shrui %xor3A_1495, %shift_right_logical3A_1497 : vector<16xi32>
      %and3A_1499 = arith.constant 255 : i32
      %and3A_1500 = vector.broadcast %and3A_1499 : i32 to vector<16xi32>
      %and3A_1501 = arith.andi %shift_right_logical3A_1498, %and3A_1500 : vector<16xi32>
      %mul3A_1502 = arith.constant 256 : i32
      %mul3A_1503 = vector.broadcast %mul3A_1502 : i32 to vector<16xi32>
      %mul3A_1504 = arith.muli %iota3A, %mul3A_1503 : vector<16xi32>
      %add3A_1505 = arith.addi %mul3A_1504, %and3A_1501 : vector<16xi32>
      %shift_right_logical3A_1506 = arith.constant 8 : i32
      %shift_right_logical3A_1507 = vector.broadcast %shift_right_logical3A_1506 : i32 to vector<16xi32>
      %shift_right_logical3A_1508 = arith.shrui %xor3A_1495, %shift_right_logical3A_1507 : vector<16xi32>
      %eq3A_1509 = arith.cmpi eq, %shift_right_logical3A_1508, %or3A_1028 : vector<16xi32>
      tpu.vector_store_idx %arg6[%add3A_1505], %broadcast_in_dim3A_1 masked %eq3A_1509 {add = true} : memref<4096xi32, #tpu.memory_space<vmem>>[vector<16xi32>], vector<16xi32>, vector<16xi1>
      %mul3A_1510 = arith.constant 8 : i32
      %mul3A_1511 = arith.muli %scan3A_1433, %mul3A_1510 : i32
      %add3A_1512 = arith.constant 3 : i32
      %add3A_1513 = arith.addi %mul3A_1511, %add3A_1512 : i32
      %mul3A_1514 = arith.constant 16 : i32
      %mul3A_1515 = arith.muli %add3A_1513, %mul3A_1514 : i32
      %get3A_1516 = arith.index_cast %mul3A_1515 : i32 to index
      %get3A_1517 = tpu.vector_load %arg5[%get3A_1516] {strides = array<i32>} : memref<2048xi32, #tpu.memory_space<vmem>>, vector<16xi32>,
      %bitcast_convert_type3A_1518 = tpu.bitcast %get3A_1517 : vector<16xi32> -> vector<16xi32>
      %xor3A_1519 = arith.constant -2147483648 : i32
      %xor3A_1520 = vector.broadcast %xor3A_1519 : i32 to vector<16xi32>
      %xor3A_1521 = arith.xori %bitcast_convert_type3A_1518, %xor3A_1520 : vector<16xi32>
      %shift_right_logical3A_1522 = arith.constant 0 : i32
      %shift_right_logical3A_1523 = vector.broadcast %shift_right_logical3A_1522 : i32 to vector<16xi32>
      %shift_right_logical3A_1524 = arith.shrui %xor3A_1521, %shift_right_logical3A_1523 : vector<16xi32>
      %and3A_1525 = arith.constant 255 : i32
      %and3A_1526 = vector.broadcast %and3A_1525 : i32 to vector<16xi32>
      %and3A_1527 = arith.andi %shift_right_logical3A_1524, %and3A_1526 : vector<16xi32>
      %mul3A_1528 = arith.constant 256 : i32
      %mul3A_1529 = vector.broadcast %mul3A_1528 : i32 to vector<16xi32>
      %mul3A_1530 = arith.muli %iota3A, %mul3A_1529 : vector<16xi32>
      %add3A_1531 = arith.addi %mul3A_1530, %and3A_1527 : vector<16xi32>
      %shift_right_logical3A_1532 = arith.constant 8 : i32
      %shift_right_logical3A_1533 = vector.broadcast %shift_right_logical3A_1532 : i32 to vector<16xi32>
      %shift_right_logical3A_1534 = arith.shrui %xor3A_1521, %shift_right_logical3A_1533 : vector<16xi32>
      %eq3A_1535 = arith.cmpi eq, %shift_right_logical3A_1534, %or3A_1028 : vector<16xi32>
      tpu.vector_store_idx %arg6[%add3A_1531], %broadcast_in_dim3A_1 masked %eq3A_1535 {add = true} : memref<4096xi32, #tpu.memory_space<vmem>>[vector<16xi32>], vector<16xi32>, vector<16xi1>
      %mul3A_1536 = arith.constant 8 : i32
      %mul3A_1537 = arith.muli %scan3A_1433, %mul3A_1536 : i32
      %add3A_1538 = arith.constant 4 : i32
      %add3A_1539 = arith.addi %mul3A_1537, %add3A_1538 : i32
      %mul3A_1540 = arith.constant 16 : i32
      %mul3A_1541 = arith.muli %add3A_1539, %mul3A_1540 : i32
      %get3A_1542 = arith.index_cast %mul3A_1541 : i32 to index
      %get3A_1543 = tpu.vector_load %arg5[%get3A_1542] {strides = array<i32>} : memref<2048xi32, #tpu.memory_space<vmem>>, vector<16xi32>,
      %bitcast_convert_type3A_1544 = tpu.bitcast %get3A_1543 : vector<16xi32> -> vector<16xi32>
      %xor3A_1545 = arith.constant -2147483648 : i32
      %xor3A_1546 = vector.broadcast %xor3A_1545 : i32 to vector<16xi32>
      %xor3A_1547 = arith.xori %bitcast_convert_type3A_1544, %xor3A_1546 : vector<16xi32>
      %shift_right_logical3A_1548 = arith.constant 0 : i32
      %shift_right_logical3A_1549 = vector.broadcast %shift_right_logical3A_1548 : i32 to vector<16xi32>
      %shift_right_logical3A_1550 = arith.shrui %xor3A_1547, %shift_right_logical3A_1549 : vector<16xi32>
      %and3A_1551 = arith.constant 255 : i32
      %and3A_1552 = vector.broadcast %and3A_1551 : i32 to vector<16xi32>
      %and3A_1553 = arith.andi %shift_right_logical3A_1550, %and3A_1552 : vector<16xi32>
      %mul3A_1554 = arith.constant 256 : i32
      %mul3A_1555 = vector.broadcast %mul3A_1554 : i32 to vector<16xi32>
      %mul3A_1556 = arith.muli %iota3A, %mul3A_1555 : vector<16xi32>
      %add3A_1557 = arith.addi %mul3A_1556, %and3A_1553 : vector<16xi32>
      %shift_right_logical3A_1558 = arith.constant 8 : i32
      %shift_right_logical3A_1559 = vector.broadcast %shift_right_logical3A_1558 : i32 to vector<16xi32>
      %shift_right_logical3A_1560 = arith.shrui %xor3A_1547, %shift_right_logical3A_1559 : vector<16xi32>
      %eq3A_1561 = arith.cmpi eq, %shift_right_logical3A_1560, %or3A_1028 : vector<16xi32>
      tpu.vector_store_idx %arg6[%add3A_1557], %broadcast_in_dim3A_1 masked %eq3A_1561 {add = true} : memref<4096xi32, #tpu.memory_space<vmem>>[vector<16xi32>], vector<16xi32>, vector<16xi1>
      %mul3A_1562 = arith.constant 8 : i32
      %mul3A_1563 = arith.muli %scan3A_1433, %mul3A_1562 : i32
      %add3A_1564 = arith.constant 5 : i32
      %add3A_1565 = arith.addi %mul3A_1563, %add3A_1564 : i32
      %mul3A_1566 = arith.constant 16 : i32
      %mul3A_1567 = arith.muli %add3A_1565, %mul3A_1566 : i32
      %get3A_1568 = arith.index_cast %mul3A_1567 : i32 to index
      %get3A_1569 = tpu.vector_load %arg5[%get3A_1568] {strides = array<i32>} : memref<2048xi32, #tpu.memory_space<vmem>>, vector<16xi32>,
      %bitcast_convert_type3A_1570 = tpu.bitcast %get3A_1569 : vector<16xi32> -> vector<16xi32>
      %xor3A_1571 = arith.constant -2147483648 : i32
      %xor3A_1572 = vector.broadcast %xor3A_1571 : i32 to vector<16xi32>
      %xor3A_1573 = arith.xori %bitcast_convert_type3A_1570, %xor3A_1572 : vector<16xi32>
      %shift_right_logical3A_1574 = arith.constant 0 : i32
      %shift_right_logical3A_1575 = vector.broadcast %shift_right_logical3A_1574 : i32 to vector<16xi32>
      %shift_right_logical3A_1576 = arith.shrui %xor3A_1573, %shift_right_logical3A_1575 : vector<16xi32>
      %and3A_1577 = arith.constant 255 : i32
      %and3A_1578 = vector.broadcast %and3A_1577 : i32 to vector<16xi32>
      %and3A_1579 = arith.andi %shift_right_logical3A_1576, %and3A_1578 : vector<16xi32>
      %mul3A_1580 = arith.constant 256 : i32
      %mul3A_1581 = vector.broadcast %mul3A_1580 : i32 to vector<16xi32>
      %mul3A_1582 = arith.muli %iota3A, %mul3A_1581 : vector<16xi32>
      %add3A_1583 = arith.addi %mul3A_1582, %and3A_1579 : vector<16xi32>
      %shift_right_logical3A_1584 = arith.constant 8 : i32
      %shift_right_logical3A_1585 = vector.broadcast %shift_right_logical3A_1584 : i32 to vector<16xi32>
      %shift_right_logical3A_1586 = arith.shrui %xor3A_1573, %shift_right_logical3A_1585 : vector<16xi32>
      %eq3A_1587 = arith.cmpi eq, %shift_right_logical3A_1586, %or3A_1028 : vector<16xi32>
      tpu.vector_store_idx %arg6[%add3A_1583], %broadcast_in_dim3A_1 masked %eq3A_1587 {add = true} : memref<4096xi32, #tpu.memory_space<vmem>>[vector<16xi32>], vector<16xi32>, vector<16xi1>
      %mul3A_1588 = arith.constant 8 : i32
      %mul3A_1589 = arith.muli %scan3A_1433, %mul3A_1588 : i32
      %add3A_1590 = arith.constant 6 : i32
      %add3A_1591 = arith.addi %mul3A_1589, %add3A_1590 : i32
      %mul3A_1592 = arith.constant 16 : i32
      %mul3A_1593 = arith.muli %add3A_1591, %mul3A_1592 : i32
      %get3A_1594 = arith.index_cast %mul3A_1593 : i32 to index
      %get3A_1595 = tpu.vector_load %arg5[%get3A_1594] {strides = array<i32>} : memref<2048xi32, #tpu.memory_space<vmem>>, vector<16xi32>,
      %bitcast_convert_type3A_1596 = tpu.bitcast %get3A_1595 : vector<16xi32> -> vector<16xi32>
      %xor3A_1597 = arith.constant -2147483648 : i32
      %xor3A_1598 = vector.broadcast %xor3A_1597 : i32 to vector<16xi32>
      %xor3A_1599 = arith.xori %bitcast_convert_type3A_1596, %xor3A_1598 : vector<16xi32>
      %shift_right_logical3A_1600 = arith.constant 0 : i32
      %shift_right_logical3A_1601 = vector.broadcast %shift_right_logical3A_1600 : i32 to vector<16xi32>
      %shift_right_logical3A_1602 = arith.shrui %xor3A_1599, %shift_right_logical3A_1601 : vector<16xi32>
      %and3A_1603 = arith.constant 255 : i32
      %and3A_1604 = vector.broadcast %and3A_1603 : i32 to vector<16xi32>
      %and3A_1605 = arith.andi %shift_right_logical3A_1602, %and3A_1604 : vector<16xi32>
      %mul3A_1606 = arith.constant 256 : i32
      %mul3A_1607 = vector.broadcast %mul3A_1606 : i32 to vector<16xi32>
      %mul3A_1608 = arith.muli %iota3A, %mul3A_1607 : vector<16xi32>
      %add3A_1609 = arith.addi %mul3A_1608, %and3A_1605 : vector<16xi32>
      %shift_right_logical3A_1610 = arith.constant 8 : i32
      %shift_right_logical3A_1611 = vector.broadcast %shift_right_logical3A_1610 : i32 to vector<16xi32>
      %shift_right_logical3A_1612 = arith.shrui %xor3A_1599, %shift_right_logical3A_1611 : vector<16xi32>
      %eq3A_1613 = arith.cmpi eq, %shift_right_logical3A_1612, %or3A_1028 : vector<16xi32>
      tpu.vector_store_idx %arg6[%add3A_1609], %broadcast_in_dim3A_1 masked %eq3A_1613 {add = true} : memref<4096xi32, #tpu.memory_space<vmem>>[vector<16xi32>], vector<16xi32>, vector<16xi1>
      %mul3A_1614 = arith.constant 8 : i32
      %mul3A_1615 = arith.muli %scan3A_1433, %mul3A_1614 : i32
      %add3A_1616 = arith.constant 7 : i32
      %add3A_1617 = arith.addi %mul3A_1615, %add3A_1616 : i32
      %mul3A_1618 = arith.constant 16 : i32
      %mul3A_1619 = arith.muli %add3A_1617, %mul3A_1618 : i32
      %get3A_1620 = arith.index_cast %mul3A_1619 : i32 to index
      %get3A_1621 = tpu.vector_load %arg5[%get3A_1620] {strides = array<i32>} : memref<2048xi32, #tpu.memory_space<vmem>>, vector<16xi32>,
      %bitcast_convert_type3A_1622 = tpu.bitcast %get3A_1621 : vector<16xi32> -> vector<16xi32>
      %xor3A_1623 = arith.constant -2147483648 : i32
      %xor3A_1624 = vector.broadcast %xor3A_1623 : i32 to vector<16xi32>
      %xor3A_1625 = arith.xori %bitcast_convert_type3A_1622, %xor3A_1624 : vector<16xi32>
      %shift_right_logical3A_1626 = arith.constant 0 : i32
      %shift_right_logical3A_1627 = vector.broadcast %shift_right_logical3A_1626 : i32 to vector<16xi32>
      %shift_right_logical3A_1628 = arith.shrui %xor3A_1625, %shift_right_logical3A_1627 : vector<16xi32>
      %and3A_1629 = arith.constant 255 : i32
      %and3A_1630 = vector.broadcast %and3A_1629 : i32 to vector<16xi32>
      %and3A_1631 = arith.andi %shift_right_logical3A_1628, %and3A_1630 : vector<16xi32>
      %mul3A_1632 = arith.constant 256 : i32
      %mul3A_1633 = vector.broadcast %mul3A_1632 : i32 to vector<16xi32>
      %mul3A_1634 = arith.muli %iota3A, %mul3A_1633 : vector<16xi32>
      %add3A_1635 = arith.addi %mul3A_1634, %and3A_1631 : vector<16xi32>
      %shift_right_logical3A_1636 = arith.constant 8 : i32
      %shift_right_logical3A_1637 = vector.broadcast %shift_right_logical3A_1636 : i32 to vector<16xi32>
      %shift_right_logical3A_1638 = arith.shrui %xor3A_1625, %shift_right_logical3A_1637 : vector<16xi32>
      %eq3A_1639 = arith.cmpi eq, %shift_right_logical3A_1638, %or3A_1028 : vector<16xi32>
      tpu.vector_store_idx %arg6[%add3A_1635], %broadcast_in_dim3A_1 masked %eq3A_1639 {add = true} : memref<4096xi32, #tpu.memory_space<vmem>>[vector<16xi32>], vector<16xi32>, vector<16xi1>
    }
    %scan3A_1040 = arith.constant 16 : i32
    %scan3A_1041 = arith.constant 0 : i32
    %scan3A_1042 = arith.constant 0 : i32
    %scan3A_1043 = arith.constant 16 : i32
    %scan3A_1044 = arith.addi %scan3A_1042, %scan3A_1043 : i32
    %scan3A_1045 = arith.constant 1 : i32
    scf.for %scan3A_1433 = %scan3A_1042 to %scan3A_1044 step %scan3A_1045  : i32 {
      %mul3A_1434 = arith.constant 16 : i32
      %mul3A_1435 = arith.muli %scan3A_1433, %mul3A_1434 : i32
      %add3A_1436 = arith.constant 0 : i32
      %add3A_1437 = arith.addi %add3A_1436, %mul3A_1435 : i32
      %get3A_1438 = arith.index_cast %add3A_1437 : i32 to index
      %get3A_1439 = tpu.vector_load %arg6[%get3A_1438] {strides = array<i32>} : memref<4096xi32, #tpu.memory_space<vmem>>, vector<16xi32>,
      %add3A_1440 = arith.addi %broadcast_in_dim3A_3, %get3A_1439 : vector<16xi32>
      %mul3A_1441 = arith.constant 16 : i32
      %mul3A_1442 = arith.muli %scan3A_1433, %mul3A_1441 : i32
      %add3A_1443 = arith.constant 256 : i32
      %add3A_1444 = arith.addi %add3A_1443, %mul3A_1442 : i32
      %get3A_1445 = arith.index_cast %add3A_1444 : i32 to index
      %get3A_1446 = tpu.vector_load %arg6[%get3A_1445] {strides = array<i32>} : memref<4096xi32, #tpu.memory_space<vmem>>, vector<16xi32>,
      %add3A_1447 = arith.addi %add3A_1440, %get3A_1446 : vector<16xi32>
      %mul3A_1448 = arith.constant 16 : i32
      %mul3A_1449 = arith.muli %scan3A_1433, %mul3A_1448 : i32
      %add3A_1450 = arith.constant 512 : i32
      %add3A_1451 = arith.addi %add3A_1450, %mul3A_1449 : i32
      %get3A_1452 = arith.index_cast %add3A_1451 : i32 to index
      %get3A_1453 = tpu.vector_load %arg6[%get3A_1452] {strides = array<i32>} : memref<4096xi32, #tpu.memory_space<vmem>>, vector<16xi32>,
      %add3A_1454 = arith.addi %add3A_1447, %get3A_1453 : vector<16xi32>
      %mul3A_1455 = arith.constant 16 : i32
      %mul3A_1456 = arith.muli %scan3A_1433, %mul3A_1455 : i32
      %add3A_1457 = arith.constant 768 : i32
      %add3A_1458 = arith.addi %add3A_1457, %mul3A_1456 : i32
      %get3A_1459 = arith.index_cast %add3A_1458 : i32 to index
      %get3A_1460 = tpu.vector_load %arg6[%get3A_1459] {strides = array<i32>} : memref<4096xi32, #tpu.memory_space<vmem>>, vector<16xi32>,
      %add3A_1461 = arith.addi %add3A_1454, %get3A_1460 : vector<16xi32>
      %mul3A_1462 = arith.constant 16 : i32
      %mul3A_1463 = arith.muli %scan3A_1433, %mul3A_1462 : i32
      %add3A_1464 = arith.constant 1024 : i32
      %add3A_1465 = arith.addi %add3A_1464, %mul3A_1463 : i32
      %get3A_1466 = arith.index_cast %add3A_1465 : i32 to index
      %get3A_1467 = tpu.vector_load %arg6[%get3A_1466] {strides = array<i32>} : memref<4096xi32, #tpu.memory_space<vmem>>, vector<16xi32>,
      %add3A_1468 = arith.addi %add3A_1461, %get3A_1467 : vector<16xi32>
      %mul3A_1469 = arith.constant 16 : i32
      %mul3A_1470 = arith.muli %scan3A_1433, %mul3A_1469 : i32
      %add3A_1471 = arith.constant 1280 : i32
      %add3A_1472 = arith.addi %add3A_1471, %mul3A_1470 : i32
      %get3A_1473 = arith.index_cast %add3A_1472 : i32 to index
      %get3A_1474 = tpu.vector_load %arg6[%get3A_1473] {strides = array<i32>} : memref<4096xi32, #tpu.memory_space<vmem>>, vector<16xi32>,
      %add3A_1475 = arith.addi %add3A_1468, %get3A_1474 : vector<16xi32>
      %mul3A_1476 = arith.constant 16 : i32
      %mul3A_1477 = arith.muli %scan3A_1433, %mul3A_1476 : i32
      %add3A_1478 = arith.constant 1536 : i32
      %add3A_1479 = arith.addi %add3A_1478, %mul3A_1477 : i32
      %get3A_1480 = arith.index_cast %add3A_1479 : i32 to index
      %get3A_1481 = tpu.vector_load %arg6[%get3A_1480] {strides = array<i32>} : memref<4096xi32, #tpu.memory_space<vmem>>, vector<16xi32>,
      %add3A_1482 = arith.addi %add3A_1475, %get3A_1481 : vector<16xi32>
      %mul3A_1483 = arith.constant 16 : i32
      %mul3A_1484 = arith.muli %scan3A_1433, %mul3A_1483 : i32
      %add3A_1485 = arith.constant 1792 : i32
      %add3A_1486 = arith.addi %add3A_1485, %mul3A_1484 : i32
      %get3A_1487 = arith.index_cast %add3A_1486 : i32 to index
      %get3A_1488 = tpu.vector_load %arg6[%get3A_1487] {strides = array<i32>} : memref<4096xi32, #tpu.memory_space<vmem>>, vector<16xi32>,
      %add3A_1489 = arith.addi %add3A_1482, %get3A_1488 : vector<16xi32>
      %mul3A_1490 = arith.constant 16 : i32
      %mul3A_1491 = arith.muli %scan3A_1433, %mul3A_1490 : i32
      %add3A_1492 = arith.constant 2048 : i32
      %add3A_1493 = arith.addi %add3A_1492, %mul3A_1491 : i32
      %get3A_1494 = arith.index_cast %add3A_1493 : i32 to index
      %get3A_1495 = tpu.vector_load %arg6[%get3A_1494] {strides = array<i32>} : memref<4096xi32, #tpu.memory_space<vmem>>, vector<16xi32>,
      %add3A_1496 = arith.addi %add3A_1489, %get3A_1495 : vector<16xi32>
      %mul3A_1497 = arith.constant 16 : i32
      %mul3A_1498 = arith.muli %scan3A_1433, %mul3A_1497 : i32
      %add3A_1499 = arith.constant 2304 : i32
      %add3A_1500 = arith.addi %add3A_1499, %mul3A_1498 : i32
      %get3A_1501 = arith.index_cast %add3A_1500 : i32 to index
      %get3A_1502 = tpu.vector_load %arg6[%get3A_1501] {strides = array<i32>} : memref<4096xi32, #tpu.memory_space<vmem>>, vector<16xi32>,
      %add3A_1503 = arith.addi %add3A_1496, %get3A_1502 : vector<16xi32>
      %mul3A_1504 = arith.constant 16 : i32
      %mul3A_1505 = arith.muli %scan3A_1433, %mul3A_1504 : i32
      %add3A_1506 = arith.constant 2560 : i32
      %add3A_1507 = arith.addi %add3A_1506, %mul3A_1505 : i32
      %get3A_1508 = arith.index_cast %add3A_1507 : i32 to index
      %get3A_1509 = tpu.vector_load %arg6[%get3A_1508] {strides = array<i32>} : memref<4096xi32, #tpu.memory_space<vmem>>, vector<16xi32>,
      %add3A_1510 = arith.addi %add3A_1503, %get3A_1509 : vector<16xi32>
      %mul3A_1511 = arith.constant 16 : i32
      %mul3A_1512 = arith.muli %scan3A_1433, %mul3A_1511 : i32
      %add3A_1513 = arith.constant 2816 : i32
      %add3A_1514 = arith.addi %add3A_1513, %mul3A_1512 : i32
      %get3A_1515 = arith.index_cast %add3A_1514 : i32 to index
      %get3A_1516 = tpu.vector_load %arg6[%get3A_1515] {strides = array<i32>} : memref<4096xi32, #tpu.memory_space<vmem>>, vector<16xi32>,
      %add3A_1517 = arith.addi %add3A_1510, %get3A_1516 : vector<16xi32>
      %mul3A_1518 = arith.constant 16 : i32
      %mul3A_1519 = arith.muli %scan3A_1433, %mul3A_1518 : i32
      %add3A_1520 = arith.constant 3072 : i32
      %add3A_1521 = arith.addi %add3A_1520, %mul3A_1519 : i32
      %get3A_1522 = arith.index_cast %add3A_1521 : i32 to index
      %get3A_1523 = tpu.vector_load %arg6[%get3A_1522] {strides = array<i32>} : memref<4096xi32, #tpu.memory_space<vmem>>, vector<16xi32>,
      %add3A_1524 = arith.addi %add3A_1517, %get3A_1523 : vector<16xi32>
      %mul3A_1525 = arith.constant 16 : i32
      %mul3A_1526 = arith.muli %scan3A_1433, %mul3A_1525 : i32
      %add3A_1527 = arith.constant 3328 : i32
      %add3A_1528 = arith.addi %add3A_1527, %mul3A_1526 : i32
      %get3A_1529 = arith.index_cast %add3A_1528 : i32 to index
      %get3A_1530 = tpu.vector_load %arg6[%get3A_1529] {strides = array<i32>} : memref<4096xi32, #tpu.memory_space<vmem>>, vector<16xi32>,
      %add3A_1531 = arith.addi %add3A_1524, %get3A_1530 : vector<16xi32>
      %mul3A_1532 = arith.constant 16 : i32
      %mul3A_1533 = arith.muli %scan3A_1433, %mul3A_1532 : i32
      %add3A_1534 = arith.constant 3584 : i32
      %add3A_1535 = arith.addi %add3A_1534, %mul3A_1533 : i32
      %get3A_1536 = arith.index_cast %add3A_1535 : i32 to index
      %get3A_1537 = tpu.vector_load %arg6[%get3A_1536] {strides = array<i32>} : memref<4096xi32, #tpu.memory_space<vmem>>, vector<16xi32>,
      %add3A_1538 = arith.addi %add3A_1531, %get3A_1537 : vector<16xi32>
      %mul3A_1539 = arith.constant 16 : i32
      %mul3A_1540 = arith.muli %scan3A_1433, %mul3A_1539 : i32
      %add3A_1541 = arith.constant 3840 : i32
      %add3A_1542 = arith.addi %add3A_1541, %mul3A_1540 : i32
      %get3A_1543 = arith.index_cast %add3A_1542 : i32 to index
      %get3A_1544 = tpu.vector_load %arg6[%get3A_1543] {strides = array<i32>} : memref<4096xi32, #tpu.memory_space<vmem>>, vector<16xi32>,
      %add3A_1545 = arith.addi %add3A_1538, %get3A_1544 : vector<16xi32>
      %mul3A_1546 = arith.constant 16 : i32
      %mul3A_1547 = arith.muli %scan3A_1433, %mul3A_1546 : i32
      %swap3A_1548 = arith.index_cast %mul3A_1547 : i32 to index
      %swap3A_1549 = tpu.vector_load %arg7[%swap3A_1548] {strides = array<i32>} : memref<256xi32, #tpu.memory_space<vmem>>, vector<16xi32>,
      tpu.vector_store %arg7[%swap3A_1548], %add3A_1545 {strides = array<i32>} : memref<256xi32, #tpu.memory_space<vmem>>, vector<16xi32>,
    }
    %scan3A_1046 = arith.constant 16 : i32
    %add3A_1047 = arith.constant 768 : i32
    %add3A_1048 = arith.addi %add3A_1047, %arg1 : i32
    %mul3A_1049 = arith.constant 16 : i32
    %mul3A_1050 = arith.muli %add3A_1048, %mul3A_1049 : i32
    %add3A_1051 = arith.constant 784 : i32
    %add3A_1052 = arith.addi %add3A_1051, %arg1 : i32
    %mul3A_1053 = arith.constant 16 : i32
    %mul3A_1054 = arith.muli %add3A_1052, %mul3A_1053 : i32
    %add3A_1055 = arith.constant 800 : i32
    %add3A_1056 = arith.addi %add3A_1055, %arg1 : i32
    %mul3A_1057 = arith.constant 16 : i32
    %mul3A_1058 = arith.muli %add3A_1056, %mul3A_1057 : i32
    %add3A_1059 = arith.constant 816 : i32
    %add3A_1060 = arith.addi %add3A_1059, %arg1 : i32
    %mul3A_1061 = arith.constant 16 : i32
    %mul3A_1062 = arith.muli %add3A_1060, %mul3A_1061 : i32
    %add3A_1063 = arith.constant 832 : i32
    %add3A_1064 = arith.addi %add3A_1063, %arg1 : i32
    %mul3A_1065 = arith.constant 16 : i32
    %mul3A_1066 = arith.muli %add3A_1064, %mul3A_1065 : i32
    %add3A_1067 = arith.constant 848 : i32
    %add3A_1068 = arith.addi %add3A_1067, %arg1 : i32
    %mul3A_1069 = arith.constant 16 : i32
    %mul3A_1070 = arith.muli %add3A_1068, %mul3A_1069 : i32
    %add3A_1071 = arith.constant 864 : i32
    %add3A_1072 = arith.addi %add3A_1071, %arg1 : i32
    %mul3A_1073 = arith.constant 16 : i32
    %mul3A_1074 = arith.muli %add3A_1072, %mul3A_1073 : i32
    %add3A_1075 = arith.constant 880 : i32
    %add3A_1076 = arith.addi %add3A_1075, %arg1 : i32
    %mul3A_1077 = arith.constant 16 : i32
    %mul3A_1078 = arith.muli %add3A_1076, %mul3A_1077 : i32
    %add3A_1079 = arith.constant 896 : i32
    %add3A_1080 = arith.addi %add3A_1079, %arg1 : i32
    %mul3A_1081 = arith.constant 16 : i32
    %mul3A_1082 = arith.muli %add3A_1080, %mul3A_1081 : i32
    %add3A_1083 = arith.constant 912 : i32
    %add3A_1084 = arith.addi %add3A_1083, %arg1 : i32
    %mul3A_1085 = arith.constant 16 : i32
    %mul3A_1086 = arith.muli %add3A_1084, %mul3A_1085 : i32
    %add3A_1087 = arith.constant 928 : i32
    %add3A_1088 = arith.addi %add3A_1087, %arg1 : i32
    %mul3A_1089 = arith.constant 16 : i32
    %mul3A_1090 = arith.muli %add3A_1088, %mul3A_1089 : i32
    %add3A_1091 = arith.constant 944 : i32
    %add3A_1092 = arith.addi %add3A_1091, %arg1 : i32
    %mul3A_1093 = arith.constant 16 : i32
    %mul3A_1094 = arith.muli %add3A_1092, %mul3A_1093 : i32
    %add3A_1095 = arith.constant 960 : i32
    %add3A_1096 = arith.addi %add3A_1095, %arg1 : i32
    %mul3A_1097 = arith.constant 16 : i32
    %mul3A_1098 = arith.muli %add3A_1096, %mul3A_1097 : i32
    %add3A_1099 = arith.constant 976 : i32
    %add3A_1100 = arith.addi %add3A_1099, %arg1 : i32
    %mul3A_1101 = arith.constant 16 : i32
    %mul3A_1102 = arith.muli %add3A_1100, %mul3A_1101 : i32
    %add3A_1103 = arith.constant 992 : i32
    %add3A_1104 = arith.addi %add3A_1103, %arg1 : i32
    %mul3A_1105 = arith.constant 16 : i32
    %mul3A_1106 = arith.muli %add3A_1104, %mul3A_1105 : i32
    %add3A_1107 = arith.constant 1008 : i32
    %add3A_1108 = arith.addi %add3A_1107, %arg1 : i32
    %mul3A_1109 = arith.constant 16 : i32
    %mul3A_1110 = arith.muli %add3A_1108, %mul3A_1109 : i32
    %dma_start3A_1111 = arith.constant 0 : i32
    %dma_start3A_1112 = tpu.memref_slice %arg7[%dma_start3A_1111] : memref<256xi32, #tpu.memory_space<vmem>> -> memref<16xi32, #tpu.memory_space<vmem>>
    %dma_start3A_1113 = tpu.memref_slice %arg11[%mul3A_1050] : memref<16384xi32, #tpu.memory_space<vmem_shared>> -> memref<16xi32, #tpu.memory_space<vmem_shared>>
    %dma_start3A_1114 = tpu.memref_slice %arg11[%mul3A_1050] : memref<16384xi32, #tpu.memory_space<vmem_shared>> -> memref<16xi32, #tpu.memory_space<vmem_shared>>
    %dma_start3A_1115 = arith.constant 0 : i32
    %dma_start3A_1116 = tpu.memref_slice %arg7[%dma_start3A_1115] : memref<256xi32, #tpu.memory_space<vmem>> -> memref<16xi32, #tpu.memory_space<vmem>>
    tpu.enqueue_dma source(%dma_start3A_1116 : memref<16xi32, #tpu.memory_space<vmem>>) target(%dma_start3A_1114 : memref<16xi32, #tpu.memory_space<vmem_shared>>) target_semaphore(%arg13 : memref<!tpu.dma_semaphore, #tpu.memory_space<semaphore_mem>>)
    %dma_start3A_1117 = arith.constant 16 : i32
    %dma_start3A_1118 = tpu.memref_slice %arg7[%dma_start3A_1117] : memref<256xi32, #tpu.memory_space<vmem>> -> memref<16xi32, #tpu.memory_space<vmem>>
    %dma_start3A_1119 = tpu.memref_slice %arg11[%mul3A_1054] : memref<16384xi32, #tpu.memory_space<vmem_shared>> -> memref<16xi32, #tpu.memory_space<vmem_shared>>
    %dma_start3A_1120 = tpu.memref_slice %arg11[%mul3A_1054] : memref<16384xi32, #tpu.memory_space<vmem_shared>> -> memref<16xi32, #tpu.memory_space<vmem_shared>>
    %dma_start3A_1121 = arith.constant 16 : i32
    %dma_start3A_1122 = tpu.memref_slice %arg7[%dma_start3A_1121] : memref<256xi32, #tpu.memory_space<vmem>> -> memref<16xi32, #tpu.memory_space<vmem>>
    tpu.enqueue_dma source(%dma_start3A_1122 : memref<16xi32, #tpu.memory_space<vmem>>) target(%dma_start3A_1120 : memref<16xi32, #tpu.memory_space<vmem_shared>>) target_semaphore(%arg13 : memref<!tpu.dma_semaphore, #tpu.memory_space<semaphore_mem>>)
    %dma_start3A_1123 = arith.constant 32 : i32
    %dma_start3A_1124 = tpu.memref_slice %arg7[%dma_start3A_1123] : memref<256xi32, #tpu.memory_space<vmem>> -> memref<16xi32, #tpu.memory_space<vmem>>
    %dma_start3A_1125 = tpu.memref_slice %arg11[%mul3A_1058] : memref<16384xi32, #tpu.memory_space<vmem_shared>> -> memref<16xi32, #tpu.memory_space<vmem_shared>>
    %dma_start3A_1126 = tpu.memref_slice %arg11[%mul3A_1058] : memref<16384xi32, #tpu.memory_space<vmem_shared>> -> memref<16xi32, #tpu.memory_space<vmem_shared>>
    %dma_start3A_1127 = arith.constant 32 : i32
    %dma_start3A_1128 = tpu.memref_slice %arg7[%dma_start3A_1127] : memref<256xi32, #tpu.memory_space<vmem>> -> memref<16xi32, #tpu.memory_space<vmem>>
    tpu.enqueue_dma source(%dma_start3A_1128 : memref<16xi32, #tpu.memory_space<vmem>>) target(%dma_start3A_1126 : memref<16xi32, #tpu.memory_space<vmem_shared>>) target_semaphore(%arg13 : memref<!tpu.dma_semaphore, #tpu.memory_space<semaphore_mem>>)
    %dma_start3A_1129 = arith.constant 48 : i32
    %dma_start3A_1130 = tpu.memref_slice %arg7[%dma_start3A_1129] : memref<256xi32, #tpu.memory_space<vmem>> -> memref<16xi32, #tpu.memory_space<vmem>>
    %dma_start3A_1131 = tpu.memref_slice %arg11[%mul3A_1062] : memref<16384xi32, #tpu.memory_space<vmem_shared>> -> memref<16xi32, #tpu.memory_space<vmem_shared>>
    %dma_start3A_1132 = tpu.memref_slice %arg11[%mul3A_1062] : memref<16384xi32, #tpu.memory_space<vmem_shared>> -> memref<16xi32, #tpu.memory_space<vmem_shared>>
    %dma_start3A_1133 = arith.constant 48 : i32
    %dma_start3A_1134 = tpu.memref_slice %arg7[%dma_start3A_1133] : memref<256xi32, #tpu.memory_space<vmem>> -> memref<16xi32, #tpu.memory_space<vmem>>
    tpu.enqueue_dma source(%dma_start3A_1134 : memref<16xi32, #tpu.memory_space<vmem>>) target(%dma_start3A_1132 : memref<16xi32, #tpu.memory_space<vmem_shared>>) target_semaphore(%arg13 : memref<!tpu.dma_semaphore, #tpu.memory_space<semaphore_mem>>)
    %dma_start3A_1135 = arith.constant 64 : i32
    %dma_start3A_1136 = tpu.memref_slice %arg7[%dma_start3A_1135] : memref<256xi32, #tpu.memory_space<vmem>> -> memref<16xi32, #tpu.memory_space<vmem>>
    %dma_start3A_1137 = tpu.memref_slice %arg11[%mul3A_1066] : memref<16384xi32, #tpu.memory_space<vmem_shared>> -> memref<16xi32, #tpu.memory_space<vmem_shared>>
    %dma_start3A_1138 = tpu.memref_slice %arg11[%mul3A_1066] : memref<16384xi32, #tpu.memory_space<vmem_shared>> -> memref<16xi32, #tpu.memory_space<vmem_shared>>
    %dma_start3A_1139 = arith.constant 64 : i32
    %dma_start3A_1140 = tpu.memref_slice %arg7[%dma_start3A_1139] : memref<256xi32, #tpu.memory_space<vmem>> -> memref<16xi32, #tpu.memory_space<vmem>>
    tpu.enqueue_dma source(%dma_start3A_1140 : memref<16xi32, #tpu.memory_space<vmem>>) target(%dma_start3A_1138 : memref<16xi32, #tpu.memory_space<vmem_shared>>) target_semaphore(%arg13 : memref<!tpu.dma_semaphore, #tpu.memory_space<semaphore_mem>>)
    %dma_start3A_1141 = arith.constant 80 : i32
    %dma_start3A_1142 = tpu.memref_slice %arg7[%dma_start3A_1141] : memref<256xi32, #tpu.memory_space<vmem>> -> memref<16xi32, #tpu.memory_space<vmem>>
    %dma_start3A_1143 = tpu.memref_slice %arg11[%mul3A_1070] : memref<16384xi32, #tpu.memory_space<vmem_shared>> -> memref<16xi32, #tpu.memory_space<vmem_shared>>
    %dma_start3A_1144 = tpu.memref_slice %arg11[%mul3A_1070] : memref<16384xi32, #tpu.memory_space<vmem_shared>> -> memref<16xi32, #tpu.memory_space<vmem_shared>>
    %dma_start3A_1145 = arith.constant 80 : i32
    %dma_start3A_1146 = tpu.memref_slice %arg7[%dma_start3A_1145] : memref<256xi32, #tpu.memory_space<vmem>> -> memref<16xi32, #tpu.memory_space<vmem>>
    tpu.enqueue_dma source(%dma_start3A_1146 : memref<16xi32, #tpu.memory_space<vmem>>) target(%dma_start3A_1144 : memref<16xi32, #tpu.memory_space<vmem_shared>>) target_semaphore(%arg13 : memref<!tpu.dma_semaphore, #tpu.memory_space<semaphore_mem>>)
    %dma_start3A_1147 = arith.constant 96 : i32
    %dma_start3A_1148 = tpu.memref_slice %arg7[%dma_start3A_1147] : memref<256xi32, #tpu.memory_space<vmem>> -> memref<16xi32, #tpu.memory_space<vmem>>
    %dma_start3A_1149 = tpu.memref_slice %arg11[%mul3A_1074] : memref<16384xi32, #tpu.memory_space<vmem_shared>> -> memref<16xi32, #tpu.memory_space<vmem_shared>>
    %dma_start3A_1150 = tpu.memref_slice %arg11[%mul3A_1074] : memref<16384xi32, #tpu.memory_space<vmem_shared>> -> memref<16xi32, #tpu.memory_space<vmem_shared>>
    %dma_start3A_1151 = arith.constant 96 : i32
    %dma_start3A_1152 = tpu.memref_slice %arg7[%dma_start3A_1151] : memref<256xi32, #tpu.memory_space<vmem>> -> memref<16xi32, #tpu.memory_space<vmem>>
    tpu.enqueue_dma source(%dma_start3A_1152 : memref<16xi32, #tpu.memory_space<vmem>>) target(%dma_start3A_1150 : memref<16xi32, #tpu.memory_space<vmem_shared>>) target_semaphore(%arg13 : memref<!tpu.dma_semaphore, #tpu.memory_space<semaphore_mem>>)
    %dma_start3A_1153 = arith.constant 112 : i32
    %dma_start3A_1154 = tpu.memref_slice %arg7[%dma_start3A_1153] : memref<256xi32, #tpu.memory_space<vmem>> -> memref<16xi32, #tpu.memory_space<vmem>>
    %dma_start3A_1155 = tpu.memref_slice %arg11[%mul3A_1078] : memref<16384xi32, #tpu.memory_space<vmem_shared>> -> memref<16xi32, #tpu.memory_space<vmem_shared>>
    %dma_start3A_1156 = tpu.memref_slice %arg11[%mul3A_1078] : memref<16384xi32, #tpu.memory_space<vmem_shared>> -> memref<16xi32, #tpu.memory_space<vmem_shared>>
    %dma_start3A_1157 = arith.constant 112 : i32
    %dma_start3A_1158 = tpu.memref_slice %arg7[%dma_start3A_1157] : memref<256xi32, #tpu.memory_space<vmem>> -> memref<16xi32, #tpu.memory_space<vmem>>
    tpu.enqueue_dma source(%dma_start3A_1158 : memref<16xi32, #tpu.memory_space<vmem>>) target(%dma_start3A_1156 : memref<16xi32, #tpu.memory_space<vmem_shared>>) target_semaphore(%arg13 : memref<!tpu.dma_semaphore, #tpu.memory_space<semaphore_mem>>)
    %dma_start3A_1159 = arith.constant 128 : i32
    %dma_start3A_1160 = tpu.memref_slice %arg7[%dma_start3A_1159] : memref<256xi32, #tpu.memory_space<vmem>> -> memref<16xi32, #tpu.memory_space<vmem>>
    %dma_start3A_1161 = tpu.memref_slice %arg11[%mul3A_1082] : memref<16384xi32, #tpu.memory_space<vmem_shared>> -> memref<16xi32, #tpu.memory_space<vmem_shared>>
    %dma_start3A_1162 = tpu.memref_slice %arg11[%mul3A_1082] : memref<16384xi32, #tpu.memory_space<vmem_shared>> -> memref<16xi32, #tpu.memory_space<vmem_shared>>
    %dma_start3A_1163 = arith.constant 128 : i32
    %dma_start3A_1164 = tpu.memref_slice %arg7[%dma_start3A_1163] : memref<256xi32, #tpu.memory_space<vmem>> -> memref<16xi32, #tpu.memory_space<vmem>>
    tpu.enqueue_dma source(%dma_start3A_1164 : memref<16xi32, #tpu.memory_space<vmem>>) target(%dma_start3A_1162 : memref<16xi32, #tpu.memory_space<vmem_shared>>) target_semaphore(%arg13 : memref<!tpu.dma_semaphore, #tpu.memory_space<semaphore_mem>>)
    %dma_start3A_1165 = arith.constant 144 : i32
    %dma_start3A_1166 = tpu.memref_slice %arg7[%dma_start3A_1165] : memref<256xi32, #tpu.memory_space<vmem>> -> memref<16xi32, #tpu.memory_space<vmem>>
    %dma_start3A_1167 = tpu.memref_slice %arg11[%mul3A_1086] : memref<16384xi32, #tpu.memory_space<vmem_shared>> -> memref<16xi32, #tpu.memory_space<vmem_shared>>
    %dma_start3A_1168 = tpu.memref_slice %arg11[%mul3A_1086] : memref<16384xi32, #tpu.memory_space<vmem_shared>> -> memref<16xi32, #tpu.memory_space<vmem_shared>>
    %dma_start3A_1169 = arith.constant 144 : i32
    %dma_start3A_1170 = tpu.memref_slice %arg7[%dma_start3A_1169] : memref<256xi32, #tpu.memory_space<vmem>> -> memref<16xi32, #tpu.memory_space<vmem>>
    tpu.enqueue_dma source(%dma_start3A_1170 : memref<16xi32, #tpu.memory_space<vmem>>) target(%dma_start3A_1168 : memref<16xi32, #tpu.memory_space<vmem_shared>>) target_semaphore(%arg13 : memref<!tpu.dma_semaphore, #tpu.memory_space<semaphore_mem>>)
    %dma_start3A_1171 = arith.constant 160 : i32
    %dma_start3A_1172 = tpu.memref_slice %arg7[%dma_start3A_1171] : memref<256xi32, #tpu.memory_space<vmem>> -> memref<16xi32, #tpu.memory_space<vmem>>
    %dma_start3A_1173 = tpu.memref_slice %arg11[%mul3A_1090] : memref<16384xi32, #tpu.memory_space<vmem_shared>> -> memref<16xi32, #tpu.memory_space<vmem_shared>>
    %dma_start3A_1174 = tpu.memref_slice %arg11[%mul3A_1090] : memref<16384xi32, #tpu.memory_space<vmem_shared>> -> memref<16xi32, #tpu.memory_space<vmem_shared>>
    %dma_start3A_1175 = arith.constant 160 : i32
    %dma_start3A_1176 = tpu.memref_slice %arg7[%dma_start3A_1175] : memref<256xi32, #tpu.memory_space<vmem>> -> memref<16xi32, #tpu.memory_space<vmem>>
    tpu.enqueue_dma source(%dma_start3A_1176 : memref<16xi32, #tpu.memory_space<vmem>>) target(%dma_start3A_1174 : memref<16xi32, #tpu.memory_space<vmem_shared>>) target_semaphore(%arg13 : memref<!tpu.dma_semaphore, #tpu.memory_space<semaphore_mem>>)
    %dma_start3A_1177 = arith.constant 176 : i32
    %dma_start3A_1178 = tpu.memref_slice %arg7[%dma_start3A_1177] : memref<256xi32, #tpu.memory_space<vmem>> -> memref<16xi32, #tpu.memory_space<vmem>>
    %dma_start3A_1179 = tpu.memref_slice %arg11[%mul3A_1094] : memref<16384xi32, #tpu.memory_space<vmem_shared>> -> memref<16xi32, #tpu.memory_space<vmem_shared>>
    %dma_start3A_1180 = tpu.memref_slice %arg11[%mul3A_1094] : memref<16384xi32, #tpu.memory_space<vmem_shared>> -> memref<16xi32, #tpu.memory_space<vmem_shared>>
    %dma_start3A_1181 = arith.constant 176 : i32
    %dma_start3A_1182 = tpu.memref_slice %arg7[%dma_start3A_1181] : memref<256xi32, #tpu.memory_space<vmem>> -> memref<16xi32, #tpu.memory_space<vmem>>
    tpu.enqueue_dma source(%dma_start3A_1182 : memref<16xi32, #tpu.memory_space<vmem>>) target(%dma_start3A_1180 : memref<16xi32, #tpu.memory_space<vmem_shared>>) target_semaphore(%arg13 : memref<!tpu.dma_semaphore, #tpu.memory_space<semaphore_mem>>)
    %dma_start3A_1183 = arith.constant 192 : i32
    %dma_start3A_1184 = tpu.memref_slice %arg7[%dma_start3A_1183] : memref<256xi32, #tpu.memory_space<vmem>> -> memref<16xi32, #tpu.memory_space<vmem>>
    %dma_start3A_1185 = tpu.memref_slice %arg11[%mul3A_1098] : memref<16384xi32, #tpu.memory_space<vmem_shared>> -> memref<16xi32, #tpu.memory_space<vmem_shared>>
    %dma_start3A_1186 = tpu.memref_slice %arg11[%mul3A_1098] : memref<16384xi32, #tpu.memory_space<vmem_shared>> -> memref<16xi32, #tpu.memory_space<vmem_shared>>
    %dma_start3A_1187 = arith.constant 192 : i32
    %dma_start3A_1188 = tpu.memref_slice %arg7[%dma_start3A_1187] : memref<256xi32, #tpu.memory_space<vmem>> -> memref<16xi32, #tpu.memory_space<vmem>>
    tpu.enqueue_dma source(%dma_start3A_1188 : memref<16xi32, #tpu.memory_space<vmem>>) target(%dma_start3A_1186 : memref<16xi32, #tpu.memory_space<vmem_shared>>) target_semaphore(%arg13 : memref<!tpu.dma_semaphore, #tpu.memory_space<semaphore_mem>>)
    %dma_start3A_1189 = arith.constant 208 : i32
    %dma_start3A_1190 = tpu.memref_slice %arg7[%dma_start3A_1189] : memref<256xi32, #tpu.memory_space<vmem>> -> memref<16xi32, #tpu.memory_space<vmem>>
    %dma_start3A_1191 = tpu.memref_slice %arg11[%mul3A_1102] : memref<16384xi32, #tpu.memory_space<vmem_shared>> -> memref<16xi32, #tpu.memory_space<vmem_shared>>
    %dma_start3A_1192 = tpu.memref_slice %arg11[%mul3A_1102] : memref<16384xi32, #tpu.memory_space<vmem_shared>> -> memref<16xi32, #tpu.memory_space<vmem_shared>>
    %dma_start3A_1193 = arith.constant 208 : i32
    %dma_start3A_1194 = tpu.memref_slice %arg7[%dma_start3A_1193] : memref<256xi32, #tpu.memory_space<vmem>> -> memref<16xi32, #tpu.memory_space<vmem>>
    tpu.enqueue_dma source(%dma_start3A_1194 : memref<16xi32, #tpu.memory_space<vmem>>) target(%dma_start3A_1192 : memref<16xi32, #tpu.memory_space<vmem_shared>>) target_semaphore(%arg13 : memref<!tpu.dma_semaphore, #tpu.memory_space<semaphore_mem>>)
    %dma_start3A_1195 = arith.constant 224 : i32
    %dma_start3A_1196 = tpu.memref_slice %arg7[%dma_start3A_1195] : memref<256xi32, #tpu.memory_space<vmem>> -> memref<16xi32, #tpu.memory_space<vmem>>
    %dma_start3A_1197 = tpu.memref_slice %arg11[%mul3A_1106] : memref<16384xi32, #tpu.memory_space<vmem_shared>> -> memref<16xi32, #tpu.memory_space<vmem_shared>>
    %dma_start3A_1198 = tpu.memref_slice %arg11[%mul3A_1106] : memref<16384xi32, #tpu.memory_space<vmem_shared>> -> memref<16xi32, #tpu.memory_space<vmem_shared>>
    %dma_start3A_1199 = arith.constant 224 : i32
    %dma_start3A_1200 = tpu.memref_slice %arg7[%dma_start3A_1199] : memref<256xi32, #tpu.memory_space<vmem>> -> memref<16xi32, #tpu.memory_space<vmem>>
    tpu.enqueue_dma source(%dma_start3A_1200 : memref<16xi32, #tpu.memory_space<vmem>>) target(%dma_start3A_1198 : memref<16xi32, #tpu.memory_space<vmem_shared>>) target_semaphore(%arg13 : memref<!tpu.dma_semaphore, #tpu.memory_space<semaphore_mem>>)
    %dma_start3A_1201 = arith.constant 240 : i32
    %dma_start3A_1202 = tpu.memref_slice %arg7[%dma_start3A_1201] : memref<256xi32, #tpu.memory_space<vmem>> -> memref<16xi32, #tpu.memory_space<vmem>>
    %dma_start3A_1203 = tpu.memref_slice %arg11[%mul3A_1110] : memref<16384xi32, #tpu.memory_space<vmem_shared>> -> memref<16xi32, #tpu.memory_space<vmem_shared>>
    %dma_start3A_1204 = tpu.memref_slice %arg11[%mul3A_1110] : memref<16384xi32, #tpu.memory_space<vmem_shared>> -> memref<16xi32, #tpu.memory_space<vmem_shared>>
    %dma_start3A_1205 = arith.constant 240 : i32
    %dma_start3A_1206 = tpu.memref_slice %arg7[%dma_start3A_1205] : memref<256xi32, #tpu.memory_space<vmem>> -> memref<16xi32, #tpu.memory_space<vmem>>
    tpu.enqueue_dma source(%dma_start3A_1206 : memref<16xi32, #tpu.memory_space<vmem>>) target(%dma_start3A_1204 : memref<16xi32, #tpu.memory_space<vmem_shared>>) target_semaphore(%arg13 : memref<!tpu.dma_semaphore, #tpu.memory_space<semaphore_mem>>)
    %dma_wait3A_1207 = arith.constant 0 : i32
    %dma_wait3A_1208 = tpu.memref_slice %arg7[%dma_wait3A_1207] : memref<256xi32, #tpu.memory_space<vmem>> -> memref<16xi32, #tpu.memory_space<vmem>>
    %dma_wait3A_1209 = tpu.memref_slice %arg11[%mul3A_1050] : memref<16384xi32, #tpu.memory_space<vmem_shared>> -> memref<16xi32, #tpu.memory_space<vmem_shared>>
    %dma_wait3A_1210 = tpu.memref_slice %arg11[%mul3A_1050] : memref<16384xi32, #tpu.memory_space<vmem_shared>> -> memref<16xi32, #tpu.memory_space<vmem_shared>>
    %dma_wait3A_1211 = arith.constant 0 : i32
    %dma_wait3A_1212 = tpu.memref_slice %arg7[%dma_wait3A_1211] : memref<256xi32, #tpu.memory_space<vmem>> -> memref<16xi32, #tpu.memory_space<vmem>>
    tpu.wait_dma2 semaphore(%arg13 : memref<!tpu.dma_semaphore, #tpu.memory_space<semaphore_mem>>) src(%dma_wait3A_1212 : memref<16xi32, #tpu.memory_space<vmem>>) dst(%dma_wait3A_1210 : memref<16xi32, #tpu.memory_space<vmem_shared>>)
    %dma_wait3A_1213 = arith.constant 16 : i32
    %dma_wait3A_1214 = tpu.memref_slice %arg7[%dma_wait3A_1213] : memref<256xi32, #tpu.memory_space<vmem>> -> memref<16xi32, #tpu.memory_space<vmem>>
    %dma_wait3A_1215 = tpu.memref_slice %arg11[%mul3A_1054] : memref<16384xi32, #tpu.memory_space<vmem_shared>> -> memref<16xi32, #tpu.memory_space<vmem_shared>>
    %dma_wait3A_1216 = tpu.memref_slice %arg11[%mul3A_1054] : memref<16384xi32, #tpu.memory_space<vmem_shared>> -> memref<16xi32, #tpu.memory_space<vmem_shared>>
    %dma_wait3A_1217 = arith.constant 16 : i32
    %dma_wait3A_1218 = tpu.memref_slice %arg7[%dma_wait3A_1217] : memref<256xi32, #tpu.memory_space<vmem>> -> memref<16xi32, #tpu.memory_space<vmem>>
    tpu.wait_dma2 semaphore(%arg13 : memref<!tpu.dma_semaphore, #tpu.memory_space<semaphore_mem>>) src(%dma_wait3A_1218 : memref<16xi32, #tpu.memory_space<vmem>>) dst(%dma_wait3A_1216 : memref<16xi32, #tpu.memory_space<vmem_shared>>)
    %dma_wait3A_1219 = arith.constant 32 : i32
    %dma_wait3A_1220 = tpu.memref_slice %arg7[%dma_wait3A_1219] : memref<256xi32, #tpu.memory_space<vmem>> -> memref<16xi32, #tpu.memory_space<vmem>>
    %dma_wait3A_1221 = tpu.memref_slice %arg11[%mul3A_1058] : memref<16384xi32, #tpu.memory_space<vmem_shared>> -> memref<16xi32, #tpu.memory_space<vmem_shared>>
    %dma_wait3A_1222 = tpu.memref_slice %arg11[%mul3A_1058] : memref<16384xi32, #tpu.memory_space<vmem_shared>> -> memref<16xi32, #tpu.memory_space<vmem_shared>>
    %dma_wait3A_1223 = arith.constant 32 : i32
    %dma_wait3A_1224 = tpu.memref_slice %arg7[%dma_wait3A_1223] : memref<256xi32, #tpu.memory_space<vmem>> -> memref<16xi32, #tpu.memory_space<vmem>>
    tpu.wait_dma2 semaphore(%arg13 : memref<!tpu.dma_semaphore, #tpu.memory_space<semaphore_mem>>) src(%dma_wait3A_1224 : memref<16xi32, #tpu.memory_space<vmem>>) dst(%dma_wait3A_1222 : memref<16xi32, #tpu.memory_space<vmem_shared>>)
    %dma_wait3A_1225 = arith.constant 48 : i32
    %dma_wait3A_1226 = tpu.memref_slice %arg7[%dma_wait3A_1225] : memref<256xi32, #tpu.memory_space<vmem>> -> memref<16xi32, #tpu.memory_space<vmem>>
    %dma_wait3A_1227 = tpu.memref_slice %arg11[%mul3A_1062] : memref<16384xi32, #tpu.memory_space<vmem_shared>> -> memref<16xi32, #tpu.memory_space<vmem_shared>>
    %dma_wait3A_1228 = tpu.memref_slice %arg11[%mul3A_1062] : memref<16384xi32, #tpu.memory_space<vmem_shared>> -> memref<16xi32, #tpu.memory_space<vmem_shared>>
    %dma_wait3A_1229 = arith.constant 48 : i32
    %dma_wait3A_1230 = tpu.memref_slice %arg7[%dma_wait3A_1229] : memref<256xi32, #tpu.memory_space<vmem>> -> memref<16xi32, #tpu.memory_space<vmem>>
    tpu.wait_dma2 semaphore(%arg13 : memref<!tpu.dma_semaphore, #tpu.memory_space<semaphore_mem>>) src(%dma_wait3A_1230 : memref<16xi32, #tpu.memory_space<vmem>>) dst(%dma_wait3A_1228 : memref<16xi32, #tpu.memory_space<vmem_shared>>)
    %dma_wait3A_1231 = arith.constant 64 : i32
    %dma_wait3A_1232 = tpu.memref_slice %arg7[%dma_wait3A_1231] : memref<256xi32, #tpu.memory_space<vmem>> -> memref<16xi32, #tpu.memory_space<vmem>>
    %dma_wait3A_1233 = tpu.memref_slice %arg11[%mul3A_1066] : memref<16384xi32, #tpu.memory_space<vmem_shared>> -> memref<16xi32, #tpu.memory_space<vmem_shared>>
    %dma_wait3A_1234 = tpu.memref_slice %arg11[%mul3A_1066] : memref<16384xi32, #tpu.memory_space<vmem_shared>> -> memref<16xi32, #tpu.memory_space<vmem_shared>>
    %dma_wait3A_1235 = arith.constant 64 : i32
    %dma_wait3A_1236 = tpu.memref_slice %arg7[%dma_wait3A_1235] : memref<256xi32, #tpu.memory_space<vmem>> -> memref<16xi32, #tpu.memory_space<vmem>>
    tpu.wait_dma2 semaphore(%arg13 : memref<!tpu.dma_semaphore, #tpu.memory_space<semaphore_mem>>) src(%dma_wait3A_1236 : memref<16xi32, #tpu.memory_space<vmem>>) dst(%dma_wait3A_1234 : memref<16xi32, #tpu.memory_space<vmem_shared>>)
    %dma_wait3A_1237 = arith.constant 80 : i32
    %dma_wait3A_1238 = tpu.memref_slice %arg7[%dma_wait3A_1237] : memref<256xi32, #tpu.memory_space<vmem>> -> memref<16xi32, #tpu.memory_space<vmem>>
    %dma_wait3A_1239 = tpu.memref_slice %arg11[%mul3A_1070] : memref<16384xi32, #tpu.memory_space<vmem_shared>> -> memref<16xi32, #tpu.memory_space<vmem_shared>>
    %dma_wait3A_1240 = tpu.memref_slice %arg11[%mul3A_1070] : memref<16384xi32, #tpu.memory_space<vmem_shared>> -> memref<16xi32, #tpu.memory_space<vmem_shared>>
    %dma_wait3A_1241 = arith.constant 80 : i32
    %dma_wait3A_1242 = tpu.memref_slice %arg7[%dma_wait3A_1241] : memref<256xi32, #tpu.memory_space<vmem>> -> memref<16xi32, #tpu.memory_space<vmem>>
    tpu.wait_dma2 semaphore(%arg13 : memref<!tpu.dma_semaphore, #tpu.memory_space<semaphore_mem>>) src(%dma_wait3A_1242 : memref<16xi32, #tpu.memory_space<vmem>>) dst(%dma_wait3A_1240 : memref<16xi32, #tpu.memory_space<vmem_shared>>)
    %dma_wait3A_1243 = arith.constant 96 : i32
    %dma_wait3A_1244 = tpu.memref_slice %arg7[%dma_wait3A_1243] : memref<256xi32, #tpu.memory_space<vmem>> -> memref<16xi32, #tpu.memory_space<vmem>>
    %dma_wait3A_1245 = tpu.memref_slice %arg11[%mul3A_1074] : memref<16384xi32, #tpu.memory_space<vmem_shared>> -> memref<16xi32, #tpu.memory_space<vmem_shared>>
    %dma_wait3A_1246 = tpu.memref_slice %arg11[%mul3A_1074] : memref<16384xi32, #tpu.memory_space<vmem_shared>> -> memref<16xi32, #tpu.memory_space<vmem_shared>>
    %dma_wait3A_1247 = arith.constant 96 : i32
    %dma_wait3A_1248 = tpu.memref_slice %arg7[%dma_wait3A_1247] : memref<256xi32, #tpu.memory_space<vmem>> -> memref<16xi32, #tpu.memory_space<vmem>>
    tpu.wait_dma2 semaphore(%arg13 : memref<!tpu.dma_semaphore, #tpu.memory_space<semaphore_mem>>) src(%dma_wait3A_1248 : memref<16xi32, #tpu.memory_space<vmem>>) dst(%dma_wait3A_1246 : memref<16xi32, #tpu.memory_space<vmem_shared>>)
    %dma_wait3A_1249 = arith.constant 112 : i32
    %dma_wait3A_1250 = tpu.memref_slice %arg7[%dma_wait3A_1249] : memref<256xi32, #tpu.memory_space<vmem>> -> memref<16xi32, #tpu.memory_space<vmem>>
    %dma_wait3A_1251 = tpu.memref_slice %arg11[%mul3A_1078] : memref<16384xi32, #tpu.memory_space<vmem_shared>> -> memref<16xi32, #tpu.memory_space<vmem_shared>>
    %dma_wait3A_1252 = tpu.memref_slice %arg11[%mul3A_1078] : memref<16384xi32, #tpu.memory_space<vmem_shared>> -> memref<16xi32, #tpu.memory_space<vmem_shared>>
    %dma_wait3A_1253 = arith.constant 112 : i32
    %dma_wait3A_1254 = tpu.memref_slice %arg7[%dma_wait3A_1253] : memref<256xi32, #tpu.memory_space<vmem>> -> memref<16xi32, #tpu.memory_space<vmem>>
    tpu.wait_dma2 semaphore(%arg13 : memref<!tpu.dma_semaphore, #tpu.memory_space<semaphore_mem>>) src(%dma_wait3A_1254 : memref<16xi32, #tpu.memory_space<vmem>>) dst(%dma_wait3A_1252 : memref<16xi32, #tpu.memory_space<vmem_shared>>)
    %dma_wait3A_1255 = arith.constant 128 : i32
    %dma_wait3A_1256 = tpu.memref_slice %arg7[%dma_wait3A_1255] : memref<256xi32, #tpu.memory_space<vmem>> -> memref<16xi32, #tpu.memory_space<vmem>>
    %dma_wait3A_1257 = tpu.memref_slice %arg11[%mul3A_1082] : memref<16384xi32, #tpu.memory_space<vmem_shared>> -> memref<16xi32, #tpu.memory_space<vmem_shared>>
    %dma_wait3A_1258 = tpu.memref_slice %arg11[%mul3A_1082] : memref<16384xi32, #tpu.memory_space<vmem_shared>> -> memref<16xi32, #tpu.memory_space<vmem_shared>>
    %dma_wait3A_1259 = arith.constant 128 : i32
    %dma_wait3A_1260 = tpu.memref_slice %arg7[%dma_wait3A_1259] : memref<256xi32, #tpu.memory_space<vmem>> -> memref<16xi32, #tpu.memory_space<vmem>>
    tpu.wait_dma2 semaphore(%arg13 : memref<!tpu.dma_semaphore, #tpu.memory_space<semaphore_mem>>) src(%dma_wait3A_1260 : memref<16xi32, #tpu.memory_space<vmem>>) dst(%dma_wait3A_1258 : memref<16xi32, #tpu.memory_space<vmem_shared>>)
    %dma_wait3A_1261 = arith.constant 144 : i32
    %dma_wait3A_1262 = tpu.memref_slice %arg7[%dma_wait3A_1261] : memref<256xi32, #tpu.memory_space<vmem>> -> memref<16xi32, #tpu.memory_space<vmem>>
    %dma_wait3A_1263 = tpu.memref_slice %arg11[%mul3A_1086] : memref<16384xi32, #tpu.memory_space<vmem_shared>> -> memref<16xi32, #tpu.memory_space<vmem_shared>>
    %dma_wait3A_1264 = tpu.memref_slice %arg11[%mul3A_1086] : memref<16384xi32, #tpu.memory_space<vmem_shared>> -> memref<16xi32, #tpu.memory_space<vmem_shared>>
    %dma_wait3A_1265 = arith.constant 144 : i32
    %dma_wait3A_1266 = tpu.memref_slice %arg7[%dma_wait3A_1265] : memref<256xi32, #tpu.memory_space<vmem>> -> memref<16xi32, #tpu.memory_space<vmem>>
    tpu.wait_dma2 semaphore(%arg13 : memref<!tpu.dma_semaphore, #tpu.memory_space<semaphore_mem>>) src(%dma_wait3A_1266 : memref<16xi32, #tpu.memory_space<vmem>>) dst(%dma_wait3A_1264 : memref<16xi32, #tpu.memory_space<vmem_shared>>)
    %dma_wait3A_1267 = arith.constant 160 : i32
    %dma_wait3A_1268 = tpu.memref_slice %arg7[%dma_wait3A_1267] : memref<256xi32, #tpu.memory_space<vmem>> -> memref<16xi32, #tpu.memory_space<vmem>>
    %dma_wait3A_1269 = tpu.memref_slice %arg11[%mul3A_1090] : memref<16384xi32, #tpu.memory_space<vmem_shared>> -> memref<16xi32, #tpu.memory_space<vmem_shared>>
    %dma_wait3A_1270 = tpu.memref_slice %arg11[%mul3A_1090] : memref<16384xi32, #tpu.memory_space<vmem_shared>> -> memref<16xi32, #tpu.memory_space<vmem_shared>>
    %dma_wait3A_1271 = arith.constant 160 : i32
    %dma_wait3A_1272 = tpu.memref_slice %arg7[%dma_wait3A_1271] : memref<256xi32, #tpu.memory_space<vmem>> -> memref<16xi32, #tpu.memory_space<vmem>>
    tpu.wait_dma2 semaphore(%arg13 : memref<!tpu.dma_semaphore, #tpu.memory_space<semaphore_mem>>) src(%dma_wait3A_1272 : memref<16xi32, #tpu.memory_space<vmem>>) dst(%dma_wait3A_1270 : memref<16xi32, #tpu.memory_space<vmem_shared>>)
    %dma_wait3A_1273 = arith.constant 176 : i32
    %dma_wait3A_1274 = tpu.memref_slice %arg7[%dma_wait3A_1273] : memref<256xi32, #tpu.memory_space<vmem>> -> memref<16xi32, #tpu.memory_space<vmem>>
    %dma_wait3A_1275 = tpu.memref_slice %arg11[%mul3A_1094] : memref<16384xi32, #tpu.memory_space<vmem_shared>> -> memref<16xi32, #tpu.memory_space<vmem_shared>>
    %dma_wait3A_1276 = tpu.memref_slice %arg11[%mul3A_1094] : memref<16384xi32, #tpu.memory_space<vmem_shared>> -> memref<16xi32, #tpu.memory_space<vmem_shared>>
    %dma_wait3A_1277 = arith.constant 176 : i32
    %dma_wait3A_1278 = tpu.memref_slice %arg7[%dma_wait3A_1277] : memref<256xi32, #tpu.memory_space<vmem>> -> memref<16xi32, #tpu.memory_space<vmem>>
    tpu.wait_dma2 semaphore(%arg13 : memref<!tpu.dma_semaphore, #tpu.memory_space<semaphore_mem>>) src(%dma_wait3A_1278 : memref<16xi32, #tpu.memory_space<vmem>>) dst(%dma_wait3A_1276 : memref<16xi32, #tpu.memory_space<vmem_shared>>)
    %dma_wait3A_1279 = arith.constant 192 : i32
    %dma_wait3A_1280 = tpu.memref_slice %arg7[%dma_wait3A_1279] : memref<256xi32, #tpu.memory_space<vmem>> -> memref<16xi32, #tpu.memory_space<vmem>>
    %dma_wait3A_1281 = tpu.memref_slice %arg11[%mul3A_1098] : memref<16384xi32, #tpu.memory_space<vmem_shared>> -> memref<16xi32, #tpu.memory_space<vmem_shared>>
    %dma_wait3A_1282 = tpu.memref_slice %arg11[%mul3A_1098] : memref<16384xi32, #tpu.memory_space<vmem_shared>> -> memref<16xi32, #tpu.memory_space<vmem_shared>>
    %dma_wait3A_1283 = arith.constant 192 : i32
    %dma_wait3A_1284 = tpu.memref_slice %arg7[%dma_wait3A_1283] : memref<256xi32, #tpu.memory_space<vmem>> -> memref<16xi32, #tpu.memory_space<vmem>>
    tpu.wait_dma2 semaphore(%arg13 : memref<!tpu.dma_semaphore, #tpu.memory_space<semaphore_mem>>) src(%dma_wait3A_1284 : memref<16xi32, #tpu.memory_space<vmem>>) dst(%dma_wait3A_1282 : memref<16xi32, #tpu.memory_space<vmem_shared>>)
    %dma_wait3A_1285 = arith.constant 208 : i32
    %dma_wait3A_1286 = tpu.memref_slice %arg7[%dma_wait3A_1285] : memref<256xi32, #tpu.memory_space<vmem>> -> memref<16xi32, #tpu.memory_space<vmem>>
    %dma_wait3A_1287 = tpu.memref_slice %arg11[%mul3A_1102] : memref<16384xi32, #tpu.memory_space<vmem_shared>> -> memref<16xi32, #tpu.memory_space<vmem_shared>>
    %dma_wait3A_1288 = tpu.memref_slice %arg11[%mul3A_1102] : memref<16384xi32, #tpu.memory_space<vmem_shared>> -> memref<16xi32, #tpu.memory_space<vmem_shared>>
    %dma_wait3A_1289 = arith.constant 208 : i32
    %dma_wait3A_1290 = tpu.memref_slice %arg7[%dma_wait3A_1289] : memref<256xi32, #tpu.memory_space<vmem>> -> memref<16xi32, #tpu.memory_space<vmem>>
    tpu.wait_dma2 semaphore(%arg13 : memref<!tpu.dma_semaphore, #tpu.memory_space<semaphore_mem>>) src(%dma_wait3A_1290 : memref<16xi32, #tpu.memory_space<vmem>>) dst(%dma_wait3A_1288 : memref<16xi32, #tpu.memory_space<vmem_shared>>)
    %dma_wait3A_1291 = arith.constant 224 : i32
    %dma_wait3A_1292 = tpu.memref_slice %arg7[%dma_wait3A_1291] : memref<256xi32, #tpu.memory_space<vmem>> -> memref<16xi32, #tpu.memory_space<vmem>>
    %dma_wait3A_1293 = tpu.memref_slice %arg11[%mul3A_1106] : memref<16384xi32, #tpu.memory_space<vmem_shared>> -> memref<16xi32, #tpu.memory_space<vmem_shared>>
    %dma_wait3A_1294 = tpu.memref_slice %arg11[%mul3A_1106] : memref<16384xi32, #tpu.memory_space<vmem_shared>> -> memref<16xi32, #tpu.memory_space<vmem_shared>>
    %dma_wait3A_1295 = arith.constant 224 : i32
    %dma_wait3A_1296 = tpu.memref_slice %arg7[%dma_wait3A_1295] : memref<256xi32, #tpu.memory_space<vmem>> -> memref<16xi32, #tpu.memory_space<vmem>>
    tpu.wait_dma2 semaphore(%arg13 : memref<!tpu.dma_semaphore, #tpu.memory_space<semaphore_mem>>) src(%dma_wait3A_1296 : memref<16xi32, #tpu.memory_space<vmem>>) dst(%dma_wait3A_1294 : memref<16xi32, #tpu.memory_space<vmem_shared>>)
    %dma_wait3A_1297 = arith.constant 240 : i32
    %dma_wait3A_1298 = tpu.memref_slice %arg7[%dma_wait3A_1297] : memref<256xi32, #tpu.memory_space<vmem>> -> memref<16xi32, #tpu.memory_space<vmem>>
    %dma_wait3A_1299 = tpu.memref_slice %arg11[%mul3A_1110] : memref<16384xi32, #tpu.memory_space<vmem_shared>> -> memref<16xi32, #tpu.memory_space<vmem_shared>>
    %dma_wait3A_1300 = tpu.memref_slice %arg11[%mul3A_1110] : memref<16384xi32, #tpu.memory_space<vmem_shared>> -> memref<16xi32, #tpu.memory_space<vmem_shared>>
    %dma_wait3A_1301 = arith.constant 240 : i32
    %dma_wait3A_1302 = tpu.memref_slice %arg7[%dma_wait3A_1301] : memref<256xi32, #tpu.memory_space<vmem>> -> memref<16xi32, #tpu.memory_space<vmem>>
    tpu.wait_dma2 semaphore(%arg13 : memref<!tpu.dma_semaphore, #tpu.memory_space<semaphore_mem>>) src(%dma_wait3A_1302 : memref<16xi32, #tpu.memory_space<vmem>>) dst(%dma_wait3A_1300 : memref<16xi32, #tpu.memory_space<vmem_shared>>)
    %barrier3A_1303 = arith.constant 0 : index
    tpu.barrier barrier_id(%barrier3A_1303)
    %add3A_1304 = arith.constant 48 : i32
    %add3A_1305 = arith.addi %add3A_1304, %arg1 : i32
    %mul3A_1306 = arith.constant 256 : i32
    %mul3A_1307 = arith.muli %add3A_1305, %mul3A_1306 : i32
    "tpu.region"() ({
      %run_scoped3A = tpu.sem_alloc : memref<!tpu.dma_semaphore, #tpu.memory_space<semaphore_mem>>
      %dma_start3A_1433 = tpu.memref_slice %arg11[%mul3A_1307] : memref<16384xi32, #tpu.memory_space<vmem_shared>> -> memref<256xi32, #tpu.memory_space<vmem_shared>>
      %dma_start3A_1434 = tpu.memref_slice %arg11[%mul3A_1307] : memref<16384xi32, #tpu.memory_space<vmem_shared>> -> memref<256xi32, #tpu.memory_space<vmem_shared>>
      tpu.enqueue_dma source(%dma_start3A_1434 : memref<256xi32, #tpu.memory_space<vmem_shared>>) target(%arg9 : memref<256xi32, #tpu.memory_space<vmem>>) target_semaphore(%run_scoped3A : memref<!tpu.dma_semaphore, #tpu.memory_space<semaphore_mem>>)
      %dma_wait3A_1435 = tpu.memref_slice %arg11[%mul3A_1307] : memref<16384xi32, #tpu.memory_space<vmem_shared>> -> memref<256xi32, #tpu.memory_space<vmem_shared>>
      %dma_wait3A_1436 = tpu.memref_slice %arg11[%mul3A_1307] : memref<16384xi32, #tpu.memory_space<vmem_shared>> -> memref<256xi32, #tpu.memory_space<vmem_shared>>
      tpu.wait_dma2 semaphore(%run_scoped3A : memref<!tpu.dma_semaphore, #tpu.memory_space<semaphore_mem>>) src(%dma_wait3A_1436 : memref<256xi32, #tpu.memory_space<vmem_shared>>) dst(%arg9 : memref<256xi32, #tpu.memory_space<vmem>>)
      tpu.yield
    }) : () -> ()
    %get3A_1308 = arith.constant 0 : index
    %get3A_1309 = tpu.vector_load %arg9[%get3A_1308] {strides = array<i32>} : memref<256xi32, #tpu.memory_space<vmem>>, vector<16xi32>,
    %add3A_1310 = arith.addi %broadcast_in_dim3A_3, %get3A_1309 : vector<16xi32>
    %get3A_1311 = arith.constant 16 : index
    %get3A_1312 = tpu.vector_load %arg9[%get3A_1311] {strides = array<i32>} : memref<256xi32, #tpu.memory_space<vmem>>, vector<16xi32>,
    %add3A_1313 = arith.addi %add3A_1310, %get3A_1312 : vector<16xi32>
    %get3A_1314 = arith.constant 32 : index
    %get3A_1315 = tpu.vector_load %arg9[%get3A_1314] {strides = array<i32>} : memref<256xi32, #tpu.memory_space<vmem>>, vector<16xi32>,
    %add3A_1316 = arith.addi %add3A_1313, %get3A_1315 : vector<16xi32>
    %get3A_1317 = arith.constant 48 : index
    %get3A_1318 = tpu.vector_load %arg9[%get3A_1317] {strides = array<i32>} : memref<256xi32, #tpu.memory_space<vmem>>, vector<16xi32>,
    %add3A_1319 = arith.addi %add3A_1316, %get3A_1318 : vector<16xi32>
    %get3A_1320 = arith.constant 64 : index
    %get3A_1321 = tpu.vector_load %arg9[%get3A_1320] {strides = array<i32>} : memref<256xi32, #tpu.memory_space<vmem>>, vector<16xi32>,
    %add3A_1322 = arith.addi %add3A_1319, %get3A_1321 : vector<16xi32>
    %get3A_1323 = arith.constant 80 : index
    %get3A_1324 = tpu.vector_load %arg9[%get3A_1323] {strides = array<i32>} : memref<256xi32, #tpu.memory_space<vmem>>, vector<16xi32>,
    %add3A_1325 = arith.addi %add3A_1322, %get3A_1324 : vector<16xi32>
    %get3A_1326 = arith.constant 96 : index
    %get3A_1327 = tpu.vector_load %arg9[%get3A_1326] {strides = array<i32>} : memref<256xi32, #tpu.memory_space<vmem>>, vector<16xi32>,
    %add3A_1328 = arith.addi %add3A_1325, %get3A_1327 : vector<16xi32>
    %get3A_1329 = arith.constant 112 : index
    %get3A_1330 = tpu.vector_load %arg9[%get3A_1329] {strides = array<i32>} : memref<256xi32, #tpu.memory_space<vmem>>, vector<16xi32>,
    %add3A_1331 = arith.addi %add3A_1328, %get3A_1330 : vector<16xi32>
    %get3A_1332 = arith.constant 128 : index
    %get3A_1333 = tpu.vector_load %arg9[%get3A_1332] {strides = array<i32>} : memref<256xi32, #tpu.memory_space<vmem>>, vector<16xi32>,
    %add3A_1334 = arith.addi %add3A_1331, %get3A_1333 : vector<16xi32>
    %get3A_1335 = arith.constant 144 : index
    %get3A_1336 = tpu.vector_load %arg9[%get3A_1335] {strides = array<i32>} : memref<256xi32, #tpu.memory_space<vmem>>, vector<16xi32>,
    %add3A_1337 = arith.addi %add3A_1334, %get3A_1336 : vector<16xi32>
    %get3A_1338 = arith.constant 160 : index
    %get3A_1339 = tpu.vector_load %arg9[%get3A_1338] {strides = array<i32>} : memref<256xi32, #tpu.memory_space<vmem>>, vector<16xi32>,
    %add3A_1340 = arith.addi %add3A_1337, %get3A_1339 : vector<16xi32>
    %get3A_1341 = arith.constant 176 : index
    %get3A_1342 = tpu.vector_load %arg9[%get3A_1341] {strides = array<i32>} : memref<256xi32, #tpu.memory_space<vmem>>, vector<16xi32>,
    %add3A_1343 = arith.addi %add3A_1340, %get3A_1342 : vector<16xi32>
    %get3A_1344 = arith.constant 192 : index
    %get3A_1345 = tpu.vector_load %arg9[%get3A_1344] {strides = array<i32>} : memref<256xi32, #tpu.memory_space<vmem>>, vector<16xi32>,
    %add3A_1346 = arith.addi %add3A_1343, %get3A_1345 : vector<16xi32>
    %get3A_1347 = arith.constant 208 : index
    %get3A_1348 = tpu.vector_load %arg9[%get3A_1347] {strides = array<i32>} : memref<256xi32, #tpu.memory_space<vmem>>, vector<16xi32>,
    %add3A_1349 = arith.addi %add3A_1346, %get3A_1348 : vector<16xi32>
    %get3A_1350 = arith.constant 224 : index
    %get3A_1351 = tpu.vector_load %arg9[%get3A_1350] {strides = array<i32>} : memref<256xi32, #tpu.memory_space<vmem>>, vector<16xi32>,
    %add3A_1352 = arith.addi %add3A_1349, %get3A_1351 : vector<16xi32>
    %get3A_1353 = arith.constant 240 : index
    %get3A_1354 = tpu.vector_load %arg9[%get3A_1353] {strides = array<i32>} : memref<256xi32, #tpu.memory_space<vmem>>, vector<16xi32>,
    %add3A_1355 = arith.addi %add3A_1352, %get3A_1354 : vector<16xi32>
    %swap3A_1356 = arith.constant 0 : index
    %swap3A_1357 = tpu.vector_load %arg8[%swap3A_1356] {strides = array<i32>} : memref<16xi32, #tpu.memory_space<vmem>>, vector<16xi32>,
    tpu.vector_store %arg8[%swap3A_1356], %add3A_1355 {strides = array<i32>} : memref<16xi32, #tpu.memory_space<vmem>>, vector<16xi32>,
    %mul3A_1358 = arith.constant 16 : i32
    %mul3A_1359 = arith.muli %arg1, %mul3A_1358 : i32
    %add3A_1360 = arith.constant 768 : i32
    %add3A_1361 = arith.addi %add3A_1360, %mul3A_1359 : i32
    "tpu.region"() ({
      %run_scoped3A = tpu.sem_alloc : memref<!tpu.dma_semaphore, #tpu.memory_space<semaphore_mem>>
      %dma_start3A_1433 = tpu.memref_slice %arg12[%add3A_1361] : memref<1024xi32, #tpu.memory_space<vmem_shared>> -> memref<16xi32, #tpu.memory_space<vmem_shared>>
      %dma_start3A_1434 = tpu.memref_slice %arg12[%add3A_1361] : memref<1024xi32, #tpu.memory_space<vmem_shared>> -> memref<16xi32, #tpu.memory_space<vmem_shared>>
      tpu.enqueue_dma source(%arg8 : memref<16xi32, #tpu.memory_space<vmem>>) target(%dma_start3A_1434 : memref<16xi32, #tpu.memory_space<vmem_shared>>) target_semaphore(%run_scoped3A : memref<!tpu.dma_semaphore, #tpu.memory_space<semaphore_mem>>)
      %dma_wait3A_1435 = tpu.memref_slice %arg12[%add3A_1361] : memref<1024xi32, #tpu.memory_space<vmem_shared>> -> memref<16xi32, #tpu.memory_space<vmem_shared>>
      %dma_wait3A_1436 = tpu.memref_slice %arg12[%add3A_1361] : memref<1024xi32, #tpu.memory_space<vmem_shared>> -> memref<16xi32, #tpu.memory_space<vmem_shared>>
      tpu.wait_dma2 semaphore(%run_scoped3A : memref<!tpu.dma_semaphore, #tpu.memory_space<semaphore_mem>>) src(%arg8 : memref<16xi32, #tpu.memory_space<vmem>>) dst(%dma_wait3A_1436 : memref<16xi32, #tpu.memory_space<vmem_shared>>)
      tpu.yield
    }) : () -> ()
    %barrier3A_1362 = arith.constant 0 : index
    tpu.barrier barrier_id(%barrier3A_1362)
    "tpu.region"() ({
      %run_scoped3A = tpu.sem_alloc : memref<!tpu.dma_semaphore, #tpu.memory_space<semaphore_mem>>
      %dma_start3A_1433 = arith.constant 768 : i32
      %dma_start3A_1434 = tpu.memref_slice %arg12[%dma_start3A_1433] : memref<1024xi32, #tpu.memory_space<vmem_shared>> -> memref<256xi32, #tpu.memory_space<vmem_shared>>
      %dma_start3A_1435 = arith.constant 768 : i32
      %dma_start3A_1436 = tpu.memref_slice %arg12[%dma_start3A_1435] : memref<1024xi32, #tpu.memory_space<vmem_shared>> -> memref<256xi32, #tpu.memory_space<vmem_shared>>
      tpu.enqueue_dma source(%dma_start3A_1436 : memref<256xi32, #tpu.memory_space<vmem_shared>>) target(%arg7 : memref<256xi32, #tpu.memory_space<vmem>>) target_semaphore(%run_scoped3A : memref<!tpu.dma_semaphore, #tpu.memory_space<semaphore_mem>>)
      %dma_wait3A_1437 = arith.constant 768 : i32
      %dma_wait3A_1438 = tpu.memref_slice %arg12[%dma_wait3A_1437] : memref<1024xi32, #tpu.memory_space<vmem_shared>> -> memref<256xi32, #tpu.memory_space<vmem_shared>>
      %dma_wait3A_1439 = arith.constant 768 : i32
      %dma_wait3A_1440 = tpu.memref_slice %arg12[%dma_wait3A_1439] : memref<1024xi32, #tpu.memory_space<vmem_shared>> -> memref<256xi32, #tpu.memory_space<vmem_shared>>
      tpu.wait_dma2 semaphore(%run_scoped3A : memref<!tpu.dma_semaphore, #tpu.memory_space<semaphore_mem>>) src(%dma_wait3A_1440 : memref<256xi32, #tpu.memory_space<vmem_shared>>) dst(%arg7 : memref<256xi32, #tpu.memory_space<vmem>>)
      tpu.yield
    }) : () -> ()
    %scan3A_1363 = arith.constant 0 : i32
    %scan3A_1364 = arith.constant 16 : i32
    %scan3A_1365 = arith.addi %scan3A_1363, %scan3A_1364 : i32
    %scan3A_1366 = arith.constant 1 : i32
    %scan3A_1367:4 = scf.for %scan3A_1433 = %scan3A_1363 to %scan3A_1365 step %scan3A_1366 iter_args(%scan3A_1434 = %broadcast_in_dim3A_3, %scan3A_1435 = %broadcast_in_dim3A_3, %scan3A_1436 = %scan3A_1023#2, %scan3A_1437 = %broadcast_in_dim3A_3) -> (vector<16xi32>, vector<16xi32>, vector<16xi32>, vector<16xi32>)  : i32 {
      %sub3A_1438 = arith.constant 15 : i32
      %sub3A_1439 = arith.subi %sub3A_1438, %scan3A_1433 : i32
      %mul3A_1440 = arith.constant 16 : i32
      %mul3A_1441 = arith.muli %sub3A_1439, %mul3A_1440 : i32
      %get3A_1442 = arith.index_cast %mul3A_1441 : i32 to index
      %get3A_1443 = tpu.vector_load %arg7[%get3A_1442] {strides = array<i32>} : memref<256xi32, #tpu.memory_space<vmem>>, vector<16xi32>,
      %rev3A = arith.constant 15 : i32
      %rev3A_1444 = vector.broadcast %rev3A : i32 to vector<16xi32>
      %rev3A_1445 = tpu.iota {dimensions = array<i32: 0>} : vector<16xi32>
      %rev3A_1446 = arith.subi %rev3A_1444, %rev3A_1445 : vector<16xi32>
      %rev3A_1447 = tpu.dynamic_gather %get3A_1443[%rev3A_1446] in [0] : vector<16xi32>, vector<16xi32> -> vector<16xi32>
      %broadcast_in_dim3A_1448 = arith.constant true
      %broadcast_in_dim3A_1449 = vector.broadcast %broadcast_in_dim3A_1448 : i1 to vector<16xi1>
      %masked_cumsum3A_1450 = tpu.scan <sum>, %rev3A_1447 masked %broadcast_in_dim3A_1449 : vector<16xi32>, vector<16xi1> -> vector<16xi32>
      %rev3A_1451 = arith.constant 15 : i32
      %rev3A_1452 = vector.broadcast %rev3A_1451 : i32 to vector<16xi32>
      %rev3A_1453 = tpu.iota {dimensions = array<i32: 0>} : vector<16xi32>
      %rev3A_1454 = arith.subi %rev3A_1452, %rev3A_1453 : vector<16xi32>
      %rev3A_1455 = tpu.dynamic_gather %masked_cumsum3A_1450[%rev3A_1454] in [0] : vector<16xi32>, vector<16xi32> -> vector<16xi32>
      %add3A_1456 = arith.addi %rev3A_1455, %scan3A_1437 : vector<16xi32>
      %ge3A = arith.cmpi sge, %add3A_1456, %scan3A_1023#2 : vector<16xi32>
      %all_reduce_population_count3A = tpu.all_reduce %ge3A {dim = 0 : i64, kind = #tpu.reduction_kind<sum>} : vector<16xi1> -> vector<16xi32>
      %sub3A_1457 = arith.constant 1 : i32
      %sub3A_1458 = vector.broadcast %sub3A_1457 : i32 to vector<16xi32>
      %sub3A_1459 = arith.subi %all_reduce_population_count3A, %sub3A_1458 : vector<16xi32>
      %eq3A_1460 = arith.cmpi eq, %iota3A, %sub3A_1459 : vector<16xi32>
      %jit3A_1461 = arith.constant 0 : i32
      %broadcast_in_dim3A_1462 = vector.broadcast %jit3A_1461 : i32 to vector<16xi32>
      %select_n3A_1463 = arith.select %eq3A_1460, %add3A_1456, %broadcast_in_dim3A_1462 : vector<16xi1>, vector<16xi32>
      %reduce_sum3A_1464 = arith.constant true
      %reduce_sum3A_1465 = vector.broadcast %reduce_sum3A_1464 : i1 to vector<16xi1>
      %reduce_sum3A_1466 = tpu.scan <sum>, %select_n3A_1463 masked %reduce_sum3A_1465 : vector<16xi32>, vector<16xi1> -> vector<16xi32>
      %reduce_sum3A_1467 = vector.extract %reduce_sum3A_1466[15] : i32 from vector<16xi32>
      %broadcast_in_dim3A_1468 = vector.broadcast %reduce_sum3A_1467 : i32 to vector<16xi32>
      %eq3A_1469 = arith.cmpi eq, %iota3A, %sub3A_1459 : vector<16xi32>
      %jit3A_1470 = arith.constant 0 : i32
      %broadcast_in_dim3A_1471 = vector.broadcast %jit3A_1470 : i32 to vector<16xi32>
      %select_n3A_1472 = arith.select %eq3A_1469, %get3A_1443, %broadcast_in_dim3A_1471 : vector<16xi1>, vector<16xi32>
      %reduce_sum3A_1473 = arith.constant true
      %reduce_sum3A_1474 = vector.broadcast %reduce_sum3A_1473 : i1 to vector<16xi1>
      %reduce_sum3A_1475 = tpu.scan <sum>, %select_n3A_1472 masked %reduce_sum3A_1474 : vector<16xi32>, vector<16xi1> -> vector<16xi32>
      %reduce_sum3A_1476 = vector.extract %reduce_sum3A_1475[15] : i32 from vector<16xi32>
      %broadcast_in_dim3A_1477 = vector.broadcast %reduce_sum3A_1476 : i32 to vector<16xi32>
      %eq3A_1478 = arith.constant 0 : i32
      %eq3A_1479 = vector.broadcast %eq3A_1478 : i32 to vector<16xi32>
      %eq3A_1480 = arith.cmpi eq, %scan3A_1434, %eq3A_1479 : vector<16xi32>
      %gt3A_1481 = arith.constant 0 : i32
      %gt3A_1482 = vector.broadcast %gt3A_1481 : i32 to vector<16xi32>
      %gt3A_1483 = arith.cmpi sgt, %all_reduce_population_count3A, %gt3A_1482 : vector<16xi32>
      %and3A_1484 = arith.andi %eq3A_1480, %gt3A_1483 : vector<16xi1>
      %jit3A_1485 = arith.constant 1 : i32
      %broadcast_in_dim3A_1486 = vector.broadcast %jit3A_1485 : i32 to vector<16xi32>
      %select_n3A_1487 = arith.select %and3A_1484, %broadcast_in_dim3A_1486, %scan3A_1434 : vector<16xi1>, vector<16xi32>
      %mul3A_1488 = arith.constant 16 : i32
      %mul3A_1489 = arith.muli %sub3A_1439, %mul3A_1488 : i32
      %add3A_1490 = vector.broadcast %mul3A_1489 : i32 to vector<16xi32>
      %add3A_1491 = arith.addi %add3A_1490, %sub3A_1459 : vector<16xi32>
      %select_n3A_1492 = arith.select %and3A_1484, %add3A_1491, %scan3A_1435 : vector<16xi1>, vector<16xi32>
      %sub3A_1493 = arith.subi %broadcast_in_dim3A_1468, %broadcast_in_dim3A_1477 : vector<16xi32>
      %sub3A_1494 = arith.subi %scan3A_1023#2, %sub3A_1493 : vector<16xi32>
      %select_n3A_1495 = arith.select %and3A_1484, %sub3A_1494, %scan3A_1436 : vector<16xi1>, vector<16xi32>
      %eq3A_1496 = arith.cmpi eq, %iota3A, %broadcast_in_dim3A_3 : vector<16xi32>
      %jit3A_1497 = arith.constant 0 : i32
      %broadcast_in_dim3A_1498 = vector.broadcast %jit3A_1497 : i32 to vector<16xi32>
      %select_n3A_1499 = arith.select %eq3A_1496, %add3A_1456, %broadcast_in_dim3A_1498 : vector<16xi1>, vector<16xi32>
      %reduce_sum3A_1500 = arith.constant true
      %reduce_sum3A_1501 = vector.broadcast %reduce_sum3A_1500 : i1 to vector<16xi1>
      %reduce_sum3A_1502 = tpu.scan <sum>, %select_n3A_1499 masked %reduce_sum3A_1501 : vector<16xi32>, vector<16xi1> -> vector<16xi32>
      %reduce_sum3A_1503 = vector.extract %reduce_sum3A_1502[15] : i32 from vector<16xi32>
      %broadcast_in_dim3A_1504 = vector.broadcast %reduce_sum3A_1503 : i32 to vector<16xi32>
      scf.yield %select_n3A_1487, %select_n3A_1492, %select_n3A_1495, %broadcast_in_dim3A_1504 : vector<16xi32>, vector<16xi32>, vector<16xi32>, vector<16xi32>
    }
    %scan3A_1368 = arith.constant 16 : i32
    %shift_left3A_1369 = arith.constant 8 : i32
    %shift_left3A_1370 = vector.broadcast %shift_left3A_1369 : i32 to vector<16xi32>
    %shift_left3A_1371 = arith.shli %or3A_1028, %shift_left3A_1370 : vector<16xi32>
    %or3A_1372 = arith.ori %shift_left3A_1371, %scan3A_1367#1 : vector<16xi32>
    %xor3A = arith.constant -2147483648 : i32
    %xor3A_1373 = vector.broadcast %xor3A : i32 to vector<16xi32>
    %xor3A_1374 = arith.xori %or3A_1372, %xor3A_1373 : vector<16xi32>
    %eq3A = arith.constant 0 : i32
    %eq3A_1375 = vector.broadcast %eq3A : i32 to vector<16xi32>
    %eq3A_1376 = arith.cmpi eq, %iota3A, %eq3A_1375 : vector<16xi32>
    %shift_right_arithmetic3A = arith.constant 4 : i32
    %shift_right_arithmetic3A_1377 = vector.broadcast %shift_right_arithmetic3A : i32 to vector<16xi32>
    %shift_right_arithmetic3A_1378 = arith.shrsi %scan3A_1367#1, %shift_right_arithmetic3A_1377 : vector<16xi32>
    %jit3A = arith.constant 0 : i32
    %broadcast_in_dim3A_1379 = vector.broadcast %jit3A : i32 to vector<16xi32>
    %select_n3A = arith.select %eq3A_1376, %shift_right_arithmetic3A_1378, %broadcast_in_dim3A_1379 : vector<16xi1>, vector<16xi32>
    %reduce_sum3A = arith.constant true
    %reduce_sum3A_1380 = vector.broadcast %reduce_sum3A : i1 to vector<16xi1>
    %reduce_sum3A_1381 = tpu.scan <sum>, %select_n3A masked %reduce_sum3A_1380 : vector<16xi32>, vector<16xi1> -> vector<16xi32>
    %reduce_sum3A_1382 = vector.extract %reduce_sum3A_1381[15] : i32 from vector<16xi32>
    %add3A_1383 = arith.constant 48 : i32
    %add3A_1384 = arith.addi %add3A_1383, %reduce_sum3A_1382 : i32
    %mul3A_1385 = arith.constant 256 : i32
    %mul3A_1386 = arith.muli %add3A_1384, %mul3A_1385 : i32
    "tpu.region"() ({
      %run_scoped3A = tpu.sem_alloc : memref<!tpu.dma_semaphore, #tpu.memory_space<semaphore_mem>>
      %dma_start3A_1433 = tpu.memref_slice %arg11[%mul3A_1386] : memref<16384xi32, #tpu.memory_space<vmem_shared>> -> memref<256xi32, #tpu.memory_space<vmem_shared>>
      %dma_start3A_1434 = tpu.memref_slice %arg11[%mul3A_1386] : memref<16384xi32, #tpu.memory_space<vmem_shared>> -> memref<256xi32, #tpu.memory_space<vmem_shared>>
      tpu.enqueue_dma source(%dma_start3A_1434 : memref<256xi32, #tpu.memory_space<vmem_shared>>) target(%arg9 : memref<256xi32, #tpu.memory_space<vmem>>) target_semaphore(%run_scoped3A : memref<!tpu.dma_semaphore, #tpu.memory_space<semaphore_mem>>)
      %dma_wait3A_1435 = tpu.memref_slice %arg11[%mul3A_1386] : memref<16384xi32, #tpu.memory_space<vmem_shared>> -> memref<256xi32, #tpu.memory_space<vmem_shared>>
      %dma_wait3A_1436 = tpu.memref_slice %arg11[%mul3A_1386] : memref<16384xi32, #tpu.memory_space<vmem_shared>> -> memref<256xi32, #tpu.memory_space<vmem_shared>>
      tpu.wait_dma2 semaphore(%run_scoped3A : memref<!tpu.dma_semaphore, #tpu.memory_space<semaphore_mem>>) src(%dma_wait3A_1436 : memref<256xi32, #tpu.memory_space<vmem_shared>>) dst(%arg9 : memref<256xi32, #tpu.memory_space<vmem>>)
      tpu.yield
    }) : () -> ()
    %mul3A_1387 = arith.constant 16 : i32
    %mul3A_1388 = vector.broadcast %mul3A_1387 : i32 to vector<16xi32>
    %mul3A_1389 = arith.muli %iota3A, %mul3A_1388 : vector<16xi32>
    %and3A = arith.constant 15 : i32
    %and3A_1390 = vector.broadcast %and3A : i32 to vector<16xi32>
    %and3A_1391 = arith.andi %scan3A_1367#1, %and3A_1390 : vector<16xi32>
    %add3A_1392 = arith.addi %mul3A_1389, %and3A_1391 : vector<16xi32>
    %gather3A = tpu.vector_load_idx %arg9[%add3A_1392] : memref<256xi32, #tpu.memory_space<vmem>>[vector<16xi32>], vector<16xi32>,
    %broadcast_in_dim3A_1393 = arith.constant true
    %broadcast_in_dim3A_1394 = vector.broadcast %broadcast_in_dim3A_1393 : i1 to vector<16xi1>
    %masked_cumsum3A = tpu.scan <sum>, %gather3A masked %broadcast_in_dim3A_1394 : vector<16xi32>, vector<16xi1> -> vector<16xi32>
    %sub3A = arith.subi %masked_cumsum3A, %gather3A : vector<16xi32>
    %eq3A_1395 = vector.broadcast %arg1 : i32 to vector<16xi32>
    %eq3A_1396 = arith.cmpi eq, %iota3A, %eq3A_1395 : vector<16xi32>
    %jit3A_1397 = arith.constant 0 : i32
    %broadcast_in_dim3A_1398 = vector.broadcast %jit3A_1397 : i32 to vector<16xi32>
    %select_n3A_1399 = arith.select %eq3A_1396, %sub3A, %broadcast_in_dim3A_1398 : vector<16xi1>, vector<16xi32>
    %reduce_sum3A_1400 = arith.constant true
    %reduce_sum3A_1401 = vector.broadcast %reduce_sum3A_1400 : i1 to vector<16xi1>
    %reduce_sum3A_1402 = tpu.scan <sum>, %select_n3A_1399 masked %reduce_sum3A_1401 : vector<16xi32>, vector<16xi1> -> vector<16xi32>
    %reduce_sum3A_1403 = vector.extract %reduce_sum3A_1402[15] : i32 from vector<16xi32>
    %eq3A_1404 = vector.broadcast %arg1 : i32 to vector<16xi32>
    %eq3A_1405 = arith.cmpi eq, %iota3A, %eq3A_1404 : vector<16xi32>
    %jit3A_1406 = arith.constant 0 : i32
    %broadcast_in_dim3A_1407 = vector.broadcast %jit3A_1406 : i32 to vector<16xi32>
    %select_n3A_1408 = arith.select %eq3A_1405, %gather3A, %broadcast_in_dim3A_1407 : vector<16xi1>, vector<16xi32>
    %reduce_sum3A_1409 = arith.constant true
    %reduce_sum3A_1410 = vector.broadcast %reduce_sum3A_1409 : i1 to vector<16xi1>
    %reduce_sum3A_1411 = tpu.scan <sum>, %select_n3A_1408 masked %reduce_sum3A_1410 : vector<16xi32>, vector<16xi1> -> vector<16xi32>
    %reduce_sum3A_1412 = vector.extract %reduce_sum3A_1411[15] : i32 from vector<16xi32>
    %sub3A_1413 = vector.broadcast %reduce_sum3A_1403 : i32 to vector<16xi32>
    %sub3A_1414 = arith.subi %scan3A_1367#2, %sub3A_1413 : vector<16xi32>
    %jit3A_1415 = arith.constant 0 : i32
    %max3A = vector.broadcast %jit3A_1415 : i32 to vector<16xi32>
    %max3A_1416 = arith.maxsi %max3A, %sub3A_1414 : vector<16xi32>
    %min3A = vector.broadcast %reduce_sum3A_1412 : i32 to vector<16xi32>
    %min3A_1417 = arith.minsi %min3A, %max3A_1416 : vector<16xi32>
    %gt3A = arith.constant 0 : i32
    %gt3A_1418 = vector.broadcast %gt3A : i32 to vector<16xi32>
    %gt3A_1419 = arith.cmpi sgt, %min3A_1417, %gt3A_1418 : vector<16xi32>
    %reduce_or3A = arith.constant 1.000000e+00 : f32
    %reduce_or3A_1420 = arith.constant 0.000000e+00 : f32
    %reduce_or3A_1421 = vector.broadcast %reduce_or3A : f32 to vector<16xf32>
    %reduce_or3A_1422 = vector.broadcast %reduce_or3A_1420 : f32 to vector<16xf32>
    %reduce_or3A_1423 = arith.select %gt3A_1419, %reduce_or3A_1421, %reduce_or3A_1422 : vector<16xi1>, vector<16xf32>
    %reduce_or3A_1424 = arith.constant true
    %reduce_or3A_1425 = vector.broadcast %reduce_or3A_1424 : i1 to vector<16xi1>
    %reduce_or3A_1426 = tpu.scan <max>, %reduce_or3A_1423 masked %reduce_or3A_1425 : vector<16xf32>, vector<16xi1> -> vector<16xf32>
    %reduce_or3A_1427 = vector.extract %reduce_or3A_1426[15] : f32 from vector<16xf32>
    %reduce_or3A_1428 = arith.constant 0.000000e+00 : f32
    %reduce_or3A_1429 = arith.cmpf ogt, %reduce_or3A_1427, %reduce_or3A_1428 : f32
    %convert_element_type3A = arith.extui %reduce_or3A_1429 : i1 to i32
    %cond3A = arith.constant 0 : i32
    %cond3A_1430 = arith.constant 0 : i32
    %cond3A_1431 = arith.cmpi ne, %convert_element_type3A, %cond3A_1430 : i32
    %cond3A_1432 = scf.if %cond3A_1431 -> (i32) {
      %scan3A_1433 = arith.constant 0 : i32
      %scan3A_1434 = arith.constant 0 : i32
      %scan3A_1435 = arith.constant 128 : i32
      %scan3A_1436 = arith.addi %scan3A_1434, %scan3A_1435 : i32
      %scan3A_1437 = arith.constant 1 : i32
      %scan3A_1438 = scf.for %scan3A_1440 = %scan3A_1434 to %scan3A_1436 step %scan3A_1437 iter_args(%scan3A_1441 = %scan3A_1433) -> (i32)  : i32 {
        %mul3A_1442 = arith.constant 16 : i32
        %mul3A_1443 = arith.muli %scan3A_1440, %mul3A_1442 : i32
        %get3A_1444 = arith.index_cast %mul3A_1443 : i32 to index
        %get3A_1445 = tpu.vector_load %arg5[%get3A_1444] {strides = array<i32>} : memref<2048xi32, #tpu.memory_space<vmem>>, vector<16xi32>,
        %gt3A_1446 = arith.cmpi sgt, %get3A_1445, %xor3A_1374 : vector<16xi32>
        %eq3A_1447 = arith.cmpi eq, %get3A_1445, %xor3A_1374 : vector<16xi32>
        %convert_element_type3A_1448 = arith.extui %eq3A_1447 : vector<16xi1> to vector<16xi32>
        %broadcast_in_dim3A_1449 = arith.constant true
        %broadcast_in_dim3A_1450 = vector.broadcast %broadcast_in_dim3A_1449 : i1 to vector<16xi1>
        %masked_cumsum3A_1451 = tpu.scan <sum>, %convert_element_type3A_1448 masked %broadcast_in_dim3A_1450 : vector<16xi32>, vector<16xi1> -> vector<16xi32>
        %add3A_1452 = vector.broadcast %scan3A_1441 : i32 to vector<16xi32>
        %add3A_1453 = arith.addi %masked_cumsum3A_1451, %add3A_1452 : vector<16xi32>
        %le3A = arith.cmpi sle, %add3A_1453, %min3A_1417 : vector<16xi32>
        %and3A_1454 = arith.andi %eq3A_1447, %le3A : vector<16xi1>
        %or3A_1455 = arith.ori %gt3A_1446, %and3A_1454 : vector<16xi1>
        %jit3A_1456 = arith.constant 1.000000e+00 : f32
        %jit3A_1457 = arith.constant 0.000000e+00 : f32
        %broadcast_in_dim3A_1458 = vector.broadcast %jit3A_1456 : f32 to vector<16xf32>
        %broadcast_in_dim3A_1459 = vector.broadcast %jit3A_1457 : f32 to vector<16xf32>
        %select_n3A_1460 = arith.select %or3A_1455, %broadcast_in_dim3A_1458, %broadcast_in_dim3A_1459 : vector<16xi1>, vector<16xf32>
        %mul3A_1461 = arith.constant 16 : i32
        %mul3A_1462 = arith.muli %scan3A_1440, %mul3A_1461 : i32
        %swap3A_1463 = arith.index_cast %mul3A_1462 : i32 to index
        %swap3A_1464 = tpu.vector_load %arg10[%swap3A_1463] {strides = array<i32>} : memref<2048xf32, #tpu.memory_space<vmem>>, vector<16xf32>,
        tpu.vector_store %arg10[%swap3A_1463], %select_n3A_1460 {strides = array<i32>} : memref<2048xf32, #tpu.memory_space<vmem>>, vector<16xf32>,
        %convert_element_type3A_1465 = arith.extui %eq3A_1447 : vector<16xi1> to vector<16xi32>
        %reduce_sum3A_1466 = arith.constant true
        %reduce_sum3A_1467 = vector.broadcast %reduce_sum3A_1466 : i1 to vector<16xi1>
        %reduce_sum3A_1468 = tpu.scan <sum>, %convert_element_type3A_1465 masked %reduce_sum3A_1467 : vector<16xi32>, vector<16xi1> -> vector<16xi32>
        %reduce_sum3A_1469 = vector.extract %reduce_sum3A_1468[15] : i32 from vector<16xi32>
        %add3A_1470 = arith.addi %scan3A_1441, %reduce_sum3A_1469 : i32
        scf.yield %add3A_1470 : i32
      }
      %scan3A_1439 = arith.constant 128 : i32
      scf.yield %scan3A_1438 : i32
    } else {
      %scan3A_1433 = arith.constant 0 : i32
      %scan3A_1434 = arith.constant 0 : i32
      %scan3A_1435 = arith.constant 16 : i32
      %scan3A_1436 = arith.addi %scan3A_1434, %scan3A_1435 : i32
      %scan3A_1437 = arith.constant 1 : i32
      scf.for %scan3A_1440 = %scan3A_1434 to %scan3A_1436 step %scan3A_1437  : i32 {
        %mul3A_1441 = arith.constant 8 : i32
        %mul3A_1442 = arith.muli %scan3A_1440, %mul3A_1441 : i32
        %add3A_1443 = arith.constant 0 : i32
        %add3A_1444 = arith.addi %mul3A_1442, %add3A_1443 : i32
        %mul3A_1445 = arith.constant 16 : i32
        %mul3A_1446 = arith.muli %add3A_1444, %mul3A_1445 : i32
        %get3A_1447 = arith.index_cast %mul3A_1446 : i32 to index
        %get3A_1448 = tpu.vector_load %arg5[%get3A_1447] {strides = array<i32>} : memref<2048xi32, #tpu.memory_space<vmem>>, vector<16xi32>,
        %gt3A_1449 = arith.cmpi sgt, %get3A_1448, %xor3A_1374 : vector<16xi32>
        %jit3A_1450 = arith.constant 1.000000e+00 : f32
        %jit3A_1451 = arith.constant 0.000000e+00 : f32
        %broadcast_in_dim3A_1452 = vector.broadcast %jit3A_1450 : f32 to vector<16xf32>
        %broadcast_in_dim3A_1453 = vector.broadcast %jit3A_1451 : f32 to vector<16xf32>
        %select_n3A_1454 = arith.select %gt3A_1449, %broadcast_in_dim3A_1452, %broadcast_in_dim3A_1453 : vector<16xi1>, vector<16xf32>
        %mul3A_1455 = arith.constant 16 : i32
        %mul3A_1456 = arith.muli %add3A_1444, %mul3A_1455 : i32
        %swap3A_1457 = arith.index_cast %mul3A_1456 : i32 to index
        %swap3A_1458 = tpu.vector_load %arg10[%swap3A_1457] {strides = array<i32>} : memref<2048xf32, #tpu.memory_space<vmem>>, vector<16xf32>,
        tpu.vector_store %arg10[%swap3A_1457], %select_n3A_1454 {strides = array<i32>} : memref<2048xf32, #tpu.memory_space<vmem>>, vector<16xf32>,
        %mul3A_1459 = arith.constant 8 : i32
        %mul3A_1460 = arith.muli %scan3A_1440, %mul3A_1459 : i32
        %add3A_1461 = arith.constant 1 : i32
        %add3A_1462 = arith.addi %mul3A_1460, %add3A_1461 : i32
        %mul3A_1463 = arith.constant 16 : i32
        %mul3A_1464 = arith.muli %add3A_1462, %mul3A_1463 : i32
        %get3A_1465 = arith.index_cast %mul3A_1464 : i32 to index
        %get3A_1466 = tpu.vector_load %arg5[%get3A_1465] {strides = array<i32>} : memref<2048xi32, #tpu.memory_space<vmem>>, vector<16xi32>,
        %gt3A_1467 = arith.cmpi sgt, %get3A_1466, %xor3A_1374 : vector<16xi32>
        %jit3A_1468 = arith.constant 1.000000e+00 : f32
        %jit3A_1469 = arith.constant 0.000000e+00 : f32
        %broadcast_in_dim3A_1470 = vector.broadcast %jit3A_1468 : f32 to vector<16xf32>
        %broadcast_in_dim3A_1471 = vector.broadcast %jit3A_1469 : f32 to vector<16xf32>
        %select_n3A_1472 = arith.select %gt3A_1467, %broadcast_in_dim3A_1470, %broadcast_in_dim3A_1471 : vector<16xi1>, vector<16xf32>
        %mul3A_1473 = arith.constant 16 : i32
        %mul3A_1474 = arith.muli %add3A_1462, %mul3A_1473 : i32
        %swap3A_1475 = arith.index_cast %mul3A_1474 : i32 to index
        %swap3A_1476 = tpu.vector_load %arg10[%swap3A_1475] {strides = array<i32>} : memref<2048xf32, #tpu.memory_space<vmem>>, vector<16xf32>,
        tpu.vector_store %arg10[%swap3A_1475], %select_n3A_1472 {strides = array<i32>} : memref<2048xf32, #tpu.memory_space<vmem>>, vector<16xf32>,
        %mul3A_1477 = arith.constant 8 : i32
        %mul3A_1478 = arith.muli %scan3A_1440, %mul3A_1477 : i32
        %add3A_1479 = arith.constant 2 : i32
        %add3A_1480 = arith.addi %mul3A_1478, %add3A_1479 : i32
        %mul3A_1481 = arith.constant 16 : i32
        %mul3A_1482 = arith.muli %add3A_1480, %mul3A_1481 : i32
        %get3A_1483 = arith.index_cast %mul3A_1482 : i32 to index
        %get3A_1484 = tpu.vector_load %arg5[%get3A_1483] {strides = array<i32>} : memref<2048xi32, #tpu.memory_space<vmem>>, vector<16xi32>,
        %gt3A_1485 = arith.cmpi sgt, %get3A_1484, %xor3A_1374 : vector<16xi32>
        %jit3A_1486 = arith.constant 1.000000e+00 : f32
        %jit3A_1487 = arith.constant 0.000000e+00 : f32
        %broadcast_in_dim3A_1488 = vector.broadcast %jit3A_1486 : f32 to vector<16xf32>
        %broadcast_in_dim3A_1489 = vector.broadcast %jit3A_1487 : f32 to vector<16xf32>
        %select_n3A_1490 = arith.select %gt3A_1485, %broadcast_in_dim3A_1488, %broadcast_in_dim3A_1489 : vector<16xi1>, vector<16xf32>
        %mul3A_1491 = arith.constant 16 : i32
        %mul3A_1492 = arith.muli %add3A_1480, %mul3A_1491 : i32
        %swap3A_1493 = arith.index_cast %mul3A_1492 : i32 to index
        %swap3A_1494 = tpu.vector_load %arg10[%swap3A_1493] {strides = array<i32>} : memref<2048xf32, #tpu.memory_space<vmem>>, vector<16xf32>,
        tpu.vector_store %arg10[%swap3A_1493], %select_n3A_1490 {strides = array<i32>} : memref<2048xf32, #tpu.memory_space<vmem>>, vector<16xf32>,
        %mul3A_1495 = arith.constant 8 : i32
        %mul3A_1496 = arith.muli %scan3A_1440, %mul3A_1495 : i32
        %add3A_1497 = arith.constant 3 : i32
        %add3A_1498 = arith.addi %mul3A_1496, %add3A_1497 : i32
        %mul3A_1499 = arith.constant 16 : i32
        %mul3A_1500 = arith.muli %add3A_1498, %mul3A_1499 : i32
        %get3A_1501 = arith.index_cast %mul3A_1500 : i32 to index
        %get3A_1502 = tpu.vector_load %arg5[%get3A_1501] {strides = array<i32>} : memref<2048xi32, #tpu.memory_space<vmem>>, vector<16xi32>,
        %gt3A_1503 = arith.cmpi sgt, %get3A_1502, %xor3A_1374 : vector<16xi32>
        %jit3A_1504 = arith.constant 1.000000e+00 : f32
        %jit3A_1505 = arith.constant 0.000000e+00 : f32
        %broadcast_in_dim3A_1506 = vector.broadcast %jit3A_1504 : f32 to vector<16xf32>
        %broadcast_in_dim3A_1507 = vector.broadcast %jit3A_1505 : f32 to vector<16xf32>
        %select_n3A_1508 = arith.select %gt3A_1503, %broadcast_in_dim3A_1506, %broadcast_in_dim3A_1507 : vector<16xi1>, vector<16xf32>
        %mul3A_1509 = arith.constant 16 : i32
        %mul3A_1510 = arith.muli %add3A_1498, %mul3A_1509 : i32
        %swap3A_1511 = arith.index_cast %mul3A_1510 : i32 to index
        %swap3A_1512 = tpu.vector_load %arg10[%swap3A_1511] {strides = array<i32>} : memref<2048xf32, #tpu.memory_space<vmem>>, vector<16xf32>,
        tpu.vector_store %arg10[%swap3A_1511], %select_n3A_1508 {strides = array<i32>} : memref<2048xf32, #tpu.memory_space<vmem>>, vector<16xf32>,
        %mul3A_1513 = arith.constant 8 : i32
        %mul3A_1514 = arith.muli %scan3A_1440, %mul3A_1513 : i32
        %add3A_1515 = arith.constant 4 : i32
        %add3A_1516 = arith.addi %mul3A_1514, %add3A_1515 : i32
        %mul3A_1517 = arith.constant 16 : i32
        %mul3A_1518 = arith.muli %add3A_1516, %mul3A_1517 : i32
        %get3A_1519 = arith.index_cast %mul3A_1518 : i32 to index
        %get3A_1520 = tpu.vector_load %arg5[%get3A_1519] {strides = array<i32>} : memref<2048xi32, #tpu.memory_space<vmem>>, vector<16xi32>,
        %gt3A_1521 = arith.cmpi sgt, %get3A_1520, %xor3A_1374 : vector<16xi32>
        %jit3A_1522 = arith.constant 1.000000e+00 : f32
        %jit3A_1523 = arith.constant 0.000000e+00 : f32
        %broadcast_in_dim3A_1524 = vector.broadcast %jit3A_1522 : f32 to vector<16xf32>
        %broadcast_in_dim3A_1525 = vector.broadcast %jit3A_1523 : f32 to vector<16xf32>
        %select_n3A_1526 = arith.select %gt3A_1521, %broadcast_in_dim3A_1524, %broadcast_in_dim3A_1525 : vector<16xi1>, vector<16xf32>
        %mul3A_1527 = arith.constant 16 : i32
        %mul3A_1528 = arith.muli %add3A_1516, %mul3A_1527 : i32
        %swap3A_1529 = arith.index_cast %mul3A_1528 : i32 to index
        %swap3A_1530 = tpu.vector_load %arg10[%swap3A_1529] {strides = array<i32>} : memref<2048xf32, #tpu.memory_space<vmem>>, vector<16xf32>,
        tpu.vector_store %arg10[%swap3A_1529], %select_n3A_1526 {strides = array<i32>} : memref<2048xf32, #tpu.memory_space<vmem>>, vector<16xf32>,
        %mul3A_1531 = arith.constant 8 : i32
        %mul3A_1532 = arith.muli %scan3A_1440, %mul3A_1531 : i32
        %add3A_1533 = arith.constant 5 : i32
        %add3A_1534 = arith.addi %mul3A_1532, %add3A_1533 : i32
        %mul3A_1535 = arith.constant 16 : i32
        %mul3A_1536 = arith.muli %add3A_1534, %mul3A_1535 : i32
        %get3A_1537 = arith.index_cast %mul3A_1536 : i32 to index
        %get3A_1538 = tpu.vector_load %arg5[%get3A_1537] {strides = array<i32>} : memref<2048xi32, #tpu.memory_space<vmem>>, vector<16xi32>,
        %gt3A_1539 = arith.cmpi sgt, %get3A_1538, %xor3A_1374 : vector<16xi32>
        %jit3A_1540 = arith.constant 1.000000e+00 : f32
        %jit3A_1541 = arith.constant 0.000000e+00 : f32
        %broadcast_in_dim3A_1542 = vector.broadcast %jit3A_1540 : f32 to vector<16xf32>
        %broadcast_in_dim3A_1543 = vector.broadcast %jit3A_1541 : f32 to vector<16xf32>
        %select_n3A_1544 = arith.select %gt3A_1539, %broadcast_in_dim3A_1542, %broadcast_in_dim3A_1543 : vector<16xi1>, vector<16xf32>
        %mul3A_1545 = arith.constant 16 : i32
        %mul3A_1546 = arith.muli %add3A_1534, %mul3A_1545 : i32
        %swap3A_1547 = arith.index_cast %mul3A_1546 : i32 to index
        %swap3A_1548 = tpu.vector_load %arg10[%swap3A_1547] {strides = array<i32>} : memref<2048xf32, #tpu.memory_space<vmem>>, vector<16xf32>,
        tpu.vector_store %arg10[%swap3A_1547], %select_n3A_1544 {strides = array<i32>} : memref<2048xf32, #tpu.memory_space<vmem>>, vector<16xf32>,
        %mul3A_1549 = arith.constant 8 : i32
        %mul3A_1550 = arith.muli %scan3A_1440, %mul3A_1549 : i32
        %add3A_1551 = arith.constant 6 : i32
        %add3A_1552 = arith.addi %mul3A_1550, %add3A_1551 : i32
        %mul3A_1553 = arith.constant 16 : i32
        %mul3A_1554 = arith.muli %add3A_1552, %mul3A_1553 : i32
        %get3A_1555 = arith.index_cast %mul3A_1554 : i32 to index
        %get3A_1556 = tpu.vector_load %arg5[%get3A_1555] {strides = array<i32>} : memref<2048xi32, #tpu.memory_space<vmem>>, vector<16xi32>,
        %gt3A_1557 = arith.cmpi sgt, %get3A_1556, %xor3A_1374 : vector<16xi32>
        %jit3A_1558 = arith.constant 1.000000e+00 : f32
        %jit3A_1559 = arith.constant 0.000000e+00 : f32
        %broadcast_in_dim3A_1560 = vector.broadcast %jit3A_1558 : f32 to vector<16xf32>
        %broadcast_in_dim3A_1561 = vector.broadcast %jit3A_1559 : f32 to vector<16xf32>
        %select_n3A_1562 = arith.select %gt3A_1557, %broadcast_in_dim3A_1560, %broadcast_in_dim3A_1561 : vector<16xi1>, vector<16xf32>
        %mul3A_1563 = arith.constant 16 : i32
        %mul3A_1564 = arith.muli %add3A_1552, %mul3A_1563 : i32
        %swap3A_1565 = arith.index_cast %mul3A_1564 : i32 to index
        %swap3A_1566 = tpu.vector_load %arg10[%swap3A_1565] {strides = array<i32>} : memref<2048xf32, #tpu.memory_space<vmem>>, vector<16xf32>,
        tpu.vector_store %arg10[%swap3A_1565], %select_n3A_1562 {strides = array<i32>} : memref<2048xf32, #tpu.memory_space<vmem>>, vector<16xf32>,
        %mul3A_1567 = arith.constant 8 : i32
        %mul3A_1568 = arith.muli %scan3A_1440, %mul3A_1567 : i32
        %add3A_1569 = arith.constant 7 : i32
        %add3A_1570 = arith.addi %mul3A_1568, %add3A_1569 : i32
        %mul3A_1571 = arith.constant 16 : i32
        %mul3A_1572 = arith.muli %add3A_1570, %mul3A_1571 : i32
        %get3A_1573 = arith.index_cast %mul3A_1572 : i32 to index
        %get3A_1574 = tpu.vector_load %arg5[%get3A_1573] {strides = array<i32>} : memref<2048xi32, #tpu.memory_space<vmem>>, vector<16xi32>,
        %gt3A_1575 = arith.cmpi sgt, %get3A_1574, %xor3A_1374 : vector<16xi32>
        %jit3A_1576 = arith.constant 1.000000e+00 : f32
        %jit3A_1577 = arith.constant 0.000000e+00 : f32
        %broadcast_in_dim3A_1578 = vector.broadcast %jit3A_1576 : f32 to vector<16xf32>
        %broadcast_in_dim3A_1579 = vector.broadcast %jit3A_1577 : f32 to vector<16xf32>
        %select_n3A_1580 = arith.select %gt3A_1575, %broadcast_in_dim3A_1578, %broadcast_in_dim3A_1579 : vector<16xi1>, vector<16xf32>
        %mul3A_1581 = arith.constant 16 : i32
        %mul3A_1582 = arith.muli %add3A_1570, %mul3A_1581 : i32
        %swap3A_1583 = arith.index_cast %mul3A_1582 : i32 to index
        %swap3A_1584 = tpu.vector_load %arg10[%swap3A_1583] {strides = array<i32>} : memref<2048xf32, #tpu.memory_space<vmem>>, vector<16xf32>,
        tpu.vector_store %arg10[%swap3A_1583], %select_n3A_1580 {strides = array<i32>} : memref<2048xf32, #tpu.memory_space<vmem>>, vector<16xf32>,
      }
      %scan3A_1438 = arith.constant 16 : i32
      %cond3A_1439 = arith.constant 0 : i32
      scf.yield %cond3A_1439 : i32
    }
    "tpu.region"() ({
      %run_scoped3A = tpu.sem_alloc : memref<!tpu.dma_semaphore, #tpu.memory_space<semaphore_mem>>
      %dma_start3A_1433 = tpu.memref_slice %arg3[%mul3A_0] : memref<32768xf32, #tpu.memory_space<hbm>> -> memref<2048xf32, #tpu.memory_space<hbm>>
      %dma_start3A_1434 = tpu.memref_slice %arg3[%mul3A_0] : memref<32768xf32, #tpu.memory_space<hbm>> -> memref<2048xf32, #tpu.memory_space<hbm>>
      tpu.enqueue_dma source(%arg10 : memref<2048xf32, #tpu.memory_space<vmem>>) target(%dma_start3A_1434 : memref<2048xf32, #tpu.memory_space<hbm>>) target_semaphore(%run_scoped3A : memref<!tpu.dma_semaphore, #tpu.memory_space<semaphore_mem>>)
      %dma_wait3A_1435 = tpu.memref_slice %arg3[%mul3A_0] : memref<32768xf32, #tpu.memory_space<hbm>> -> memref<2048xf32, #tpu.memory_space<hbm>>
      %dma_wait3A_1436 = tpu.memref_slice %arg3[%mul3A_0] : memref<32768xf32, #tpu.memory_space<hbm>> -> memref<2048xf32, #tpu.memory_space<hbm>>
      tpu.wait_dma2 semaphore(%run_scoped3A : memref<!tpu.dma_semaphore, #tpu.memory_space<semaphore_mem>>) src(%arg10 : memref<2048xf32, #tpu.memory_space<vmem>>) dst(%dma_wait3A_1436 : memref<2048xf32, #tpu.memory_space<hbm>>)
      tpu.yield
    }) : () -> ()
    return
  }
}

module attributes {stable_mosaic.version = 14 : i64} {
  func.func @_mlp_body(%arg0: i32, %arg1: memref<128x8192xf32, #tpu.memory_space<vmem>>, %arg2: memref<1x8192xf32, #tpu.memory_space<vmem>>, %arg3: memref<8192x32xf32, #tpu.memory_space<vmem>>, %arg4: memref<1x32xf32, #tpu.memory_space<vmem>>, %arg5: memref<32x16xf32, #tpu.memory_space<vmem>>, %arg6: memref<1x16xf32, #tpu.memory_space<vmem>>, %arg7: memref<16x10xf32, #tpu.memory_space<vmem>>, %arg8: memref<1x10xf32, #tpu.memory_space<vmem>>, %arg9: memref<128x10xf32, #tpu.memory_space<vmem>>, %arg10: memref<128x32xf32, #tpu.memory_space<vmem>>) attributes {dimension_semantics = [#tpu.dimension_semantics<arbitrary>], iteration_bounds = array<i64: 4>, scalar_prefetch = 0 : i64, scratch_operands = 1 : i64, tpu.core_type = #tpu.core_type<tc>, window_params = [{transform_indices = @transform_0, window_bounds = array<i64: 128, 8192>}, {transform_indices = @transform_1, window_bounds = array<i64: 1, 8192>}, {transform_indices = @transform_2, window_bounds = array<i64: 8192, 32>}, {pipeline_mode = #tpu.pipeline_mode<synchronous>, transform_indices = @transform_3, window_bounds = array<i64: 1, 32>}, {pipeline_mode = #tpu.pipeline_mode<synchronous>, transform_indices = @transform_4, window_bounds = array<i64: 32, 16>}, {pipeline_mode = #tpu.pipeline_mode<synchronous>, transform_indices = @transform_5, window_bounds = array<i64: 1, 16>}, {pipeline_mode = #tpu.pipeline_mode<synchronous>, transform_indices = @transform_6, window_bounds = array<i64: 16, 10>}, {pipeline_mode = #tpu.pipeline_mode<synchronous>, transform_indices = @transform_7, window_bounds = array<i64: 1, 10>}, {pipeline_mode = #tpu.pipeline_mode<synchronous>, transform_indices = @transform_8, window_bounds = array<i64: 128, 10>}]} {
    %eq3A = arith.constant 0 : i32
    %eq3A_0 = arith.cmpi eq, %arg0, %eq3A : i32
    %convert_element_type3A = arith.extui %eq3A_0 : i1 to i32
    %cond3A = arith.constant 0 : i32
    %cond3A_1 = arith.cmpi ne, %convert_element_type3A, %cond3A : i32
    scf.if %cond3A_1 {
      %broadcast_in_dim3A = arith.constant 0.000000e+00 : f32
      %broadcast_in_dim3A_22 = vector.broadcast %broadcast_in_dim3A : f32 to vector<128x32xf32>
      %swap3A_23 = arith.constant 0 : index
      %swap3A_24 = arith.constant 0 : index
      %swap3A_25 = vector.load %arg10[%swap3A_23, %swap3A_24] : memref<128x32xf32, #tpu.memory_space<vmem>>, vector<128x32xf32>
      tpu.vector_store %arg10[%swap3A_23, %swap3A_24], %broadcast_in_dim3A_22 {strides = array<i32>} : memref<128x32xf32, #tpu.memory_space<vmem>>, vector<128x32xf32>,
    } else {
    }
    %get3A = arith.constant 0 : index
    %get3A_2 = arith.constant 0 : index
    %get3A_3 = vector.load %arg1[%get3A, %get3A_2] : memref<128x8192xf32, #tpu.memory_space<vmem>>, vector<128x8192xf32>
    %get3A_4 = arith.constant 0 : index
    %get3A_5 = arith.constant 0 : index
    %get3A_6 = vector.load %arg2[%get3A_4, %get3A_5] : memref<1x8192xf32, #tpu.memory_space<vmem>>, vector<1x8192xf32>
    %mul3A = vector.broadcast %get3A_6 : vector<1x8192xf32> to vector<128x8192xf32>
    %mul3A_7 = arith.mulf %get3A_3, %mul3A : vector<128x8192xf32>
    %get3A_8 = arith.constant 0 : index
    %get3A_9 = arith.constant 0 : index
    %get3A_10 = vector.load %arg10[%get3A_8, %get3A_9] : memref<128x32xf32, #tpu.memory_space<vmem>>, vector<128x32xf32>
    %get3A_11 = arith.constant 0 : index
    %get3A_12 = arith.constant 0 : index
    %get3A_13 = vector.load %arg3[%get3A_11, %get3A_12] : memref<8192x32xf32, #tpu.memory_space<vmem>>, vector<8192x32xf32>
    %dot_general3A = arith.constant dense<0.000000e+00> : vector<128x32xf32>
    %dot_general3A_14 = tpu.matmul %mul3A_7, %get3A_13, %dot_general3A {dimension_numbers = #tpu.dot_dimension_numbers<[1], [0], [0], [1], [0, 0, 1, 1], [], []>, transpose_lhs_hint = false} : vector<128x8192xf32>, vector<8192x32xf32>, vector<128x32xf32> -> vector<128x32xf32>
    %add3A = arith.addf %get3A_10, %dot_general3A_14 : vector<128x32xf32>
    %swap3A = arith.constant 0 : index
    %swap3A_15 = arith.constant 0 : index
    %swap3A_16 = vector.load %arg10[%swap3A, %swap3A_15] : memref<128x32xf32, #tpu.memory_space<vmem>>, vector<128x32xf32>
    tpu.vector_store %arg10[%swap3A, %swap3A_15], %add3A {strides = array<i32>} : memref<128x32xf32, #tpu.memory_space<vmem>>, vector<128x32xf32>,
    %eq3A_17 = arith.constant 3 : i32
    %eq3A_18 = arith.cmpi eq, %arg0, %eq3A_17 : i32
    %convert_element_type3A_19 = arith.extui %eq3A_18 : i1 to i32
    %cond3A_20 = arith.constant 0 : i32
    %cond3A_21 = arith.cmpi ne, %convert_element_type3A_19, %cond3A_20 : i32
    scf.if %cond3A_21 {
      %get3A_22 = arith.constant 0 : index
      %get3A_23 = arith.constant 0 : index
      %get3A_24 = vector.load %arg10[%get3A_22, %get3A_23] : memref<128x32xf32, #tpu.memory_space<vmem>>, vector<128x32xf32>
      %get3A_25 = arith.constant 0 : index
      %get3A_26 = arith.constant 0 : index
      %get3A_27 = vector.load %arg4[%get3A_25, %get3A_26] : memref<1x32xf32, #tpu.memory_space<vmem>>, vector<1x32xf32>
      %add3A_28 = vector.broadcast %get3A_27 : vector<1x32xf32> to vector<128x32xf32>
      %add3A_29 = arith.addf %get3A_24, %add3A_28 : vector<128x32xf32>
      %max3A = arith.constant 0.000000e+00 : f32
      %max3A_30 = vector.broadcast %max3A : f32 to vector<128x32xf32>
      %max3A_31 = arith.maximumf %add3A_29, %max3A_30 : vector<128x32xf32>
      %get3A_32 = arith.constant 0 : index
      %get3A_33 = arith.constant 0 : index
      %get3A_34 = vector.load %arg5[%get3A_32, %get3A_33] : memref<32x16xf32, #tpu.memory_space<vmem>>, vector<32x16xf32>
      %dot_general3A_35 = arith.constant dense<0.000000e+00> : vector<128x16xf32>
      %dot_general3A_36 = tpu.matmul %max3A_31, %get3A_34, %dot_general3A_35 {dimension_numbers = #tpu.dot_dimension_numbers<[1], [0], [0], [1], [0, 0, 1, 1], [], []>, transpose_lhs_hint = false} : vector<128x32xf32>, vector<32x16xf32>, vector<128x16xf32> -> vector<128x16xf32>
      %get3A_37 = arith.constant 0 : index
      %get3A_38 = arith.constant 0 : index
      %get3A_39 = vector.load %arg6[%get3A_37, %get3A_38] : memref<1x16xf32, #tpu.memory_space<vmem>>, vector<1x16xf32>
      %add3A_40 = vector.broadcast %get3A_39 : vector<1x16xf32> to vector<128x16xf32>
      %add3A_41 = arith.addf %dot_general3A_36, %add3A_40 : vector<128x16xf32>
      %max3A_42 = arith.constant 0.000000e+00 : f32
      %max3A_43 = vector.broadcast %max3A_42 : f32 to vector<128x16xf32>
      %max3A_44 = arith.maximumf %add3A_41, %max3A_43 : vector<128x16xf32>
      %get3A_45 = arith.constant 0 : index
      %get3A_46 = arith.constant 0 : index
      %get3A_47 = vector.load %arg7[%get3A_45, %get3A_46] : memref<16x10xf32, #tpu.memory_space<vmem>>, vector<16x10xf32>
      %dot_general3A_48 = arith.constant dense<0.000000e+00> : vector<128x10xf32>
      %dot_general3A_49 = tpu.matmul %max3A_44, %get3A_47, %dot_general3A_48 {dimension_numbers = #tpu.dot_dimension_numbers<[1], [0], [0], [1], [0, 0, 1, 1], [], []>, transpose_lhs_hint = false} : vector<128x16xf32>, vector<16x10xf32>, vector<128x10xf32> -> vector<128x10xf32>
      %get3A_50 = arith.constant 0 : index
      %get3A_51 = arith.constant 0 : index
      %get3A_52 = vector.load %arg8[%get3A_50, %get3A_51] : memref<1x10xf32, #tpu.memory_space<vmem>>, vector<1x10xf32>
      %add3A_53 = vector.broadcast %get3A_52 : vector<1x10xf32> to vector<128x10xf32>
      %add3A_54 = arith.addf %dot_general3A_49, %add3A_53 : vector<128x10xf32>
      %swap3A_55 = arith.constant 0 : index
      %swap3A_56 = arith.constant 0 : index
      %swap3A_57 = vector.load %arg9[%swap3A_55, %swap3A_56] : memref<128x10xf32, #tpu.memory_space<vmem>>, vector<128x10xf32>
      tpu.vector_store %arg9[%swap3A_55, %swap3A_56], %add3A_54 {strides = array<i32>} : memref<128x10xf32, #tpu.memory_space<vmem>>, vector<128x10xf32>,
    } else {
    }
    return
  }
  func.func @transform_0(%arg0: i32) -> (i32, i32) {
    %c0_i32 = arith.constant 0 : i32
    %c0_i32_0 = arith.constant 0 : i32
    return %c0_i32, %arg0 : i32, i32
  }
  func.func @transform_1(%arg0: i32) -> (i32, i32) {
    %c0_i32 = arith.constant 0 : i32
    %c0_i32_0 = arith.constant 0 : i32
    return %c0_i32, %arg0 : i32, i32
  }
  func.func @transform_2(%arg0: i32) -> (i32, i32) {
    %c0_i32 = arith.constant 0 : i32
    %c0_i32_0 = arith.constant 0 : i32
    return %arg0, %c0_i32 : i32, i32
  }
  func.func @transform_3(%arg0: i32) -> (i32, i32) {
    %c0_i32 = arith.constant 0 : i32
    %c0_i32_0 = arith.constant 0 : i32
    %c0_i32_1 = arith.constant 0 : i32
    return %c0_i32, %c0_i32_0 : i32, i32
  }
  func.func @transform_4(%arg0: i32) -> (i32, i32) {
    %c0_i32 = arith.constant 0 : i32
    %c0_i32_0 = arith.constant 0 : i32
    %c0_i32_1 = arith.constant 0 : i32
    return %c0_i32, %c0_i32_0 : i32, i32
  }
  func.func @transform_5(%arg0: i32) -> (i32, i32) {
    %c0_i32 = arith.constant 0 : i32
    %c0_i32_0 = arith.constant 0 : i32
    %c0_i32_1 = arith.constant 0 : i32
    return %c0_i32, %c0_i32_0 : i32, i32
  }
  func.func @transform_6(%arg0: i32) -> (i32, i32) {
    %c0_i32 = arith.constant 0 : i32
    %c0_i32_0 = arith.constant 0 : i32
    %c0_i32_1 = arith.constant 0 : i32
    return %c0_i32, %c0_i32_0 : i32, i32
  }
  func.func @transform_7(%arg0: i32) -> (i32, i32) {
    %c0_i32 = arith.constant 0 : i32
    %c0_i32_0 = arith.constant 0 : i32
    %c0_i32_1 = arith.constant 0 : i32
    return %c0_i32, %c0_i32_0 : i32, i32
  }
  func.func @transform_8(%arg0: i32) -> (i32, i32) {
    %c0_i32 = arith.constant 0 : i32
    %c0_i32_0 = arith.constant 0 : i32
    %c0_i32_1 = arith.constant 0 : i32
    return %c0_i32, %c0_i32_0 : i32, i32
  }
}

</mosaic_0001>

<sc_bundles>
// kernel: kernel.4.cloned.1.call-start
scs
__scs_entry_jumppad:
0x0: {  	(pc) =	sbr.rel $0x88, $3  }
0x1: {  	(tag) =	ssettag $0x0;
	lr =	simm.s32 $0x1  }
0x2: {  	[smem:$0x3F99] =	sst lr;
	_ =	strace $0xD0000000  }
0x3: {  	_ = 	snop  }
0x4: {  	_ = 	snop  }
0x5: {  	_ = 	snop  }
0x6: {  	_ = 	snop  }
0x7: {  	_ = 	snop  }
__scs_overlays_trampoline_lowered:
0x8: {  	[smem:$0x3FA8] =	sst s0  }
0x9: {  	[smem:$0x3FA9] =	sst s1  }
0xa: {  	[smem:$0x3FAA] =	sst s2  }
0xb: {  	[smem:$0x3FAB] =	sst s3  }
0xc: {  	[smem:$0x3FAC] =	sst s4  }
0xd: {  	[smem:$0x3FAD] =	sst s5  }
0xe: {  	[smem:$0x3FAE] =	sst s6  }
0xf: {  	[smem:$0x3FAF] =	sst s7  }
0x10: {  	[smem:$0x3FB0] =	sst s8  }
0x11: {  	[smem:$0x3FB1] =	sst s9;
	s0 =	simm.s32 @!p0 $0x0  }
0x12: {  	s1 =	sld [smem:$0x3F97];
	s0 =	simm.s32 @p0 $0x1  }
0x13: {  	[smem:$0x3FB2] =	sst s0;
	s0 =	simm.s32 @!p1 $0x0  }
0x14: {  	s2 =	sld [smem:$0x3F96];
	s0 =	simm.s32 @p1 $0x1  }
0x15: {  	[smem:$0x3FB3] =	sst s0;
	s0 =	simm.s32 @!p2 $0x0  }
0x16: {  	s3 =	sld [smem:$0x3FDB];
	s0 =	simm.s32 @p2 $0x1  }
0x17: {  	s4 =	simm.s32 $0x1BF5;
	[smem:$0x3FB5] =	sst s0  }
0x18: {  	s0 =	sld [smem:$0x3F98];
	_ =	swait.ge [sflag:s4], $0x0  }
0x19: {  	s7 =	sld [smem:$0x3F99]  }
0x1a: {  	s8 =	sadd.s32 $0xFFFFE003, lr  }
0x1b: {  	s9 =	sadd.s32 $0xFFFFFEF7, lr;
	s5 =	simm.s32 $0xFFFFFFFF;
	p2 =	slt.u32 s8, $0xFFFFF086  }
0x1c: {  	p1 =	slt.u32 s9, $0xF7A;
	s5 =	simm.s32 @!p2 $0x0  }
0x1d: {  	s5 =	simm.s32 @p1 $0x1;
	p0 =	seq.s32 s7, s2  }
0x1e: {  	s7 =	smul.u32 @!p0 $0xF7A, s2;
	p2 =	seq.s32 @!p0 s5, $0x0  }
0x1f: {  	s9 =	smul.u32 $0xF7A, s1;
	s8 =	simm.s32 @!p0 $0x1BF5;
	p2 =	por !p2, p0  }
0x20: {  	[sflag:s8] =	ssyncset.s32 @!p0 $0xFFFFF086;
	s6 =	sadd.s32 @!p0 s3, s7;
	s7 =	simm.s32 @!p0 $0x108  }
0x21: {  	s3 =	sadd.s32 s3, s9;
	s6 =	sadd.s32 @!p0 $0x88, s6;
	s7 =	simm.s32 @p2 $0x1082  }
0x22: {  	[simem:s7], [sflag:s8] =	dma.local @!p0 [hbm:s6], $0xF7A  }
0x23: {  	s9 =	sor.u32 $0xD0000000, s2;
	s6 =	simm.s32 $0x108;
	_ =	swait.ge @!p0 [sflag:s8], $0x0  }
0x24: {  	s3 =	sadd.s32 $0x88, s3;
	s6 =	simm.s32 @!p1 $0x1082;
	[sflag:s4] =	ssyncset.s32 $0xFFFFF086  }
0x25: {  	[simem:s6], [sflag:s4] =	dma.local [hbm:s3], $0xF7A  }
0x26: {  	[smem:$0x3F99] =	sst s1;
	(tag) =	ssettag s2;
	_ =	strace s9  }
0x27: {  	s1 =	sld [smem:$0x3FA9]  }
0x28: {  	s2 =	sld [smem:$0x3FAA]  }
0x29: {  	s4 =	sld [smem:$0x3FAC]  }
0x2a: {  	p0 =	seq.s32 s5, $0x0;
	s5 =	sld [smem:$0x3FAD]  }
0x2b: {  	s6 =	sld [smem:$0x3FAE]  }
0x2c: {  	s7 =	sld [smem:$0x3FAF]  }
0x2d: {  	s3 =	simm.s32 $0x108;
	s8 =	sld [smem:$0x3FB0]  }
0x2e: {  	s3 =	simm.s32 @!p0 $0x1082;
	s9 =	sld [smem:$0x3FB1]  }
0x2f: {  	lr =	sadd.s32 s0, s3;
	s0 =	sld [smem:$0x3FA8]  }
0x30: {  	s3 =	sld [smem:$0x3FAB]  }
0x31: {  	[smem:$0x3FB4] =	sst s10  }
0x32: {  	s10 =	sld [smem:$0x3FB2];
	_ =	sdelay $0x3  }
0x33: {  	p0 =	seq.s32 s10, $0x1;
	s10 =	sld [smem:$0x3FB4];
	_ =	sdelay $0x3  }
0x34: {  	[smem:$0x3FB4] =	sst s10  }
0x35: {  	s10 =	sld [smem:$0x3FB3];
	_ =	sdelay $0x3  }
0x36: {  	p1 =	seq.s32 s10, $0x1;
	s10 =	sld [smem:$0x3FB4];
	_ =	sdelay $0x3  }
0x37: {  	[smem:$0x3FB4] =	sst s10  }
0x38: {  	s10 =	sld [smem:$0x3FB5]  }
0x39: {  	_ = 	snop;
	(pc) =	sbr.ind lr, $3  }
0x3a: {  	_ = 	snop  }
0x3b: {  	_ = 	snop  }
0x3c: {  	p2 =	seq.s32 s10, $0x1;
	s10 =	sld [smem:$0x3FB4]  }
0x3d: {  	_ =	shalt  }
0x3e: {  	_ =	shalt  }
0x3f: {  	_ =	shalt  }
0x40: {  	_ =	shalt  }
0x41: {  	_ =	shalt  }
0x42: {  	_ =	shalt  }
0x43: {  	_ =	shalt  }
0x44: {  	_ =	shalt  }
0x45: {  	_ =	shalt  }
0x46: {  	_ =	shalt  }
0x47: {  	_ =	shalt  }
0x48: {  	_ =	shalt  }
0x49: {  	_ =	shalt  }
0x4a: {  	_ =	shalt  }
0x4b: {  	_ =	shalt  }
0x4c: {  	_ =	shalt  }
0x4d: {  	_ =	shalt  }
0x4e: {  	_ =	shalt  }
0x4f: {  	_ =	shalt  }
0x50: {  	_ =	shalt  }
0x51: {  	_ =	shalt  }
0x52: {  	_ =	shalt  }
0x53: {  	_ =	shalt  }
0x54: {  	_ =	shalt  }
0x55: {  	_ =	shalt  }
0x56: {  	_ =	shalt  }
0x57: {  	_ =	shalt  }
0x58: {  	_ =	shalt  }
0x59: {  	_ =	shalt  }
0x5a: {  	_ =	shalt  }
0x5b: {  	_ =	shalt  }
0x5c: {  	_ =	shalt  }
0x5d: {  	_ =	shalt  }
0x5e: {  	_ =	shalt  }
0x5f: {  	_ =	shalt  }
0x60: {  	_ =	shalt  }
0x61: {  	_ =	shalt  }
0x62: {  	_ =	shalt  }
0x63: {  	_ =	shalt  }
0x64: {  	_ =	shalt  }
0x65: {  	_ =	shalt  }
0x66: {  	_ =	shalt  }
0x67: {  	_ =	shalt  }
0x68: {  	_ =	shalt  }
0x69: {  	_ =	shalt  }
0x6a: {  	_ =	shalt  }
0x6b: {  	_ =	shalt  }
0x6c: {  	_ =	shalt  }
0x6d: {  	_ =	shalt  }
0x6e: {  	_ =	shalt  }
0x6f: {  	_ =	shalt  }
0x70: {  	_ =	shalt  }
0x71: {  	_ =	shalt  }
0x72: {  	_ =	shalt  }
0x73: {  	_ =	shalt  }
0x74: {  	_ =	shalt  }
0x75: {  	_ =	shalt  }
0x76: {  	_ =	shalt  }
0x77: {  	_ =	shalt  }
0x78: {  	_ =	shalt  }
0x79: {  	_ =	shalt  }
0x7a: {  	_ =	shalt  }
0x7b: {  	_ =	shalt  }
0x7c: {  	_ =	shalt  }
0x7d: {  	_ =	shalt  }
0x7e: {  	_ =	shalt  }
0x7f: {  	_ =	shalt  }
0x80: {  	_ =	shalt  }
0x81: {  	_ =	shalt  }
0x82: {  	_ =	shalt  }
0x83: {  	_ =	shalt  }
0x84: {  	_ =	shalt  }
0x85: {  	_ =	shalt  }
0x86: {  	_ =	shalt  }
0x87: {  	_ =	shalt  }
.Lfunc_end0:
.L_simem_size_0:
called_computation_lowered:
.L_overlay_start_0:
0x88: {  	s0 =	sld [smem:$0x3FD9]  }
0x89: {  	s1 =	sld [smem:$0x3FFE];
	_ =	sdelay $0x3  }
0x8a: {  	s0 =	sadd.s32 s1, s0  }
0x8b: {  	[smem:$0x3FC0] =	sst s0  }
0x8c: {  	_ = 	snop  }
0x8d: {  	s0 =	sld [smem:$0x3FD0];
	_ =	sdelay $0x2  }
0x8e: {  	s2 =	simm.s32 $0xA;
	s3 =	simm.s32 $0x10;
	s14 =	sld [smem:$0x3FC8]  }
0x8f: {  	[smem:s3], [sflag:s2] =	dma.local [hbm:s0], $0x1  }
0x90: {  	_ =	swait.eq [sflag:s2], $0x1  }
0x91: {  	[sflag:s2] =	ssyncset.done $0x0  }
0x92: {  	[sflag:s2] =	ssyncadd.s32 $0xFFFFFFFF  }
0x93: {  	s15 =	sld [smem:$0x11];
	(tm) =	ssettm $0x1  }
0x94: {  	s16 =	sld [smem:$0x3FFB];
	_ =	sdelay $0x3  }
0x95: {  	_ =	strace s16  }
0x96: {  	s2 =	sld [smem:$0x3FFC];
	_ =	sdelay $0x3  }
0x97: {  	_ =	strace s2  }
0x98: {  	s2 =	sld [smem:$0x3FFD];
	_ =	sdelay $0x3  }
0x99: {  	_ =	strace s2  }
0x9a: {  	_ =	strace $0x8FFFFFFF  }
0x9b: {  	s17 =	sld [smem:$0x3FDB];
	_ =	sdelay $0x1  }
0x9c: {  	s18 =	simm.s32 $_scs_section_size  }
0x9d: {  	s4 =	simm.s32 $_size__tile_overlayer_lowered;
	s5 =	simm.s32 $_tile_overlayer_lowered  }
0x9e: {  	s21 =	simm.s32 $0x1BFF;
	s20 =	sshll.u32 s5, $0x1;
	s2 =	sadd.s32 s18, s17  }
0x9f: {  	s6 =	simm.s32 $0x0;
	s19 =	sshll.u32 s4, $0x1;
	s4 =	sadd.s32 s20, s2  }
0xa0: {  	[timem:s6], [sflag:s21] =	dma.local [hbm:s4], s19  }
0xa1: {  	_ =	swait.ge [sflag:s21], s19  }
0xa2: {  	s3 =	ssub.s32 $0x0, s19;
	[sflag:s21] =	ssyncset.done $0x0  }
0xa3: {  	[sflag:s21] =	ssyncadd.s32 s3;
	_ =	sdelay $0x1  }
0xa4: {  	s22 =	simm.s32 $0x1B8B  }
0xa5: {  	_ =	swait.ge [sflag:s22], $0x1  }
0xa6: {  	[sflag:s22] =	ssyncset.done $0x0  }
0xa7: {  	s23 =	simm.s32 $0x1B8E;
	[sflag:s22] =	ssyncadd.s32 $0xFFFFFFFF  }
0xa8: {  	s24 =	simm.s32 $execute0_lowered;
	[smem:$0x3FD2] =	sst s23  }
0xa9: {  	s3 =	sshll.u32 s24, $0x1;
	_ =	strace $0x80000046;
	[dreg:$0x1] =	wrdreg $0xFFFFFFFF  }
0xaa: {  	s25 =	simm.s32 $_size_execute0_lowered;
	s2 =	sadd.s32 s2, s3;
	[dreg:$0x0] =	wrdreg $0x0  }
0xab: {  	s3 =	sshll.u32 s25, $0x1;
	[dreg:$0x2] =	wrdreg s2  }
0xac: {  	[dreg:$0x3] =	wrdreg s3  }
0xad: {  	[dreg:$0x4] =	wrdreg $0xC0  }
0xae: {  	_ =	task [dreg:s6], $0x5FFFF  }
0xaf: {  	[dreg:$0x1] =	wrdreg $0xFFFFFFFF  }
0xb0: {  	[dreg:$0x0] =	wrdreg $0x60  }
0xb1: {  	[dreg:$0x2] =	wrdreg s14  }
0xb2: {  	[dreg:$0x3] =	wrdreg s15  }
0xb3: {  	[dreg:$0x4] =	wrdreg $0x2A800  }
0xb4: {  	[dreg:$0x5] =	wrdreg $0x2E800  }
0xb5: {  	[dreg:$0x6] =	wrdreg $0x9  }
0xb6: {  	_ =	task.clear_ibuf [dreg:s6], $0x7FFFF;
	_ =	strace $0x90000046  }
0xb7: {  	s26 =	simm.s32 $0x9;
	_ =	strace $0x80000048  }
0xb8: {  	_ =	swait.ge [sflag:s26], $0x1  }
0xb9: {  	[sflag:s26] =	ssyncadd.s32 $0xFFFFFFFF  }
0xba: {  	_ =	strace $0x90000048  }
0xbb: {  	_ =	sfence  }
0xbc: {  	s28 =	sld [smem:$0x0];
	_ =	sdelay $0x1  }
0xbd: {  	s29 =	srdreg.scid  }
0xbe: {  	s30 =	sshll.u32 s29, $0xD;
	s31 =	sshrl.u32 s29, $0x2  }
0xbf: {  	s1 =	sand.u32 $0x1, s29;
	s2 =	sand.u32 $0x4000, s30;
	s0 =	sadd.s32 s31, s28  }
0xc0: {  	s1 =	sor.u32 s2, s1;
	s0 =	sshll.u32 s0, $0x11  }
0xc1: {  	s0 =	sor.u32 s0, s1  }
0xc2: {  	s0 =	sadd.s32 $0x8F2B, s0  }
0xc3: {  	[sflag:s0] =	ssyncadd.remote.s32 $0x1  }
0xc4: {  	_ =	sfence.sel $0xFFFF  }
0xc5: {  	[dreg:$0x0] =	wrdreg $0xFFFFFFFF;
	(pc) =	sbr.abs _section_cstart, $3  }
0xc6: {  	[dreg:$0x1] =	wrdreg $0xFFFFFFFF  }
0xc7: {  	_ =	task.clear_ibuf [dreg:s6], $0x2FFFF;
	_ =	strace $0x9FFFFFFF  }
0xc8: {  	(tm) =	ssettm $0x7FFFFFFF  }
0xc9: {  	_ =	shalt  }
tec
execute0_lowered:
.L_overlay_start_1:
0x0: {  	(tag) =	ssettag $0x1  }
0x1: {  	s6 =	rddreg [dreg:$0x0]  }
0x2: {  	s2 =	rddreg [dreg:$0x1]  }
0x3: {  	s4 =	rddreg [dreg:$0x2]  }
0x4: {  	s5 =	rddreg [dreg:$0x3]  }
0x5: {  	s0 =	rddreg [dreg:$0x4];
	s7 =	simm.s32 $0x0;
	s1 =	stileid.u32  }
0x6: {  	[smem:$0x7FF] =	sst s7;
	s3 =	sshll.u32 s1, $0x8  }
0x7: {  	s31 =	simm.s32 $0x2;
	_ =	strace $0x80000047;
	s6 =	sadd.s32 s6, s3  }
0x8: {  	[tilespmem:s7], [sflag:$0x2] =	stream.linear.gather [hbm4b:s6+s7], $0x800, $0x38;
	[tilespmem:$0x2EC0] =	vst v63  }
0x9: {  	_ =	swait.ge [sflag:s31], $0x800  }
0xa: {  	[sflag:s31] =	ssyncset.done $0x0  }
0xb: {  	v0 =	vimm.s32 $0x0;
	s6 =	simm.s32 $0x0;
	s7 =	simm.s32 $0x200;
	[sflag:s31] =	ssyncadd.s32 $0xFFFFF800  }
.LBB2_1:
0xc: {  	p0 =	sne.s32 s7, $0x3E00;
	[tilespmem:s6+$0x1070] =	vst v0  }
0xd: {  	[tilespmem:s6+$0x1000] =	vst v0  }
0xe: {  	[tilespmem:s6+$0x1010] =	vst v0  }
.Ltmp0:
0xf: {  	[tilespmem:s6+$0x1020] =	vst v0;
	(pc) =	sbr.rel @p0 .LBB2_1-.Ltmp0, $4  }
0x10: {  	[tilespmem:s6+$0x1030] =	vst v0  }
0x11: {  	[tilespmem:s6+$0x1040] =	vst v0  }
0x12: {  	[tilespmem:s6+$0x1050] =	vst v0  }
0x13: {  	[tilespmem:s6+$0x1060] =	vst v0;
	s6 =	sshra.s32 s7, $0x2;
	s7 =	sadd.s32 $0x200, s7  }
0x14: {  	[tilespmem:s6+$0x1070] =	vst v0  }
0x15: {  	[tilespmem:s6+$0x1000] =	vst v0  }
0x16: {  	[tilespmem:s6+$0x1010] =	vst v0  }
0x17: {  	[tilespmem:s6+$0x1020] =	vst v0  }
0x18: {  	[tilespmem:s6+$0x1030] =	vst v0;
	v1 =	vlaneseq.u32  }
0x19: {  	[tilespmem:s6+$0x1040] =	vst v0;
	v1 =	vmul.u32 $0x2, v1  }
0x1a: {  	[tilespmem:s6+$0x1050] =	vst v0  }
0x1b: {  	[tilespmem:s6+$0x1060] =	vst v0;
	s6 =	simm.s32 $0x0;
	s7 =	simm.s32 $0x0;
	s9 =	simm.s32 $0x1000;
	v0 =	vor.u32 $0x1, v1;
	v1 =	vimm.s32 $0x1  }
.LBB2_3:
0x1c: {  	s8 =	sshra.s32 s7, $0x2  }
0x1d: {  	v2 =	vld [tilespmem:s8+$0x0];
	_ =	sdelay $0x4  }
0x1e: {  	v3 =	vshra.s32 v2, $0x1F  }
0x1f: {  	v3 =	vand.u32 $0x7FFFFFFF, v3  }
0x20: {  	vm0 =	veq.s32 v2, $0x80000000;
	v3 =	vxor.u32 v2, v3  }
0x21: {  	v2 =	vsel vm0, $0x0, v3  }
0x22: {  	v3 =	vshrl.u32 v2, $0x1F  }
0x23: {  	v4 =	vshrl.u32 v2, $0x18;
	v3 =	vxor.u32 v0, v3  }
0x24: {  	v4 =	vand.u32 $0x7F, v4;
	v3 =	vshll.u32 v3, $0x7  }
0x25: {  	v3 =	vor.u32 v4, v3;
	_ =	sdelay $0x3  }
0x26: {  	[tilespmem:s8+$0x800] =	vst v2  }
0x27: {  	[tilespmem:v3+s9+$0x0] =	vst.idx.add.s32.msk $0xffff, v1  }
0x28: {  	v2 =	vld [tilespmem:s8+$0x10];
	_ =	sdelay $0x4  }
0x29: {  	v3 =	vshra.s32 v2, $0x1F  }
0x2a: {  	v3 =	vand.u32 $0x7FFFFFFF, v3  }
0x2b: {  	vm9 =	veq.s32 v2, $0x80000000;
	v3 =	vxor.u32 v2, v3  }
0x2c: {  	v2 =	vsel vm9, $0x0, v3  }
0x2d: {  	v3 =	vshrl.u32 v2, $0x1F  }
0x2e: {  	v57 =	vshrl.u32 v2, $0x18;
	v3 =	vxor.u32 v0, v3  }
0x2f: {  	v4 =	vand.u32 $0x7F, v57;
	v3 =	vshll.u32 v3, $0x7  }
0x30: {  	v3 =	vor.u32 v4, v3;
	_ =	sdelay $0x3  }
0x31: {  	[tilespmem:s8+$0x810] =	vst v2  }
0x32: {  	[tilespmem:v3+s9+$0x0] =	vst.idx.add.s32.msk $0xffff, v1  }
0x33: {  	v2 =	vld [tilespmem:s8+$0x20];
	_ =	sdelay $0x4  }
0x34: {  	v3 =	vshra.s32 v2, $0x1F  }
0x35: {  	v3 =	vand.u32 $0x7FFFFFFF, v3  }
0x36: {  	vm10 =	veq.s32 v2, $0x80000000;
	v3 =	vxor.u32 v2, v3  }
0x37: {  	v2 =	vsel vm10, $0x0, v3  }
0x38: {  	v3 =	vshrl.u32 v2, $0x1F  }
0x39: {  	v58 =	vshrl.u32 v2, $0x18;
	v3 =	vxor.u32 v0, v3  }
0x3a: {  	v4 =	vand.u32 $0x7F, v58;
	v3 =	vshll.u32 v3, $0x7  }
0x3b: {  	v3 =	vor.u32 v4, v3;
	_ =	sdelay $0x3  }
0x3c: {  	[tilespmem:s8+$0x820] =	vst v2  }
0x3d: {  	[tilespmem:v3+s9+$0x0] =	vst.idx.add.s32.msk $0xffff, v1  }
0x3e: {  	v2 =	vld [tilespmem:s8+$0x30];
	_ =	sdelay $0x4  }
0x3f: {  	v3 =	vshra.s32 v2, $0x1F  }
0x40: {  	v3 =	vand.u32 $0x7FFFFFFF, v3  }
0x41: {  	vm11 =	veq.s32 v2, $0x80000000;
	v3 =	vxor.u32 v2, v3  }
0x42: {  	v2 =	vsel vm11, $0x0, v3  }
0x43: {  	v3 =	vshrl.u32 v2, $0x1F  }
0x44: {  	v59 =	vshrl.u32 v2, $0x18;
	v3 =	vxor.u32 v0, v3  }
0x45: {  	v4 =	vand.u32 $0x7F, v59;
	v3 =	vshll.u32 v3, $0x7  }
0x46: {  	v3 =	vor.u32 v4, v3;
	_ =	sdelay $0x3  }
0x47: {  	[tilespmem:s8+$0x830] =	vst v2  }
0x48: {  	[tilespmem:v3+s9+$0x0] =	vst.idx.add.s32.msk $0xffff, v1  }
0x49: {  	v2 =	vld [tilespmem:s8+$0x40];
	_ =	sdelay $0x4  }
0x4a: {  	v3 =	vshra.s32 v2, $0x1F  }
0x4b: {  	v3 =	vand.u32 $0x7FFFFFFF, v3  }
0x4c: {  	vm12 =	veq.s32 v2, $0x80000000;
	v3 =	vxor.u32 v2, v3  }
0x4d: {  	v2 =	vsel vm12, $0x0, v3  }
0x4e: {  	v3 =	vshrl.u32 v2, $0x1F  }
0x4f: {  	v60 =	vshrl.u32 v2, $0x18;
	v3 =	vxor.u32 v0, v3  }
0x50: {  	v4 =	vand.u32 $0x7F, v60;
	v3 =	vshll.u32 v3, $0x7  }
0x51: {  	v3 =	vor.u32 v4, v3;
	_ =	sdelay $0x3  }
0x52: {  	[tilespmem:s8+$0x840] =	vst v2  }
0x53: {  	[tilespmem:v3+s9+$0x0] =	vst.idx.add.s32.msk $0xffff, v1  }
0x54: {  	v2 =	vld [tilespmem:s8+$0x50];
	_ =	sdelay $0x4  }
0x55: {  	v3 =	vshra.s32 v2, $0x1F  }
0x56: {  	v3 =	vand.u32 $0x7FFFFFFF, v3  }
0x57: {  	vm13 =	veq.s32 v2, $0x80000000;
	v3 =	vxor.u32 v2, v3  }
0x58: {  	v2 =	vsel vm13, $0x0, v3  }
0x59: {  	v3 =	vshrl.u32 v2, $0x1F  }
0x5a: {  	v61 =	vshrl.u32 v2, $0x18;
	v3 =	vxor.u32 v0, v3  }
0x5b: {  	v4 =	vand.u32 $0x7F, v61;
	v3 =	vshll.u32 v3, $0x7  }
0x5c: {  	v3 =	vor.u32 v4, v3;
	_ =	sdelay $0x3  }
0x5d: {  	[tilespmem:s8+$0x850] =	vst v2  }
0x5e: {  	[tilespmem:v3+s9+$0x0] =	vst.idx.add.s32.msk $0xffff, v1  }
0x5f: {  	v2 =	vld [tilespmem:s8+$0x60];
	_ =	sdelay $0x4  }
0x60: {  	v3 =	vshra.s32 v2, $0x1F  }
0x61: {  	v3 =	vand.u32 $0x7FFFFFFF, v3  }
0x62: {  	vm14 =	veq.s32 v2, $0x80000000;
	v3 =	vxor.u32 v2, v3  }
0x63: {  	v2 =	vsel vm14, $0x0, v3  }
0x64: {  	v3 =	vshrl.u32 v2, $0x1F  }
0x65: {  	v62 =	vshrl.u32 v2, $0x18;
	v3 =	vxor.u32 v0, v3  }
0x66: {  	v4 =	vand.u32 $0x7F, v62;
	v3 =	vshll.u32 v3, $0x7  }
0x67: {  	v3 =	vor.u32 v4, v3;
	_ =	sdelay $0x3  }
0x68: {  	[tilespmem:s8+$0x860] =	vst v2  }
0x69: {  	[tilespmem:v3+s9+$0x0] =	vst.idx.add.s32.msk $0xffff, v1  }
0x6a: {  	v2 =	vld [tilespmem:s8+$0x70];
	_ =	sdelay $0x4  }
0x6b: {  	v3 =	vshra.s32 v2, $0x1F  }
0x6c: {  	v3 =	vand.u32 $0x7FFFFFFF, v3  }
0x6d: {  	vm15 =	veq.s32 v2, $0x80000000;
	v3 =	vxor.u32 v2, v3  }
0x6e: {  	v2 =	vsel vm15, $0x0, v3  }
0x6f: {  	v3 =	vshrl.u32 v2, $0x1F  }
0x70: {  	v63 =	vshrl.u32 v2, $0x18;
	v3 =	vxor.u32 v0, v3  }
0x71: {  	v4 =	vand.u32 $0x7F, v63;
	v3 =	vshll.u32 v3, $0x7  }
0x72: {  	p0 =	sne.s32 s7, $0x1E00;
	v3 =	vor.u32 v4, v3  }
.Ltmp1:
0x73: {  	_ = 	snop;
	(pc) =	sbr.rel @p0 .LBB2_3-.Ltmp1, $3  }
0x74: {  	_ =	sdelay $0x1  }
0x75: {  	[tilespmem:s8+$0x870] =	vst v2  }
0x76: {  	s7 =	sadd.s32 $0x200, s7;
	[tilespmem:v3+s9+$0x0] =	vst.idx.add.s32.msk $0xffff, v1  }
0x77: {  	s6 =	sand.u32 $0xF0, s6;
	v1 =	vld [tilespmem:s9+$0x0]  }
0x78: {  	v0 =	vld [tilespmem:s6+$0x1100]  }
0x79: {  	v2 =	vld [tilespmem:s6+$0x1200]  }
0x7a: {  	v3 =	vld [tilespmem:s6+$0x1300]  }
0x7b: {  	v4 =	vld [tilespmem:s6+$0x1400]  }
0x7c: {  	v5 =	vld [tilespmem:s6+$0x1500]  }
0x7d: {  	v0 =	vadd.s32 v1, v0;
	v1 =	vld [tilespmem:s6+$0x1600]  }
0x7e: {  	v0 =	vadd.s32 v2, v0;
	v2 =	vld [tilespmem:s6+$0x1700]  }
0x7f: {  	v0 =	vadd.s32 v3, v0;
	v3 =	vld [tilespmem:s6+$0x1800]  }
0x80: {  	v60 =	vld [tilespmem:s6+$0x1900];
	v0 =	vadd.s32 v4, v0  }
0x81: {  	v61 =	vld [tilespmem:s6+$0x1A00];
	v0 =	vadd.s32 v5, v0  }
0x82: {  	v0 =	vadd.s32 v1, v0;
	v1 =	vld [tilespmem:s6+$0x1B00]  }
0x83: {  	v0 =	vadd.s32 v2, v0;
	v2 =	vld [tilespmem:s6+$0x1C00]  }
0x84: {  	v0 =	vadd.s32 v3, v0;
	v3 =	vld [tilespmem:s6+$0x1D00]  }
0x85: {  	v62 =	vld [tilespmem:s6+$0x1E00];
	v0 =	vadd.s32 v60, v0  }
0x86: {  	v63 =	vld [tilespmem:s6+$0x1F00];
	v0 =	vadd.s32 v61, v0  }
0x87: {  	v0 =	vadd.s32 v1, v0  }
0x88: {  	v0 =	vadd.s32 v2, v0  }
0x89: {  	v0 =	vadd.s32 v3, v0  }
0x8a: {  	v0 =	vadd.s32 v62, v0  }
0x8b: {  	s7 =	simm.s32 $0x10;
	s6 =	simm.s32 $0x2000;
	v0 =	vadd.s32 v63, v0  }
0x8c: {  	s7 =	sand.u32 $0xF0, s7;
	[tilespmem:s6+$0x0] =	vst v0  }
0x8d: {  	s9 =	simm.s32 $0x20;
	s8 =	simm.s32 $0x1010;
	v0 =	vld [tilespmem:s7+$0x1100]  }
.LBB2_5:
0x8e: {  	p0 =	sne.s32 s9, $0xF0;
	v1 =	vld [tilespmem:s8+$0x0]  }
0x8f: {  	v2 =	vld [tilespmem:s7+$0x1200]  }
0x90: {  	v3 =	vld [tilespmem:s7+$0x1300]  }
0x91: {  	v4 =	vld [tilespmem:s7+$0x1400]  }
0x92: {  	v5 =	vld [tilespmem:s7+$0x1500]  }
0x93: {  	v0 =	vadd.s32 v1, v0;
	v1 =	vld [tilespmem:s7+$0x1600]  }
0x94: {  	v0 =	vadd.s32 v2, v0;
	v2 =	vld [tilespmem:s7+$0x1700]  }
0x95: {  	v0 =	vadd.s32 v3, v0;
	v3 =	vld [tilespmem:s7+$0x1800]  }
0x96: {  	v0 =	vadd.s32 v4, v0;
	v4 =	vld [tilespmem:s7+$0x1900]  }
0x97: {  	v0 =	vadd.s32 v5, v0;
	v5 =	vld [tilespmem:s7+$0x1A00]  }
0x98: {  	v0 =	vadd.s32 v1, v0;
	v1 =	vld [tilespmem:s7+$0x1B00]  }
0x99: {  	v0 =	vadd.s32 v2, v0;
	v2 =	vld [tilespmem:s7+$0x1C00]  }
0x9a: {  	v0 =	vadd.s32 v3, v0;
	v3 =	vld [tilespmem:s7+$0x1D00]  }
0x9b: {  	v0 =	vadd.s32 v4, v0;
	v4 =	vld [tilespmem:s7+$0x1E00]  }
0x9c: {  	v0 =	vadd.s32 v5, v0;
	v5 =	vld [tilespmem:s7+$0x1F00]  }
0x9d: {  	v0 =	vadd.s32 v1, v0  }
0x9e: {  	v0 =	vadd.s32 v2, v0  }
.Ltmp2:
0x9f: {  	v0 =	vadd.s32 v3, v0;
	(pc) =	sbr.rel @p0 .LBB2_5-.Ltmp2, $4  }
0xa0: {  	v0 =	vadd.s32 v4, v0  }
0xa1: {  	s6 =	sadd.s32 $0x10, s6;
	v0 =	vadd.s32 v5, v0  }
0xa2: {  	s7 =	sand.u32 $0xF0, s9;
	[tilespmem:s6+$0x0] =	vst v0  }
0xa3: {  	s8 =	sadd.s32 $0x10, s8;
	s9 =	sadd.s32 $0x10, s9;
	v0 =	vld [tilespmem:s7+$0x1100]  }
0xa4: {  	v1 =	vld [tilespmem:s8+$0x0]  }
0xa5: {  	v2 =	vld [tilespmem:s7+$0x1200]  }
0xa6: {  	v3 =	vld [tilespmem:s7+$0x1300]  }
0xa7: {  	v4 =	vld [tilespmem:s7+$0x1400]  }
0xa8: {  	v5 =	vld [tilespmem:s7+$0x1500]  }
0xa9: {  	v0 =	vadd.s32 v1, v0;
	v1 =	vld [tilespmem:s7+$0x1600]  }
0xaa: {  	v0 =	vadd.s32 v2, v0;
	v2 =	vld [tilespmem:s7+$0x1700]  }
0xab: {  	v0 =	vadd.s32 v3, v0;
	v3 =	vld [tilespmem:s7+$0x1800]  }
0xac: {  	v0 =	vadd.s32 v4, v0;
	v4 =	vld [tilespmem:s7+$0x1900]  }
0xad: {  	v0 =	vadd.s32 v5, v0;
	v5 =	vld [tilespmem:s7+$0x1A00]  }
0xae: {  	v0 =	vadd.s32 v1, v0;
	v1 =	vld [tilespmem:s7+$0x1B00]  }
0xaf: {  	v0 =	vadd.s32 v2, v0;
	v2 =	vld [tilespmem:s7+$0x1C00]  }
0xb0: {  	v0 =	vadd.s32 v3, v0;
	v3 =	vld [tilespmem:s7+$0x1D00]  }
0xb1: {  	v0 =	vadd.s32 v4, v0;
	v4 =	vld [tilespmem:s7+$0x1E00]  }
0xb2: {  	v0 =	vadd.s32 v5, v0;
	v5 =	vld [tilespmem:s7+$0x1F00]  }
0xb3: {  	v0 =	vadd.s32 v1, v0  }
0xb4: {  	v0 =	vadd.s32 v2, v0  }
0xb5: {  	v0 =	vadd.s32 v3, v0  }
0xb6: {  	s28 =	sadd.s32 $0x10, s6;
	s8 =	sshll.u32 s1, $0x4;
	v0 =	vadd.s32 v4, v0  }
0xb7: {  	s10 =	sor.u32 $0x10, s1;
	s9 =	sor.u32 $0x20, s1;
	s6 =	sor.u32 $0x30, s1;
	v0 =	vadd.s32 v5, v0  }
0xb8: {  	s11 =	simm.s32 $0x2000;
	s12 =	sshll.u32 s10, $0x4;
	s7 =	sadd.s32 s8, s4;
	[tilespmem:s28+$0x0] =	vst v0  }
0xb9: {  	[spmem:s7] =	stream.linear.scatter [tilespmem:s11], [sflag:$0x1], $0x10, $0x38;
	[tilespmem:$0x2EC0] =	vst v63  }
0xba: {  	s14 =	simm.s32 $0x2010;
	s13 =	sshll.u32 s9, $0x4;
	s12 =	sadd.s32 s12, s4  }
0xbb: {  	[spmem:s12] =	stream.linear.scatter [tilespmem:s14], [sflag:$0x1], $0x10, $0x38;
	[tilespmem:$0x2EC0] =	vst v63  }
0xbc: {  	s31 =	simm.s32 $0x2020;
	s30 =	sshll.u32 s6, $0x4;
	s29 =	sadd.s32 s13, s4  }
0xbd: {  	[spmem:s29] =	stream.linear.scatter [tilespmem:s31], [sflag:$0x1], $0x10, $0x38;
	[tilespmem:$0x2EC0] =	vst v63  }
0xbe: {  	s13 =	sadd.s32 s30, s4;
	s14 =	simm.s32 $0x2030  }
0xbf: {  	[spmem:s13] =	stream.linear.scatter [tilespmem:s14], [sflag:$0x1], $0x10, $0x38;
	[tilespmem:$0x2EC0] =	vst v63  }
0xc0: {  	s16 =	simm.s32 $0x2040;
	s15 =	sadd.s32 $0x400, s7  }
0xc1: {  	[spmem:s15] =	stream.linear.scatter [tilespmem:s16], [sflag:$0x1], $0x10, $0x38;
	[tilespmem:$0x2EC0] =	vst v63  }
0xc2: {  	s18 =	simm.s32 $0x2050;
	s17 =	sadd.s32 $0x500, s7  }
0xc3: {  	[spmem:s17] =	stream.linear.scatter [tilespmem:s18], [sflag:$0x1], $0x10, $0x38;
	[tilespmem:$0x2EC0] =	vst v63  }
0xc4: {  	s20 =	simm.s32 $0x2060;
	s19 =	sadd.s32 $0x600, s7  }
0xc5: {  	[spmem:s19] =	stream.linear.scatter [tilespmem:s20], [sflag:$0x1], $0x10, $0x38;
	[tilespmem:$0x2EC0] =	vst v63  }
0xc6: {  	s22 =	simm.s32 $0x2070;
	s21 =	sadd.s32 $0x700, s7  }
0xc7: {  	[spmem:s21] =	stream.linear.scatter [tilespmem:s22], [sflag:$0x1], $0x10, $0x38;
	[tilespmem:$0x2EC0] =	vst v63  }
0xc8: {  	s24 =	simm.s32 $0x2080;
	s23 =	sadd.s32 $0x800, s7  }
0xc9: {  	[spmem:s23] =	stream.linear.scatter [tilespmem:s24], [sflag:$0x1], $0x10, $0x38;
	[tilespmem:$0x2EC0] =	vst v63  }
0xca: {  	s26 =	simm.s32 $0x2090;
	s25 =	sadd.s32 $0x900, s7  }
0xcb: {  	[spmem:s25] =	stream.linear.scatter [tilespmem:s26], [sflag:$0x1], $0x10, $0x38;
	[tilespmem:$0x2EC0] =	vst v63  }
0xcc: {  	s28 =	sadd.s32 $0xA00, s7;
	s29 =	simm.s32 $0x20A0  }
0xcd: {  	[spmem:s28] =	stream.linear.scatter [tilespmem:s29], [sflag:$0x1], $0x10, $0x38;
	[tilespmem:$0x2EC0] =	vst v63  }
0xce: {  	s30 =	sadd.s32 $0xB00, s7;
	s31 =	simm.s32 $0x20B0  }
0xcf: {  	[spmem:s30] =	stream.linear.scatter [tilespmem:s31], [sflag:$0x1], $0x10, $0x38;
	[tilespmem:$0x2EC0] =	vst v63  }
0xd0: {  	s14 =	sadd.s32 $0xC00, s7;
	s15 =	simm.s32 $0x20C0  }
0xd1: {  	[spmem:s14] =	stream.linear.scatter [tilespmem:s15], [sflag:$0x1], $0x10, $0x38;
	[tilespmem:$0x2EC0] =	vst v63  }
0xd2: {  	s16 =	sadd.s32 $0xD00, s7;
	s17 =	simm.s32 $0x20D0  }
0xd3: {  	[spmem:s16] =	stream.linear.scatter [tilespmem:s17], [sflag:$0x1], $0x10, $0x38;
	[tilespmem:$0x2EC0] =	vst v63  }
0xd4: {  	s18 =	sadd.s32 $0xE00, s7;
	s19 =	simm.s32 $0x20E0  }
0xd5: {  	[spmem:s18] =	stream.linear.scatter [tilespmem:s19], [sflag:$0x1], $0x10, $0x38;
	[tilespmem:$0x2EC0] =	vst v63  }
0xd6: {  	s20 =	sadd.s32 $0xF00, s7;
	s21 =	simm.s32 $0x20F0;
	s22 =	simm.s32 $0x1  }
0xd7: {  	[spmem:s20] =	stream.linear.scatter [tilespmem:s21], [sflag:$0x1], $0x10, $0x38;
	[tilespmem:$0x2EC0] =	vst v63  }
0xd8: {  	_ =	swait.ge [sflag:s22], $0x10  }
0xd9: {  	[sflag:s22] =	ssyncset.done $0x0  }
0xda: {  	[sflag:s22] =	ssyncadd.s32 $0xFFFFFFF0  }
0xdb: {  	_ =	swait.ge [sflag:s22], $0x10  }
0xdc: {  	[sflag:s22] =	ssyncset.done $0x0  }
0xdd: {  	[sflag:s22] =	ssyncadd.s32 $0xFFFFFFF0  }
0xde: {  	_ =	swait.ge [sflag:s22], $0x10  }
0xdf: {  	[sflag:s22] =	ssyncset.done $0x0  }
0xe0: {  	[sflag:s22] =	ssyncadd.s32 $0xFFFFFFF0  }
0xe1: {  	_ =	swait.ge [sflag:s22], $0x10  }
0xe2: {  	[sflag:s22] =	ssyncset.done $0x0  }
0xe3: {  	[sflag:s22] =	ssyncadd.s32 $0xFFFFFFF0  }
0xe4: {  	_ =	swait.ge [sflag:s22], $0x10  }
0xe5: {  	[sflag:s22] =	ssyncset.done $0x0  }
0xe6: {  	[sflag:s22] =	ssyncadd.s32 $0xFFFFFFF0  }
0xe7: {  	_ =	swait.ge [sflag:s22], $0x10  }
0xe8: {  	[sflag:s22] =	ssyncset.done $0x0  }
0xe9: {  	[sflag:s22] =	ssyncadd.s32 $0xFFFFFFF0  }
0xea: {  	_ =	swait.ge [sflag:s22], $0x10  }
0xeb: {  	[sflag:s22] =	ssyncset.done $0x0  }
0xec: {  	[sflag:s22] =	ssyncadd.s32 $0xFFFFFFF0  }
0xed: {  	_ =	swait.ge [sflag:s22], $0x10  }
0xee: {  	[sflag:s22] =	ssyncset.done $0x0  }
0xef: {  	[sflag:s22] =	ssyncadd.s32 $0xFFFFFFF0  }
0xf0: {  	_ =	swait.ge [sflag:s22], $0x10  }
0xf1: {  	[sflag:s22] =	ssyncset.done $0x0  }
0xf2: {  	[sflag:s22] =	ssyncadd.s32 $0xFFFFFFF0  }
0xf3: {  	_ =	swait.ge [sflag:s22], $0x10  }
0xf4: {  	[sflag:s22] =	ssyncset.done $0x0  }
0xf5: {  	[sflag:s22] =	ssyncadd.s32 $0xFFFFFFF0  }
0xf6: {  	_ =	swait.ge [sflag:s22], $0x10  }
0xf7: {  	[sflag:s22] =	ssyncset.done $0x0  }
0xf8: {  	[sflag:s22] =	ssyncadd.s32 $0xFFFFFFF0  }
0xf9: {  	_ =	swait.ge [sflag:s22], $0x10  }
0xfa: {  	[sflag:s22] =	ssyncset.done $0x0  }
0xfb: {  	[sflag:s22] =	ssyncadd.s32 $0xFFFFFFF0  }
0xfc: {  	_ =	swait.ge [sflag:s22], $0x10  }
0xfd: {  	[sflag:s22] =	ssyncset.done $0x0  }
0xfe: {  	[sflag:s22] =	ssyncadd.s32 $0xFFFFFFF0  }
0xff: {  	_ =	swait.ge [sflag:s22], $0x10  }
0x100: {  	[sflag:s22] =	ssyncset.done $0x0  }
0x101: {  	[sflag:s22] =	ssyncadd.s32 $0xFFFFFFF0  }
0x102: {  	_ =	swait.ge [sflag:s22], $0x10  }
0x103: {  	[sflag:s22] =	ssyncset.done $0x0  }
0x104: {  	[sflag:s22] =	ssyncadd.s32 $0xFFFFFFF0  }
0x105: {  	_ =	swait.ge [sflag:s22], $0x10  }
0x106: {  	[sflag:s22] =	ssyncset.done $0x0  }
0x107: {  	s23 =	sadd.s32 s3, s4;
	[sflag:s22] =	ssyncadd.s32 $0xFFFFFFF0  }
0x108: {  	s24 =	simm.s32 $0x2180;
	s25 =	simm.s32 $0x2;
	[bflag:$0x0] =	sbarrier.arrive $0xFFFF  }
0x109: {  	[tilespmem:s24], [sflag:$0x2] =	stream.linear.gather [spmem:s23], $0x100, $0x38;
	[tilespmem:$0x2EC0] =	vst v63  }
0x10a: {  	_ =	swait.ge [sflag:s25], $0x100  }
0x10b: {  	[sflag:s25] =	ssyncset.done $0x0  }
0x10c: {  	[sflag:s25] =	ssyncadd.s32 $0xFFFFFF00  }
0x10d: {  	v0 =	vld [tilespmem:$0x2180]  }
0x10e: {  	v1 =	vld [tilespmem:$0x2190]  }
0x10f: {  	v2 =	vld [tilespmem:$0x21A0]  }
0x110: {  	v3 =	vld [tilespmem:$0x21B0]  }
0x111: {  	v4 =	vld [tilespmem:$0x21C0]  }
0x112: {  	v5 =	vld [tilespmem:$0x21D0]  }
0x113: {  	v0 =	vadd.s32 v0, v1;
	v1 =	vld [tilespmem:$0x21E0]  }
0x114: {  	v0 =	vadd.s32 v2, v0;
	v2 =	vld [tilespmem:$0x21F0]  }
0x115: {  	v0 =	vadd.s32 v3, v0;
	v3 =	vld [tilespmem:$0x2200]  }
0x116: {  	v0 =	vadd.s32 v4, v0;
	v4 =	vld [tilespmem:$0x2210]  }
0x117: {  	v0 =	vadd.s32 v5, v0;
	v5 =	vld [tilespmem:$0x2220]  }
0x118: {  	v0 =	vadd.s32 v1, v0;
	v1 =	vld [tilespmem:$0x2230]  }
0x119: {  	v0 =	vadd.s32 v2, v0;
	v2 =	vld [tilespmem:$0x2240]  }
0x11a: {  	v0 =	vadd.s32 v3, v0;
	v3 =	vld [tilespmem:$0x2250]  }
0x11b: {  	v0 =	vadd.s32 v4, v0;
	v4 =	vld [tilespmem:$0x2260]  }
0x11c: {  	v0 =	vadd.s32 v5, v0;
	v5 =	vld [tilespmem:$0x2270]  }
0x11d: {  	v0 =	vadd.s32 v1, v0  }
0x11e: {  	v0 =	vadd.s32 v2, v0  }
0x11f: {  	v0 =	vadd.s32 v3, v0  }
0x120: {  	v0 =	vadd.s32 v4, v0  }
0x121: {  	v0 =	vadd.s32 v5, v0  }
0x122: {  	s8 =	sadd.s32 s8, s5;
	s26 =	simm.s32 $0x2100;
	[tilespmem:$0x2100] =	vst v0  }
0x123: {  	[spmem:s8] =	stream.linear.scatter [tilespmem:s26], [sflag:$0x2], $0x10, $0x38;
	[tilespmem:$0x2EC0] =	vst v63  }
0x124: {  	_ =	swait.ge [sflag:s25], $0x10  }
0x125: {  	[sflag:s25] =	ssyncset.done $0x0  }
0x126: {  	[sflag:s25] =	ssyncadd.s32 $0xFFFFFFF0  }
0x127: {  	[bflag:$0x0] =	sbarrier.arrive $0xFFFF  }
0x128: {  	[tilespmem:s11], [sflag:$0x2] =	stream.linear.gather [spmem:s5], $0x100, $0x38;
	[tilespmem:$0x2EC0] =	vst v63  }
0x129: {  	_ =	swait.ge [sflag:s25], $0x100  }
0x12a: {  	[sflag:s25] =	ssyncset.done $0x0  }
0x12b: {  	[sflag:s25] =	ssyncadd.s32 $0xFFFFFF00  }
0x12c: {  	v2 =	vld [tilespmem:s21+$0x0]  }
0x12d: {  	v0 =	vlaneseq.u32  }
0x12e: {  	v1 =	vmul.u32 $0xFFFFFFFF, v0;
	_ =	sdelay $0x1  }
0x12f: {  	v1 =	vadd.s32 $0xF, v1  }
0x130: {  	v3 =	vperm.xlane v2, v1;
	_ =	sdelay $0x1  }
0x131: {  	(xrf0) =	vadd.scan.msk.s32 $0xffff, v3;
	_ =	sdelay $0x1  }
0x132: {  	s28 =	simm.s32 $0x20E0  }
0x133: {  	v4 =	vld [tilespmem:s28+$0x0];
	_ =	sdelay $0x2  }
0x134: {  	v3, _, _ =	vpop (xrf0)  }
0x135: {  	v3 =	vperm.xlane v3, v1  }
0x136: {  	v5 =	vimm.s32 $0x0;
	v6 =	vperm.xlane v4, v1  }
0x137: {  	vm0 =	vmmov $0x1;
	v7 =	vadd.s32 v5, v3  }
0x138: {  	(xrf0) =	vadd.scan.msk.s32 $0xffff, v6;
	v3 =	vnsel vm0, $0x0, v7  }
0x139: {  	(xrf0) =	vadd.scan.msk.s32 $0xffff, v3  }
0x13a: {  	vm1 =	vgt.s32 v7, $0x3FF  }
0x13b: {  	v6 =	vmpcnt.ones.xlane vm1;
	_ =	sdelay $0x1  }
0x13c: {  	s29 =	simm.s32 $0x20D0;
	v8 =	vadd.s32 $0xFFFFFFFF, v6  }
0x13d: {  	v9, _, _ =	vpop (xrf0);
	v3 =	vld [tilespmem:s29+$0x0];
	vm1 =	veq.s32 v8, v0  }
0x13e: {  	v7 =	vnsel vm1, $0x0, v7;
	v10, _, _ =	vpop (xrf0)  }
0x13f: {  	(xrf0) =	vadd.scan.msk.s32 $0xffff, v7;
	v7 =	vperm.xlane v9, v1;
	v9 =	vbroadcast v10, $0xF;
	_ =	sdelay $0x1  }
0x140: {  	v2 =	vnsel vm1, $0x0, v2;
	v7 =	vadd.s32 v9, v7  }
0x141: {  	(xrf0) =	vadd.scan.msk.s32 $0xffff, v2;
	v2 =	vperm.xlane v3, v1;
	vm3 =	vgt.s32 v7, $0x3FF  }
0x142: {  	vm2 =	vgt.s32 v6, $0x0;
	v6 =	vmpcnt.ones.xlane vm3  }
0x143: {  	s30 =	simm.s32 $0xF0;
	vm1 =	veq.s32 v5, $0x0;
	(xrf0) =	vadd.scan.msk.s32 $0xffff, v2;
	v2 =	vnsel vm0, $0x0, v7  }
0x144: {  	v8 =	vadd.s32 s30, v8;
	vm1 =	vmand vm1, vm2;
	(xrf0) =	vadd.scan.msk.s32 $0xffff, v2;
	v11 =	vadd.s32 $0xFFFFFFFF, v6  }
0x145: {  	v10 =	vsel vm1, v8, v5;
	vm4 =	veq.s32 v11, v0  }
0x146: {  	s14 =	simm.s32 $0x20C0;
	v9 =	vsel vm1, $0x1, v5;
	v5, _, _ =	vpop (xrf0);
	vm3 =	vgt.s32 v6, $0x0;
	v6 =	vnsel vm4, $0x0, v7  }
0x147: {  	vm1 =	vmmov vm1;
	vm2 =	veq.s32 v9, $0x0;
	v8, _, _ =	vpop (xrf0);
	(xrf0) =	vadd.scan.msk.s32 $0xffff, v6;
	v6 =	vld [tilespmem:s14+$0x0]  }
0x148: {  	s31 =	simm.s32 $0xE0;
	v2 =	vimm.s32 $0x400;
	v5 =	vsub.s32 v8, v5;
	vm2 =	vmand vm2, vm3  }
0x149: {  	s12 =	simm.s32 $0xC0;
	v8, _, _ =	vpop (xrf0);
	v7 =	vnsel vm4, $0x0, v4;
	v4 =	vadd.s32 s31, v11;
	v11 =	vadd.s32 $0x400, v5  }
0x14a: {  	s13 =	simm.s32 $0xD0;
	s15 =	simm.s32 $0xA0;
	s11 =	simm.s32 $0xB0;
	v5 =	vsel vm2, $0x1, v9;
	v4 =	vsel vm2, v4, v10;
	(xrf0) =	vadd.scan.msk.s32 $0xffff, v7;
	v9, _, _ =	vpop (xrf0);
	v7 =	vbroadcast v11, $0xF  }
.LBB2_7:
0x14b: {  	p0 =	sne.s32 s15, $0x0;
	v8 =	vperm.xlane v8, v1;
	v9 =	vbroadcast v9, $0xF  }
0x14c: {  	v11 =	vperm.xlane v6, v1;
	v2 =	vsel vm1, v7, v2;
	v7 =	vmovc v6;
	vm1 =	vmmov vm2  }
0x14d: {  	v8 =	vadd.s32 v9, v8  }
0x14e: {  	(xrf0) =	vadd.scan.msk.s32 $0xffff, v11;
	vm2 =	vgt.s32 v8, $0x3FF;
	v6 =	vnsel vm0, $0x0, v8  }
0x14f: {  	v9 =	vmpcnt.ones.xlane vm2;
	(xrf0) =	vadd.scan.msk.s32 $0xffff, v6;
	v10, _, _ =	vpop (xrf0)  }
0x150: {  	v11, _, _ =	vpop (xrf0)  }
.Ltmp3:
0x151: {  	s14 =	sadd.s32 $0xFFFFFFF0, s14;
	vm2 =	veq.s32 v5, $0x0;
	v12 =	vadd.s32 $0xFFFFFFFF, v9;
	vm3 =	vgt.s32 v9, $0x0;
	(pc) =	sbr.rel @p0 .LBB2_7-.Ltmp3, $4  }
0x152: {  	v9 =	vsub.s32 v11, v10;
	v6 =	vld [tilespmem:s14+$0x0];
	vm4 =	veq.s32 v12, v0;
	vm2 =	vmand vm2, vm3  }
0x153: {  	v10 =	vnsel vm4, $0x0, v8;
	v11 =	vnsel vm4, $0x0, v3;
	v5 =	vsel vm2, $0x1, v5;
	v3 =	vmovc v7  }
0x154: {  	v7 =	vadd.s32 s13, v12;
	s13 =	smov.u32 s12;
	s12 =	smov.u32 s11;
	s11 =	smov.u32 s15;
	v8, _, _ =	vpop (xrf0);
	(xrf0) =	vadd.scan.msk.s32 $0xffff, v10;
	v10 =	vadd.s32 $0x400, v9  }
0x155: {  	s15 =	sadd.s32 $0xFFFFFFF0, s15;
	v4 =	vsel vm2, v7, v4;
	(xrf0) =	vadd.scan.msk.s32 $0xffff, v11;
	v9, _, _ =	vpop (xrf0);
	v7 =	vbroadcast v10, $0xF  }
0x156: {  	v8 =	vperm.xlane v8, v1;
	v9 =	vbroadcast v9, $0xF  }
0x157: {  	v10 =	vperm.xlane v6, v1  }
0x158: {  	v8 =	vadd.s32 v9, v8  }
0x159: {  	(xrf0) =	vadd.scan.msk.s32 $0xffff, v10;
	v9 =	vnsel vm0, $0x0, v8  }
0x15a: {  	(xrf0) =	vadd.scan.msk.s32 $0xffff, v9;
	_ =	sdelay $0x1  }
0x15b: {  	s14 =	sadd.s32 $0xFFFFFFF0, s14;
	vm3 =	vgt.s32 v8, $0x3FF  }
0x15c: {  	v11 =	vld [tilespmem:s14+$0x0];
	v46 =	vmpcnt.ones.xlane vm3;
	v47, _, _ =	vpop (xrf0)  }
0x15d: {  	v12, _, _ =	vpop (xrf0)  }
0x15e: {  	v13 =	vadd.s32 $0xFFFFFFFF, v46;
	v14, _, _ =	vpop (xrf0)  }
0x15f: {  	vm3 =	veq.s32 v13, v0;
	v15, _, _ =	vpop (xrf0)  }
0x160: {  	v8 =	vnsel vm3, $0x0, v8;
	v14 =	vperm.xlane v14, v1;
	v15 =	vbroadcast v15, $0xF  }
0x161: {  	v48 =	vperm.xlane v11, v1;
	v3 =	vnsel vm3, $0x0, v3;
	(xrf0) =	vadd.scan.msk.s32 $0xffff, v8  }
0x162: {  	(xrf0) =	vadd.scan.msk.s32 $0xffff, v3;
	v3 =	vadd.s32 v15, v14  }
0x163: {  	(xrf0) =	vadd.scan.msk.s32 $0xffff, v48;
	v49 =	vnsel vm0, $0x0, v3  }
0x164: {  	(xrf0) =	vadd.scan.msk.s32 $0xffff, v49;
	_ =	sdelay $0x2  }
0x165: {  	v50, _, _ =	vpop (xrf0)  }
0x166: {  	v51, _, _ =	vpop (xrf0)  }
0x167: {  	v52, _, _ =	vpop (xrf0)  }
0x168: {  	v16, _, _ =	vpop (xrf0)  }
0x169: {  	vm3 =	vgt.s32 v3, $0x3FF;
	v1 =	vperm.xlane v52, v1;
	v53 =	vbroadcast v16, $0xF  }
0x16a: {  	v54 =	vmpcnt.ones.xlane vm3  }
0x16b: {  	v1 =	vadd.s32 v53, v1  }
0x16c: {  	v55 =	vadd.s32 $0xFFFFFFFF, v54;
	vm3 =	vgt.s32 v1, $0x3FF  }
0x16d: {  	vm4 =	veq.s32 v55, v0;
	v17 =	vmpcnt.ones.xlane vm3  }
0x16e: {  	v3 =	vnsel vm4, $0x0, v3  }
0x16f: {  	v56 =	vnsel vm4, $0x0, v6;
	(xrf0) =	vadd.scan.msk.s32 $0xffff, v3;
	v3 =	vadd.s32 $0xFFFFFFFF, v17  }
0x170: {  	(xrf0) =	vadd.scan.msk.s32 $0xffff, v56;
	vm3 =	veq.s32 v3, v0;
	v0 =	vnsel vm0, $0x0, v1  }
0x171: {  	vm2 =	vmmov vm2;
	(xrf0) =	vadd.scan.msk.s32 $0xffff, v0;
	v0 =	vnsel vm3, $0x0, v1  }
0x172: {  	v2 =	vsel vm1, v7, v2;
	vm1 =	vgt.s32 v46, $0x0;
	(xrf0) =	vadd.scan.msk.s32 $0xffff, v0;
	v0 =	vnsel vm3, $0x0, v11  }
0x173: {  	v57 =	vadd.s32 s13, v13;
	v1 =	vsub.s32 v12, v47;
	vm3 =	veq.s32 v5, $0x0;
	(xrf0) =	vadd.scan.msk.s32 $0xffff, v0  }
0x174: {  	v59 =	vsub.s32 v51, v50;
	v1 =	vadd.s32 $0x400, v1;
	vm1 =	vmand vm3, vm1  }
0x175: {  	vm15 =	vgt.s32 v54, $0x0;
	v58, _, _ =	vpop (xrf0);
	v1 =	vbroadcast v1, $0xF;
	v0 =	vsel vm1, $0x1, v5  }
0x176: {  	v60, _, _ =	vpop (xrf0);
	v4 =	vsel vm1, v57, v4;
	v5 =	vadd.s32 $0x400, v59;
	vm1 =	vmmov vm1  }
0x177: {  	vm3 =	veq.s32 v0, $0x0;
	v1 =	vsel vm2, v1, v2;
	v2 =	vbroadcast v5, $0xF;
	v61, _, _ =	vpop (xrf0)  }
0x178: {  	v5 =	vadd.s32 s12, v55;
	vm2 =	vmand vm3, vm15;
	vm3 =	vgt.s32 v17, $0x0;
	v62, _, _ =	vpop (xrf0)  }
0x179: {  	v0 =	vsel vm2, $0x1, v0;
	v1 =	vsel vm1, v2, v1;
	v2 =	vsub.s32 v60, v58;
	v63, _, _ =	vpop (xrf0)  }
0x17a: {  	vm1 =	veq.s32 v0, $0x0;
	v0 =	vadd.s32 $0x400, v2;
	v2 =	vsub.s32 v63, v62  }
0x17b: {  	v4 =	vsel vm2, v5, v4;
	v0 =	vbroadcast v0, $0xF;
	v2 =	vadd.s32 $0x400, v2  }
0x17c: {  	vm2 =	vmmov vm2;
	vm1 =	vmand vm1, vm3;
	v2 =	vbroadcast v2, $0xF  }
0x17d: {  	v3 =	vadd.s32 s11, v3;
	v1 =	vsel vm2, v0, v1;
	vm2 =	vmmov vm1  }
0x17e: {  	s11 =	simm.s32 $0x0;
	s12 =	simm.s32 $0x200;
	v0 =	vsel vm1, v3, v4;
	v1 =	vsel vm2, v2, v1;
	v2 =	vimm.s32 $0x0  }
.LBB2_9:
0x17f: {  	p0 =	sne.s32 s12, $0x3E00;
	[tilespmem:s11+$0x1070] =	vst v2  }
0x180: {  	[tilespmem:s11+$0x1000] =	vst v2  }
0x181: {  	[tilespmem:s11+$0x1010] =	vst v2  }
.Ltmp4:
0x182: {  	[tilespmem:s11+$0x1020] =	vst v2;
	(pc) =	sbr.rel @p0 .LBB2_9-.Ltmp4, $4  }
0x183: {  	[tilespmem:s11+$0x1030] =	vst v2  }
0x184: {  	[tilespmem:s11+$0x1040] =	vst v2  }
0x185: {  	[tilespmem:s11+$0x1050] =	vst v2  }
0x186: {  	[tilespmem:s11+$0x1060] =	vst v2;
	s11 =	sshra.s32 s12, $0x2;
	s12 =	sadd.s32 $0x200, s12  }
0x187: {  	[tilespmem:s11+$0x1070] =	vst v2  }
0x188: {  	[tilespmem:s11+$0x1000] =	vst v2  }
0x189: {  	[tilespmem:s11+$0x1010] =	vst v2  }
0x18a: {  	[tilespmem:s11+$0x1020] =	vst v2  }
0x18b: {  	[tilespmem:s11+$0x1030] =	vst v2  }
0x18c: {  	[tilespmem:s11+$0x1040] =	vst v2  }
0x18d: {  	[tilespmem:s11+$0x1050] =	vst v2;
	v3 =	vlaneseq.u32  }
0x18e: {  	[tilespmem:s11+$0x1060] =	vst v2;
	s11 =	simm.s32 $0x0;
	s12 =	simm.s32 $0x0;
	s13 =	simm.s32 $0x1000;
	v2 =	vmul.u32 $0x100, v3;
	v3 =	vimm.s32 $0x1  }
.LBB2_11:
0x18f: {  	s14 =	sshra.s32 s12, $0x2  }
0x190: {  	v4 =	vld [tilespmem:s14+$0x800];
	_ =	sdelay $0x4  }
0x191: {  	v5 =	vshrl.u32 v4, $0x18  }
0x192: {  	v4 =	vshrl.u32 v4, $0x10;
	v5 =	vxor.u32 v0, v5  }
0x193: {  	v4 =	vand.u32 $0xFF, v4;
	vm1 =	veq.s32 v5, $0x80  }
0x194: {  	v4 =	vor.u32 v2, v4;
	_ =	sdelay $0x4  }
0x195: {  	[tilespmem:v4+s13+$0x0] =	vst.idx.add.s32.msk vm1, v3  }
0x196: {  	v4 =	vld [tilespmem:s14+$0x810];
	_ =	sdelay $0x4  }
0x197: {  	v5 =	vshrl.u32 v4, $0x18  }
0x198: {  	v4 =	vshrl.u32 v4, $0x10;
	v5 =	vxor.u32 v0, v5  }
0x199: {  	v4 =	vand.u32 $0xFF, v4;
	vm1 =	veq.s32 v5, $0x80  }
0x19a: {  	v4 =	vor.u32 v2, v4;
	_ =	sdelay $0x4  }
0x19b: {  	[tilespmem:v4+s13+$0x0] =	vst.idx.add.s32.msk vm1, v3  }
0x19c: {  	v4 =	vld [tilespmem:s14+$0x820];
	_ =	sdelay $0x4  }
0x19d: {  	v5 =	vshrl.u32 v4, $0x18  }
0x19e: {  	v4 =	vshrl.u32 v4, $0x10;
	v5 =	vxor.u32 v0, v5  }
0x19f: {  	v4 =	vand.u32 $0xFF, v4;
	vm1 =	veq.s32 v5, $0x80  }
0x1a0: {  	v4 =	vor.u32 v2, v4;
	_ =	sdelay $0x4  }
0x1a1: {  	[tilespmem:v4+s13+$0x0] =	vst.idx.add.s32.msk vm1, v3  }
0x1a2: {  	v4 =	vld [tilespmem:s14+$0x830];
	_ =	sdelay $0x4  }
0x1a3: {  	v5 =	vshrl.u32 v4, $0x18  }
0x1a4: {  	v4 =	vshrl.u32 v4, $0x10;
	v5 =	vxor.u32 v0, v5  }
0x1a5: {  	v4 =	vand.u32 $0xFF, v4;
	vm1 =	veq.s32 v5, $0x80  }
0x1a6: {  	v4 =	vor.u32 v2, v4;
	_ =	sdelay $0x4  }
0x1a7: {  	[tilespmem:v4+s13+$0x0] =	vst.idx.add.s32.msk vm1, v3  }
0x1a8: {  	v4 =	vld [tilespmem:s14+$0x840];
	_ =	sdelay $0x4  }
0x1a9: {  	v5 =	vshrl.u32 v4, $0x18  }
0x1aa: {  	v4 =	vshrl.u32 v4, $0x10;
	v5 =	vxor.u32 v0, v5  }
0x1ab: {  	v4 =	vand.u32 $0xFF, v4;
	vm1 =	veq.s32 v5, $0x80  }
0x1ac: {  	v4 =	vor.u32 v2, v4;
	_ =	sdelay $0x4  }
0x1ad: {  	[tilespmem:v4+s13+$0x0] =	vst.idx.add.s32.msk vm1, v3  }
0x1ae: {  	v4 =	vld [tilespmem:s14+$0x850];
	_ =	sdelay $0x4  }
0x1af: {  	v5 =	vshrl.u32 v4, $0x18  }
0x1b0: {  	v4 =	vshrl.u32 v4, $0x10;
	v5 =	vxor.u32 v0, v5  }
0x1b1: {  	v4 =	vand.u32 $0xFF, v4;
	vm1 =	veq.s32 v5, $0x80  }
0x1b2: {  	v4 =	vor.u32 v2, v4;
	_ =	sdelay $0x4  }
0x1b3: {  	[tilespmem:v4+s13+$0x0] =	vst.idx.add.s32.msk vm1, v3  }
0x1b4: {  	v4 =	vld [tilespmem:s14+$0x860];
	_ =	sdelay $0x4  }
0x1b5: {  	v5 =	vshrl.u32 v4, $0x18  }
0x1b6: {  	v4 =	vshrl.u32 v4, $0x10;
	v5 =	vxor.u32 v0, v5  }
0x1b7: {  	v4 =	vand.u32 $0xFF, v4;
	vm1 =	veq.s32 v5, $0x80  }
0x1b8: {  	v4 =	vor.u32 v2, v4;
	_ =	sdelay $0x4  }
0x1b9: {  	[tilespmem:v4+s13+$0x0] =	vst.idx.add.s32.msk vm1, v3  }
0x1ba: {  	v4 =	vld [tilespmem:s14+$0x870];
	_ =	sdelay $0x4  }
0x1bb: {  	v5 =	vshrl.u32 v4, $0x18  }
0x1bc: {  	v4 =	vshrl.u32 v4, $0x10;
	v5 =	vxor.u32 v0, v5  }
0x1bd: {  	v4 =	vand.u32 $0xFF, v4;
	vm1 =	veq.s32 v5, $0x80  }
0x1be: {  	p0 =	sne.s32 s12, $0x1E00;
	v4 =	vor.u32 v2, v4  }
.Ltmp5:
0x1bf: {  	_ = 	snop;
	(pc) =	sbr.rel @p0 .LBB2_11-.Ltmp5, $2  }
0x1c0: {  	_ =	sdelay $0x2  }
0x1c1: {  	s12 =	sadd.s32 $0x200, s12;
	[tilespmem:v4+s13+$0x0] =	vst.idx.add.s32.msk vm1, v3  }
0x1c2: {  	s11 =	sand.u32 $0xF0, s11;
	v3 =	vld [tilespmem:s13+$0x0]  }
0x1c3: {  	v2 =	vld [tilespmem:s11+$0x1100]  }
0x1c4: {  	v4 =	vld [tilespmem:s11+$0x1200]  }
0x1c5: {  	v5 =	vld [tilespmem:s11+$0x1300]  }
0x1c6: {  	v6 =	vld [tilespmem:s11+$0x1400]  }
0x1c7: {  	v7 =	vld [tilespmem:s11+$0x1500]  }
0x1c8: {  	v2 =	vadd.s32 v3, v2;
	v3 =	vld [tilespmem:s11+$0x1600]  }
0x1c9: {  	v56 =	vld [tilespmem:s11+$0x1700];
	v2 =	vadd.s32 v4, v2  }
0x1ca: {  	v57 =	vld [tilespmem:s11+$0x1800];
	v2 =	vadd.s32 v5, v2  }
0x1cb: {  	v58 =	vld [tilespmem:s11+$0x1900];
	v2 =	vadd.s32 v6, v2  }
0x1cc: {  	v59 =	vld [tilespmem:s11+$0x1A00];
	v2 =	vadd.s32 v7, v2  }
0x1cd: {  	v2 =	vadd.s32 v3, v2;
	v3 =	vld [tilespmem:s11+$0x1B00]  }
0x1ce: {  	v60 =	vld [tilespmem:s11+$0x1C00];
	v2 =	vadd.s32 v56, v2  }
0x1cf: {  	v61 =	vld [tilespmem:s11+$0x1D00];
	v2 =	vadd.s32 v57, v2  }
0x1d0: {  	v62 =	vld [tilespmem:s11+$0x1E00];
	v2 =	vadd.s32 v58, v2  }
0x1d1: {  	v63 =	vld [tilespmem:s11+$0x1F00];
	v2 =	vadd.s32 v59, v2  }
0x1d2: {  	v2 =	vadd.s32 v3, v2  }
0x1d3: {  	v2 =	vadd.s32 v60, v2  }
0x1d4: {  	v2 =	vadd.s32 v61, v2  }
0x1d5: {  	v2 =	vadd.s32 v62, v2  }
0x1d6: {  	s12 =	simm.s32 $0x10;
	s11 =	simm.s32 $0x2000;
	v2 =	vadd.s32 v63, v2  }
0x1d7: {  	s12 =	sand.u32 $0xF0, s12;
	[tilespmem:s11+$0x0] =	vst v2  }
0x1d8: {  	s14 =	simm.s32 $0x20;
	s13 =	simm.s32 $0x1010;
	v2 =	vld [tilespmem:s12+$0x1100]  }
.LBB2_13:
0x1d9: {  	p0 =	sne.s32 s14, $0xF0;
	v3 =	vld [tilespmem:s13+$0x0]  }
0x1da: {  	v4 =	vld [tilespmem:s12+$0x1200]  }
0x1db: {  	v5 =	vld [tilespmem:s12+$0x1300]  }
0x1dc: {  	v6 =	vld [tilespmem:s12+$0x1400]  }
0x1dd: {  	v7 =	vld [tilespmem:s12+$0x1500]  }
0x1de: {  	v2 =	vadd.s32 v3, v2;
	v3 =	vld [tilespmem:s12+$0x1600]  }
0x1df: {  	v2 =	vadd.s32 v4, v2;
	v4 =	vld [tilespmem:s12+$0x1700]  }
0x1e0: {  	v2 =	vadd.s32 v5, v2;
	v5 =	vld [tilespmem:s12+$0x1800]  }
0x1e1: {  	v2 =	vadd.s32 v6, v2;
	v6 =	vld [tilespmem:s12+$0x1900]  }
0x1e2: {  	v2 =	vadd.s32 v7, v2;
	v7 =	vld [tilespmem:s12+$0x1A00]  }
0x1e3: {  	v2 =	vadd.s32 v3, v2;
	v3 =	vld [tilespmem:s12+$0x1B00]  }
0x1e4: {  	v2 =	vadd.s32 v4, v2;
	v4 =	vld [tilespmem:s12+$0x1C00]  }
0x1e5: {  	v2 =	vadd.s32 v5, v2;
	v5 =	vld [tilespmem:s12+$0x1D00]  }
0x1e6: {  	v2 =	vadd.s32 v6, v2;
	v6 =	vld [tilespmem:s12+$0x1E00]  }
0x1e7: {  	v2 =	vadd.s32 v7, v2;
	v7 =	vld [tilespmem:s12+$0x1F00]  }
0x1e8: {  	v2 =	vadd.s32 v3, v2  }
0x1e9: {  	v2 =	vadd.s32 v4, v2  }
.Ltmp6:
0x1ea: {  	v2 =	vadd.s32 v5, v2;
	(pc) =	sbr.rel @p0 .LBB2_13-.Ltmp6, $4  }
0x1eb: {  	v2 =	vadd.s32 v6, v2  }
0x1ec: {  	s11 =	sadd.s32 $0x10, s11;
	v2 =	vadd.s32 v7, v2  }
0x1ed: {  	s12 =	sand.u32 $0xF0, s14;
	[tilespmem:s11+$0x0] =	vst v2  }
0x1ee: {  	s13 =	sadd.s32 $0x10, s13;
	s14 =	sadd.s32 $0x10, s14;
	v2 =	vld [tilespmem:s12+$0x1100]  }
0x1ef: {  	v3 =	vld [tilespmem:s13+$0x0]  }
0x1f0: {  	v4 =	vld [tilespmem:s12+$0x1200]  }
0x1f1: {  	v5 =	vld [tilespmem:s12+$0x1300]  }
0x1f2: {  	v6 =	vld [tilespmem:s12+$0x1400]  }
0x1f3: {  	v7 =	vld [tilespmem:s12+$0x1500]  }
0x1f4: {  	v2 =	vadd.s32 v3, v2;
	v3 =	vld [tilespmem:s12+$0x1600]  }
0x1f5: {  	v2 =	vadd.s32 v4, v2;
	v4 =	vld [tilespmem:s12+$0x1700]  }
0x1f6: {  	v2 =	vadd.s32 v5, v2;
	v5 =	vld [tilespmem:s12+$0x1800]  }
0x1f7: {  	v2 =	vadd.s32 v6, v2;
	v6 =	vld [tilespmem:s12+$0x1900]  }
0x1f8: {  	v2 =	vadd.s32 v7, v2;
	v7 =	vld [tilespmem:s12+$0x1A00]  }
0x1f9: {  	v2 =	vadd.s32 v3, v2;
	v3 =	vld [tilespmem:s12+$0x1B00]  }
0x1fa: {  	v2 =	vadd.s32 v4, v2;
	v4 =	vld [tilespmem:s12+$0x1C00]  }
0x1fb: {  	v2 =	vadd.s32 v5, v2;
	v5 =	vld [tilespmem:s12+$0x1D00]  }
0x1fc: {  	v2 =	vadd.s32 v6, v2;
	v6 =	vld [tilespmem:s12+$0x1E00]  }
0x1fd: {  	v2 =	vadd.s32 v7, v2;
	v7 =	vld [tilespmem:s12+$0x1F00]  }
0x1fe: {  	v2 =	vadd.s32 v3, v2  }
0x1ff: {  	v2 =	vadd.s32 v4, v2  }
0x200: {  	v2 =	vadd.s32 v5, v2  }
0x201: {  	v2 =	vadd.s32 v6, v2  }
0x202: {  	s11 =	sadd.s32 $0x10, s11;
	v2 =	vadd.s32 v7, v2  }
0x203: {  	s26 =	sadd.s32 $0x1000, s7;
	[tilespmem:s11+$0x0] =	vst v2;
	s11 =	simm.s32 $0x2000  }
0x204: {  	[spmem:s26] =	stream.linear.scatter [tilespmem:s11], [sflag:$0x1], $0x10, $0x38;
	[tilespmem:$0x2EC0] =	vst v63  }
0x205: {  	s28 =	sadd.s32 $0x1100, s7;
	s29 =	simm.s32 $0x2010  }
0x206: {  	[spmem:s28] =	stream.linear.scatter [tilespmem:s29], [sflag:$0x1], $0x10, $0x38;
	[tilespmem:$0x2EC0] =	vst v63  }
0x207: {  	s30 =	sadd.s32 $0x1200, s7;
	s31 =	simm.s32 $0x2020  }
0x208: {  	[spmem:s30] =	stream.linear.scatter [tilespmem:s31], [sflag:$0x1], $0x10, $0x38;
	[tilespmem:$0x2EC0] =	vst v63  }
0x209: {  	s13 =	sadd.s32 $0x1300, s7;
	s14 =	simm.s32 $0x2030  }
0x20a: {  	[spmem:s13] =	stream.linear.scatter [tilespmem:s14], [sflag:$0x1], $0x10, $0x38;
	[tilespmem:$0x2EC0] =	vst v63  }
0x20b: {  	s15 =	sadd.s32 $0x1400, s7;
	s16 =	simm.s32 $0x2040  }
0x20c: {  	[spmem:s15] =	stream.linear.scatter [tilespmem:s16], [sflag:$0x1], $0x10, $0x38;
	[tilespmem:$0x2EC0] =	vst v63  }
0x20d: {  	s17 =	sadd.s32 $0x1500, s7;
	s18 =	simm.s32 $0x2050  }
0x20e: {  	[spmem:s17] =	stream.linear.scatter [tilespmem:s18], [sflag:$0x1], $0x10, $0x38;
	[tilespmem:$0x2EC0] =	vst v63  }
0x20f: {  	s19 =	sadd.s32 $0x1600, s7;
	s20 =	simm.s32 $0x2060  }
0x210: {  	[spmem:s19] =	stream.linear.scatter [tilespmem:s20], [sflag:$0x1], $0x10, $0x38;
	[tilespmem:$0x2EC0] =	vst v63  }
0x211: {  	s21 =	sadd.s32 $0x1700, s7;
	s22 =	simm.s32 $0x2070  }
0x212: {  	[spmem:s21] =	stream.linear.scatter [tilespmem:s22], [sflag:$0x1], $0x10, $0x38;
	[tilespmem:$0x2EC0] =	vst v63  }
0x213: {  	s23 =	sadd.s32 $0x1800, s7;
	s24 =	simm.s32 $0x2080  }
0x214: {  	[spmem:s23] =	stream.linear.scatter [tilespmem:s24], [sflag:$0x1], $0x10, $0x38;
	[tilespmem:$0x2EC0] =	vst v63  }
0x215: {  	s25 =	sadd.s32 $0x1900, s7;
	s26 =	simm.s32 $0x2090  }
0x216: {  	[spmem:s25] =	stream.linear.scatter [tilespmem:s26], [sflag:$0x1], $0x10, $0x38;
	[tilespmem:$0x2EC0] =	vst v63  }
0x217: {  	s28 =	sadd.s32 $0x1A00, s7;
	s29 =	simm.s32 $0x20A0  }
0x218: {  	[spmem:s28] =	stream.linear.scatter [tilespmem:s29], [sflag:$0x1], $0x10, $0x38;
	[tilespmem:$0x2EC0] =	vst v63  }
0x219: {  	s30 =	sadd.s32 $0x1B00, s7;
	s31 =	simm.s32 $0x20B0  }
0x21a: {  	[spmem:s30] =	stream.linear.scatter [tilespmem:s31], [sflag:$0x1], $0x10, $0x38;
	[tilespmem:$0x2EC0] =	vst v63  }
0x21b: {  	s14 =	sadd.s32 $0x1C00, s7;
	s15 =	simm.s32 $0x20C0  }
0x21c: {  	[spmem:s14] =	stream.linear.scatter [tilespmem:s15], [sflag:$0x1], $0x10, $0x38;
	[tilespmem:$0x2EC0] =	vst v63  }
0x21d: {  	s16 =	sadd.s32 $0x1D00, s7;
	s17 =	simm.s32 $0x20D0  }
0x21e: {  	[spmem:s16] =	stream.linear.scatter [tilespmem:s17], [sflag:$0x1], $0x10, $0x38;
	[tilespmem:$0x2EC0] =	vst v63  }
0x21f: {  	s18 =	sadd.s32 $0x1E00, s7;
	s19 =	simm.s32 $0x20E0  }
0x220: {  	[spmem:s18] =	stream.linear.scatter [tilespmem:s19], [sflag:$0x1], $0x10, $0x38;
	[tilespmem:$0x2EC0] =	vst v63  }
0x221: {  	s20 =	sadd.s32 $0x1F00, s7;
	s21 =	simm.s32 $0x20F0;
	s22 =	simm.s32 $0x1  }
0x222: {  	[spmem:s20] =	stream.linear.scatter [tilespmem:s21], [sflag:$0x1], $0x10, $0x38;
	[tilespmem:$0x2EC0] =	vst v63  }
0x223: {  	_ =	swait.ge [sflag:s22], $0x10  }
0x224: {  	[sflag:s22] =	ssyncset.done $0x0  }
0x225: {  	[sflag:s22] =	ssyncadd.s32 $0xFFFFFFF0  }
0x226: {  	_ =	swait.ge [sflag:s22], $0x10  }
0x227: {  	[sflag:s22] =	ssyncset.done $0x0  }
0x228: {  	[sflag:s22] =	ssyncadd.s32 $0xFFFFFFF0  }
0x229: {  	_ =	swait.ge [sflag:s22], $0x10  }
0x22a: {  	[sflag:s22] =	ssyncset.done $0x0  }
0x22b: {  	[sflag:s22] =	ssyncadd.s32 $0xFFFFFFF0  }
0x22c: {  	_ =	swait.ge [sflag:s22], $0x10  }
0x22d: {  	[sflag:s22] =	ssyncset.done $0x0  }
0x22e: {  	[sflag:s22] =	ssyncadd.s32 $0xFFFFFFF0  }
0x22f: {  	_ =	swait.ge [sflag:s22], $0x10  }
0x230: {  	[sflag:s22] =	ssyncset.done $0x0  }
0x231: {  	[sflag:s22] =	ssyncadd.s32 $0xFFFFFFF0  }
0x232: {  	_ =	swait.ge [sflag:s22], $0x10  }
0x233: {  	[sflag:s22] =	ssyncset.done $0x0  }
0x234: {  	[sflag:s22] =	ssyncadd.s32 $0xFFFFFFF0  }
0x235: {  	_ =	swait.ge [sflag:s22], $0x10  }
0x236: {  	[sflag:s22] =	ssyncset.done $0x0  }
0x237: {  	[sflag:s22] =	ssyncadd.s32 $0xFFFFFFF0  }
0x238: {  	_ =	swait.ge [sflag:s22], $0x10  }
0x239: {  	[sflag:s22] =	ssyncset.done $0x0  }
0x23a: {  	[sflag:s22] =	ssyncadd.s32 $0xFFFFFFF0  }
0x23b: {  	_ =	swait.ge [sflag:s22], $0x10  }
0x23c: {  	[sflag:s22] =	ssyncset.done $0x0  }
0x23d: {  	[sflag:s22] =	ssyncadd.s32 $0xFFFFFFF0  }
0x23e: {  	_ =	swait.ge [sflag:s22], $0x10  }
0x23f: {  	[sflag:s22] =	ssyncset.done $0x0  }
0x240: {  	[sflag:s22] =	ssyncadd.s32 $0xFFFFFFF0  }
0x241: {  	_ =	swait.ge [sflag:s22], $0x10  }
0x242: {  	[sflag:s22] =	ssyncset.done $0x0  }
0x243: {  	[sflag:s22] =	ssyncadd.s32 $0xFFFFFFF0  }
0x244: {  	_ =	swait.ge [sflag:s22], $0x10  }
0x245: {  	[sflag:s22] =	ssyncset.done $0x0  }
0x246: {  	[sflag:s22] =	ssyncadd.s32 $0xFFFFFFF0  }
0x247: {  	_ =	swait.ge [sflag:s22], $0x10  }
0x248: {  	[sflag:s22] =	ssyncset.done $0x0  }
0x249: {  	[sflag:s22] =	ssyncadd.s32 $0xFFFFFFF0  }
0x24a: {  	_ =	swait.ge [sflag:s22], $0x10  }
0x24b: {  	[sflag:s22] =	ssyncset.done $0x0  }
0x24c: {  	[sflag:s22] =	ssyncadd.s32 $0xFFFFFFF0  }
0x24d: {  	_ =	swait.ge [sflag:s22], $0x10  }
0x24e: {  	[sflag:s22] =	ssyncset.done $0x0  }
0x24f: {  	[sflag:s22] =	ssyncadd.s32 $0xFFFFFFF0  }
0x250: {  	_ =	swait.ge [sflag:s22], $0x10  }
0x251: {  	s10 =	sshll.u32 s10, $0x8;
	[sflag:s22] =	ssyncset.done $0x0  }
0x252: {  	s10 =	sadd.s32 s10, s4;
	[sflag:s22] =	ssyncadd.s32 $0xFFFFFFF0  }
0x253: {  	s23 =	simm.s32 $0x2180;
	s24 =	simm.s32 $0x2;
	[bflag:$0x0] =	sbarrier.arrive $0xFFFF  }
0x254: {  	[tilespmem:s23], [sflag:$0x2] =	stream.linear.gather [spmem:s10], $0x100, $0x38;
	[tilespmem:$0x2EC0] =	vst v63  }
0x255: {  	_ =	swait.ge [sflag:s24], $0x100  }
0x256: {  	[sflag:s24] =	ssyncset.done $0x0  }
0x257: {  	[sflag:s24] =	ssyncadd.s32 $0xFFFFFF00  }
0x258: {  	v2 =	vld [tilespmem:$0x2180]  }
0x259: {  	v3 =	vld [tilespmem:$0x2190]  }
0x25a: {  	v4 =	vld [tilespmem:$0x21A0]  }
0x25b: {  	v5 =	vld [tilespmem:$0x21B0]  }
0x25c: {  	v6 =	vld [tilespmem:$0x21C0]  }
0x25d: {  	v7 =	vld [tilespmem:$0x21D0]  }
0x25e: {  	v2 =	vadd.s32 v2, v3;
	v3 =	vld [tilespmem:$0x21E0]  }
0x25f: {  	v2 =	vadd.s32 v4, v2;
	v4 =	vld [tilespmem:$0x21F0]  }
0x260: {  	v2 =	vadd.s32 v5, v2;
	v5 =	vld [tilespmem:$0x2200]  }
0x261: {  	v2 =	vadd.s32 v6, v2;
	v6 =	vld [tilespmem:$0x2210]  }
0x262: {  	v2 =	vadd.s32 v7, v2;
	v7 =	vld [tilespmem:$0x2220]  }
0x263: {  	v2 =	vadd.s32 v3, v2;
	v3 =	vld [tilespmem:$0x2230]  }
0x264: {  	v2 =	vadd.s32 v4, v2;
	v4 =	vld [tilespmem:$0x2240]  }
0x265: {  	v2 =	vadd.s32 v5, v2;
	v5 =	vld [tilespmem:$0x2250]  }
0x266: {  	v2 =	vadd.s32 v6, v2;
	v6 =	vld [tilespmem:$0x2260]  }
0x267: {  	v2 =	vadd.s32 v7, v2;
	v7 =	vld [tilespmem:$0x2270]  }
0x268: {  	v2 =	vadd.s32 v3, v2  }
0x269: {  	v2 =	vadd.s32 v4, v2  }
0x26a: {  	v2 =	vadd.s32 v5, v2  }
0x26b: {  	v2 =	vadd.s32 v6, v2  }
0x26c: {  	v2 =	vadd.s32 v7, v2  }
0x26d: {  	s25 =	sadd.s32 $0x100, s8;
	s14 =	simm.s32 $0x2100;
	[tilespmem:$0x2100] =	vst v2  }
0x26e: {  	[spmem:s25] =	stream.linear.scatter [tilespmem:s14], [sflag:$0x2], $0x10, $0x38;
	[tilespmem:$0x2EC0] =	vst v63  }
0x26f: {  	_ =	swait.ge [sflag:s24], $0x10  }
0x270: {  	[sflag:s24] =	ssyncset.done $0x0  }
0x271: {  	[sflag:s24] =	ssyncadd.s32 $0xFFFFFFF0  }
0x272: {  	s26 =	sadd.s32 $0x100, s5;
	[bflag:$0x0] =	sbarrier.arrive $0xFFFF  }
0x273: {  	[tilespmem:s11], [sflag:$0x2] =	stream.linear.gather [spmem:s26], $0x100, $0x38;
	[tilespmem:$0x2EC0] =	vst v63  }
0x274: {  	_ =	swait.ge [sflag:s24], $0x100  }
0x275: {  	[sflag:s24] =	ssyncset.done $0x0  }
0x276: {  	[sflag:s24] =	ssyncadd.s32 $0xFFFFFF00  }
0x277: {  	v5 =	vld [tilespmem:s21+$0x0]  }
0x278: {  	v2 =	vlaneseq.u32  }
0x279: {  	v3 =	vmul.u32 $0xFFFFFFFF, v2;
	_ =	sdelay $0x1  }
0x27a: {  	v3 =	vadd.s32 $0xF, v3  }
0x27b: {  	v4 =	vperm.xlane v5, v3;
	_ =	sdelay $0x1  }
0x27c: {  	(xrf0) =	vadd.scan.msk.s32 $0xffff, v4;
	_ =	sdelay $0x1  }
0x27d: {  	s28 =	simm.s32 $0x20E0  }
0x27e: {  	v6 =	vld [tilespmem:s28+$0x0];
	_ =	sdelay $0x2  }
0x27f: {  	v4, _, _ =	vpop (xrf0)  }
0x280: {  	v4 =	vperm.xlane v4, v3  }
0x281: {  	v7 =	vimm.s32 $0x0;
	v8 =	vperm.xlane v6, v3  }
0x282: {  	v9 =	vadd.s32 v7, v4  }
0x283: {  	(xrf0) =	vadd.scan.msk.s32 $0xffff, v8;
	v4 =	vnsel vm0, $0x0, v9  }
0x284: {  	(xrf0) =	vadd.scan.msk.s32 $0xffff, v4;
	_ =	sdelay $0x1  }
0x285: {  	vm1 =	vge.s32 v9, v1  }
0x286: {  	v8 =	vmpcnt.ones.xlane vm1  }
0x287: {  	s29 =	simm.s32 $0x20D0  }
0x288: {  	v11, _, _ =	vpop (xrf0);
	v4 =	vld [tilespmem:s29+$0x0];
	v10 =	vadd.s32 $0xFFFFFFFF, v8  }
0x289: {  	vm1 =	veq.s32 v10, v2;
	v12, _, _ =	vpop (xrf0)  }
0x28a: {  	v11 =	vperm.xlane v11, v3;
	v9 =	vnsel vm1, $0x0, v9;
	v12 =	vbroadcast v12, $0xF  }
0x28b: {  	v5 =	vnsel vm1, $0x0, v5;
	(xrf0) =	vadd.scan.msk.s32 $0xffff, v9  }
0x28c: {  	(xrf0) =	vadd.scan.msk.s32 $0xffff, v5;
	v5 =	vadd.s32 v12, v11  }
0x28d: {  	v9 =	vperm.xlane v4, v3;
	vm1 =	vge.s32 v5, v1  }
0x28e: {  	vm3 =	vgt.s32 v8, $0x0;
	v8 =	vmpcnt.ones.xlane vm1  }
0x28f: {  	vm2 =	veq.s32 v7, $0x0;
	(xrf0) =	vadd.scan.msk.s32 $0xffff, v9;
	v9 =	vnsel vm0, $0x0, v5  }
0x290: {  	s30 =	simm.s32 $0xF0;
	(xrf0) =	vadd.scan.msk.s32 $0xffff, v9;
	vm1 =	vmand vm2, vm3  }
0x291: {  	v9 =	vadd.s32 s30, v10;
	v10, _, _ =	vpop (xrf0);
	v11 =	vsel vm1, $0x1, v7  }
0x292: {  	s13 =	simm.s32 $0x20C0;
	v7 =	vsel vm1, v9, v7;
	v9 =	vadd.s32 $0xFFFFFFFF, v8;
	vm3 =	vgt.s32 v8, $0x0;
	v8, _, _ =	vpop (xrf0)  }
0x293: {  	vm2 =	veq.s32 v11, $0x0;
	vm4 =	veq.s32 v9, v2;
	v63 =	vsub.s32 v8, v10;
	v8 =	vld [tilespmem:s13+$0x0]  }
0x294: {  	s31 =	simm.s32 $0xE0;
	vm1 =	vmmov vm1;
	vm2 =	vmand vm2, vm3;
	v5 =	vnsel vm4, $0x0, v5  }
0x295: {  	s12 =	simm.s32 $0xD0;
	v13 =	vnsel vm4, $0x0, v6;
	v6 =	vadd.s32 s31, v9;
	v10, _, _ =	vpop (xrf0);
	(xrf0) =	vadd.scan.msk.s32 $0xffff, v5;
	v9 =	vbroadcast v63, $0xF  }
0x296: {  	s10 =	simm.s32 $0xB0;
	s14 =	simm.s32 $0xA0;
	s11 =	simm.s32 $0xC0;
	v5 =	vsel vm2, $0x1, v11;
	v6 =	vsel vm2, v6, v7;
	v7 =	vmov v1;
	(xrf0) =	vadd.scan.msk.s32 $0xffff, v13;
	v11, _, _ =	vpop (xrf0)  }
.LBB2_15:
0x297: {  	p0 =	sne.s32 s14, $0x0;
	v10 =	vperm.xlane v10, v3;
	v11 =	vbroadcast v11, $0xF;
	v13 =	vadd.s32 v1, v9  }
0x298: {  	v14 =	vperm.xlane v8, v3;
	v7 =	vsel vm1, v13, v7;
	v9 =	vmovc v8;
	vm1 =	vmmov vm2  }
0x299: {  	v10 =	vadd.s32 v11, v10  }
0x29a: {  	(xrf0) =	vadd.scan.msk.s32 $0xffff, v14;
	vm2 =	vge.s32 v10, v1;
	v8 =	vnsel vm0, $0x0, v10  }
0x29b: {  	v11 =	vmpcnt.ones.xlane vm2;
	(xrf0) =	vadd.scan.msk.s32 $0xffff, v8;
	v12, _, _ =	vpop (xrf0)  }
0x29c: {  	v13, _, _ =	vpop (xrf0)  }
.Ltmp7:
0x29d: {  	s13 =	sadd.s32 $0xFFFFFFF0, s13;
	vm2 =	veq.s32 v5, $0x0;
	v14 =	vadd.s32 $0xFFFFFFFF, v11;
	vm3 =	vgt.s32 v11, $0x0;
	(pc) =	sbr.rel @p0 .LBB2_15-.Ltmp7, $4  }
0x29e: {  	v11 =	vsub.s32 v13, v12;
	v8 =	vld [tilespmem:s13+$0x0];
	vm4 =	veq.s32 v14, v2;
	vm2 =	vmand vm2, vm3  }
0x29f: {  	v12 =	vnsel vm4, $0x0, v10;
	v13 =	vnsel vm4, $0x0, v4;
	v5 =	vsel vm2, $0x1, v5;
	v4 =	vmovc v9  }
0x2a0: {  	v14 =	vadd.s32 s12, v14;
	s12 =	smov.u32 s11;
	s11 =	smov.u32 s10;
	s10 =	smov.u32 s14;
	v9 =	vbroadcast v11, $0xF;
	v10, _, _ =	vpop (xrf0);
	(xrf0) =	vadd.scan.msk.s32 $0xffff, v12  }
0x2a1: {  	s14 =	sadd.s32 $0xFFFFFFF0, s14;
	v6 =	vsel vm2, v14, v6;
	(xrf0) =	vadd.scan.msk.s32 $0xffff, v13;
	v11, _, _ =	vpop (xrf0)  }
0x2a2: {  	v10 =	vperm.xlane v10, v3;
	v11 =	vbroadcast v11, $0xF  }
0x2a3: {  	v12 =	vperm.xlane v8, v3  }
0x2a4: {  	v10 =	vadd.s32 v11, v10  }
0x2a5: {  	(xrf0) =	vadd.scan.msk.s32 $0xffff, v12;
	v11 =	vnsel vm0, $0x0, v10  }
0x2a6: {  	(xrf0) =	vadd.scan.msk.s32 $0xffff, v11;
	_ =	sdelay $0x1  }
0x2a7: {  	s13 =	sadd.s32 $0xFFFFFFF0, s13;
	vm3 =	vge.s32 v10, v1  }
0x2a8: {  	v13 =	vld [tilespmem:s13+$0x0];
	v43 =	vmpcnt.ones.xlane vm3;
	v44, _, _ =	vpop (xrf0)  }
0x2a9: {  	v14, _, _ =	vpop (xrf0)  }
0x2aa: {  	v15 =	vadd.s32 $0xFFFFFFFF, v43;
	v16, _, _ =	vpop (xrf0)  }
0x2ab: {  	vm3 =	veq.s32 v15, v2;
	v17, _, _ =	vpop (xrf0)  }
0x2ac: {  	v10 =	vnsel vm3, $0x0, v10;
	v16 =	vperm.xlane v16, v3;
	v17 =	vbroadcast v17, $0xF  }
0x2ad: {  	v45 =	vperm.xlane v13, v3;
	v4 =	vnsel vm3, $0x0, v4;
	(xrf0) =	vadd.scan.msk.s32 $0xffff, v10  }
0x2ae: {  	(xrf0) =	vadd.scan.msk.s32 $0xffff, v4;
	v4 =	vadd.s32 v17, v16  }
0x2af: {  	(xrf0) =	vadd.scan.msk.s32 $0xffff, v45;
	v46 =	vnsel vm0, $0x0, v4  }
0x2b0: {  	(xrf0) =	vadd.scan.msk.s32 $0xffff, v46;
	_ =	sdelay $0x2  }
0x2b1: {  	v47, _, _ =	vpop (xrf0)  }
0x2b2: {  	vm3 =	vge.s32 v4, v1;
	v48, _, _ =	vpop (xrf0)  }
0x2b3: {  	v51 =	vmpcnt.ones.xlane vm3;
	v49, _, _ =	vpop (xrf0)  }
0x2b4: {  	v18, _, _ =	vpop (xrf0)  }
0x2b5: {  	v52 =	vadd.s32 $0xFFFFFFFF, v51;
	v3 =	vperm.xlane v49, v3;
	v50 =	vbroadcast v18, $0xF  }
0x2b6: {  	vm4 =	veq.s32 v52, v2  }
0x2b7: {  	v4 =	vnsel vm4, $0x0, v4;
	v3 =	vadd.s32 v50, v3  }
0x2b8: {  	v53 =	vnsel vm4, $0x0, v8;
	(xrf0) =	vadd.scan.msk.s32 $0xffff, v4;
	vm3 =	vge.s32 v3, v1  }
0x2b9: {  	(xrf0) =	vadd.scan.msk.s32 $0xffff, v53;
	v19 =	vmpcnt.ones.xlane vm3;
	_ =	sdelay $0x1  }
0x2ba: {  	v4 =	vadd.s32 $0xFFFFFFFF, v19  }
0x2bb: {  	v54 =	vsub.s32 v14, v44;
	vm3 =	veq.s32 v4, v2;
	v2 =	vnsel vm0, $0x0, v3  }
0x2bc: {  	v55 =	vbroadcast v54, $0xF;
	(xrf0) =	vadd.scan.msk.s32 $0xffff, v2;
	v2 =	vnsel vm3, $0x0, v3  }
0x2bd: {  	vm2 =	vmmov vm2;
	vm14 =	vgt.s32 v43, $0x0;
	v56, _, _ =	vpop (xrf0);
	v3 =	vnsel vm3, $0x0, v13;
	(xrf0) =	vadd.scan.msk.s32 $0xffff, v2  }
0x2be: {  	v57 =	vadd.s32 v1, v55;
	v58 =	vsub.s32 v48, v47;
	vm15 =	vgt.s32 v51, $0x0;
	v59, _, _ =	vpop (xrf0);
	(xrf0) =	vadd.scan.msk.s32 $0xffff, v3  }
0x2bf: {  	v62 =	vsub.s32 v59, v56;
	vm3 =	veq.s32 v5, $0x0;
	v2 =	vadd.s32 v1, v9  }
0x2c0: {  	v2 =	vsel vm1, v2, v7;
	vm1 =	vmand vm3, vm14;
	v7 =	vbroadcast v58, $0xF  }
0x2c1: {  	v3 =	vsel vm1, $0x1, v5;
	v5 =	vadd.s32 s12, v15;
	v2 =	vsel vm2, v57, v2  }
0x2c2: {  	v5 =	vsel vm1, v5, v6;
	vm3 =	veq.s32 v3, $0x0;
	vm1 =	vmmov vm1;
	v60, _, _ =	vpop (xrf0)  }
0x2c3: {  	v6 =	vadd.s32 s11, v52;
	v7 =	vadd.s32 v1, v7;
	vm2 =	vmand vm3, vm15;
	v61, _, _ =	vpop (xrf0)  }
0x2c4: {  	v2 =	vsel vm1, v7, v2;
	vm3 =	vgt.s32 v19, $0x0;
	v3 =	vsel vm2, $0x1, v3;
	v63, _, _ =	vpop (xrf0)  }
0x2c5: {  	v5 =	vsel vm2, v6, v5;
	v6 =	vbroadcast v62, $0xF;
	v7 =	vsub.s32 v63, v61  }
0x2c6: {  	vm1 =	vmmov vm2;
	vm2 =	veq.s32 v3, $0x0;
	v3 =	vbroadcast v7, $0xF  }
0x2c7: {  	v4 =	vadd.s32 s10, v4;
	vm2 =	vmand vm2, vm3;
	v6 =	vadd.s32 v1, v6  }
0x2c8: {  	v6 =	vsel vm1, v6, v2;
	vm1 =	vmmov vm2;
	v1 =	vadd.s32 v1, v3  }
0x2c9: {  	s10 =	simm.s32 $0x0;
	s11 =	simm.s32 $0x200;
	v2 =	vsel vm2, v4, v5;
	v3 =	vimm.s32 $0x0;
	v1 =	vsel vm1, v1, v6  }
.LBB2_17:
0x2ca: {  	p0 =	sne.s32 s11, $0x3E00;
	[tilespmem:s10+$0x1070] =	vst v3  }
0x2cb: {  	[tilespmem:s10+$0x1000] =	vst v3  }
0x2cc: {  	[tilespmem:s10+$0x1010] =	vst v3  }
.Ltmp8:
0x2cd: {  	[tilespmem:s10+$0x1020] =	vst v3;
	(pc) =	sbr.rel @p0 .LBB2_17-.Ltmp8, $4  }
0x2ce: {  	[tilespmem:s10+$0x1030] =	vst v3  }
0x2cf: {  	[tilespmem:s10+$0x1040] =	vst v3  }
0x2d0: {  	[tilespmem:s10+$0x1050] =	vst v3  }
0x2d1: {  	[tilespmem:s10+$0x1060] =	vst v3;
	s10 =	sshra.s32 s11, $0x2;
	s11 =	sadd.s32 $0x200, s11  }
0x2d2: {  	[tilespmem:s10+$0x1070] =	vst v3  }
0x2d3: {  	[tilespmem:s10+$0x1000] =	vst v3  }
0x2d4: {  	[tilespmem:s10+$0x1010] =	vst v3  }
0x2d5: {  	[tilespmem:s10+$0x1020] =	vst v3  }
0x2d6: {  	[tilespmem:s10+$0x1030] =	vst v3  }
0x2d7: {  	[tilespmem:s10+$0x1040] =	vst v3  }
0x2d8: {  	[tilespmem:s10+$0x1050] =	vst v3;
	v0 =	vshll.u32 v0, $0x8;
	v4 =	vlaneseq.u32  }
0x2d9: {  	[tilespmem:s10+$0x1060] =	vst v3;
	s10 =	simm.s32 $0x0;
	v3 =	vimm.s32 $0x1;
	s11 =	simm.s32 $0x0;
	s12 =	simm.s32 $0x1000;
	v2 =	vor.u32 v0, v2;
	v0 =	vmul.u32 $0x100, v4  }
.LBB2_19:
0x2da: {  	s13 =	sshra.s32 s11, $0x2  }
0x2db: {  	v4 =	vld [tilespmem:s13+$0x800];
	_ =	sdelay $0x4  }
0x2dc: {  	v5 =	vshrl.u32 v4, $0x10  }
0x2dd: {  	v4 =	vshrl.u32 v4, $0x8;
	v5 =	vxor.u32 v2, v5  }
0x2de: {  	v4 =	vand.u32 $0xFF, v4;
	vm1 =	veq.s32 v5, $0x8000  }
0x2df: {  	v4 =	vor.u32 v0, v4;
	_ =	sdelay $0x4  }
0x2e0: {  	[tilespmem:v4+s12+$0x0] =	vst.idx.add.s32.msk vm1, v3  }
0x2e1: {  	v4 =	vld [tilespmem:s13+$0x810];
	_ =	sdelay $0x4  }
0x2e2: {  	v5 =	vshrl.u32 v4, $0x10  }
0x2e3: {  	v4 =	vshrl.u32 v4, $0x8;
	v5 =	vxor.u32 v2, v5  }
0x2e4: {  	v4 =	vand.u32 $0xFF, v4;
	vm1 =	veq.s32 v5, $0x8000  }
0x2e5: {  	v4 =	vor.u32 v0, v4;
	_ =	sdelay $0x4  }
0x2e6: {  	[tilespmem:v4+s12+$0x0] =	vst.idx.add.s32.msk vm1, v3  }
0x2e7: {  	v4 =	vld [tilespmem:s13+$0x820];
	_ =	sdelay $0x4  }
0x2e8: {  	v5 =	vshrl.u32 v4, $0x10  }
0x2e9: {  	v4 =	vshrl.u32 v4, $0x8;
	v5 =	vxor.u32 v2, v5  }
0x2ea: {  	v4 =	vand.u32 $0xFF, v4;
	vm1 =	veq.s32 v5, $0x8000  }
0x2eb: {  	v4 =	vor.u32 v0, v4;
	_ =	sdelay $0x4  }
0x2ec: {  	[tilespmem:v4+s12+$0x0] =	vst.idx.add.s32.msk vm1, v3  }
0x2ed: {  	v4 =	vld [tilespmem:s13+$0x830];
	_ =	sdelay $0x4  }
0x2ee: {  	v5 =	vshrl.u32 v4, $0x10  }
0x2ef: {  	v4 =	vshrl.u32 v4, $0x8;
	v5 =	vxor.u32 v2, v5  }
0x2f0: {  	v4 =	vand.u32 $0xFF, v4;
	vm1 =	veq.s32 v5, $0x8000  }
0x2f1: {  	v4 =	vor.u32 v0, v4;
	_ =	sdelay $0x4  }
0x2f2: {  	[tilespmem:v4+s12+$0x0] =	vst.idx.add.s32.msk vm1, v3  }
0x2f3: {  	v4 =	vld [tilespmem:s13+$0x840];
	_ =	sdelay $0x4  }
0x2f4: {  	v5 =	vshrl.u32 v4, $0x10  }
0x2f5: {  	v4 =	vshrl.u32 v4, $0x8;
	v5 =	vxor.u32 v2, v5  }
0x2f6: {  	v4 =	vand.u32 $0xFF, v4;
	vm1 =	veq.s32 v5, $0x8000  }
0x2f7: {  	v4 =	vor.u32 v0, v4;
	_ =	sdelay $0x4  }
0x2f8: {  	[tilespmem:v4+s12+$0x0] =	vst.idx.add.s32.msk vm1, v3  }
0x2f9: {  	v4 =	vld [tilespmem:s13+$0x850];
	_ =	sdelay $0x4  }
0x2fa: {  	v5 =	vshrl.u32 v4, $0x10  }
0x2fb: {  	v4 =	vshrl.u32 v4, $0x8;
	v5 =	vxor.u32 v2, v5  }
0x2fc: {  	v4 =	vand.u32 $0xFF, v4;
	vm1 =	veq.s32 v5, $0x8000  }
0x2fd: {  	v4 =	vor.u32 v0, v4;
	_ =	sdelay $0x4  }
0x2fe: {  	[tilespmem:v4+s12+$0x0] =	vst.idx.add.s32.msk vm1, v3  }
0x2ff: {  	v4 =	vld [tilespmem:s13+$0x860];
	_ =	sdelay $0x4  }
0x300: {  	v5 =	vshrl.u32 v4, $0x10  }
0x301: {  	v4 =	vshrl.u32 v4, $0x8;
	v5 =	vxor.u32 v2, v5  }
0x302: {  	v4 =	vand.u32 $0xFF, v4;
	vm1 =	veq.s32 v5, $0x8000  }
0x303: {  	v4 =	vor.u32 v0, v4;
	_ =	sdelay $0x4  }
0x304: {  	[tilespmem:v4+s12+$0x0] =	vst.idx.add.s32.msk vm1, v3  }
0x305: {  	v4 =	vld [tilespmem:s13+$0x870];
	_ =	sdelay $0x4  }
0x306: {  	v5 =	vshrl.u32 v4, $0x10  }
0x307: {  	v4 =	vshrl.u32 v4, $0x8;
	v5 =	vxor.u32 v2, v5  }
0x308: {  	v4 =	vand.u32 $0xFF, v4;
	vm1 =	veq.s32 v5, $0x8000  }
0x309: {  	p0 =	sne.s32 s11, $0x1E00;
	v4 =	vor.u32 v0, v4  }
.Ltmp9:
0x30a: {  	_ = 	snop;
	(pc) =	sbr.rel @p0 .LBB2_19-.Ltmp9, $2  }
0x30b: {  	_ =	sdelay $0x2  }
0x30c: {  	s11 =	sadd.s32 $0x200, s11;
	[tilespmem:v4+s12+$0x0] =	vst.idx.add.s32.msk vm1, v3  }
0x30d: {  	s10 =	sand.u32 $0xF0, s10;
	v3 =	vld [tilespmem:s12+$0x0]  }
0x30e: {  	v0 =	vld [tilespmem:s10+$0x1100]  }
0x30f: {  	v4 =	vld [tilespmem:s10+$0x1200]  }
0x310: {  	v5 =	vld [tilespmem:s10+$0x1300]  }
0x311: {  	v6 =	vld [tilespmem:s10+$0x1400]  }
0x312: {  	v7 =	vld [tilespmem:s10+$0x1500]  }
0x313: {  	v0 =	vadd.s32 v3, v0;
	v3 =	vld [tilespmem:s10+$0x1600]  }
0x314: {  	v56 =	vld [tilespmem:s10+$0x1700];
	v0 =	vadd.s32 v4, v0  }
0x315: {  	v57 =	vld [tilespmem:s10+$0x1800];
	v0 =	vadd.s32 v5, v0  }
0x316: {  	v58 =	vld [tilespmem:s10+$0x1900];
	v0 =	vadd.s32 v6, v0  }
0x317: {  	v59 =	vld [tilespmem:s10+$0x1A00];
	v0 =	vadd.s32 v7, v0  }
0x318: {  	v0 =	vadd.s32 v3, v0;
	v3 =	vld [tilespmem:s10+$0x1B00]  }
0x319: {  	v60 =	vld [tilespmem:s10+$0x1C00];
	v0 =	vadd.s32 v56, v0  }
0x31a: {  	v61 =	vld [tilespmem:s10+$0x1D00];
	v0 =	vadd.s32 v57, v0  }
0x31b: {  	v62 =	vld [tilespmem:s10+$0x1E00];
	v0 =	vadd.s32 v58, v0  }
0x31c: {  	v63 =	vld [tilespmem:s10+$0x1F00];
	v0 =	vadd.s32 v59, v0  }
0x31d: {  	v0 =	vadd.s32 v3, v0  }
0x31e: {  	v0 =	vadd.s32 v60, v0  }
0x31f: {  	v0 =	vadd.s32 v61, v0  }
0x320: {  	v0 =	vadd.s32 v62, v0  }
0x321: {  	s11 =	simm.s32 $0x10;
	s10 =	simm.s32 $0x2000;
	v0 =	vadd.s32 v63, v0  }
0x322: {  	s11 =	sand.u32 $0xF0, s11;
	[tilespmem:s10+$0x0] =	vst v0  }
0x323: {  	s13 =	simm.s32 $0x20;
	s12 =	simm.s32 $0x1010;
	v0 =	vld [tilespmem:s11+$0x1100]  }
.LBB2_21:
0x324: {  	p0 =	sne.s32 s13, $0xF0;
	v3 =	vld [tilespmem:s12+$0x0]  }
0x325: {  	v4 =	vld [tilespmem:s11+$0x1200]  }
0x326: {  	v5 =	vld [tilespmem:s11+$0x1300]  }
0x327: {  	v6 =	vld [tilespmem:s11+$0x1400]  }
0x328: {  	v7 =	vld [tilespmem:s11+$0x1500]  }
0x329: {  	v0 =	vadd.s32 v3, v0;
	v3 =	vld [tilespmem:s11+$0x1600]  }
0x32a: {  	v0 =	vadd.s32 v4, v0;
	v4 =	vld [tilespmem:s11+$0x1700]  }
0x32b: {  	v0 =	vadd.s32 v5, v0;
	v5 =	vld [tilespmem:s11+$0x1800]  }
0x32c: {  	v0 =	vadd.s32 v6, v0;
	v6 =	vld [tilespmem:s11+$0x1900]  }
0x32d: {  	v0 =	vadd.s32 v7, v0;
	v7 =	vld [tilespmem:s11+$0x1A00]  }
0x32e: {  	v0 =	vadd.s32 v3, v0;
	v3 =	vld [tilespmem:s11+$0x1B00]  }
0x32f: {  	v0 =	vadd.s32 v4, v0;
	v4 =	vld [tilespmem:s11+$0x1C00]  }
0x330: {  	v0 =	vadd.s32 v5, v0;
	v5 =	vld [tilespmem:s11+$0x1D00]  }
0x331: {  	v0 =	vadd.s32 v6, v0;
	v6 =	vld [tilespmem:s11+$0x1E00]  }
0x332: {  	v0 =	vadd.s32 v7, v0;
	v7 =	vld [tilespmem:s11+$0x1F00]  }
0x333: {  	v0 =	vadd.s32 v3, v0  }
0x334: {  	v0 =	vadd.s32 v4, v0  }
.Ltmp10:
0x335: {  	v0 =	vadd.s32 v5, v0;
	(pc) =	sbr.rel @p0 .LBB2_21-.Ltmp10, $4  }
0x336: {  	v0 =	vadd.s32 v6, v0  }
0x337: {  	s10 =	sadd.s32 $0x10, s10;
	v0 =	vadd.s32 v7, v0  }
0x338: {  	s11 =	sand.u32 $0xF0, s13;
	[tilespmem:s10+$0x0] =	vst v0  }
0x339: {  	s12 =	sadd.s32 $0x10, s12;
	s13 =	sadd.s32 $0x10, s13;
	v0 =	vld [tilespmem:s11+$0x1100]  }
0x33a: {  	v3 =	vld [tilespmem:s12+$0x0]  }
0x33b: {  	v4 =	vld [tilespmem:s11+$0x1200]  }
0x33c: {  	v5 =	vld [tilespmem:s11+$0x1300]  }
0x33d: {  	v6 =	vld [tilespmem:s11+$0x1400]  }
0x33e: {  	v7 =	vld [tilespmem:s11+$0x1500]  }
0x33f: {  	v0 =	vadd.s32 v3, v0;
	v3 =	vld [tilespmem:s11+$0x1600]  }
0x340: {  	v0 =	vadd.s32 v4, v0;
	v4 =	vld [tilespmem:s11+$0x1700]  }
0x341: {  	v0 =	vadd.s32 v5, v0;
	v5 =	vld [tilespmem:s11+$0x1800]  }
0x342: {  	v0 =	vadd.s32 v6, v0;
	v6 =	vld [tilespmem:s11+$0x1900]  }
0x343: {  	v0 =	vadd.s32 v7, v0;
	v7 =	vld [tilespmem:s11+$0x1A00]  }
0x344: {  	v0 =	vadd.s32 v3, v0;
	v3 =	vld [tilespmem:s11+$0x1B00]  }
0x345: {  	v0 =	vadd.s32 v4, v0;
	v4 =	vld [tilespmem:s11+$0x1C00]  }
0x346: {  	v0 =	vadd.s32 v5, v0;
	v5 =	vld [tilespmem:s11+$0x1D00]  }
0x347: {  	v0 =	vadd.s32 v6, v0;
	v6 =	vld [tilespmem:s11+$0x1E00]  }
0x348: {  	v0 =	vadd.s32 v7, v0;
	v7 =	vld [tilespmem:s11+$0x1F00]  }
0x349: {  	v0 =	vadd.s32 v3, v0  }
0x34a: {  	v0 =	vadd.s32 v4, v0  }
0x34b: {  	v0 =	vadd.s32 v5, v0  }
0x34c: {  	v0 =	vadd.s32 v6, v0  }
0x34d: {  	s10 =	sadd.s32 $0x10, s10;
	v0 =	vadd.s32 v7, v0  }
0x34e: {  	s29 =	sadd.s32 $0x2000, s7;
	[tilespmem:s10+$0x0] =	vst v0;
	s10 =	simm.s32 $0x2000  }
0x34f: {  	[spmem:s29] =	stream.linear.scatter [tilespmem:s10], [sflag:$0x1], $0x10, $0x38;
	[tilespmem:$0x2EC0] =	vst v63  }
0x350: {  	s30 =	sadd.s32 $0x2100, s7;
	s31 =	simm.s32 $0x2010  }
0x351: {  	[spmem:s30] =	stream.linear.scatter [tilespmem:s31], [sflag:$0x1], $0x10, $0x38;
	[tilespmem:$0x2EC0] =	vst v63  }
0x352: {  	s13 =	sadd.s32 $0x2200, s7;
	s14 =	simm.s32 $0x2020  }
0x353: {  	[spmem:s13] =	stream.linear.scatter [tilespmem:s14], [sflag:$0x1], $0x10, $0x38;
	[tilespmem:$0x2EC0] =	vst v63  }
0x354: {  	s15 =	sadd.s32 $0x2300, s7;
	s16 =	simm.s32 $0x2030  }
0x355: {  	[spmem:s15] =	stream.linear.scatter [tilespmem:s16], [sflag:$0x1], $0x10, $0x38;
	[tilespmem:$0x2EC0] =	vst v63  }
0x356: {  	s17 =	sadd.s32 $0x2400, s7;
	s18 =	simm.s32 $0x2040  }
0x357: {  	[spmem:s17] =	stream.linear.scatter [tilespmem:s18], [sflag:$0x1], $0x10, $0x38;
	[tilespmem:$0x2EC0] =	vst v63  }
0x358: {  	s19 =	sadd.s32 $0x2500, s7;
	s20 =	simm.s32 $0x2050  }
0x359: {  	[spmem:s19] =	stream.linear.scatter [tilespmem:s20], [sflag:$0x1], $0x10, $0x38;
	[tilespmem:$0x2EC0] =	vst v63  }
0x35a: {  	s21 =	sadd.s32 $0x2600, s7;
	s22 =	simm.s32 $0x2060  }
0x35b: {  	[spmem:s21] =	stream.linear.scatter [tilespmem:s22], [sflag:$0x1], $0x10, $0x38;
	[tilespmem:$0x2EC0] =	vst v63  }
0x35c: {  	s23 =	sadd.s32 $0x2700, s7;
	s24 =	simm.s32 $0x2070  }
0x35d: {  	[spmem:s23] =	stream.linear.scatter [tilespmem:s24], [sflag:$0x1], $0x10, $0x38;
	[tilespmem:$0x2EC0] =	vst v63  }
0x35e: {  	s25 =	sadd.s32 $0x2800, s7;
	s26 =	simm.s32 $0x2080  }
0x35f: {  	[spmem:s25] =	stream.linear.scatter [tilespmem:s26], [sflag:$0x1], $0x10, $0x38;
	[tilespmem:$0x2EC0] =	vst v63  }
0x360: {  	s28 =	sadd.s32 $0x2900, s7;
	s29 =	simm.s32 $0x2090  }
0x361: {  	[spmem:s28] =	stream.linear.scatter [tilespmem:s29], [sflag:$0x1], $0x10, $0x38;
	[tilespmem:$0x2EC0] =	vst v63  }
0x362: {  	s30 =	sadd.s32 $0x2A00, s7;
	s31 =	simm.s32 $0x20A0  }
0x363: {  	[spmem:s30] =	stream.linear.scatter [tilespmem:s31], [sflag:$0x1], $0x10, $0x38;
	[tilespmem:$0x2EC0] =	vst v63  }
0x364: {  	s12 =	sadd.s32 $0x2B00, s7;
	s13 =	simm.s32 $0x20B0  }
0x365: {  	[spmem:s12] =	stream.linear.scatter [tilespmem:s13], [sflag:$0x1], $0x10, $0x38;
	[tilespmem:$0x2EC0] =	vst v63  }
0x366: {  	s14 =	sadd.s32 $0x2C00, s7;
	s15 =	simm.s32 $0x20C0  }
0x367: {  	[spmem:s14] =	stream.linear.scatter [tilespmem:s15], [sflag:$0x1], $0x10, $0x38;
	[tilespmem:$0x2EC0] =	vst v63  }
0x368: {  	s16 =	sadd.s32 $0x2D00, s7;
	s17 =	simm.s32 $0x20D0  }
0x369: {  	[spmem:s16] =	stream.linear.scatter [tilespmem:s17], [sflag:$0x1], $0x10, $0x38;
	[tilespmem:$0x2EC0] =	vst v63  }
0x36a: {  	s18 =	sadd.s32 $0x2E00, s7;
	s19 =	simm.s32 $0x20E0  }
0x36b: {  	[spmem:s18] =	stream.linear.scatter [tilespmem:s19], [sflag:$0x1], $0x10, $0x38;
	[tilespmem:$0x2EC0] =	vst v63  }
0x36c: {  	s20 =	sadd.s32 $0x2F00, s7;
	s21 =	simm.s32 $0x20F0;
	s22 =	simm.s32 $0x1  }
0x36d: {  	[spmem:s20] =	stream.linear.scatter [tilespmem:s21], [sflag:$0x1], $0x10, $0x38;
	[tilespmem:$0x2EC0] =	vst v63  }
0x36e: {  	_ =	swait.ge [sflag:s22], $0x10  }
0x36f: {  	[sflag:s22] =	ssyncset.done $0x0  }
0x370: {  	[sflag:s22] =	ssyncadd.s32 $0xFFFFFFF0  }
0x371: {  	_ =	swait.ge [sflag:s22], $0x10  }
0x372: {  	[sflag:s22] =	ssyncset.done $0x0  }
0x373: {  	[sflag:s22] =	ssyncadd.s32 $0xFFFFFFF0  }
0x374: {  	_ =	swait.ge [sflag:s22], $0x10  }
0x375: {  	[sflag:s22] =	ssyncset.done $0x0  }
0x376: {  	[sflag:s22] =	ssyncadd.s32 $0xFFFFFFF0  }
0x377: {  	_ =	swait.ge [sflag:s22], $0x10  }
0x378: {  	[sflag:s22] =	ssyncset.done $0x0  }
0x379: {  	[sflag:s22] =	ssyncadd.s32 $0xFFFFFFF0  }
0x37a: {  	_ =	swait.ge [sflag:s22], $0x10  }
0x37b: {  	[sflag:s22] =	ssyncset.done $0x0  }
0x37c: {  	[sflag:s22] =	ssyncadd.s32 $0xFFFFFFF0  }
0x37d: {  	_ =	swait.ge [sflag:s22], $0x10  }
0x37e: {  	[sflag:s22] =	ssyncset.done $0x0  }
0x37f: {  	[sflag:s22] =	ssyncadd.s32 $0xFFFFFFF0  }
0x380: {  	_ =	swait.ge [sflag:s22], $0x10  }
0x381: {  	[sflag:s22] =	ssyncset.done $0x0  }
0x382: {  	[sflag:s22] =	ssyncadd.s32 $0xFFFFFFF0  }
0x383: {  	_ =	swait.ge [sflag:s22], $0x10  }
0x384: {  	[sflag:s22] =	ssyncset.done $0x0  }
0x385: {  	[sflag:s22] =	ssyncadd.s32 $0xFFFFFFF0  }
0x386: {  	_ =	swait.ge [sflag:s22], $0x10  }
0x387: {  	[sflag:s22] =	ssyncset.done $0x0  }
0x388: {  	[sflag:s22] =	ssyncadd.s32 $0xFFFFFFF0  }
0x389: {  	_ =	swait.ge [sflag:s22], $0x10  }
0x38a: {  	[sflag:s22] =	ssyncset.done $0x0  }
0x38b: {  	[sflag:s22] =	ssyncadd.s32 $0xFFFFFFF0  }
0x38c: {  	_ =	swait.ge [sflag:s22], $0x10  }
0x38d: {  	[sflag:s22] =	ssyncset.done $0x0  }
0x38e: {  	[sflag:s22] =	ssyncadd.s32 $0xFFFFFFF0  }
0x38f: {  	_ =	swait.ge [sflag:s22], $0x10  }
0x390: {  	[sflag:s22] =	ssyncset.done $0x0  }
0x391: {  	[sflag:s22] =	ssyncadd.s32 $0xFFFFFFF0  }
0x392: {  	_ =	swait.ge [sflag:s22], $0x10  }
0x393: {  	[sflag:s22] =	ssyncset.done $0x0  }
0x394: {  	[sflag:s22] =	ssyncadd.s32 $0xFFFFFFF0  }
0x395: {  	_ =	swait.ge [sflag:s22], $0x10  }
0x396: {  	[sflag:s22] =	ssyncset.done $0x0  }
0x397: {  	[sflag:s22] =	ssyncadd.s32 $0xFFFFFFF0  }
0x398: {  	_ =	swait.ge [sflag:s22], $0x10  }
0x399: {  	[sflag:s22] =	ssyncset.done $0x0  }
0x39a: {  	[sflag:s22] =	ssyncadd.s32 $0xFFFFFFF0  }
0x39b: {  	_ =	swait.ge [sflag:s22], $0x10  }
0x39c: {  	s9 =	sshll.u32 s9, $0x8;
	[sflag:s22] =	ssyncset.done $0x0  }
0x39d: {  	s9 =	sadd.s32 s9, s4;
	[sflag:s22] =	ssyncadd.s32 $0xFFFFFFF0  }
0x39e: {  	s23 =	simm.s32 $0x2180;
	s24 =	simm.s32 $0x2;
	[bflag:$0x0] =	sbarrier.arrive $0xFFFF  }
0x39f: {  	[tilespmem:s23], [sflag:$0x2] =	stream.linear.gather [spmem:s9], $0x100, $0x38;
	[tilespmem:$0x2EC0] =	vst v63  }
0x3a0: {  	_ =	swait.ge [sflag:s24], $0x100  }
0x3a1: {  	[sflag:s24] =	ssyncset.done $0x0  }
0x3a2: {  	[sflag:s24] =	ssyncadd.s32 $0xFFFFFF00  }
0x3a3: {  	v0 =	vld [tilespmem:$0x2180]  }
0x3a4: {  	v3 =	vld [tilespmem:$0x2190]  }
0x3a5: {  	v4 =	vld [tilespmem:$0x21A0]  }
0x3a6: {  	v5 =	vld [tilespmem:$0x21B0]  }
0x3a7: {  	v6 =	vld [tilespmem:$0x21C0]  }
0x3a8: {  	v7 =	vld [tilespmem:$0x21D0]  }
0x3a9: {  	v0 =	vadd.s32 v0, v3;
	v3 =	vld [tilespmem:$0x21E0]  }
0x3aa: {  	v0 =	vadd.s32 v4, v0;
	v4 =	vld [tilespmem:$0x21F0]  }
0x3ab: {  	v0 =	vadd.s32 v5, v0;
	v5 =	vld [tilespmem:$0x2200]  }
0x3ac: {  	v0 =	vadd.s32 v6, v0;
	v6 =	vld [tilespmem:$0x2210]  }
0x3ad: {  	v0 =	vadd.s32 v7, v0;
	v7 =	vld [tilespmem:$0x2220]  }
0x3ae: {  	v0 =	vadd.s32 v3, v0;
	v3 =	vld [tilespmem:$0x2230]  }
0x3af: {  	v0 =	vadd.s32 v4, v0;
	v4 =	vld [tilespmem:$0x2240]  }
0x3b0: {  	v0 =	vadd.s32 v5, v0;
	v5 =	vld [tilespmem:$0x2250]  }
0x3b1: {  	v0 =	vadd.s32 v6, v0;
	v6 =	vld [tilespmem:$0x2260]  }
0x3b2: {  	v0 =	vadd.s32 v7, v0;
	v7 =	vld [tilespmem:$0x2270]  }
0x3b3: {  	v0 =	vadd.s32 v3, v0  }
0x3b4: {  	v0 =	vadd.s32 v4, v0  }
0x3b5: {  	v0 =	vadd.s32 v5, v0  }
0x3b6: {  	v0 =	vadd.s32 v6, v0  }
0x3b7: {  	v0 =	vadd.s32 v7, v0  }
0x3b8: {  	s25 =	sadd.s32 $0x200, s8;
	s13 =	simm.s32 $0x2100;
	[tilespmem:$0x2100] =	vst v0  }
0x3b9: {  	[spmem:s25] =	stream.linear.scatter [tilespmem:s13], [sflag:$0x2], $0x10, $0x38;
	[tilespmem:$0x2EC0] =	vst v63  }
0x3ba: {  	_ =	swait.ge [sflag:s24], $0x10  }
0x3bb: {  	[sflag:s24] =	ssyncset.done $0x0  }
0x3bc: {  	[sflag:s24] =	ssyncadd.s32 $0xFFFFFFF0  }
0x3bd: {  	s26 =	sadd.s32 $0x200, s5;
	[bflag:$0x0] =	sbarrier.arrive $0xFFFF  }
0x3be: {  	[tilespmem:s10], [sflag:$0x2] =	stream.linear.gather [spmem:s26], $0x100, $0x38;
	[tilespmem:$0x2EC0] =	vst v63  }
0x3bf: {  	_ =	swait.ge [sflag:s24], $0x100  }
0x3c0: {  	[sflag:s24] =	ssyncset.done $0x0  }
0x3c1: {  	[sflag:s24] =	ssyncadd.s32 $0xFFFFFF00  }
0x3c2: {  	v5 =	vld [tilespmem:s21+$0x0]  }
0x3c3: {  	v0 =	vlaneseq.u32  }
0x3c4: {  	v3 =	vmul.u32 $0xFFFFFFFF, v0;
	_ =	sdelay $0x1  }
0x3c5: {  	v3 =	vadd.s32 $0xF, v3  }
0x3c6: {  	v4 =	vperm.xlane v5, v3;
	_ =	sdelay $0x1  }
0x3c7: {  	(xrf0) =	vadd.scan.msk.s32 $0xffff, v4;
	_ =	sdelay $0x1  }
0x3c8: {  	s28 =	simm.s32 $0x20E0  }
0x3c9: {  	v6 =	vld [tilespmem:s28+$0x0];
	_ =	sdelay $0x2  }
0x3ca: {  	v4, _, _ =	vpop (xrf0)  }
0x3cb: {  	v4 =	vperm.xlane v4, v3  }
0x3cc: {  	v7 =	vimm.s32 $0x0;
	v8 =	vperm.xlane v6, v3  }
0x3cd: {  	v9 =	vadd.s32 v7, v4  }
0x3ce: {  	(xrf0) =	vadd.scan.msk.s32 $0xffff, v8;
	v4 =	vnsel vm0, $0x0, v9  }
0x3cf: {  	(xrf0) =	vadd.scan.msk.s32 $0xffff, v4;
	_ =	sdelay $0x1  }
0x3d0: {  	vm1 =	vge.s32 v9, v1  }
0x3d1: {  	v8 =	vmpcnt.ones.xlane vm1  }
0x3d2: {  	s29 =	simm.s32 $0x20D0  }
0x3d3: {  	v11, _, _ =	vpop (xrf0);
	v4 =	vld [tilespmem:s29+$0x0];
	v10 =	vadd.s32 $0xFFFFFFFF, v8  }
0x3d4: {  	vm1 =	veq.s32 v10, v0;
	v12, _, _ =	vpop (xrf0)  }
0x3d5: {  	v11 =	vperm.xlane v11, v3;
	v9 =	vnsel vm1, $0x0, v9;
	v12 =	vbroadcast v12, $0xF  }
0x3d6: {  	v5 =	vnsel vm1, $0x0, v5;
	(xrf0) =	vadd.scan.msk.s32 $0xffff, v9  }
0x3d7: {  	(xrf0) =	vadd.scan.msk.s32 $0xffff, v5;
	v5 =	vadd.s32 v12, v11  }
0x3d8: {  	v9 =	vperm.xlane v4, v3;
	vm1 =	vge.s32 v5, v1  }
0x3d9: {  	vm3 =	vgt.s32 v8, $0x0;
	v8 =	vmpcnt.ones.xlane vm1  }
0x3da: {  	vm2 =	veq.s32 v7, $0x0;
	(xrf0) =	vadd.scan.msk.s32 $0xffff, v9;
	v9 =	vnsel vm0, $0x0, v5  }
0x3db: {  	s30 =	simm.s32 $0xF0;
	(xrf0) =	vadd.scan.msk.s32 $0xffff, v9;
	vm1 =	vmand vm2, vm3  }
0x3dc: {  	v9 =	vadd.s32 s30, v10;
	v10, _, _ =	vpop (xrf0);
	v11 =	vsel vm1, $0x1, v7  }
0x3dd: {  	s12 =	simm.s32 $0x20C0;
	v7 =	vsel vm1, v9, v7;
	v9 =	vadd.s32 $0xFFFFFFFF, v8;
	vm3 =	vgt.s32 v8, $0x0;
	v8, _, _ =	vpop (xrf0)  }
0x3de: {  	vm2 =	veq.s32 v11, $0x0;
	vm4 =	veq.s32 v9, v0;
	v63 =	vsub.s32 v8, v10;
	v8 =	vld [tilespmem:s12+$0x0]  }
0x3df: {  	s31 =	simm.s32 $0xE0;
	vm1 =	vmmov vm1;
	vm2 =	vmand vm2, vm3;
	v5 =	vnsel vm4, $0x0, v5  }
0x3e0: {  	s11 =	simm.s32 $0xD0;
	v13 =	vnsel vm4, $0x0, v6;
	v6 =	vadd.s32 s31, v9;
	v10, _, _ =	vpop (xrf0);
	(xrf0) =	vadd.scan.msk.s32 $0xffff, v5;
	v9 =	vbroadcast v63, $0xF  }
0x3e1: {  	s9 =	simm.s32 $0xB0;
	s13 =	simm.s32 $0xA0;
	s10 =	simm.s32 $0xC0;
	v5 =	vsel vm2, $0x1, v11;
	v6 =	vsel vm2, v6, v7;
	v7 =	vmov v1;
	(xrf0) =	vadd.scan.msk.s32 $0xffff, v13;
	v11, _, _ =	vpop (xrf0)  }
.LBB2_23:
0x3e2: {  	p0 =	sne.s32 s13, $0x0;
	v10 =	vperm.xlane v10, v3;
	v11 =	vbroadcast v11, $0xF;
	v13 =	vadd.s32 v1, v9  }
0x3e3: {  	v14 =	vperm.xlane v8, v3;
	v7 =	vsel vm1, v13, v7;
	v9 =	vmovc v8;
	vm1 =	vmmov vm2  }
0x3e4: {  	v10 =	vadd.s32 v11, v10  }
0x3e5: {  	(xrf0) =	vadd.scan.msk.s32 $0xffff, v14;
	vm2 =	vge.s32 v10, v1;
	v8 =	vnsel vm0, $0x0, v10  }
0x3e6: {  	v11 =	vmpcnt.ones.xlane vm2;
	(xrf0) =	vadd.scan.msk.s32 $0xffff, v8;
	v12, _, _ =	vpop (xrf0)  }
0x3e7: {  	v13, _, _ =	vpop (xrf0)  }
.Ltmp11:
0x3e8: {  	s12 =	sadd.s32 $0xFFFFFFF0, s12;
	vm2 =	veq.s32 v5, $0x0;
	v14 =	vadd.s32 $0xFFFFFFFF, v11;
	vm3 =	vgt.s32 v11, $0x0;
	(pc) =	sbr.rel @p0 .LBB2_23-.Ltmp11, $4  }
0x3e9: {  	v11 =	vsub.s32 v13, v12;
	v8 =	vld [tilespmem:s12+$0x0];
	vm4 =	veq.s32 v14, v0;
	vm2 =	vmand vm2, vm3  }
0x3ea: {  	v12 =	vnsel vm4, $0x0, v10;
	v13 =	vnsel vm4, $0x0, v4;
	v5 =	vsel vm2, $0x1, v5;
	v4 =	vmovc v9  }
0x3eb: {  	v14 =	vadd.s32 s11, v14;
	s11 =	smov.u32 s10;
	s10 =	smov.u32 s9;
	s9 =	smov.u32 s13;
	v9 =	vbroadcast v11, $0xF;
	v10, _, _ =	vpop (xrf0);
	(xrf0) =	vadd.scan.msk.s32 $0xffff, v12  }
0x3ec: {  	s13 =	sadd.s32 $0xFFFFFFF0, s13;
	v6 =	vsel vm2, v14, v6;
	(xrf0) =	vadd.scan.msk.s32 $0xffff, v13;
	v11, _, _ =	vpop (xrf0)  }
0x3ed: {  	v10 =	vperm.xlane v10, v3;
	v11 =	vbroadcast v11, $0xF  }
0x3ee: {  	v12 =	vperm.xlane v8, v3  }
0x3ef: {  	v10 =	vadd.s32 v11, v10  }
0x3f0: {  	(xrf0) =	vadd.scan.msk.s32 $0xffff, v12;
	v11 =	vnsel vm0, $0x0, v10  }
0x3f1: {  	(xrf0) =	vadd.scan.msk.s32 $0xffff, v11;
	_ =	sdelay $0x1  }
0x3f2: {  	s12 =	sadd.s32 $0xFFFFFFF0, s12;
	vm3 =	vge.s32 v10, v1  }
0x3f3: {  	v13 =	vld [tilespmem:s12+$0x0];
	v43 =	vmpcnt.ones.xlane vm3;
	v44, _, _ =	vpop (xrf0)  }
0x3f4: {  	v14, _, _ =	vpop (xrf0)  }
0x3f5: {  	v15 =	vadd.s32 $0xFFFFFFFF, v43;
	v16, _, _ =	vpop (xrf0)  }
0x3f6: {  	vm3 =	veq.s32 v15, v0;
	v17, _, _ =	vpop (xrf0)  }
0x3f7: {  	v10 =	vnsel vm3, $0x0, v10;
	v16 =	vperm.xlane v16, v3;
	v17 =	vbroadcast v17, $0xF  }
0x3f8: {  	v45 =	vperm.xlane v13, v3;
	v4 =	vnsel vm3, $0x0, v4;
	(xrf0) =	vadd.scan.msk.s32 $0xffff, v10  }
0x3f9: {  	(xrf0) =	vadd.scan.msk.s32 $0xffff, v4;
	v4 =	vadd.s32 v17, v16  }
0x3fa: {  	(xrf0) =	vadd.scan.msk.s32 $0xffff, v45;
	v46 =	vnsel vm0, $0x0, v4  }
0x3fb: {  	(xrf0) =	vadd.scan.msk.s32 $0xffff, v46;
	_ =	sdelay $0x2  }
0x3fc: {  	v47, _, _ =	vpop (xrf0)  }
0x3fd: {  	vm3 =	vge.s32 v4, v1;
	v48, _, _ =	vpop (xrf0)  }
0x3fe: {  	v51 =	vmpcnt.ones.xlane vm3;
	v49, _, _ =	vpop (xrf0)  }
0x3ff: {  	v18, _, _ =	vpop (xrf0)  }
0x400: {  	v52 =	vadd.s32 $0xFFFFFFFF, v51;
	v3 =	vperm.xlane v49, v3;
	v50 =	vbroadcast v18, $0xF  }
0x401: {  	vm4 =	veq.s32 v52, v0  }
0x402: {  	v4 =	vnsel vm4, $0x0, v4;
	v3 =	vadd.s32 v50, v3  }
0x403: {  	v53 =	vnsel vm4, $0x0, v8;
	(xrf0) =	vadd.scan.msk.s32 $0xffff, v4;
	vm3 =	vge.s32 v3, v1  }
0x404: {  	(xrf0) =	vadd.scan.msk.s32 $0xffff, v53;
	v19 =	vmpcnt.ones.xlane vm3;
	_ =	sdelay $0x1  }
0x405: {  	v4 =	vadd.s32 $0xFFFFFFFF, v19  }
0x406: {  	v54 =	vsub.s32 v14, v44;
	vm3 =	veq.s32 v4, v0;
	v0 =	vnsel vm0, $0x0, v3  }
0x407: {  	v55 =	vbroadcast v54, $0xF;
	(xrf0) =	vadd.scan.msk.s32 $0xffff, v0;
	v0 =	vnsel vm3, $0x0, v3  }
0x408: {  	vm2 =	vmmov vm2;
	vm14 =	vgt.s32 v43, $0x0;
	v56, _, _ =	vpop (xrf0);
	v3 =	vnsel vm3, $0x0, v13;
	(xrf0) =	vadd.scan.msk.s32 $0xffff, v0  }
0x409: {  	v57 =	vadd.s32 v1, v55;
	v58 =	vsub.s32 v48, v47;
	vm15 =	vgt.s32 v51, $0x0;
	v59, _, _ =	vpop (xrf0);
	(xrf0) =	vadd.scan.msk.s32 $0xffff, v3  }
0x40a: {  	v62 =	vsub.s32 v59, v56;
	vm3 =	veq.s32 v5, $0x0;
	v0 =	vadd.s32 v1, v9  }
0x40b: {  	v0 =	vsel vm1, v0, v7;
	vm1 =	vmand vm3, vm14;
	v7 =	vbroadcast v58, $0xF  }
0x40c: {  	v3 =	vsel vm1, $0x1, v5;
	v5 =	vadd.s32 s11, v15;
	v0 =	vsel vm2, v57, v0  }
0x40d: {  	v5 =	vsel vm1, v5, v6;
	vm3 =	veq.s32 v3, $0x0;
	vm1 =	vmmov vm1;
	v60, _, _ =	vpop (xrf0)  }
0x40e: {  	v6 =	vadd.s32 s10, v52;
	v7 =	vadd.s32 v1, v7;
	vm2 =	vmand vm3, vm15;
	v61, _, _ =	vpop (xrf0)  }
0x40f: {  	v0 =	vsel vm1, v7, v0;
	vm3 =	vgt.s32 v19, $0x0;
	v3 =	vsel vm2, $0x1, v3;
	v63, _, _ =	vpop (xrf0)  }
0x410: {  	v5 =	vsel vm2, v6, v5;
	v6 =	vbroadcast v62, $0xF;
	v7 =	vsub.s32 v63, v61  }
0x411: {  	vm1 =	vmmov vm2;
	vm2 =	veq.s32 v3, $0x0;
	v3 =	vbroadcast v7, $0xF  }
0x412: {  	v4 =	vadd.s32 s9, v4;
	vm2 =	vmand vm2, vm3;
	v6 =	vadd.s32 v1, v6  }
0x413: {  	v0 =	vsel vm1, v6, v0;
	vm1 =	vmmov vm2;
	v3 =	vadd.s32 v1, v3  }
0x414: {  	s9 =	simm.s32 $0x0;
	s10 =	simm.s32 $0x200;
	v1 =	vsel vm2, v4, v5;
	v0 =	vsel vm1, v3, v0;
	v3 =	vimm.s32 $0x0  }
.LBB2_25:
0x415: {  	p0 =	sne.s32 s10, $0x3E00;
	[tilespmem:s9+$0x1070] =	vst v3  }
0x416: {  	[tilespmem:s9+$0x1000] =	vst v3  }
0x417: {  	[tilespmem:s9+$0x1010] =	vst v3  }
.Ltmp12:
0x418: {  	[tilespmem:s9+$0x1020] =	vst v3;
	(pc) =	sbr.rel @p0 .LBB2_25-.Ltmp12, $4  }
0x419: {  	[tilespmem:s9+$0x1030] =	vst v3  }
0x41a: {  	[tilespmem:s9+$0x1040] =	vst v3  }
0x41b: {  	[tilespmem:s9+$0x1050] =	vst v3  }
0x41c: {  	[tilespmem:s9+$0x1060] =	vst v3;
	s9 =	sshra.s32 s10, $0x2;
	s10 =	sadd.s32 $0x200, s10  }
0x41d: {  	[tilespmem:s9+$0x1070] =	vst v3  }
0x41e: {  	[tilespmem:s9+$0x1000] =	vst v3  }
0x41f: {  	[tilespmem:s9+$0x1010] =	vst v3  }
0x420: {  	[tilespmem:s9+$0x1020] =	vst v3  }
0x421: {  	[tilespmem:s9+$0x1030] =	vst v3  }
0x422: {  	[tilespmem:s9+$0x1040] =	vst v3  }
0x423: {  	[tilespmem:s9+$0x1050] =	vst v3;
	v2 =	vshll.u32 v2, $0x8;
	v4 =	vlaneseq.u32  }
0x424: {  	[tilespmem:s9+$0x1060] =	vst v3;
	s9 =	simm.s32 $0x0;
	v3 =	vimm.s32 $0x1;
	s10 =	simm.s32 $0x0;
	s11 =	simm.s32 $0x1000;
	v1 =	vor.u32 v2, v1;
	v2 =	vmul.u32 $0x100, v4  }
.LBB2_27:
0x425: {  	s12 =	sshra.s32 s10, $0x2  }
0x426: {  	v4 =	vld [tilespmem:s12+$0x800];
	_ =	sdelay $0x4  }
0x427: {  	v5 =	vshrl.u32 v4, $0x8  }
0x428: {  	v5 =	vxor.u32 v1, v5  }
0x429: {  	v4 =	vand.u32 $0xFF, v4;
	vm1 =	veq.s32 v5, $0x800000  }
0x42a: {  	v4 =	vor.u32 v2, v4;
	_ =	sdelay $0x4  }
0x42b: {  	[tilespmem:v4+s11+$0x0] =	vst.idx.add.s32.msk vm1, v3  }
0x42c: {  	v4 =	vld [tilespmem:s12+$0x810];
	_ =	sdelay $0x4  }
0x42d: {  	v5 =	vshrl.u32 v4, $0x8  }
0x42e: {  	v5 =	vxor.u32 v1, v5  }
0x42f: {  	v4 =	vand.u32 $0xFF, v4;
	vm1 =	veq.s32 v5, $0x800000  }
0x430: {  	v4 =	vor.u32 v2, v4;
	_ =	sdelay $0x4  }
0x431: {  	[tilespmem:v4+s11+$0x0] =	vst.idx.add.s32.msk vm1, v3  }
0x432: {  	v4 =	vld [tilespmem:s12+$0x820];
	_ =	sdelay $0x4  }
0x433: {  	v5 =	vshrl.u32 v4, $0x8  }
0x434: {  	v5 =	vxor.u32 v1, v5  }
0x435: {  	v4 =	vand.u32 $0xFF, v4;
	vm1 =	veq.s32 v5, $0x800000  }
0x436: {  	v4 =	vor.u32 v2, v4;
	_ =	sdelay $0x4  }
0x437: {  	[tilespmem:v4+s11+$0x0] =	vst.idx.add.s32.msk vm1, v3  }
0x438: {  	v4 =	vld [tilespmem:s12+$0x830];
	_ =	sdelay $0x4  }
0x439: {  	v5 =	vshrl.u32 v4, $0x8  }
0x43a: {  	v5 =	vxor.u32 v1, v5  }
0x43b: {  	v4 =	vand.u32 $0xFF, v4;
	vm1 =	veq.s32 v5, $0x800000  }
0x43c: {  	v4 =	vor.u32 v2, v4;
	_ =	sdelay $0x4  }
0x43d: {  	[tilespmem:v4+s11+$0x0] =	vst.idx.add.s32.msk vm1, v3  }
0x43e: {  	v4 =	vld [tilespmem:s12+$0x840];
	_ =	sdelay $0x4  }
0x43f: {  	v5 =	vshrl.u32 v4, $0x8  }
0x440: {  	v5 =	vxor.u32 v1, v5  }
0x441: {  	v4 =	vand.u32 $0xFF, v4;
	vm1 =	veq.s32 v5, $0x800000  }
0x442: {  	v4 =	vor.u32 v2, v4;
	_ =	sdelay $0x4  }
0x443: {  	[tilespmem:v4+s11+$0x0] =	vst.idx.add.s32.msk vm1, v3  }
0x444: {  	v4 =	vld [tilespmem:s12+$0x850];
	_ =	sdelay $0x4  }
0x445: {  	v5 =	vshrl.u32 v4, $0x8  }
0x446: {  	v5 =	vxor.u32 v1, v5  }
0x447: {  	v4 =	vand.u32 $0xFF, v4;
	vm1 =	veq.s32 v5, $0x800000  }
0x448: {  	v4 =	vor.u32 v2, v4;
	_ =	sdelay $0x4  }
0x449: {  	[tilespmem:v4+s11+$0x0] =	vst.idx.add.s32.msk vm1, v3  }
0x44a: {  	v4 =	vld [tilespmem:s12+$0x860];
	_ =	sdelay $0x4  }
0x44b: {  	v5 =	vshrl.u32 v4, $0x8  }
0x44c: {  	v5 =	vxor.u32 v1, v5  }
0x44d: {  	v4 =	vand.u32 $0xFF, v4;
	vm1 =	veq.s32 v5, $0x800000  }
0x44e: {  	v4 =	vor.u32 v2, v4;
	_ =	sdelay $0x4  }
0x44f: {  	[tilespmem:v4+s11+$0x0] =	vst.idx.add.s32.msk vm1, v3  }
0x450: {  	v4 =	vld [tilespmem:s12+$0x870];
	_ =	sdelay $0x4  }
0x451: {  	v5 =	vshrl.u32 v4, $0x8  }
0x452: {  	v5 =	vxor.u32 v1, v5  }
0x453: {  	v4 =	vand.u32 $0xFF, v4;
	vm1 =	veq.s32 v5, $0x800000  }
0x454: {  	p0 =	sne.s32 s10, $0x1E00;
	v4 =	vor.u32 v2, v4  }
.Ltmp13:
0x455: {  	_ = 	snop;
	(pc) =	sbr.rel @p0 .LBB2_27-.Ltmp13, $2  }
0x456: {  	_ =	sdelay $0x2  }
0x457: {  	s10 =	sadd.s32 $0x200, s10;
	[tilespmem:v4+s11+$0x0] =	vst.idx.add.s32.msk vm1, v3  }
0x458: {  	s9 =	sand.u32 $0xF0, s9;
	v3 =	vld [tilespmem:s11+$0x0]  }
0x459: {  	v2 =	vld [tilespmem:s9+$0x1100]  }
0x45a: {  	v4 =	vld [tilespmem:s9+$0x1200]  }
0x45b: {  	v5 =	vld [tilespmem:s9+$0x1300]  }
0x45c: {  	v6 =	vld [tilespmem:s9+$0x1400]  }
0x45d: {  	v7 =	vld [tilespmem:s9+$0x1500]  }
0x45e: {  	v2 =	vadd.s32 v3, v2;
	v3 =	vld [tilespmem:s9+$0x1600]  }
0x45f: {  	v56 =	vld [tilespmem:s9+$0x1700];
	v2 =	vadd.s32 v4, v2  }
0x460: {  	v57 =	vld [tilespmem:s9+$0x1800];
	v2 =	vadd.s32 v5, v2  }
0x461: {  	v58 =	vld [tilespmem:s9+$0x1900];
	v2 =	vadd.s32 v6, v2  }
0x462: {  	v59 =	vld [tilespmem:s9+$0x1A00];
	v2 =	vadd.s32 v7, v2  }
0x463: {  	v2 =	vadd.s32 v3, v2;
	v3 =	vld [tilespmem:s9+$0x1B00]  }
0x464: {  	v60 =	vld [tilespmem:s9+$0x1C00];
	v2 =	vadd.s32 v56, v2  }
0x465: {  	v61 =	vld [tilespmem:s9+$0x1D00];
	v2 =	vadd.s32 v57, v2  }
0x466: {  	v62 =	vld [tilespmem:s9+$0x1E00];
	v2 =	vadd.s32 v58, v2  }
0x467: {  	v63 =	vld [tilespmem:s9+$0x1F00];
	v2 =	vadd.s32 v59, v2  }
0x468: {  	v2 =	vadd.s32 v3, v2  }
0x469: {  	v2 =	vadd.s32 v60, v2  }
0x46a: {  	v2 =	vadd.s32 v61, v2  }
0x46b: {  	v2 =	vadd.s32 v62, v2  }
0x46c: {  	s10 =	simm.s32 $0x10;
	s9 =	simm.s32 $0x2000;
	v2 =	vadd.s32 v63, v2  }
0x46d: {  	s10 =	sand.u32 $0xF0, s10;
	[tilespmem:s9+$0x0] =	vst v2  }
0x46e: {  	s12 =	simm.s32 $0x20;
	s11 =	simm.s32 $0x1010;
	v2 =	vld [tilespmem:s10+$0x1100]  }
.LBB2_29:
0x46f: {  	p0 =	sne.s32 s12, $0xF0;
	v3 =	vld [tilespmem:s11+$0x0]  }
0x470: {  	v4 =	vld [tilespmem:s10+$0x1200]  }
0x471: {  	v5 =	vld [tilespmem:s10+$0x1300]  }
0x472: {  	v6 =	vld [tilespmem:s10+$0x1400]  }
0x473: {  	v7 =	vld [tilespmem:s10+$0x1500]  }
0x474: {  	v2 =	vadd.s32 v3, v2;
	v3 =	vld [tilespmem:s10+$0x1600]  }
0x475: {  	v2 =	vadd.s32 v4, v2;
	v4 =	vld [tilespmem:s10+$0x1700]  }
0x476: {  	v2 =	vadd.s32 v5, v2;
	v5 =	vld [tilespmem:s10+$0x1800]  }
0x477: {  	v2 =	vadd.s32 v6, v2;
	v6 =	vld [tilespmem:s10+$0x1900]  }
0x478: {  	v2 =	vadd.s32 v7, v2;
	v7 =	vld [tilespmem:s10+$0x1A00]  }
0x479: {  	v2 =	vadd.s32 v3, v2;
	v3 =	vld [tilespmem:s10+$0x1B00]  }
0x47a: {  	v2 =	vadd.s32 v4, v2;
	v4 =	vld [tilespmem:s10+$0x1C00]  }
0x47b: {  	v2 =	vadd.s32 v5, v2;
	v5 =	vld [tilespmem:s10+$0x1D00]  }
0x47c: {  	v2 =	vadd.s32 v6, v2;
	v6 =	vld [tilespmem:s10+$0x1E00]  }
0x47d: {  	v2 =	vadd.s32 v7, v2;
	v7 =	vld [tilespmem:s10+$0x1F00]  }
0x47e: {  	v2 =	vadd.s32 v3, v2  }
0x47f: {  	v2 =	vadd.s32 v4, v2  }
.Ltmp14:
0x480: {  	v2 =	vadd.s32 v5, v2;
	(pc) =	sbr.rel @p0 .LBB2_29-.Ltmp14, $4  }
0x481: {  	v2 =	vadd.s32 v6, v2  }
0x482: {  	s9 =	sadd.s32 $0x10, s9;
	v2 =	vadd.s32 v7, v2  }
0x483: {  	s10 =	sand.u32 $0xF0, s12;
	[tilespmem:s9+$0x0] =	vst v2  }
0x484: {  	s11 =	sadd.s32 $0x10, s11;
	s12 =	sadd.s32 $0x10, s12;
	v2 =	vld [tilespmem:s10+$0x1100]  }
0x485: {  	v3 =	vld [tilespmem:s11+$0x0]  }
0x486: {  	v4 =	vld [tilespmem:s10+$0x1200]  }
0x487: {  	v5 =	vld [tilespmem:s10+$0x1300]  }
0x488: {  	v6 =	vld [tilespmem:s10+$0x1400]  }
0x489: {  	v7 =	vld [tilespmem:s10+$0x1500]  }
0x48a: {  	v2 =	vadd.s32 v3, v2;
	v3 =	vld [tilespmem:s10+$0x1600]  }
0x48b: {  	v2 =	vadd.s32 v4, v2;
	v4 =	vld [tilespmem:s10+$0x1700]  }
0x48c: {  	v2 =	vadd.s32 v5, v2;
	v5 =	vld [tilespmem:s10+$0x1800]  }
0x48d: {  	v2 =	vadd.s32 v6, v2;
	v6 =	vld [tilespmem:s10+$0x1900]  }
0x48e: {  	v2 =	vadd.s32 v7, v2;
	v7 =	vld [tilespmem:s10+$0x1A00]  }
0x48f: {  	v2 =	vadd.s32 v3, v2;
	v3 =	vld [tilespmem:s10+$0x1B00]  }
0x490: {  	v2 =	vadd.s32 v4, v2;
	v4 =	vld [tilespmem:s10+$0x1C00]  }
0x491: {  	v2 =	vadd.s32 v5, v2;
	v5 =	vld [tilespmem:s10+$0x1D00]  }
0x492: {  	v2 =	vadd.s32 v6, v2;
	v6 =	vld [tilespmem:s10+$0x1E00]  }
0x493: {  	v2 =	vadd.s32 v7, v2;
	v7 =	vld [tilespmem:s10+$0x1F00]  }
0x494: {  	v2 =	vadd.s32 v3, v2  }
0x495: {  	v2 =	vadd.s32 v4, v2  }
0x496: {  	v2 =	vadd.s32 v5, v2  }
0x497: {  	v2 =	vadd.s32 v6, v2  }
0x498: {  	s9 =	sadd.s32 $0x10, s9;
	v2 =	vadd.s32 v7, v2  }
0x499: {  	s12 =	sadd.s32 $0x3000, s7;
	[tilespmem:s9+$0x0] =	vst v2;
	s9 =	simm.s32 $0x2000  }
0x49a: {  	[spmem:s12] =	stream.linear.scatter [tilespmem:s9], [sflag:$0x1], $0x10, $0x38;
	[tilespmem:$0x2EC0] =	vst v63  }
0x49b: {  	s13 =	sadd.s32 $0x3100, s7;
	s14 =	simm.s32 $0x2010  }
0x49c: {  	[spmem:s13] =	stream.linear.scatter [tilespmem:s14], [sflag:$0x1], $0x10, $0x38;
	[tilespmem:$0x2EC0] =	vst v63  }
0x49d: {  	s15 =	sadd.s32 $0x3200, s7;
	s16 =	simm.s32 $0x2020  }
0x49e: {  	[spmem:s15] =	stream.linear.scatter [tilespmem:s16], [sflag:$0x1], $0x10, $0x38;
	[tilespmem:$0x2EC0] =	vst v63  }
0x49f: {  	s17 =	sadd.s32 $0x3300, s7;
	s18 =	simm.s32 $0x2030  }
0x4a0: {  	[spmem:s17] =	stream.linear.scatter [tilespmem:s18], [sflag:$0x1], $0x10, $0x38;
	[tilespmem:$0x2EC0] =	vst v63  }
0x4a1: {  	s19 =	sadd.s32 $0x3400, s7;
	s20 =	simm.s32 $0x2040  }
0x4a2: {  	[spmem:s19] =	stream.linear.scatter [tilespmem:s20], [sflag:$0x1], $0x10, $0x38;
	[tilespmem:$0x2EC0] =	vst v63  }
0x4a3: {  	s21 =	sadd.s32 $0x3500, s7;
	s22 =	simm.s32 $0x2050  }
0x4a4: {  	[spmem:s21] =	stream.linear.scatter [tilespmem:s22], [sflag:$0x1], $0x10, $0x38;
	[tilespmem:$0x2EC0] =	vst v63  }
0x4a5: {  	s23 =	sadd.s32 $0x3600, s7;
	s24 =	simm.s32 $0x2060  }
0x4a6: {  	[spmem:s23] =	stream.linear.scatter [tilespmem:s24], [sflag:$0x1], $0x10, $0x38;
	[tilespmem:$0x2EC0] =	vst v63  }
0x4a7: {  	s25 =	sadd.s32 $0x3700, s7;
	s26 =	simm.s32 $0x2070  }
0x4a8: {  	[spmem:s25] =	stream.linear.scatter [tilespmem:s26], [sflag:$0x1], $0x10, $0x38;
	[tilespmem:$0x2EC0] =	vst v63  }
0x4a9: {  	s28 =	sadd.s32 $0x3800, s7;
	s29 =	simm.s32 $0x2080  }
0x4aa: {  	[spmem:s28] =	stream.linear.scatter [tilespmem:s29], [sflag:$0x1], $0x10, $0x38;
	[tilespmem:$0x2EC0] =	vst v63  }
0x4ab: {  	s30 =	sadd.s32 $0x3900, s7;
	s31 =	simm.s32 $0x2090  }
0x4ac: {  	[spmem:s30] =	stream.linear.scatter [tilespmem:s31], [sflag:$0x1], $0x10, $0x38;
	[tilespmem:$0x2EC0] =	vst v63  }
0x4ad: {  	s11 =	sadd.s32 $0x3A00, s7;
	s12 =	simm.s32 $0x20A0  }
0x4ae: {  	[spmem:s11] =	stream.linear.scatter [tilespmem:s12], [sflag:$0x1], $0x10, $0x38;
	[tilespmem:$0x2EC0] =	vst v63  }
0x4af: {  	s13 =	sadd.s32 $0x3B00, s7;
	s14 =	simm.s32 $0x20B0  }
0x4b0: {  	[spmem:s13] =	stream.linear.scatter [tilespmem:s14], [sflag:$0x1], $0x10, $0x38;
	[tilespmem:$0x2EC0] =	vst v63  }
0x4b1: {  	s15 =	sadd.s32 $0x3C00, s7;
	s16 =	simm.s32 $0x20C0  }
0x4b2: {  	[spmem:s15] =	stream.linear.scatter [tilespmem:s16], [sflag:$0x1], $0x10, $0x38;
	[tilespmem:$0x2EC0] =	vst v63  }
0x4b3: {  	s17 =	sadd.s32 $0x3D00, s7;
	s18 =	simm.s32 $0x20D0  }
0x4b4: {  	[spmem:s17] =	stream.linear.scatter [tilespmem:s18], [sflag:$0x1], $0x10, $0x38;
	[tilespmem:$0x2EC0] =	vst v63  }
0x4b5: {  	s19 =	sadd.s32 $0x3E00, s7;
	s20 =	simm.s32 $0x20E0  }
0x4b6: {  	[spmem:s19] =	stream.linear.scatter [tilespmem:s20], [sflag:$0x1], $0x10, $0x38;
	[tilespmem:$0x2EC0] =	vst v63  }
0x4b7: {  	s21 =	sadd.s32 $0x3F00, s7;
	s22 =	simm.s32 $0x20F0;
	s23 =	simm.s32 $0x1  }
0x4b8: {  	[spmem:s21] =	stream.linear.scatter [tilespmem:s22], [sflag:$0x1], $0x10, $0x38;
	[tilespmem:$0x2EC0] =	vst v63  }
0x4b9: {  	_ =	swait.ge [sflag:s23], $0x10  }
0x4ba: {  	[sflag:s23] =	ssyncset.done $0x0  }
0x4bb: {  	[sflag:s23] =	ssyncadd.s32 $0xFFFFFFF0  }
0x4bc: {  	_ =	swait.ge [sflag:s23], $0x10  }
0x4bd: {  	[sflag:s23] =	ssyncset.done $0x0  }
0x4be: {  	[sflag:s23] =	ssyncadd.s32 $0xFFFFFFF0  }
0x4bf: {  	_ =	swait.ge [sflag:s23], $0x10  }
0x4c0: {  	[sflag:s23] =	ssyncset.done $0x0  }
0x4c1: {  	[sflag:s23] =	ssyncadd.s32 $0xFFFFFFF0  }
0x4c2: {  	_ =	swait.ge [sflag:s23], $0x10  }
0x4c3: {  	[sflag:s23] =	ssyncset.done $0x0  }
0x4c4: {  	[sflag:s23] =	ssyncadd.s32 $0xFFFFFFF0  }
0x4c5: {  	_ =	swait.ge [sflag:s23], $0x10  }
0x4c6: {  	[sflag:s23] =	ssyncset.done $0x0  }
0x4c7: {  	[sflag:s23] =	ssyncadd.s32 $0xFFFFFFF0  }
0x4c8: {  	_ =	swait.ge [sflag:s23], $0x10  }
0x4c9: {  	[sflag:s23] =	ssyncset.done $0x0  }
0x4ca: {  	[sflag:s23] =	ssyncadd.s32 $0xFFFFFFF0  }
0x4cb: {  	_ =	swait.ge [sflag:s23], $0x10  }
0x4cc: {  	[sflag:s23] =	ssyncset.done $0x0  }
0x4cd: {  	[sflag:s23] =	ssyncadd.s32 $0xFFFFFFF0  }
0x4ce: {  	_ =	swait.ge [sflag:s23], $0x10  }
0x4cf: {  	[sflag:s23] =	ssyncset.done $0x0  }
0x4d0: {  	[sflag:s23] =	ssyncadd.s32 $0xFFFFFFF0  }
0x4d1: {  	_ =	swait.ge [sflag:s23], $0x10  }
0x4d2: {  	[sflag:s23] =	ssyncset.done $0x0  }
0x4d3: {  	[sflag:s23] =	ssyncadd.s32 $0xFFFFFFF0  }
0x4d4: {  	_ =	swait.ge [sflag:s23], $0x10  }
0x4d5: {  	[sflag:s23] =	ssyncset.done $0x0  }
0x4d6: {  	[sflag:s23] =	ssyncadd.s32 $0xFFFFFFF0  }
0x4d7: {  	_ =	swait.ge [sflag:s23], $0x10  }
0x4d8: {  	[sflag:s23] =	ssyncset.done $0x0  }
0x4d9: {  	[sflag:s23] =	ssyncadd.s32 $0xFFFFFFF0  }
0x4da: {  	_ =	swait.ge [sflag:s23], $0x10  }
0x4db: {  	[sflag:s23] =	ssyncset.done $0x0  }
0x4dc: {  	[sflag:s23] =	ssyncadd.s32 $0xFFFFFFF0  }
0x4dd: {  	_ =	swait.ge [sflag:s23], $0x10  }
0x4de: {  	[sflag:s23] =	ssyncset.done $0x0  }
0x4df: {  	[sflag:s23] =	ssyncadd.s32 $0xFFFFFFF0  }
0x4e0: {  	_ =	swait.ge [sflag:s23], $0x10  }
0x4e1: {  	[sflag:s23] =	ssyncset.done $0x0  }
0x4e2: {  	[sflag:s23] =	ssyncadd.s32 $0xFFFFFFF0  }
0x4e3: {  	_ =	swait.ge [sflag:s23], $0x10  }
0x4e4: {  	[sflag:s23] =	ssyncset.done $0x0  }
0x4e5: {  	[sflag:s23] =	ssyncadd.s32 $0xFFFFFFF0  }
0x4e6: {  	_ =	swait.ge [sflag:s23], $0x10  }
0x4e7: {  	s6 =	sshll.u32 s6, $0x8;
	[sflag:s23] =	ssyncset.done $0x0  }
0x4e8: {  	s6 =	sadd.s32 s6, s4;
	[sflag:s23] =	ssyncadd.s32 $0xFFFFFFF0  }
0x4e9: {  	s24 =	simm.s32 $0x2180;
	s25 =	simm.s32 $0x2;
	[bflag:$0x0] =	sbarrier.arrive $0xFFFF  }
0x4ea: {  	[tilespmem:s24], [sflag:$0x2] =	stream.linear.gather [spmem:s6], $0x100, $0x38;
	[tilespmem:$0x2EC0] =	vst v63  }
0x4eb: {  	_ =	swait.ge [sflag:s25], $0x100  }
0x4ec: {  	[sflag:s25] =	ssyncset.done $0x0  }
0x4ed: {  	[sflag:s25] =	ssyncadd.s32 $0xFFFFFF00  }
0x4ee: {  	v2 =	vld [tilespmem:$0x2180]  }
0x4ef: {  	v3 =	vld [tilespmem:$0x2190]  }
0x4f0: {  	v4 =	vld [tilespmem:$0x21A0]  }
0x4f1: {  	v5 =	vld [tilespmem:$0x21B0]  }
0x4f2: {  	v6 =	vld [tilespmem:$0x21C0]  }
0x4f3: {  	v7 =	vld [tilespmem:$0x21D0]  }
0x4f4: {  	v2 =	vadd.s32 v2, v3;
	v3 =	vld [tilespmem:$0x21E0]  }
0x4f5: {  	v2 =	vadd.s32 v4, v2;
	v4 =	vld [tilespmem:$0x21F0]  }
0x4f6: {  	v2 =	vadd.s32 v5, v2;
	v5 =	vld [tilespmem:$0x2200]  }
0x4f7: {  	v2 =	vadd.s32 v6, v2;
	v6 =	vld [tilespmem:$0x2210]  }
0x4f8: {  	v2 =	vadd.s32 v7, v2;
	v7 =	vld [tilespmem:$0x2220]  }
0x4f9: {  	v2 =	vadd.s32 v3, v2;
	v3 =	vld [tilespmem:$0x2230]  }
0x4fa: {  	v2 =	vadd.s32 v4, v2;
	v4 =	vld [tilespmem:$0x2240]  }
0x4fb: {  	v2 =	vadd.s32 v5, v2;
	v5 =	vld [tilespmem:$0x2250]  }
0x4fc: {  	v2 =	vadd.s32 v6, v2;
	v6 =	vld [tilespmem:$0x2260]  }
0x4fd: {  	v2 =	vadd.s32 v7, v2;
	v7 =	vld [tilespmem:$0x2270]  }
0x4fe: {  	v2 =	vadd.s32 v3, v2  }
0x4ff: {  	v2 =	vadd.s32 v4, v2  }
0x500: {  	v2 =	vadd.s32 v5, v2  }
0x501: {  	v2 =	vadd.s32 v6, v2  }
0x502: {  	v2 =	vadd.s32 v7, v2  }
0x503: {  	s8 =	sadd.s32 $0x300, s8;
	s26 =	simm.s32 $0x2100;
	[tilespmem:$0x2100] =	vst v2  }
0x504: {  	[spmem:s8] =	stream.linear.scatter [tilespmem:s26], [sflag:$0x2], $0x10, $0x38;
	[tilespmem:$0x2EC0] =	vst v63  }
0x505: {  	_ =	swait.ge [sflag:s25], $0x10  }
0x506: {  	[sflag:s25] =	ssyncset.done $0x0  }
0x507: {  	[sflag:s25] =	ssyncadd.s32 $0xFFFFFFF0  }
0x508: {  	s5 =	sadd.s32 $0x300, s5;
	[bflag:$0x0] =	sbarrier.arrive $0xFFFF  }
0x509: {  	[tilespmem:s9], [sflag:$0x2] =	stream.linear.gather [spmem:s5], $0x100, $0x38;
	[tilespmem:$0x2EC0] =	vst v63  }
0x50a: {  	_ =	swait.ge [sflag:s25], $0x100  }
0x50b: {  	[sflag:s25] =	ssyncset.done $0x0  }
0x50c: {  	[sflag:s25] =	ssyncadd.s32 $0xFFFFFF00  }
0x50d: {  	v4 =	vld [tilespmem:s22+$0x0]  }
0x50e: {  	v2 =	vlaneseq.u32  }
0x50f: {  	v3 =	vmul.u32 $0xFFFFFFFF, v2;
	_ =	sdelay $0x1  }
0x510: {  	v3 =	vadd.s32 $0xF, v3  }
0x511: {  	v5 =	vperm.xlane v4, v3;
	_ =	sdelay $0x1  }
0x512: {  	(xrf0) =	vadd.scan.msk.s32 $0xffff, v5;
	_ =	sdelay $0x1  }
0x513: {  	s28 =	simm.s32 $0x20E0  }
0x514: {  	v5 =	vld [tilespmem:s28+$0x0];
	_ =	sdelay $0x2  }
0x515: {  	v6, _, _ =	vpop (xrf0)  }
0x516: {  	v6 =	vperm.xlane v6, v3  }
0x517: {  	v7 =	vimm.s32 $0x0;
	v8 =	vperm.xlane v5, v3  }
0x518: {  	v9 =	vadd.s32 v7, v6  }
0x519: {  	(xrf0) =	vadd.scan.msk.s32 $0xffff, v8;
	v6 =	vnsel vm0, $0x0, v9  }
0x51a: {  	(xrf0) =	vadd.scan.msk.s32 $0xffff, v6;
	_ =	sdelay $0x1  }
0x51b: {  	s29 =	simm.s32 $0x20D0;
	vm1 =	vge.s32 v9, v0  }
0x51c: {  	v8 =	vmpcnt.ones.xlane vm1;
	v6 =	vld [tilespmem:s29+$0x0];
	_ =	sdelay $0x1  }
0x51d: {  	v10 =	vadd.s32 $0xFFFFFFFF, v8;
	v11, _, _ =	vpop (xrf0)  }
0x51e: {  	vm1 =	veq.s32 v10, v2;
	v12, _, _ =	vpop (xrf0)  }
0x51f: {  	v11 =	vperm.xlane v11, v3;
	v9 =	vnsel vm1, $0x0, v9;
	v12 =	vbroadcast v12, $0xF  }
0x520: {  	v4 =	vnsel vm1, $0x0, v4;
	(xrf0) =	vadd.scan.msk.s32 $0xffff, v9;
	v9 =	vperm.xlane v6, v3  }
0x521: {  	(xrf0) =	vadd.scan.msk.s32 $0xffff, v4;
	v4 =	vadd.s32 v12, v11  }
0x522: {  	s30 =	simm.s32 $0xF0;
	(xrf0) =	vadd.scan.msk.s32 $0xffff, v9;
	vm1 =	vge.s32 v4, v0;
	v9 =	vnsel vm0, $0x0, v4  }
0x523: {  	vm3 =	vgt.s32 v8, $0x0;
	v8 =	vmpcnt.ones.xlane vm1;
	(xrf0) =	vadd.scan.msk.s32 $0xffff, v9;
	v9 =	vadd.s32 s30, v10  }
0x524: {  	vm2 =	veq.s32 v7, $0x0  }
0x525: {  	vm1 =	vmand vm2, vm3  }
0x526: {  	v11 =	vsel vm1, $0x1, v7;
	v63 =	vsel vm1, v9, v7;
	v7 =	vadd.s32 $0xFFFFFFFF, v8;
	v9, _, _ =	vpop (xrf0)  }
0x527: {  	s8 =	simm.s32 $0x20C0;
	vm3 =	vgt.s32 v8, $0x0;
	vm4 =	veq.s32 v7, v2;
	v8, _, _ =	vpop (xrf0)  }
0x528: {  	vm2 =	veq.s32 v11, $0x0;
	v4 =	vnsel vm4, $0x0, v4;
	v8 =	vsub.s32 v8, v9;
	v9 =	vld [tilespmem:s8+$0x0]  }
0x529: {  	s31 =	simm.s32 $0xE0;
	vm1 =	vmmov vm1;
	vm2 =	vmand vm2, vm3  }
0x52a: {  	s7 =	simm.s32 $0xD0;
	v14 =	vadd.s32 s31, v7;
	v13 =	vnsel vm4, $0x0, v5;
	v10, _, _ =	vpop (xrf0);
	(xrf0) =	vadd.scan.msk.s32 $0xffff, v4;
	v5 =	vbroadcast v8, $0xF  }
0x52b: {  	s6 =	simm.s32 $0xC0;
	s5 =	simm.s32 $0xB0;
	s9 =	simm.s32 $0xA0;
	v7 =	vsel vm2, $0x1, v11;
	v8 =	vsel vm2, v14, v63;
	(xrf0) =	vadd.scan.msk.s32 $0xffff, v13;
	v11, _, _ =	vpop (xrf0);
	v4 =	vmov v0  }
.LBB2_31:
0x52c: {  	p0 =	sne.s32 s9, $0x0;
	v10 =	vperm.xlane v10, v3;
	v11 =	vbroadcast v11, $0xF;
	v13 =	vadd.s32 v0, v5  }
0x52d: {  	v14 =	vperm.xlane v9, v3;
	v4 =	vsel vm1, v13, v4;
	v5 =	vmovc v9;
	vm1 =	vmmov vm2  }
0x52e: {  	v10 =	vadd.s32 v11, v10  }
0x52f: {  	(xrf0) =	vadd.scan.msk.s32 $0xffff, v14;
	vm2 =	vge.s32 v10, v0;
	v9 =	vnsel vm0, $0x0, v10  }
0x530: {  	v11 =	vmpcnt.ones.xlane vm2;
	(xrf0) =	vadd.scan.msk.s32 $0xffff, v9;
	v12, _, _ =	vpop (xrf0)  }
0x531: {  	v13, _, _ =	vpop (xrf0)  }
.Ltmp15:
0x532: {  	s8 =	sadd.s32 $0xFFFFFFF0, s8;
	vm2 =	veq.s32 v7, $0x0;
	v14 =	vadd.s32 $0xFFFFFFFF, v11;
	vm3 =	vgt.s32 v11, $0x0;
	(pc) =	sbr.rel @p0 .LBB2_31-.Ltmp15, $4  }
0x533: {  	v11 =	vsub.s32 v13, v12;
	v9 =	vld [tilespmem:s8+$0x0];
	vm4 =	veq.s32 v14, v2;
	vm2 =	vmand vm2, vm3  }
0x534: {  	v12 =	vnsel vm4, $0x0, v10;
	v13 =	vnsel vm4, $0x0, v6;
	v7 =	vsel vm2, $0x1, v7;
	v6 =	vmovc v5  }
0x535: {  	v14 =	vadd.s32 s7, v14;
	s7 =	smov.u32 s6;
	s6 =	smov.u32 s5;
	s5 =	smov.u32 s9;
	v5 =	vbroadcast v11, $0xF;
	v10, _, _ =	vpop (xrf0);
	(xrf0) =	vadd.scan.msk.s32 $0xffff, v12  }
0x536: {  	s9 =	sadd.s32 $0xFFFFFFF0, s9;
	v8 =	vsel vm2, v14, v8;
	(xrf0) =	vadd.scan.msk.s32 $0xffff, v13;
	v11, _, _ =	vpop (xrf0)  }
0x537: {  	v10 =	vperm.xlane v10, v3;
	v11 =	vbroadcast v11, $0xF  }
0x538: {  	v12 =	vperm.xlane v9, v3  }
0x539: {  	v10 =	vadd.s32 v11, v10  }
0x53a: {  	(xrf0) =	vadd.scan.msk.s32 $0xffff, v12;
	v11 =	vnsel vm0, $0x0, v10  }
0x53b: {  	(xrf0) =	vadd.scan.msk.s32 $0xffff, v11;
	_ =	sdelay $0x1  }
0x53c: {  	s8 =	sadd.s32 $0xFFFFFFF0, s8;
	vm3 =	vge.s32 v10, v0  }
0x53d: {  	v13 =	vld [tilespmem:s8+$0x0];
	v35 =	vmpcnt.ones.xlane vm3;
	v36, _, _ =	vpop (xrf0)  }
0x53e: {  	v14, _, _ =	vpop (xrf0)  }
0x53f: {  	v15 =	vadd.s32 $0xFFFFFFFF, v35;
	v16, _, _ =	vpop (xrf0)  }
0x540: {  	vm9 =	veq.s32 v15, v2;
	v17, _, _ =	vpop (xrf0)  }
0x541: {  	v10 =	vnsel vm9, $0x0, v10;
	v16 =	vperm.xlane v16, v3;
	v17 =	vbroadcast v17, $0xF  }
0x542: {  	v37 =	vperm.xlane v13, v3;
	v6 =	vnsel vm9, $0x0, v6;
	(xrf0) =	vadd.scan.msk.s32 $0xffff, v10  }
0x543: {  	(xrf0) =	vadd.scan.msk.s32 $0xffff, v6;
	v38 =	vadd.s32 v17, v16  }
0x544: {  	(xrf0) =	vadd.scan.msk.s32 $0xffff, v37;
	v39 =	vnsel vm0, $0x0, v38  }
0x545: {  	(xrf0) =	vadd.scan.msk.s32 $0xffff, v39;
	_ =	sdelay $0x2  }
0x546: {  	v40, _, _ =	vpop (xrf0)  }
0x547: {  	v41, _, _ =	vpop (xrf0)  }
0x548: {  	vm10 =	veq.s32 v7, $0x0;
	vm4 =	vgt.s32 v35, $0x0;
	vm5 =	vge.s32 v38, v0;
	v42, _, _ =	vpop (xrf0)  }
0x549: {  	vm3 =	vmand vm10, vm4;
	v15 =	vadd.s32 s7, v15;
	v43 =	vmpcnt.ones.xlane vm5;
	v18, _, _ =	vpop (xrf0)  }
0x54a: {  	v45 =	vsel vm3, $0x1, v7;
	v3 =	vperm.xlane v42, v3;
	v44 =	vbroadcast v18, $0xF  }
0x54b: {  	v8 =	vsel vm3, v15, v8;
	vm12 =	veq.s32 v45, $0x0;
	v46 =	vadd.s32 $0xFFFFFFFF, v43  }
0x54c: {  	vm11 =	vgt.s32 v43, $0x0;
	vm6 =	veq.s32 v46, v2;
	v3 =	vadd.s32 v44, v3  }
0x54d: {  	vm4 =	vmand vm12, vm11;
	v48 =	vadd.s32 s6, v46;
	vm13 =	vge.s32 v3, v0  }
0x54e: {  	v6 =	vnsel vm6, $0x0, v38;
	v7 =	vsel vm4, $0x1, v45;
	v49 =	vmpcnt.ones.xlane vm13  }
0x54f: {  	v47 =	vnsel vm6, $0x0, v9;
	v8 =	vsel vm4, v48, v8;
	vm14 =	veq.s32 v7, $0x0  }
0x550: {  	(xrf0) =	vadd.scan.msk.s32 $0xffff, v6;
	v50 =	vnsel vm0, $0x0, v3;
	v51 =	vadd.s32 $0xFFFFFFFF, v49;
	vm15 =	vgt.s32 v49, $0x0  }
0x551: {  	(xrf0) =	vadd.scan.msk.s32 $0xffff, v47;
	vm5 =	vmand vm14, vm15;
	vm9 =	veq.s32 v51, v2;
	v2 =	vadd.s32 s5, v51  }
0x552: {  	(xrf0) =	vadd.scan.msk.s32 $0xffff, v50;
	v3 =	vnsel vm9, $0x0, v3;
	v6 =	vsel vm5, v2, v8  }
0x553: {  	v2 =	vnsel vm9, $0x0, v13;
	(xrf0) =	vadd.scan.msk.s32 $0xffff, v3;
	v3 =	vshra.s32 v6, $0x4  }
0x554: {  	(xrf0) =	vadd.scan.msk.s32 $0xffff, v2;
	v2 =	vnsel vm0, $0x0, v3;
	_ =	sdelay $0x1  }
0x555: {  	(xrf0) =	vadd.scan.msk.s32 $0xffff, v2  }
0x556: {  	v2, _, _ =	vpop (xrf0)  }
0x557: {  	v3, _, _ =	vpop (xrf0)  }
0x558: {  	v52, _, _ =	vpop (xrf0)  }
0x559: {  	v7, _, _ =	vpop (xrf0)  }
0x55a: {  	v53, _, _ =	vpop (xrf0)  }
0x55b: {  	v54, _, _ =	vpop (xrf0)  }
0x55c: {  	(v2sf) =	vpush v54, $0xF;
	_ =	sdelay $0xe  }
0x55d: {  	s28 =	spop (v2sf)  }
0x55e: {  	v55 =	vlaneseq.u32;
	s5 =	sshll.u32 s28, $0xA  }
0x55f: {  	v56 =	vmul.u32 $0x10, v55;
	s5 =	sshra.s32 s5, $0x2  }
0x560: {  	v57 =	vand.u32 $0xF, v6;
	s4 =	sadd.s32 s5, s4  }
0x561: {  	s29 =	simm.s32 $0x2180;
	s30 =	simm.s32 $0x2;
	v11 =	vor.u32 v56, v57;
	s4 =	sadd.s32 $0x3000, s4  }
0x562: {  	[tilespmem:s29], [sflag:$0x2] =	stream.linear.gather [spmem:s4], $0x100, $0x38;
	[tilespmem:$0x2EC0] =	vst v63  }
0x563: {  	_ =	swait.ge [sflag:s30], $0x100  }
0x564: {  	[sflag:s30] =	ssyncset.done $0x0  }
0x565: {  	[sflag:s30] =	ssyncadd.s32 $0xFFFFFF00  }
0x566: {  	v11 =	vld.idx.msk [tilespmem:v11+s29+$0x0], $0xffff;
	_ =	sdelay $0x4  }
0x567: {  	(xrf0) =	vadd.scan.msk.s32 $0xffff, v11;
	_ =	sdelay $0x4  }
0x568: {  	v5 =	vadd.s32 v0, v5  }
0x569: {  	v58 =	vmov s1;
	v4 =	vsel vm1, v5, v4;
	v60 =	vsub.s32 v14, v36;
	v59, _, _ =	vpop (xrf0)  }
0x56a: {  	vm10 =	veq.s32 v58, v55;
	v62 =	vsub.s32 v41, v40;
	v61 =	vsub.s32 v59, v11  }
0x56b: {  	v5 =	vbroadcast v62, $0xF;
	v9 =	vbroadcast v60, $0xF;
	v12 =	vnsel vm10, $0x0, v61  }
0x56c: {  	vm11 =	vmmov vm2;
	(xrf0) =	vadd.scan.msk.s32 $0xffff, v12  }
0x56d: {  	vm12 =	vmmov vm3;
	v5 =	vadd.s32 v0, v5;
	v9 =	vadd.s32 v0, v9  }
0x56e: {  	v4 =	vsel vm11, v9, v4;
	v2 =	vsub.s32 v3, v2;
	v3 =	vnsel vm10, $0x0, v11  }
0x56f: {  	v2 =	vbroadcast v2, $0xF;
	(xrf0) =	vadd.scan.msk.s32 $0xffff, v3;
	v3 =	vsel vm12, v5, v4  }
0x570: {  	v63 =	vsub.s32 v53, v7  }
0x571: {  	vm13 =	vmmov vm4;
	v2 =	vadd.s32 v0, v2;
	v4 =	vbroadcast v63, $0xF  }
0x572: {  	v2 =	vsel vm13, v2, v3;
	v3, _, _ =	vpop (xrf0)  }
0x573: {  	vm14 =	vmmov vm5;
	v0 =	vadd.s32 v0, v4;
	v3 =	vbroadcast v3, $0xF  }
0x574: {  	v0 =	vsel vm14, v0, v2  }
0x575: {  	v2, _, _ =	vpop (xrf0);
	v0 =	vsub.s32 v0, v3  }
0x576: {  	v2 =	vbroadcast v2, $0xF;
	vm15 =	vgt.s32 v0, $0x0  }
0x577: {  	v0 =	vnsel vm15, $0x0, v0  }
0x578: {  	vm0 =	vlt.s32 v2, v0  }
0x579: {  	v2 =	vsel vm0, v2, v0  }
0x57a: {  	v0 =	vimm.f32 $0.0e+00;
	vm0 =	vgt.s32 v2, $0x0  }
0x57b: {  	v3 =	vsel vm0, $0x3F800000, v0  }
0x57c: {  	(xrf0) =	vmax.scan.msk.f32 $0xffff, v3;
	_ =	sdelay $0x5  }
0x57d: {  	v3, _, _ =	vpop (xrf0)  }
0x57e: {  	(v2sf) =	vpush v3, $0xF;
	_ =	sdelay $0xe  }
0x57f: {  	s31 =	spop (v2sf)  }
0x580: {  	p0 =	sgt.f32 s31, $0.0e+00  }
.Ltmp16:
0x581: {  	_ = 	snop;
	(pc) =	sbr.rel @!p0 .LBB2_36-.Ltmp16, $4  }
0x582: {  	_ = 	snop  }
0x583: {  	v1 =	vshll.u32 v1, $0x8  }
0x584: {  	v1 =	vor.u32 v1, v6  }
0x585: {  	s2 =	sadd.s32 s2, s3;
	v1 =	vxor.u32 $0x80000000, v1  }
0x586: {  	s4 =	simm.s32 $0x0  }
0x587: {  	v4 =	vld [tilespmem:s4+$0x800];
	_ =	sdelay $0x3  }
0x588: {  	s3 =	simm.s32 $0x10  }
0x589: {  	v3 =	vimm.s32 $0x0;
	v5 =	vld [tilespmem:s3+$0x800];
	vm0 =	veq.s32 v4, v1  }
0x58a: {  	s5 =	simm.s32 $0x20;
	v6 =	vsel vm0, $0x1, v3  }
0x58b: {  	(xrf0) =	vadd.scan.msk.s32 $0xffff, v6;
	v6 =	vld [tilespmem:s5+$0x800];
	_ =	sdelay $0x2  }
0x58c: {  	vm1 =	veq.s32 v5, v1  }
0x58d: {  	v7 =	vsel vm1, $0x1, v3  }
0x58e: {  	vm4 =	veq.s32 v6, v1  }
0x58f: {  	vm2 =	vgt.s32 v4, v1;
	(xrf0) =	vadd.scan.msk.s32 $0xffff, v7;
	v4 =	vsel vm4, $0x1, v3  }
0x590: {  	s6 =	simm.s32 $0x30;
	v7, _, _ =	vpop (xrf0);
	(xrf0) =	vadd.scan.msk.s32 $0xffff, v4  }
0x591: {  	vm3 =	vgt.s32 v5, v1;
	v5 =	vld [tilespmem:s6+$0x800]  }
0x592: {  	vm0 =	vmmov vm0;
	vm3 =	vmmov vm3  }
0x593: {  	vm1 =	vmmov vm1;
	vm0 =	vmmov vm0;
	(v2sf) =	vpush v7, $0xF  }
0x594: {  	vm3 =	vmmov vm3;
	vm1 =	vmmov vm1;
	vm0 =	vmmov vm0  }
0x595: {  	vm8 =	vmmov vm1;
	vm7 =	vmmov vm0;
	vm0 =	vmmov vm3;
	v4, _, _ =	vpop (xrf0)  }
0x596: {  	vm3 =	veq.s32 v5, v1;
	vm1 =	vgt.s32 v5, v1;
	(v2sf) =	vpush v4, $0xF;
	v5, _, _ =	vpop (xrf0)  }
0x597: {  	(v2sf) =	vpush v5, $0xF;
	_ =	sdelay $0x2  }
0x598: {  	vm2 =	vmmov vm2  }
0x599: {  	vm2 =	vmmov vm2  }
0x59a: {  	s8 =	simm.s32 $0x40;
	vm2 =	vmmov vm2;
	vm5 =	vgt.s32 v6, v1;
	v6 =	vsel vm3, $0x1, v3  }
0x59b: {  	s7 =	simm.s32 $0x0;
	vm2 =	vmmov vm2;
	vm1 =	vmmov vm1;
	vm5 =	vmmov vm5;
	(xrf0) =	vadd.scan.msk.s32 $0xffff, v6;
	v6 =	vld [tilespmem:s8+$0x800]  }
0x59c: {  	vm4 =	vmmov vm4;
	vm6 =	vmmov vm5;
	v7 =	vadd.s32 s7, v7  }
0x59d: {  	vm4 =	vmmov vm4;
	vm5 =	vmmov vm3;
	vm9 =	vle.s32 v7, v2  }
0x59e: {  	s9 =	simm.s32 $0x140;
	vm3 =	vmmov vm8;
	vm4 =	vmmov vm4;
	vm7 =	vmand vm7, vm9  }
.LBB2_34:
0x59f: {  	s10 =	sshra.s32 s9, $0x2;
	vm7 =	vmor vm2, vm7;
	vm2 =	vmmov vm0;
	vm0 =	vmmov vm6;
	p0 =	seq.s32 s9, $0x1FC0  }
.Ltmp17:
0x5a0: {  	s9 =	sadd.s32 $0x40, s9;
	vm8 =	vgt.s32 v6, v1;
	vm9 =	veq.s32 v6, v1;
	v7 =	vsel vm7, $0x3F800000, v0;
	s11 =	spop (v2sf);
	(pc) =	sbr.rel @!p0 .LBB2_34-.Ltmp17, $4  }
0x5a1: {  	vm6 =	vmmov vm1;
	v6 =	vld [tilespmem:s10+$0x800];
	v8 =	vsel vm9, $0x1, v3;
	[tilespmem:s4+$0x2280] =	vst v7;
	s7 =	sadd.s32 s7, s11;
	vm1 =	vmmov vm8;
	s4 =	smov.u32 s3;
	s3 =	smov.u32 s5  }
0x5a2: {  	vm8 =	vmmov vm5;
	s5 =	smov.u32 s6;
	s6 =	smov.u32 s8;
	s8 =	smov.u32 s10;
	(xrf0) =	vadd.scan.msk.s32 $0xffff, v8;
	v7 =	vadd.s32 s7, v4;
	v4 =	vmov v5;
	v5, _, _ =	vpop (xrf0)  }
0x5a3: {  	vm5 =	vmmov vm9;
	(v2sf) =	vpush v5, $0xF;
	vm7 =	vle.s32 v7, v2  }
0x5a4: {  	vm7 =	vmand vm3, vm7;
	vm3 =	vmmov vm4;
	vm4 =	vmmov vm8  }
0x5a5: {  	_ =	sdelay $0x1  }
0x5a6: {  	vm8 =	veq.s32 v6, v1  }
0x5a7: {  	v3 =	vsel vm8, $0x1, v3;
	v7, _, _ =	vpop (xrf0)  }
0x5a8: {  	(xrf0) =	vadd.scan.msk.s32 $0xffff, v3;
	(v2sf) =	vpush v7, $0xF;
	_ =	sdelay $0x5  }
0x5a9: {  	v3, _, _ =	vpop (xrf0)  }
0x5aa: {  	vm2 =	vmor vm2, vm7;
	s9 =	spop (v2sf);
	vm0 =	vmmov vm0;
	(v2sf) =	vpush v3, $0xF  }
0x5ab: {  	vm6 =	vmmov vm6;
	vm1 =	vmmov vm1;
	vm5 =	vmmov vm5  }
0x5ac: {  	vm4 =	vmmov vm4;
	vm14 =	vgt.s32 v6, v1;
	v57 =	vsel vm2, $0x3F800000, v0  }
0x5ad: {  	s7 =	sadd.s32 s7, s9;
	s28 =	spop (v2sf);
	vm5 =	vmmov vm5;
	vm13 =	vmmov vm6;
	vm1 =	vmmov vm1  }
0x5ae: {  	vm15 =	vmmov vm14;
	v4 =	vadd.s32 s7, v4;
	vm8 =	vmmov vm8;
	s7 =	sadd.s32 s7, s28  }
0x5af: {  	vm1 =	vmmov vm1;
	vm12 =	vle.s32 v4, v2;
	v58 =	vadd.s32 s7, v5  }
0x5b0: {  	vm2 =	vmmov vm15;
	vm15 =	vmmov vm8;
	vm8 =	vmmov vm5  }
0x5b1: {  	vm3 =	vmand vm3, vm12;
	vm14 =	vle.s32 v58, v2;
	vm9 =	vmmov vm15;
	s29 =	spop (v2sf)  }
0x5b2: {  	vm2 =	vmmov vm2;
	vm0 =	vmor vm0, vm3;
	vm11 =	vmmov vm9;
	s7 =	sadd.s32 s7, s29;
	s30 =	spop (v2sf)  }
0x5b3: {  	v59 =	vsel vm0, $0x3F800000, v0;
	vm0 =	vmand vm4, vm14;
	v60 =	vadd.s32 s7, v7;
	s7 =	sadd.s32 s7, s30  }
0x5b4: {  	vm0 =	vmor vm13, vm0;
	vm10 =	vle.s32 v60, v2;
	v3 =	vadd.s32 s7, v3  }
.Ltmp18:
0x5b5: {  	[tilespmem:s4+$0x2280] =	vst v57;
	v61 =	vsel vm0, $0x3F800000, v0;
	vm0 =	vmand vm8, vm10;
	vm12 =	vle.s32 v3, v2;
	(pc) =	sbr.rel .LBB2_39-.Ltmp18, $4  }
0x5b6: {  	[tilespmem:s3+$0x2280] =	vst v59;
	vm13 =	vmmov vm2;
	vm0 =	vmor vm1, vm0;
	vm14 =	vmand vm11, vm12  }
0x5b7: {  	[tilespmem:s5+$0x2280] =	vst v61;
	v62 =	vsel vm0, $0x3F800000, v0;
	vm15 =	vmor vm13, vm14  }
0x5b8: {  	[tilespmem:s6+$0x2280] =	vst v62;
	v63 =	vsel vm15, $0x3F800000, v0  }
0x5b9: {  	s31 =	spop (v2sf);
	[tilespmem:s8+$0x2280] =	vst v63  }
.LBB2_36:
0x5ba: {  	s4 =	simm.s32 $0x0  }
0x5bb: {  	v2 =	vld [tilespmem:s4+$0x870]  }
0x5bc: {  	v4 =	vld [tilespmem:s4+$0x800]  }
0x5bd: {  	v7 =	vld [tilespmem:s4+$0x810]  }
0x5be: {  	v6 =	vld [tilespmem:s4+$0x820]  }
0x5bf: {  	v5 =	vld [tilespmem:s4+$0x830]  }
0x5c0: {  	v3 =	vld [tilespmem:s4+$0x840];
	vm0 =	vgt.s32 v2, v1  }
0x5c1: {  	v2 =	vld [tilespmem:s4+$0x850];
	vm1 =	vgt.s32 v4, v1;
	v8 =	vsel vm0, $0x3F800000, v0  }
0x5c2: {  	s3 =	simm.s32 $0x80;
	s5 =	simm.s32 $0x400;
	v4 =	vld [tilespmem:s4+$0x860];
	vm0 =	vgt.s32 v7, v1;
	v7 =	vsel vm1, $0x3F800000, v0;
	[tilespmem:s4+$0x22F0] =	vst v8  }
.LBB2_37:
0x5c3: {  	p0 =	sne.s32 s5, $0x1E00;
	v8 =	vld [tilespmem:s3+$0x870];
	[tilespmem:s4+$0x2280] =	vst v7;
	v7 =	vsel vm0, $0x3F800000, v0;
	vm0 =	vgt.s32 v6, v1  }
0x5c4: {  	v9 =	vld [tilespmem:s3+$0x800];
	[tilespmem:s4+$0x2290] =	vst v7;
	v6 =	vsel vm0, $0x3F800000, v0;
	vm0 =	vgt.s32 v5, v1  }
0x5c5: {  	v10 =	vld [tilespmem:s3+$0x810];
	[tilespmem:s4+$0x22A0] =	vst v6;
	v5 =	vsel vm0, $0x3F800000, v0;
	vm0 =	vgt.s32 v3, v1  }
.Ltmp19:
0x5c6: {  	v6 =	vld [tilespmem:s3+$0x820];
	[tilespmem:s4+$0x22B0] =	vst v5;
	v3 =	vsel vm0, $0x3F800000, v0;
	vm0 =	vgt.s32 v2, v1;
	(pc) =	sbr.rel @p0 .LBB2_37-.Ltmp19, $4  }
0x5c7: {  	v5 =	vld [tilespmem:s3+$0x830];
	[tilespmem:s4+$0x22C0] =	vst v3;
	v2 =	vsel vm0, $0x3F800000, v0;
	vm0 =	vgt.s32 v4, v1  }
0x5c8: {  	v3 =	vld [tilespmem:s3+$0x840];
	vm1 =	vgt.s32 v8, v1;
	[tilespmem:s4+$0x22D0] =	vst v2;
	v4 =	vsel vm0, $0x3F800000, v0  }
0x5c9: {  	vm0 =	vgt.s32 v9, v1;
	v2 =	vld [tilespmem:s3+$0x850];
	v8 =	vsel vm1, $0x3F800000, v0;
	[tilespmem:s4+$0x22E0] =	vst v4;
	s4 =	smov.u32 s3  }
0x5ca: {  	s3 =	sshra.s32 s5, $0x2;
	s5 =	sadd.s32 $0x200, s5;
	v7 =	vsel vm0, $0x3F800000, v0;
	vm0 =	vgt.s32 v10, v1;
	v4 =	vld [tilespmem:s4+$0x860];
	[tilespmem:s4+$0x22F0] =	vst v8  }
0x5cb: {  	v8 =	vld [tilespmem:s3+$0x870];
	[tilespmem:s4+$0x2280] =	vst v7;
	v52 =	vsel vm0, $0x3F800000, v0;
	vm4 =	vgt.s32 v6, v1  }
0x5cc: {  	v9 =	vld [tilespmem:s3+$0x800];
	[tilespmem:s4+$0x2290] =	vst v52;
	v6 =	vsel vm4, $0x3F800000, v0;
	vm5 =	vgt.s32 v5, v1  }
0x5cd: {  	v7 =	vld [tilespmem:s3+$0x810];
	[tilespmem:s4+$0x22A0] =	vst v6;
	v5 =	vsel vm5, $0x3F800000, v0;
	vm6 =	vgt.s32 v3, v1  }
0x5ce: {  	v6 =	vld [tilespmem:s3+$0x820];
	[tilespmem:s4+$0x22B0] =	vst v5;
	v3 =	vsel vm6, $0x3F800000, v0;
	vm7 =	vgt.s32 v2, v1  }
0x5cf: {  	v5 =	vld [tilespmem:s3+$0x830];
	[tilespmem:s4+$0x22C0] =	vst v3;
	v2 =	vsel vm7, $0x3F800000, v0;
	vm8 =	vgt.s32 v4, v1  }
0x5d0: {  	v3 =	vld [tilespmem:s3+$0x840];
	[tilespmem:s4+$0x22D0] =	vst v2;
	v53 =	vsel vm8, $0x3F800000, v0;
	vm9 =	vgt.s32 v8, v1  }
0x5d1: {  	v54 =	vld [tilespmem:s3+$0x850];
	[tilespmem:s4+$0x22E0] =	vst v53;
	vm1 =	vgt.s32 v9, v1;
	v55 =	vsel vm9, $0x3F800000, v0  }
0x5d2: {  	v56 =	vld [tilespmem:s3+$0x860];
	vm10 =	vgt.s32 v7, v1;
	v57 =	vsel vm1, $0x3F800000, v0;
	[tilespmem:s3+$0x22F0] =	vst v55  }
0x5d3: {  	[tilespmem:s3+$0x2280] =	vst v57;
	v58 =	vsel vm10, $0x3F800000, v0;
	vm11 =	vgt.s32 v6, v1  }
0x5d4: {  	[tilespmem:s3+$0x2290] =	vst v58;
	v59 =	vsel vm11, $0x3F800000, v0;
	vm12 =	vgt.s32 v5, v1  }
0x5d5: {  	[tilespmem:s3+$0x22A0] =	vst v59;
	v60 =	vsel vm12, $0x3F800000, v0;
	vm13 =	vgt.s32 v3, v1  }
0x5d6: {  	[tilespmem:s3+$0x22B0] =	vst v60;
	v61 =	vsel vm13, $0x3F800000, v0;
	vm14 =	vgt.s32 v54, v1  }
0x5d7: {  	[tilespmem:s3+$0x22C0] =	vst v61;
	v62 =	vsel vm14, $0x3F800000, v0;
	vm15 =	vgt.s32 v56, v1  }
0x5d8: {  	[tilespmem:s3+$0x22D0] =	vst v62;
	v63 =	vsel vm15, $0x3F800000, v0  }
0x5d9: {  	[tilespmem:s3+$0x22E0] =	vst v63  }
.LBB2_39:
0x5da: {  	s3 =	simm.s32 $0x0;
	s4 =	simm.s32 $0x2280;
	s31 =	simm.s32 $0x2  }
0x5db: {  	[hbm4b:s2+s3] =	stream.linear.scatter [tilespmem:s4], [sflag:$0x2], $0x800, $0x38;
	[tilespmem:$0x2EC0] =	vst v63  }
0x5dc: {  	_ =	swait.ge [sflag:s31], $0x800  }
0x5dd: {  	[sflag:s31] =	ssyncset.done $0x0  }
0x5de: {  	[sflag:s31] =	ssyncadd.s32 $0xFFFFF800  }
0x5df: {  	_ =	sfence.sel $0x180000  }
0x5e0: {  	[bflag:$0x0] =	sbarrier.arrive $0xFFFF  }
0x5e1: {  	p0 =	sne.s32 s1, $0x0;
	_ =	strace $0x90000047  }
0x5e2: {  	s0 =	sadd.s32 @!p0 $0x100000, s0;
	[bflag:$0x2] =	sbarrier.arrive $0xFFFF  }
0x5e3: {  	[sflag:s0] =	ssyncadd.tile.s32 @!p0 $0x1;
	_ =	shalt  }
.Lfunc_end2:
_tile_overlayer_lowered:
.L_overlay_start_2:
0x5e4: {  	(tag) =	ssettag $0x2  }
0x5e5: {  	s0 =	rddreg [dreg:$0x0];
	s2 =	stileid.u32  }
0x5e6: {  	s1 =	rddreg [dreg:$0x1];
	p0 =	sne.s32 s2, $0x0  }
0x5e7: {  	s3 =	rddreg [dreg:$0x2];
	[bflag:$0x3] =	sbarrier.arrive $0xFFFF;
	s2 =	simm.s32 @!p0 $0x1C02  }
0x5e8: {  	[timem:s3], [sflag:s2] =	dma.local @!p0 [hbm:s0], s1  }
0x5e9: {  	s0 =	simm.s32 @!p0 $0x2  }
0x5ea: {  	_ =	swait.ge @!p0 [sflag:s0], s1  }
0x5eb: {  	s1 =	ssub.s32 @!p0 $0x0, s1;
	[sflag:s0] =	ssyncset.done @!p0 $0x0  }
0x5ec: {  	[sflag:s0] =	ssyncadd.s32 @!p0 s1  }
0x5ed: {  	[bflag:$0x3] =	sbarrier.arrive $0xFFFF  }
0x5ee: {  	_ =	shalt  }

</sc_bundles>
